<compile_context>
chip_gen: v7x
topology: tpu7x:2x2x1
jax: 0.10.2.dev20260603
libtpu: 0.0.44.dev20260713+nightly
codegen_flags: <defaults>
</compile_context>

<pallas_src>
import functools

import jax
import jax.numpy as jnp
from jax import lax
from jax.experimental import pallas as pl
from jax.experimental.pallas import tpu as pltpu
from jax.experimental.pallas import tpu_sc as plsc

B = 16384
K = 128
NC = 2
NS = 16
L = 16
NW = NC * NS
BPW = B // NW
CH = 128
NCH = BPW // CH

_mesh = plsc.VectorSubcoreMesh(core_axis_name="c", subcore_axis_name="s")


@functools.partial(
    pl.kernel,
    out_type=jax.ShapeDtypeStruct((B,), jnp.float32),
    mesh=_mesh,
    compiler_params=pltpu.CompilerParams(needs_layout_passes=False),
    scratch_types=[
        pltpu.VMEM((NCH, CH), jnp.int32),
        pltpu.VMEM((NCH, CH), jnp.int32),
        pltpu.VMEM((CH, K), jnp.float32),
        pltpu.VMEM((CH, K), jnp.float32),
        pltpu.VMEM((CH, K), jnp.float32),
        pltpu.VMEM((CH, K), jnp.float32),
        pltpu.VMEM((NCH, CH), jnp.float32),
        pltpu.VMEM((NCH, CH), jnp.float32),
        pltpu.VMEM((L,), jnp.float32),
        pltpu.VMEM((CH * (L + 1),), jnp.float32),
        pltpu.VMEM((BPW,), jnp.float32),
        pltpu.SemaphoreType.DMA,
        pltpu.SemaphoreType.DMA,
        pltpu.SemaphoreType.DMA,
        pltpu.SemaphoreType.DMA,
        pltpu.SemaphoreType.DMA,
    ],
)
def _wide_net_sc(uidx_hbm, iidx_hbm, user_w, item_w, user_b, item_b,
                 bias_hbm, out_hbm,
                 uid_v, iid_v, u0, u1, i0, i1, ub_v, ib_v, bias_v, acc_flat,
                 res_v, sem_u0, sem_u1, sem_i0, sem_i1, sem_b):
    wid = lax.axis_index("c") * NS + lax.axis_index("s")
    base = wid * BPW

    pltpu.sync_copy(uidx_hbm.at[wid], uid_v)
    pltpu.sync_copy(iidx_hbm.at[wid], iid_v)
    pltpu.sync_copy(bias_hbm, bias_v)

    u_bufs = (u0, u1)
    i_bufs = (i0, i1)
    sem_u = (sem_u0, sem_u1)
    sem_i = (sem_i0, sem_i1)
    row_copies = [None, None, None, None]

    def fire(c):
        s = c % 2
        row_copies[c] = (
            pltpu.async_copy(user_w.at[uid_v.at[c]], u_bufs[s], sem_u[s]),
            pltpu.async_copy(item_w.at[iid_v.at[c]], i_bufs[s], sem_i[s]),
        )

    fire(0)

    b_copies = []
    for c in range(NCH):
        b_copies.append(pltpu.async_copy(user_b.at[uid_v.at[c]], ub_v.at[c], sem_b))
        b_copies.append(pltpu.async_copy(item_b.at[iid_v.at[c]], ib_v.at[c], sem_b))

    fire(1)
    for cp in b_copies:
        cp.wait()

    bv = bias_v[...]
    lane = lax.iota(jnp.int32, L)

    def pair_body(p, carry):
        for k in range(2):
            c = 2 * p + k
            u_buf = u_bufs[k]
            i_buf = i_bufs[k]
            pltpu.make_async_copy(user_w.at[uid_v.at[c]], u_buf, sem_u[k]).wait()
            pltpu.make_async_copy(item_w.at[iid_v.at[c]], i_buf, sem_i[k]).wait()

            def row_body(r, carry2):
                acc = u_buf[r, pl.ds(0, L)] * i_buf[r, pl.ds(0, L)]
                for j in range(1, K // L):
                    acc = acc + u_buf[r, pl.ds(j * L, L)] * i_buf[r, pl.ds(j * L, L)]
                acc_flat[pl.ds(r * (L + 1), L)] = acc
                return carry2

            lax.fori_loop(0, CH, row_body, 0, unroll=4)

            for g in range(CH // L):
                idx0 = (lane + g * L) * (L + 1)
                tot = plsc.load_gather(acc_flat, [idx0])
                for j in range(1, L):
                    tot = tot + plsc.load_gather(acc_flat, [idx0 + j])
                tot = tot + ub_v[c, pl.ds(g * L, L)] + ib_v[c, pl.ds(g * L, L)] + bv
                res_v[pl.ds(c * CH + g * L, L)] = tot

            @pl.when(p == 0)
            def _():
                pltpu.async_copy(user_w.at[uid_v.at[c + 2]], u_buf, sem_u[k])
                pltpu.async_copy(item_w.at[iid_v.at[c + 2]], i_buf, sem_i[k])

        return carry

    lax.fori_loop(0, NCH // 2, pair_body, 0)

    pltpu.sync_copy(res_v, out_hbm.at[pl.ds(base, BPW)])


def kernel(train_x, user_w, item_w, user_b, item_b, bias):
    uidx = train_x[:, 0].astype(jnp.int32).reshape(NW, NCH, CH)
    iidx = train_x[:, 1].astype(jnp.int32).reshape(NW, NCH, CH)
    bias16 = jnp.broadcast_to(bias.astype(jnp.float32), (L,))
    return _wide_net_sc(uidx, iidx, user_w, item_w, user_b.reshape(-1),
                        item_b.reshape(-1), bias16)

# --- scband reference (transcript-rebuilt; emitter-appended) ---
"""Pipeline reference for scband-wide-net-82961588290357 (READ-ONLY COPY).

The authoritative reference and input builder live on the scoring server;
editing this copy changes nothing except your own understanding.
"""

import jax, jax.numpy as jnp
import numpy as np

B = 16384
N_USER = 100000
N_ITEM = 100000
K = 128

def setup_inputs(seed: int = 0) -> dict:
    key = jax.random.key(seed)
    k0, k1, k2, k3, k4 = jax.random.split(key, 5)
    train_x = jax.random.randint(k0, (B, 2), 0, N_USER)
    user_w = jax.random.normal(k1, (N_USER, K), dtype=jnp.float32)
    item_w = jax.random.normal(k2, (N_ITEM, K), dtype=jnp.float32)
    user_b = jax.random.normal(k3, (N_USER, 1), dtype=jnp.float32)
    item_b = jax.random.normal(k4, (N_ITEM, 1), dtype=jnp.float32)
    bias = jnp.ones((1,), dtype=jnp.float32)
    return {"train_x": train_x, "user_w": user_w, "item_w": item_w,
            "user_b": user_b, "item_b": item_b, "bias": bias}

def reference(train_x, user_w, item_w, user_b, item_b, bias):
    user_id = train_x[:, 0]
    item_id = train_x[:, 1]
    vector_user = jnp.take(user_w, user_id, axis=0)
    vector_item = jnp.take(item_w, item_id, axis=0)
    bias_vec_user = jnp.take(user_b, user_id, axis=0)[:, 0]
    bias_vec_item = jnp.take(item_b, item_id, axis=0)[:, 0]
    ui_interaction = jnp.sum(vector_user * vector_item, axis=1)
    prediction = ui_interaction + bias_vec_user + bias_vec_item + bias[0]
    return prediction

if __name__ == "__main__":
    import jax
    _d = setup_inputs()
    print(jax.jit(kernel)(*tuple(_d.values())))

</pallas_src>

<mosaic_0001>
#map = affine_map<(d0, d1) -> (0, 0, 0)>
#map1 = affine_map<(d0, d1) -> (0, 0)>
#map2 = affine_map<(d0, d1) -> (0)>
module attributes {stable_mosaic.version = 14 : i64} {
  func.func @_wide_net_sc(%arg0: i32, %arg1: i32, %arg2: memref<32x4x128xi32, #tpu.memory_space<hbm>>, %arg3: memref<32x4x128xi32, #tpu.memory_space<hbm>>, %arg4: memref<100000x128xf32, #tpu.memory_space<hbm>>, %arg5: memref<100000x128xf32, #tpu.memory_space<hbm>>, %arg6: memref<100000xf32, #tpu.memory_space<hbm>>, %arg7: memref<100000xf32, #tpu.memory_space<hbm>>, %arg8: memref<16xf32, #tpu.memory_space<hbm>>, %arg9: memref<16384xf32, #tpu.memory_space<hbm>>, %arg10: memref<4x128xi32, #tpu.memory_space<vmem>>, %arg11: memref<4x128xi32, #tpu.memory_space<vmem>>, %arg12: memref<128x128xf32, #tpu.memory_space<vmem>>, %arg13: memref<128x128xf32, #tpu.memory_space<vmem>>, %arg14: memref<128x128xf32, #tpu.memory_space<vmem>>, %arg15: memref<128x128xf32, #tpu.memory_space<vmem>>, %arg16: memref<4x128xf32, #tpu.memory_space<vmem>>, %arg17: memref<4x128xf32, #tpu.memory_space<vmem>>, %arg18: memref<16xf32, #tpu.memory_space<vmem>>, %arg19: memref<2176xf32, #tpu.memory_space<vmem>>, %arg20: memref<512xf32, #tpu.memory_space<vmem>>, %arg21: memref<!tpu.dma_semaphore, #tpu.memory_space<semaphore_mem>>, %arg22: memref<!tpu.dma_semaphore, #tpu.memory_space<semaphore_mem>>, %arg23: memref<!tpu.dma_semaphore, #tpu.memory_space<semaphore_mem>>, %arg24: memref<!tpu.dma_semaphore, #tpu.memory_space<semaphore_mem>>, %arg25: memref<!tpu.dma_semaphore, #tpu.memory_space<semaphore_mem>>) attributes {dimension_semantics = [#tpu.dimension_semantics<core_parallel>, #tpu.dimension_semantics<subcore_parallel>], iteration_bounds = array<i64: 2, 16>, scalar_prefetch = 0 : i64, scratch_operands = 16 : i64, tpu.core_type = #tpu.core_type<sc_vector_subcore>, window_params = [{transform_indices = #map}, {transform_indices = #map}, {transform_indices = #map1}, {transform_indices = #map1}, {transform_indices = #map2}, {transform_indices = #map2}, {transform_indices = #map2}, {transform_indices = #map2}]} {
    %mul3A = arith.constant 16 : i32
    %mul3A_0 = arith.muli %arg0, %mul3A : i32
    %add3A = arith.addi %mul3A_0, %arg1 : i32
    %mul3A_1 = arith.constant 512 : i32
    %mul3A_2 = arith.muli %add3A, %mul3A_1 : i32
    "tpu.region"() ({
      %run_scoped3A = tpu.sem_alloc : memref<!tpu.dma_semaphore, #tpu.memory_space<semaphore_mem>>
      %dma_start3A_195 = arith.constant 0 : i32
      %dma_start3A_196 = arith.constant 0 : i32
      %dma_start3A_197 = tpu.memref_slice %arg2[%add3A, %dma_start3A_195, %dma_start3A_196] : memref<32x4x128xi32, #tpu.memory_space<hbm>> -> memref<1x4x128xi32, #tpu.memory_space<hbm>>
      %dma_start3A_198 = tpu.memref_squeeze %dma_start3A_197 : memref<1x4x128xi32, #tpu.memory_space<hbm>> -> memref<4x128xi32, #tpu.memory_space<hbm>>
      %dma_start3A_199 = arith.constant 0 : i32
      %dma_start3A_200 = arith.constant 0 : i32
      %dma_start3A_201 = tpu.memref_slice %arg2[%add3A, %dma_start3A_199, %dma_start3A_200] : memref<32x4x128xi32, #tpu.memory_space<hbm>> -> memref<1x4x128xi32, #tpu.memory_space<hbm>>
      %dma_start3A_202 = tpu.memref_squeeze %dma_start3A_201 : memref<1x4x128xi32, #tpu.memory_space<hbm>> -> memref<4x128xi32, #tpu.memory_space<hbm>>
      tpu.enqueue_dma source(%dma_start3A_202 : memref<4x128xi32, #tpu.memory_space<hbm>>) target(%arg10 : memref<4x128xi32, #tpu.memory_space<vmem>>) target_semaphore(%run_scoped3A : memref<!tpu.dma_semaphore, #tpu.memory_space<semaphore_mem>>)
      %dma_wait3A_203 = arith.constant 0 : i32
      %dma_wait3A_204 = arith.constant 0 : i32
      %dma_wait3A_205 = tpu.memref_slice %arg2[%add3A, %dma_wait3A_203, %dma_wait3A_204] : memref<32x4x128xi32, #tpu.memory_space<hbm>> -> memref<1x4x128xi32, #tpu.memory_space<hbm>>
      %dma_wait3A_206 = tpu.memref_squeeze %dma_wait3A_205 : memref<1x4x128xi32, #tpu.memory_space<hbm>> -> memref<4x128xi32, #tpu.memory_space<hbm>>
      %dma_wait3A_207 = arith.constant 0 : i32
      %dma_wait3A_208 = arith.constant 0 : i32
      %dma_wait3A_209 = tpu.memref_slice %arg2[%add3A, %dma_wait3A_207, %dma_wait3A_208] : memref<32x4x128xi32, #tpu.memory_space<hbm>> -> memref<1x4x128xi32, #tpu.memory_space<hbm>>
      %dma_wait3A_210 = tpu.memref_squeeze %dma_wait3A_209 : memref<1x4x128xi32, #tpu.memory_space<hbm>> -> memref<4x128xi32, #tpu.memory_space<hbm>>
      tpu.wait_dma2 semaphore(%run_scoped3A : memref<!tpu.dma_semaphore, #tpu.memory_space<semaphore_mem>>) src(%dma_wait3A_210 : memref<4x128xi32, #tpu.memory_space<hbm>>) dst(%arg10 : memref<4x128xi32, #tpu.memory_space<vmem>>)
      tpu.yield
    }) : () -> ()
    "tpu.region"() ({
      %run_scoped3A = tpu.sem_alloc : memref<!tpu.dma_semaphore, #tpu.memory_space<semaphore_mem>>
      %dma_start3A_195 = arith.constant 0 : i32
      %dma_start3A_196 = arith.constant 0 : i32
      %dma_start3A_197 = tpu.memref_slice %arg3[%add3A, %dma_start3A_195, %dma_start3A_196] : memref<32x4x128xi32, #tpu.memory_space<hbm>> -> memref<1x4x128xi32, #tpu.memory_space<hbm>>
      %dma_start3A_198 = tpu.memref_squeeze %dma_start3A_197 : memref<1x4x128xi32, #tpu.memory_space<hbm>> -> memref<4x128xi32, #tpu.memory_space<hbm>>
      %dma_start3A_199 = arith.constant 0 : i32
      %dma_start3A_200 = arith.constant 0 : i32
      %dma_start3A_201 = tpu.memref_slice %arg3[%add3A, %dma_start3A_199, %dma_start3A_200] : memref<32x4x128xi32, #tpu.memory_space<hbm>> -> memref<1x4x128xi32, #tpu.memory_space<hbm>>
      %dma_start3A_202 = tpu.memref_squeeze %dma_start3A_201 : memref<1x4x128xi32, #tpu.memory_space<hbm>> -> memref<4x128xi32, #tpu.memory_space<hbm>>
      tpu.enqueue_dma source(%dma_start3A_202 : memref<4x128xi32, #tpu.memory_space<hbm>>) target(%arg11 : memref<4x128xi32, #tpu.memory_space<vmem>>) target_semaphore(%run_scoped3A : memref<!tpu.dma_semaphore, #tpu.memory_space<semaphore_mem>>)
      %dma_wait3A_203 = arith.constant 0 : i32
      %dma_wait3A_204 = arith.constant 0 : i32
      %dma_wait3A_205 = tpu.memref_slice %arg3[%add3A, %dma_wait3A_203, %dma_wait3A_204] : memref<32x4x128xi32, #tpu.memory_space<hbm>> -> memref<1x4x128xi32, #tpu.memory_space<hbm>>
      %dma_wait3A_206 = tpu.memref_squeeze %dma_wait3A_205 : memref<1x4x128xi32, #tpu.memory_space<hbm>> -> memref<4x128xi32, #tpu.memory_space<hbm>>
      %dma_wait3A_207 = arith.constant 0 : i32
      %dma_wait3A_208 = arith.constant 0 : i32
      %dma_wait3A_209 = tpu.memref_slice %arg3[%add3A, %dma_wait3A_207, %dma_wait3A_208] : memref<32x4x128xi32, #tpu.memory_space<hbm>> -> memref<1x4x128xi32, #tpu.memory_space<hbm>>
      %dma_wait3A_210 = tpu.memref_squeeze %dma_wait3A_209 : memref<1x4x128xi32, #tpu.memory_space<hbm>> -> memref<4x128xi32, #tpu.memory_space<hbm>>
      tpu.wait_dma2 semaphore(%run_scoped3A : memref<!tpu.dma_semaphore, #tpu.memory_space<semaphore_mem>>) src(%dma_wait3A_210 : memref<4x128xi32, #tpu.memory_space<hbm>>) dst(%arg11 : memref<4x128xi32, #tpu.memory_space<vmem>>)
      tpu.yield
    }) : () -> ()
    "tpu.region"() ({
      %run_scoped3A = tpu.sem_alloc : memref<!tpu.dma_semaphore, #tpu.memory_space<semaphore_mem>>
      tpu.enqueue_dma source(%arg8 : memref<16xf32, #tpu.memory_space<hbm>>) target(%arg18 : memref<16xf32, #tpu.memory_space<vmem>>) target_semaphore(%run_scoped3A : memref<!tpu.dma_semaphore, #tpu.memory_space<semaphore_mem>>)
      tpu.wait_dma2 semaphore(%run_scoped3A : memref<!tpu.dma_semaphore, #tpu.memory_space<semaphore_mem>>) src(%arg8 : memref<16xf32, #tpu.memory_space<hbm>>) dst(%arg18 : memref<16xf32, #tpu.memory_space<vmem>>)
      tpu.yield
    }) : () -> ()
    %dma_start3A = arith.constant 0 : i32
    %dma_start3A_3 = arith.constant 0 : i32
    %dma_start3A_4 = tpu.memref_slice %arg10[%dma_start3A, %dma_start3A_3] : memref<4x128xi32, #tpu.memory_space<vmem>> -> memref<1x128xi32, #tpu.memory_space<vmem>>
    %dma_start3A_5 = tpu.memref_squeeze %dma_start3A_4 : memref<1x128xi32, #tpu.memory_space<vmem>> -> memref<128xi32, #tpu.memory_space<vmem>>
    %dma_start3A_6 = arith.constant 0 : i32
    %dma_start3A_7 = arith.constant 0 : i32
    %dma_start3A_8 = tpu.memref_slice %arg4[%dma_start3A_6, %dma_start3A_7] : memref<100000x128xf32, #tpu.memory_space<hbm>> -> memref<100000x128xf32, #tpu.memory_space<hbm>>
    tpu.enqueue_indirect_dma source(%dma_start3A_8 : memref<100000x128xf32, #tpu.memory_space<hbm>>) target(%arg12 : memref<128x128xf32, #tpu.memory_space<vmem>>) offsets(%dma_start3A_5 : memref<128xi32, #tpu.memory_space<vmem>>) semaphore(%arg21 : memref<!tpu.dma_semaphore, #tpu.memory_space<semaphore_mem>>)
    %dma_start3A_9 = arith.constant 0 : i32
    %dma_start3A_10 = arith.constant 0 : i32
    %dma_start3A_11 = tpu.memref_slice %arg11[%dma_start3A_9, %dma_start3A_10] : memref<4x128xi32, #tpu.memory_space<vmem>> -> memref<1x128xi32, #tpu.memory_space<vmem>>
    %dma_start3A_12 = tpu.memref_squeeze %dma_start3A_11 : memref<1x128xi32, #tpu.memory_space<vmem>> -> memref<128xi32, #tpu.memory_space<vmem>>
    %dma_start3A_13 = arith.constant 0 : i32
    %dma_start3A_14 = arith.constant 0 : i32
    %dma_start3A_15 = tpu.memref_slice %arg5[%dma_start3A_13, %dma_start3A_14] : memref<100000x128xf32, #tpu.memory_space<hbm>> -> memref<100000x128xf32, #tpu.memory_space<hbm>>
    tpu.enqueue_indirect_dma source(%dma_start3A_15 : memref<100000x128xf32, #tpu.memory_space<hbm>>) target(%arg14 : memref<128x128xf32, #tpu.memory_space<vmem>>) offsets(%dma_start3A_12 : memref<128xi32, #tpu.memory_space<vmem>>) semaphore(%arg23 : memref<!tpu.dma_semaphore, #tpu.memory_space<semaphore_mem>>)
    %dma_start3A_16 = arith.constant 0 : i32
    %dma_start3A_17 = arith.constant 0 : i32
    %dma_start3A_18 = arith.constant 0 : i32
    %dma_start3A_19 = tpu.memref_slice %arg16[%dma_start3A_17, %dma_start3A_18] : memref<4x128xf32, #tpu.memory_space<vmem>> -> memref<1x128xf32, #tpu.memory_space<vmem>>
    %dma_start3A_20 = tpu.memref_squeeze %dma_start3A_19 : memref<1x128xf32, #tpu.memory_space<vmem>> -> memref<128xf32, #tpu.memory_space<vmem>>
    %dma_start3A_21 = arith.constant 0 : i32
    %dma_start3A_22 = tpu.memref_slice %arg10[%dma_start3A_16, %dma_start3A_21] : memref<4x128xi32, #tpu.memory_space<vmem>> -> memref<1x128xi32, #tpu.memory_space<vmem>>
    %dma_start3A_23 = tpu.memref_squeeze %dma_start3A_22 : memref<1x128xi32, #tpu.memory_space<vmem>> -> memref<128xi32, #tpu.memory_space<vmem>>
    %dma_start3A_24 = arith.constant 0 : i32
    %dma_start3A_25 = tpu.memref_slice %arg6[%dma_start3A_24] : memref<100000xf32, #tpu.memory_space<hbm>> -> memref<100000xf32, #tpu.memory_space<hbm>>
    tpu.enqueue_indirect_dma source(%dma_start3A_25 : memref<100000xf32, #tpu.memory_space<hbm>>) target(%dma_start3A_20 : memref<128xf32, #tpu.memory_space<vmem>>) offsets(%dma_start3A_23 : memref<128xi32, #tpu.memory_space<vmem>>) semaphore(%arg25 : memref<!tpu.dma_semaphore, #tpu.memory_space<semaphore_mem>>)
    %dma_start3A_26 = arith.constant 0 : i32
    %dma_start3A_27 = arith.constant 0 : i32
    %dma_start3A_28 = arith.constant 0 : i32
    %dma_start3A_29 = tpu.memref_slice %arg17[%dma_start3A_27, %dma_start3A_28] : memref<4x128xf32, #tpu.memory_space<vmem>> -> memref<1x128xf32, #tpu.memory_space<vmem>>
    %dma_start3A_30 = tpu.memref_squeeze %dma_start3A_29 : memref<1x128xf32, #tpu.memory_space<vmem>> -> memref<128xf32, #tpu.memory_space<vmem>>
    %dma_start3A_31 = arith.constant 0 : i32
    %dma_start3A_32 = tpu.memref_slice %arg11[%dma_start3A_26, %dma_start3A_31] : memref<4x128xi32, #tpu.memory_space<vmem>> -> memref<1x128xi32, #tpu.memory_space<vmem>>
    %dma_start3A_33 = tpu.memref_squeeze %dma_start3A_32 : memref<1x128xi32, #tpu.memory_space<vmem>> -> memref<128xi32, #tpu.memory_space<vmem>>
    %dma_start3A_34 = arith.constant 0 : i32
    %dma_start3A_35 = tpu.memref_slice %arg7[%dma_start3A_34] : memref<100000xf32, #tpu.memory_space<hbm>> -> memref<100000xf32, #tpu.memory_space<hbm>>
    tpu.enqueue_indirect_dma source(%dma_start3A_35 : memref<100000xf32, #tpu.memory_space<hbm>>) target(%dma_start3A_30 : memref<128xf32, #tpu.memory_space<vmem>>) offsets(%dma_start3A_33 : memref<128xi32, #tpu.memory_space<vmem>>) semaphore(%arg25 : memref<!tpu.dma_semaphore, #tpu.memory_space<semaphore_mem>>)
    %dma_start3A_36 = arith.constant 1 : i32
    %dma_start3A_37 = arith.constant 1 : i32
    %dma_start3A_38 = arith.constant 0 : i32
    %dma_start3A_39 = tpu.memref_slice %arg16[%dma_start3A_37, %dma_start3A_38] : memref<4x128xf32, #tpu.memory_space<vmem>> -> memref<1x128xf32, #tpu.memory_space<vmem>>
    %dma_start3A_40 = tpu.memref_squeeze %dma_start3A_39 : memref<1x128xf32, #tpu.memory_space<vmem>> -> memref<128xf32, #tpu.memory_space<vmem>>
    %dma_start3A_41 = arith.constant 0 : i32
    %dma_start3A_42 = tpu.memref_slice %arg10[%dma_start3A_36, %dma_start3A_41] : memref<4x128xi32, #tpu.memory_space<vmem>> -> memref<1x128xi32, #tpu.memory_space<vmem>>
    %dma_start3A_43 = tpu.memref_squeeze %dma_start3A_42 : memref<1x128xi32, #tpu.memory_space<vmem>> -> memref<128xi32, #tpu.memory_space<vmem>>
    %dma_start3A_44 = arith.constant 0 : i32
    %dma_start3A_45 = tpu.memref_slice %arg6[%dma_start3A_44] : memref<100000xf32, #tpu.memory_space<hbm>> -> memref<100000xf32, #tpu.memory_space<hbm>>
    tpu.enqueue_indirect_dma source(%dma_start3A_45 : memref<100000xf32, #tpu.memory_space<hbm>>) target(%dma_start3A_40 : memref<128xf32, #tpu.memory_space<vmem>>) offsets(%dma_start3A_43 : memref<128xi32, #tpu.memory_space<vmem>>) semaphore(%arg25 : memref<!tpu.dma_semaphore, #tpu.memory_space<semaphore_mem>>)
    %dma_start3A_46 = arith.constant 1 : i32
    %dma_start3A_47 = arith.constant 1 : i32
    %dma_start3A_48 = arith.constant 0 : i32
    %dma_start3A_49 = tpu.memref_slice %arg17[%dma_start3A_47, %dma_start3A_48] : memref<4x128xf32, #tpu.memory_space<vmem>> -> memref<1x128xf32, #tpu.memory_space<vmem>>
    %dma_start3A_50 = tpu.memref_squeeze %dma_start3A_49 : memref<1x128xf32, #tpu.memory_space<vmem>> -> memref<128xf32, #tpu.memory_space<vmem>>
    %dma_start3A_51 = arith.constant 0 : i32
    %dma_start3A_52 = tpu.memref_slice %arg11[%dma_start3A_46, %dma_start3A_51] : memref<4x128xi32, #tpu.memory_space<vmem>> -> memref<1x128xi32, #tpu.memory_space<vmem>>
    %dma_start3A_53 = tpu.memref_squeeze %dma_start3A_52 : memref<1x128xi32, #tpu.memory_space<vmem>> -> memref<128xi32, #tpu.memory_space<vmem>>
    %dma_start3A_54 = arith.constant 0 : i32
    %dma_start3A_55 = tpu.memref_slice %arg7[%dma_start3A_54] : memref<100000xf32, #tpu.memory_space<hbm>> -> memref<100000xf32, #tpu.memory_space<hbm>>
    tpu.enqueue_indirect_dma source(%dma_start3A_55 : memref<100000xf32, #tpu.memory_space<hbm>>) target(%dma_start3A_50 : memref<128xf32, #tpu.memory_space<vmem>>) offsets(%dma_start3A_53 : memref<128xi32, #tpu.memory_space<vmem>>) semaphore(%arg25 : memref<!tpu.dma_semaphore, #tpu.memory_space<semaphore_mem>>)
    %dma_start3A_56 = arith.constant 2 : i32
    %dma_start3A_57 = arith.constant 2 : i32
    %dma_start3A_58 = arith.constant 0 : i32
    %dma_start3A_59 = tpu.memref_slice %arg16[%dma_start3A_57, %dma_start3A_58] : memref<4x128xf32, #tpu.memory_space<vmem>> -> memref<1x128xf32, #tpu.memory_space<vmem>>
    %dma_start3A_60 = tpu.memref_squeeze %dma_start3A_59 : memref<1x128xf32, #tpu.memory_space<vmem>> -> memref<128xf32, #tpu.memory_space<vmem>>
    %dma_start3A_61 = arith.constant 0 : i32
    %dma_start3A_62 = tpu.memref_slice %arg10[%dma_start3A_56, %dma_start3A_61] : memref<4x128xi32, #tpu.memory_space<vmem>> -> memref<1x128xi32, #tpu.memory_space<vmem>>
    %dma_start3A_63 = tpu.memref_squeeze %dma_start3A_62 : memref<1x128xi32, #tpu.memory_space<vmem>> -> memref<128xi32, #tpu.memory_space<vmem>>
    %dma_start3A_64 = arith.constant 0 : i32
    %dma_start3A_65 = tpu.memref_slice %arg6[%dma_start3A_64] : memref<100000xf32, #tpu.memory_space<hbm>> -> memref<100000xf32, #tpu.memory_space<hbm>>
    tpu.enqueue_indirect_dma source(%dma_start3A_65 : memref<100000xf32, #tpu.memory_space<hbm>>) target(%dma_start3A_60 : memref<128xf32, #tpu.memory_space<vmem>>) offsets(%dma_start3A_63 : memref<128xi32, #tpu.memory_space<vmem>>) semaphore(%arg25 : memref<!tpu.dma_semaphore, #tpu.memory_space<semaphore_mem>>)
    %dma_start3A_66 = arith.constant 2 : i32
    %dma_start3A_67 = arith.constant 2 : i32
    %dma_start3A_68 = arith.constant 0 : i32
    %dma_start3A_69 = tpu.memref_slice %arg17[%dma_start3A_67, %dma_start3A_68] : memref<4x128xf32, #tpu.memory_space<vmem>> -> memref<1x128xf32, #tpu.memory_space<vmem>>
    %dma_start3A_70 = tpu.memref_squeeze %dma_start3A_69 : memref<1x128xf32, #tpu.memory_space<vmem>> -> memref<128xf32, #tpu.memory_space<vmem>>
    %dma_start3A_71 = arith.constant 0 : i32
    %dma_start3A_72 = tpu.memref_slice %arg11[%dma_start3A_66, %dma_start3A_71] : memref<4x128xi32, #tpu.memory_space<vmem>> -> memref<1x128xi32, #tpu.memory_space<vmem>>
    %dma_start3A_73 = tpu.memref_squeeze %dma_start3A_72 : memref<1x128xi32, #tpu.memory_space<vmem>> -> memref<128xi32, #tpu.memory_space<vmem>>
    %dma_start3A_74 = arith.constant 0 : i32
    %dma_start3A_75 = tpu.memref_slice %arg7[%dma_start3A_74] : memref<100000xf32, #tpu.memory_space<hbm>> -> memref<100000xf32, #tpu.memory_space<hbm>>
    tpu.enqueue_indirect_dma source(%dma_start3A_75 : memref<100000xf32, #tpu.memory_space<hbm>>) target(%dma_start3A_70 : memref<128xf32, #tpu.memory_space<vmem>>) offsets(%dma_start3A_73 : memref<128xi32, #tpu.memory_space<vmem>>) semaphore(%arg25 : memref<!tpu.dma_semaphore, #tpu.memory_space<semaphore_mem>>)
    %dma_start3A_76 = arith.constant 3 : i32
    %dma_start3A_77 = arith.constant 3 : i32
    %dma_start3A_78 = arith.constant 0 : i32
    %dma_start3A_79 = tpu.memref_slice %arg16[%dma_start3A_77, %dma_start3A_78] : memref<4x128xf32, #tpu.memory_space<vmem>> -> memref<1x128xf32, #tpu.memory_space<vmem>>
    %dma_start3A_80 = tpu.memref_squeeze %dma_start3A_79 : memref<1x128xf32, #tpu.memory_space<vmem>> -> memref<128xf32, #tpu.memory_space<vmem>>
    %dma_start3A_81 = arith.constant 0 : i32
    %dma_start3A_82 = tpu.memref_slice %arg10[%dma_start3A_76, %dma_start3A_81] : memref<4x128xi32, #tpu.memory_space<vmem>> -> memref<1x128xi32, #tpu.memory_space<vmem>>
    %dma_start3A_83 = tpu.memref_squeeze %dma_start3A_82 : memref<1x128xi32, #tpu.memory_space<vmem>> -> memref<128xi32, #tpu.memory_space<vmem>>
    %dma_start3A_84 = arith.constant 0 : i32
    %dma_start3A_85 = tpu.memref_slice %arg6[%dma_start3A_84] : memref<100000xf32, #tpu.memory_space<hbm>> -> memref<100000xf32, #tpu.memory_space<hbm>>
    tpu.enqueue_indirect_dma source(%dma_start3A_85 : memref<100000xf32, #tpu.memory_space<hbm>>) target(%dma_start3A_80 : memref<128xf32, #tpu.memory_space<vmem>>) offsets(%dma_start3A_83 : memref<128xi32, #tpu.memory_space<vmem>>) semaphore(%arg25 : memref<!tpu.dma_semaphore, #tpu.memory_space<semaphore_mem>>)
    %dma_start3A_86 = arith.constant 3 : i32
    %dma_start3A_87 = arith.constant 3 : i32
    %dma_start3A_88 = arith.constant 0 : i32
    %dma_start3A_89 = tpu.memref_slice %arg17[%dma_start3A_87, %dma_start3A_88] : memref<4x128xf32, #tpu.memory_space<vmem>> -> memref<1x128xf32, #tpu.memory_space<vmem>>
    %dma_start3A_90 = tpu.memref_squeeze %dma_start3A_89 : memref<1x128xf32, #tpu.memory_space<vmem>> -> memref<128xf32, #tpu.memory_space<vmem>>
    %dma_start3A_91 = arith.constant 0 : i32
    %dma_start3A_92 = tpu.memref_slice %arg11[%dma_start3A_86, %dma_start3A_91] : memref<4x128xi32, #tpu.memory_space<vmem>> -> memref<1x128xi32, #tpu.memory_space<vmem>>
    %dma_start3A_93 = tpu.memref_squeeze %dma_start3A_92 : memref<1x128xi32, #tpu.memory_space<vmem>> -> memref<128xi32, #tpu.memory_space<vmem>>
    %dma_start3A_94 = arith.constant 0 : i32
    %dma_start3A_95 = tpu.memref_slice %arg7[%dma_start3A_94] : memref<100000xf32, #tpu.memory_space<hbm>> -> memref<100000xf32, #tpu.memory_space<hbm>>
    tpu.enqueue_indirect_dma source(%dma_start3A_95 : memref<100000xf32, #tpu.memory_space<hbm>>) target(%dma_start3A_90 : memref<128xf32, #tpu.memory_space<vmem>>) offsets(%dma_start3A_93 : memref<128xi32, #tpu.memory_space<vmem>>) semaphore(%arg25 : memref<!tpu.dma_semaphore, #tpu.memory_space<semaphore_mem>>)
    %dma_start3A_96 = arith.constant 1 : i32
    %dma_start3A_97 = arith.constant 0 : i32
    %dma_start3A_98 = tpu.memref_slice %arg10[%dma_start3A_96, %dma_start3A_97] : memref<4x128xi32, #tpu.memory_space<vmem>> -> memref<1x128xi32, #tpu.memory_space<vmem>>
    %dma_start3A_99 = tpu.memref_squeeze %dma_start3A_98 : memref<1x128xi32, #tpu.memory_space<vmem>> -> memref<128xi32, #tpu.memory_space<vmem>>
    %dma_start3A_100 = arith.constant 0 : i32
    %dma_start3A_101 = arith.constant 0 : i32
    %dma_start3A_102 = tpu.memref_slice %arg4[%dma_start3A_100, %dma_start3A_101] : memref<100000x128xf32, #tpu.memory_space<hbm>> -> memref<100000x128xf32, #tpu.memory_space<hbm>>
    tpu.enqueue_indirect_dma source(%dma_start3A_102 : memref<100000x128xf32, #tpu.memory_space<hbm>>) target(%arg13 : memref<128x128xf32, #tpu.memory_space<vmem>>) offsets(%dma_start3A_99 : memref<128xi32, #tpu.memory_space<vmem>>) semaphore(%arg22 : memref<!tpu.dma_semaphore, #tpu.memory_space<semaphore_mem>>)
    %dma_start3A_103 = arith.constant 1 : i32
    %dma_start3A_104 = arith.constant 0 : i32
    %dma_start3A_105 = tpu.memref_slice %arg11[%dma_start3A_103, %dma_start3A_104] : memref<4x128xi32, #tpu.memory_space<vmem>> -> memref<1x128xi32, #tpu.memory_space<vmem>>
    %dma_start3A_106 = tpu.memref_squeeze %dma_start3A_105 : memref<1x128xi32, #tpu.memory_space<vmem>> -> memref<128xi32, #tpu.memory_space<vmem>>
    %dma_start3A_107 = arith.constant 0 : i32
    %dma_start3A_108 = arith.constant 0 : i32
    %dma_start3A_109 = tpu.memref_slice %arg5[%dma_start3A_107, %dma_start3A_108] : memref<100000x128xf32, #tpu.memory_space<hbm>> -> memref<100000x128xf32, #tpu.memory_space<hbm>>
    tpu.enqueue_indirect_dma source(%dma_start3A_109 : memref<100000x128xf32, #tpu.memory_space<hbm>>) target(%arg15 : memref<128x128xf32, #tpu.memory_space<vmem>>) offsets(%dma_start3A_106 : memref<128xi32, #tpu.memory_space<vmem>>) semaphore(%arg24 : memref<!tpu.dma_semaphore, #tpu.memory_space<semaphore_mem>>)
    %dma_wait3A = arith.constant 0 : i32
    %dma_wait3A_110 = arith.constant 0 : i32
    %dma_wait3A_111 = arith.constant 0 : i32
    %dma_wait3A_112 = tpu.memref_slice %arg16[%dma_wait3A_110, %dma_wait3A_111] : memref<4x128xf32, #tpu.memory_space<vmem>> -> memref<1x128xf32, #tpu.memory_space<vmem>>
    %dma_wait3A_113 = tpu.memref_squeeze %dma_wait3A_112 : memref<1x128xf32, #tpu.memory_space<vmem>> -> memref<128xf32, #tpu.memory_space<vmem>>
    %dma_wait3A_114 = arith.constant 0 : i32
    %dma_wait3A_115 = tpu.memref_slice %arg10[%dma_wait3A, %dma_wait3A_114] : memref<4x128xi32, #tpu.memory_space<vmem>> -> memref<1x128xi32, #tpu.memory_space<vmem>>
    %dma_wait3A_116 = tpu.memref_squeeze %dma_wait3A_115 : memref<1x128xi32, #tpu.memory_space<vmem>> -> memref<128xi32, #tpu.memory_space<vmem>>
    %dma_wait3A_117 = arith.constant 0 : i32
    %dma_wait3A_118 = tpu.memref_slice %arg6[%dma_wait3A_117] : memref<100000xf32, #tpu.memory_space<hbm>> -> memref<100000xf32, #tpu.memory_space<hbm>>
    tpu.wait_indirect_dma semaphore(%arg25 : memref<!tpu.dma_semaphore, #tpu.memory_space<semaphore_mem>>) src(%dma_wait3A_118 : memref<100000xf32, #tpu.memory_space<hbm>>) dst(%dma_wait3A_113 : memref<128xf32, #tpu.memory_space<vmem>>)
    %dma_wait3A_119 = arith.constant 0 : i32
    %dma_wait3A_120 = arith.constant 0 : i32
    %dma_wait3A_121 = arith.constant 0 : i32
    %dma_wait3A_122 = tpu.memref_slice %arg17[%dma_wait3A_120, %dma_wait3A_121] : memref<4x128xf32, #tpu.memory_space<vmem>> -> memref<1x128xf32, #tpu.memory_space<vmem>>
    %dma_wait3A_123 = tpu.memref_squeeze %dma_wait3A_122 : memref<1x128xf32, #tpu.memory_space<vmem>> -> memref<128xf32, #tpu.memory_space<vmem>>
    %dma_wait3A_124 = arith.constant 0 : i32
    %dma_wait3A_125 = tpu.memref_slice %arg11[%dma_wait3A_119, %dma_wait3A_124] : memref<4x128xi32, #tpu.memory_space<vmem>> -> memref<1x128xi32, #tpu.memory_space<vmem>>
    %dma_wait3A_126 = tpu.memref_squeeze %dma_wait3A_125 : memref<1x128xi32, #tpu.memory_space<vmem>> -> memref<128xi32, #tpu.memory_space<vmem>>
    %dma_wait3A_127 = arith.constant 0 : i32
    %dma_wait3A_128 = tpu.memref_slice %arg7[%dma_wait3A_127] : memref<100000xf32, #tpu.memory_space<hbm>> -> memref<100000xf32, #tpu.memory_space<hbm>>
    tpu.wait_indirect_dma semaphore(%arg25 : memref<!tpu.dma_semaphore, #tpu.memory_space<semaphore_mem>>) src(%dma_wait3A_128 : memref<100000xf32, #tpu.memory_space<hbm>>) dst(%dma_wait3A_123 : memref<128xf32, #tpu.memory_space<vmem>>)
    %dma_wait3A_129 = arith.constant 1 : i32
    %dma_wait3A_130 = arith.constant 1 : i32
    %dma_wait3A_131 = arith.constant 0 : i32
    %dma_wait3A_132 = tpu.memref_slice %arg16[%dma_wait3A_130, %dma_wait3A_131] : memref<4x128xf32, #tpu.memory_space<vmem>> -> memref<1x128xf32, #tpu.memory_space<vmem>>
    %dma_wait3A_133 = tpu.memref_squeeze %dma_wait3A_132 : memref<1x128xf32, #tpu.memory_space<vmem>> -> memref<128xf32, #tpu.memory_space<vmem>>
    %dma_wait3A_134 = arith.constant 0 : i32
    %dma_wait3A_135 = tpu.memref_slice %arg10[%dma_wait3A_129, %dma_wait3A_134] : memref<4x128xi32, #tpu.memory_space<vmem>> -> memref<1x128xi32, #tpu.memory_space<vmem>>
    %dma_wait3A_136 = tpu.memref_squeeze %dma_wait3A_135 : memref<1x128xi32, #tpu.memory_space<vmem>> -> memref<128xi32, #tpu.memory_space<vmem>>
    %dma_wait3A_137 = arith.constant 0 : i32
    %dma_wait3A_138 = tpu.memref_slice %arg6[%dma_wait3A_137] : memref<100000xf32, #tpu.memory_space<hbm>> -> memref<100000xf32, #tpu.memory_space<hbm>>
    tpu.wait_indirect_dma semaphore(%arg25 : memref<!tpu.dma_semaphore, #tpu.memory_space<semaphore_mem>>) src(%dma_wait3A_138 : memref<100000xf32, #tpu.memory_space<hbm>>) dst(%dma_wait3A_133 : memref<128xf32, #tpu.memory_space<vmem>>)
    %dma_wait3A_139 = arith.constant 1 : i32
    %dma_wait3A_140 = arith.constant 1 : i32
    %dma_wait3A_141 = arith.constant 0 : i32
    %dma_wait3A_142 = tpu.memref_slice %arg17[%dma_wait3A_140, %dma_wait3A_141] : memref<4x128xf32, #tpu.memory_space<vmem>> -> memref<1x128xf32, #tpu.memory_space<vmem>>
    %dma_wait3A_143 = tpu.memref_squeeze %dma_wait3A_142 : memref<1x128xf32, #tpu.memory_space<vmem>> -> memref<128xf32, #tpu.memory_space<vmem>>
    %dma_wait3A_144 = arith.constant 0 : i32
    %dma_wait3A_145 = tpu.memref_slice %arg11[%dma_wait3A_139, %dma_wait3A_144] : memref<4x128xi32, #tpu.memory_space<vmem>> -> memref<1x128xi32, #tpu.memory_space<vmem>>
    %dma_wait3A_146 = tpu.memref_squeeze %dma_wait3A_145 : memref<1x128xi32, #tpu.memory_space<vmem>> -> memref<128xi32, #tpu.memory_space<vmem>>
    %dma_wait3A_147 = arith.constant 0 : i32
    %dma_wait3A_148 = tpu.memref_slice %arg7[%dma_wait3A_147] : memref<100000xf32, #tpu.memory_space<hbm>> -> memref<100000xf32, #tpu.memory_space<hbm>>
    tpu.wait_indirect_dma semaphore(%arg25 : memref<!tpu.dma_semaphore, #tpu.memory_space<semaphore_mem>>) src(%dma_wait3A_148 : memref<100000xf32, #tpu.memory_space<hbm>>) dst(%dma_wait3A_143 : memref<128xf32, #tpu.memory_space<vmem>>)
    %dma_wait3A_149 = arith.constant 2 : i32
    %dma_wait3A_150 = arith.constant 2 : i32
    %dma_wait3A_151 = arith.constant 0 : i32
    %dma_wait3A_152 = tpu.memref_slice %arg16[%dma_wait3A_150, %dma_wait3A_151] : memref<4x128xf32, #tpu.memory_space<vmem>> -> memref<1x128xf32, #tpu.memory_space<vmem>>
    %dma_wait3A_153 = tpu.memref_squeeze %dma_wait3A_152 : memref<1x128xf32, #tpu.memory_space<vmem>> -> memref<128xf32, #tpu.memory_space<vmem>>
    %dma_wait3A_154 = arith.constant 0 : i32
    %dma_wait3A_155 = tpu.memref_slice %arg10[%dma_wait3A_149, %dma_wait3A_154] : memref<4x128xi32, #tpu.memory_space<vmem>> -> memref<1x128xi32, #tpu.memory_space<vmem>>
    %dma_wait3A_156 = tpu.memref_squeeze %dma_wait3A_155 : memref<1x128xi32, #tpu.memory_space<vmem>> -> memref<128xi32, #tpu.memory_space<vmem>>
    %dma_wait3A_157 = arith.constant 0 : i32
    %dma_wait3A_158 = tpu.memref_slice %arg6[%dma_wait3A_157] : memref<100000xf32, #tpu.memory_space<hbm>> -> memref<100000xf32, #tpu.memory_space<hbm>>
    tpu.wait_indirect_dma semaphore(%arg25 : memref<!tpu.dma_semaphore, #tpu.memory_space<semaphore_mem>>) src(%dma_wait3A_158 : memref<100000xf32, #tpu.memory_space<hbm>>) dst(%dma_wait3A_153 : memref<128xf32, #tpu.memory_space<vmem>>)
    %dma_wait3A_159 = arith.constant 2 : i32
    %dma_wait3A_160 = arith.constant 2 : i32
    %dma_wait3A_161 = arith.constant 0 : i32
    %dma_wait3A_162 = tpu.memref_slice %arg17[%dma_wait3A_160, %dma_wait3A_161] : memref<4x128xf32, #tpu.memory_space<vmem>> -> memref<1x128xf32, #tpu.memory_space<vmem>>
    %dma_wait3A_163 = tpu.memref_squeeze %dma_wait3A_162 : memref<1x128xf32, #tpu.memory_space<vmem>> -> memref<128xf32, #tpu.memory_space<vmem>>
    %dma_wait3A_164 = arith.constant 0 : i32
    %dma_wait3A_165 = tpu.memref_slice %arg11[%dma_wait3A_159, %dma_wait3A_164] : memref<4x128xi32, #tpu.memory_space<vmem>> -> memref<1x128xi32, #tpu.memory_space<vmem>>
    %dma_wait3A_166 = tpu.memref_squeeze %dma_wait3A_165 : memref<1x128xi32, #tpu.memory_space<vmem>> -> memref<128xi32, #tpu.memory_space<vmem>>
    %dma_wait3A_167 = arith.constant 0 : i32
    %dma_wait3A_168 = tpu.memref_slice %arg7[%dma_wait3A_167] : memref<100000xf32, #tpu.memory_space<hbm>> -> memref<100000xf32, #tpu.memory_space<hbm>>
    tpu.wait_indirect_dma semaphore(%arg25 : memref<!tpu.dma_semaphore, #tpu.memory_space<semaphore_mem>>) src(%dma_wait3A_168 : memref<100000xf32, #tpu.memory_space<hbm>>) dst(%dma_wait3A_163 : memref<128xf32, #tpu.memory_space<vmem>>)
    %dma_wait3A_169 = arith.constant 3 : i32
    %dma_wait3A_170 = arith.constant 3 : i32
    %dma_wait3A_171 = arith.constant 0 : i32
    %dma_wait3A_172 = tpu.memref_slice %arg16[%dma_wait3A_170, %dma_wait3A_171] : memref<4x128xf32, #tpu.memory_space<vmem>> -> memref<1x128xf32, #tpu.memory_space<vmem>>
    %dma_wait3A_173 = tpu.memref_squeeze %dma_wait3A_172 : memref<1x128xf32, #tpu.memory_space<vmem>> -> memref<128xf32, #tpu.memory_space<vmem>>
    %dma_wait3A_174 = arith.constant 0 : i32
    %dma_wait3A_175 = tpu.memref_slice %arg10[%dma_wait3A_169, %dma_wait3A_174] : memref<4x128xi32, #tpu.memory_space<vmem>> -> memref<1x128xi32, #tpu.memory_space<vmem>>
    %dma_wait3A_176 = tpu.memref_squeeze %dma_wait3A_175 : memref<1x128xi32, #tpu.memory_space<vmem>> -> memref<128xi32, #tpu.memory_space<vmem>>
    %dma_wait3A_177 = arith.constant 0 : i32
    %dma_wait3A_178 = tpu.memref_slice %arg6[%dma_wait3A_177] : memref<100000xf32, #tpu.memory_space<hbm>> -> memref<100000xf32, #tpu.memory_space<hbm>>
    tpu.wait_indirect_dma semaphore(%arg25 : memref<!tpu.dma_semaphore, #tpu.memory_space<semaphore_mem>>) src(%dma_wait3A_178 : memref<100000xf32, #tpu.memory_space<hbm>>) dst(%dma_wait3A_173 : memref<128xf32, #tpu.memory_space<vmem>>)
    %dma_wait3A_179 = arith.constant 3 : i32
    %dma_wait3A_180 = arith.constant 3 : i32
    %dma_wait3A_181 = arith.constant 0 : i32
    %dma_wait3A_182 = tpu.memref_slice %arg17[%dma_wait3A_180, %dma_wait3A_181] : memref<4x128xf32, #tpu.memory_space<vmem>> -> memref<1x128xf32, #tpu.memory_space<vmem>>
    %dma_wait3A_183 = tpu.memref_squeeze %dma_wait3A_182 : memref<1x128xf32, #tpu.memory_space<vmem>> -> memref<128xf32, #tpu.memory_space<vmem>>
    %dma_wait3A_184 = arith.constant 0 : i32
    %dma_wait3A_185 = tpu.memref_slice %arg11[%dma_wait3A_179, %dma_wait3A_184] : memref<4x128xi32, #tpu.memory_space<vmem>> -> memref<1x128xi32, #tpu.memory_space<vmem>>
    %dma_wait3A_186 = tpu.memref_squeeze %dma_wait3A_185 : memref<1x128xi32, #tpu.memory_space<vmem>> -> memref<128xi32, #tpu.memory_space<vmem>>
    %dma_wait3A_187 = arith.constant 0 : i32
    %dma_wait3A_188 = tpu.memref_slice %arg7[%dma_wait3A_187] : memref<100000xf32, #tpu.memory_space<hbm>> -> memref<100000xf32, #tpu.memory_space<hbm>>
    tpu.wait_indirect_dma semaphore(%arg25 : memref<!tpu.dma_semaphore, #tpu.memory_space<semaphore_mem>>) src(%dma_wait3A_188 : memref<100000xf32, #tpu.memory_space<hbm>>) dst(%dma_wait3A_183 : memref<128xf32, #tpu.memory_space<vmem>>)
    %get3A = arith.constant 0 : index
    %get3A_189 = tpu.vector_load %arg18[%get3A] {strides = array<i32>} : memref<16xf32, #tpu.memory_space<vmem>>, vector<16xf32>,
    %iota3A = tpu.iota {dimensions = array<i32: 0>} : vector<16xi32>
    %scan3A = arith.constant 0 : i32
    %scan3A_190 = arith.constant 0 : i32
    %scan3A_191 = arith.constant 2 : i32
    %scan3A_192 = arith.addi %scan3A_190, %scan3A_191 : i32
    %scan3A_193 = arith.constant 1 : i32
    scf.for %scan3A_195 = %scan3A_190 to %scan3A_192 step %scan3A_193  : i32 {
      %mul3A_196 = arith.constant 2 : i32
      %mul3A_197 = arith.muli %mul3A_196, %scan3A_195 : i32
      %add3A_198 = arith.constant 0 : i32
      %add3A_199 = arith.addi %mul3A_197, %add3A_198 : i32
      %dma_wait3A_200 = arith.constant 0 : i32
      %dma_wait3A_201 = tpu.memref_slice %arg10[%add3A_199, %dma_wait3A_200] : memref<4x128xi32, #tpu.memory_space<vmem>> -> memref<1x128xi32, #tpu.memory_space<vmem>>
      %dma_wait3A_202 = tpu.memref_squeeze %dma_wait3A_201 : memref<1x128xi32, #tpu.memory_space<vmem>> -> memref<128xi32, #tpu.memory_space<vmem>>
      %dma_wait3A_203 = arith.constant 0 : i32
      %dma_wait3A_204 = arith.constant 0 : i32
      %dma_wait3A_205 = tpu.memref_slice %arg4[%dma_wait3A_203, %dma_wait3A_204] : memref<100000x128xf32, #tpu.memory_space<hbm>> -> memref<100000x128xf32, #tpu.memory_space<hbm>>
      tpu.wait_indirect_dma semaphore(%arg21 : memref<!tpu.dma_semaphore, #tpu.memory_space<semaphore_mem>>) src(%dma_wait3A_205 : memref<100000x128xf32, #tpu.memory_space<hbm>>) dst(%arg12 : memref<128x128xf32, #tpu.memory_space<vmem>>)
      %dma_wait3A_206 = arith.constant 0 : i32
      %dma_wait3A_207 = tpu.memref_slice %arg11[%add3A_199, %dma_wait3A_206] : memref<4x128xi32, #tpu.memory_space<vmem>> -> memref<1x128xi32, #tpu.memory_space<vmem>>
      %dma_wait3A_208 = tpu.memref_squeeze %dma_wait3A_207 : memref<1x128xi32, #tpu.memory_space<vmem>> -> memref<128xi32, #tpu.memory_space<vmem>>
      %dma_wait3A_209 = arith.constant 0 : i32
      %dma_wait3A_210 = arith.constant 0 : i32
      %dma_wait3A_211 = tpu.memref_slice %arg5[%dma_wait3A_209, %dma_wait3A_210] : memref<100000x128xf32, #tpu.memory_space<hbm>> -> memref<100000x128xf32, #tpu.memory_space<hbm>>
      tpu.wait_indirect_dma semaphore(%arg23 : memref<!tpu.dma_semaphore, #tpu.memory_space<semaphore_mem>>) src(%dma_wait3A_211 : memref<100000x128xf32, #tpu.memory_space<hbm>>) dst(%arg14 : memref<128x128xf32, #tpu.memory_space<vmem>>)
      %scan3A_212 = arith.constant 0 : i32
      %scan3A_213 = arith.constant 0 : i32
      %scan3A_214 = arith.constant 128 : i32
      %scan3A_215 = arith.addi %scan3A_213, %scan3A_214 : i32
      %scan3A_216 = arith.constant 4 : i32
      scf.for %scan3A_1797 = %scan3A_213 to %scan3A_215 step %scan3A_216  : i32 {
        %get3A_1798 = arith.index_cast %scan3A_1797 : i32 to index
        %get3A_1799 = arith.constant 0 : index
        %get3A_1800 = tpu.vector_load %arg12[%get3A_1798, %get3A_1799] {strides = array<i32>} : memref<128x128xf32, #tpu.memory_space<vmem>>, vector<16xf32>,
        %get3A_1801 = arith.index_cast %scan3A_1797 : i32 to index
        %get3A_1802 = arith.constant 0 : index
        %get3A_1803 = tpu.vector_load %arg14[%get3A_1801, %get3A_1802] {strides = array<i32>} : memref<128x128xf32, #tpu.memory_space<vmem>>, vector<16xf32>,
        %mul3A_1804 = arith.mulf %get3A_1800, %get3A_1803 : vector<16xf32>
        %get3A_1805 = arith.index_cast %scan3A_1797 : i32 to index
        %get3A_1806 = arith.constant 16 : index
        %get3A_1807 = tpu.vector_load %arg12[%get3A_1805, %get3A_1806] {strides = array<i32>} : memref<128x128xf32, #tpu.memory_space<vmem>>, vector<16xf32>,
        %get3A_1808 = arith.index_cast %scan3A_1797 : i32 to index
        %get3A_1809 = arith.constant 16 : index
        %get3A_1810 = tpu.vector_load %arg14[%get3A_1808, %get3A_1809] {strides = array<i32>} : memref<128x128xf32, #tpu.memory_space<vmem>>, vector<16xf32>,
        %mul3A_1811 = arith.mulf %get3A_1807, %get3A_1810 : vector<16xf32>
        %add3A_1812 = arith.addf %mul3A_1804, %mul3A_1811 : vector<16xf32>
        %get3A_1813 = arith.index_cast %scan3A_1797 : i32 to index
        %get3A_1814 = arith.constant 32 : index
        %get3A_1815 = tpu.vector_load %arg12[%get3A_1813, %get3A_1814] {strides = array<i32>} : memref<128x128xf32, #tpu.memory_space<vmem>>, vector<16xf32>,
        %get3A_1816 = arith.index_cast %scan3A_1797 : i32 to index
        %get3A_1817 = arith.constant 32 : index
        %get3A_1818 = tpu.vector_load %arg14[%get3A_1816, %get3A_1817] {strides = array<i32>} : memref<128x128xf32, #tpu.memory_space<vmem>>, vector<16xf32>,
        %mul3A_1819 = arith.mulf %get3A_1815, %get3A_1818 : vector<16xf32>
        %add3A_1820 = arith.addf %add3A_1812, %mul3A_1819 : vector<16xf32>
        %get3A_1821 = arith.index_cast %scan3A_1797 : i32 to index
        %get3A_1822 = arith.constant 48 : index
        %get3A_1823 = tpu.vector_load %arg12[%get3A_1821, %get3A_1822] {strides = array<i32>} : memref<128x128xf32, #tpu.memory_space<vmem>>, vector<16xf32>,
        %get3A_1824 = arith.index_cast %scan3A_1797 : i32 to index
        %get3A_1825 = arith.constant 48 : index
        %get3A_1826 = tpu.vector_load %arg14[%get3A_1824, %get3A_1825] {strides = array<i32>} : memref<128x128xf32, #tpu.memory_space<vmem>>, vector<16xf32>,
        %mul3A_1827 = arith.mulf %get3A_1823, %get3A_1826 : vector<16xf32>
        %add3A_1828 = arith.addf %add3A_1820, %mul3A_1827 : vector<16xf32>
        %get3A_1829 = arith.index_cast %scan3A_1797 : i32 to index
        %get3A_1830 = arith.constant 64 : index
        %get3A_1831 = tpu.vector_load %arg12[%get3A_1829, %get3A_1830] {strides = array<i32>} : memref<128x128xf32, #tpu.memory_space<vmem>>, vector<16xf32>,
        %get3A_1832 = arith.index_cast %scan3A_1797 : i32 to index
        %get3A_1833 = arith.constant 64 : index
        %get3A_1834 = tpu.vector_load %arg14[%get3A_1832, %get3A_1833] {strides = array<i32>} : memref<128x128xf32, #tpu.memory_space<vmem>>, vector<16xf32>,
        %mul3A_1835 = arith.mulf %get3A_1831, %get3A_1834 : vector<16xf32>
        %add3A_1836 = arith.addf %add3A_1828, %mul3A_1835 : vector<16xf32>
        %get3A_1837 = arith.index_cast %scan3A_1797 : i32 to index
        %get3A_1838 = arith.constant 80 : index
        %get3A_1839 = tpu.vector_load %arg12[%get3A_1837, %get3A_1838] {strides = array<i32>} : memref<128x128xf32, #tpu.memory_space<vmem>>, vector<16xf32>,
        %get3A_1840 = arith.index_cast %scan3A_1797 : i32 to index
        %get3A_1841 = arith.constant 80 : index
        %get3A_1842 = tpu.vector_load %arg14[%get3A_1840, %get3A_1841] {strides = array<i32>} : memref<128x128xf32, #tpu.memory_space<vmem>>, vector<16xf32>,
        %mul3A_1843 = arith.mulf %get3A_1839, %get3A_1842 : vector<16xf32>
        %add3A_1844 = arith.addf %add3A_1836, %mul3A_1843 : vector<16xf32>
        %get3A_1845 = arith.index_cast %scan3A_1797 : i32 to index
        %get3A_1846 = arith.constant 96 : index
        %get3A_1847 = tpu.vector_load %arg12[%get3A_1845, %get3A_1846] {strides = array<i32>} : memref<128x128xf32, #tpu.memory_space<vmem>>, vector<16xf32>,
        %get3A_1848 = arith.index_cast %scan3A_1797 : i32 to index
        %get3A_1849 = arith.constant 96 : index
        %get3A_1850 = tpu.vector_load %arg14[%get3A_1848, %get3A_1849] {strides = array<i32>} : memref<128x128xf32, #tpu.memory_space<vmem>>, vector<16xf32>,
        %mul3A_1851 = arith.mulf %get3A_1847, %get3A_1850 : vector<16xf32>
        %add3A_1852 = arith.addf %add3A_1844, %mul3A_1851 : vector<16xf32>
        %get3A_1853 = arith.index_cast %scan3A_1797 : i32 to index
        %get3A_1854 = arith.constant 112 : index
        %get3A_1855 = tpu.vector_load %arg12[%get3A_1853, %get3A_1854] {strides = array<i32>} : memref<128x128xf32, #tpu.memory_space<vmem>>, vector<16xf32>,
        %get3A_1856 = arith.index_cast %scan3A_1797 : i32 to index
        %get3A_1857 = arith.constant 112 : index
        %get3A_1858 = tpu.vector_load %arg14[%get3A_1856, %get3A_1857] {strides = array<i32>} : memref<128x128xf32, #tpu.memory_space<vmem>>, vector<16xf32>,
        %mul3A_1859 = arith.mulf %get3A_1855, %get3A_1858 : vector<16xf32>
        %add3A_1860 = arith.addf %add3A_1852, %mul3A_1859 : vector<16xf32>
        %mul3A_1861 = arith.constant 17 : i32
        %mul3A_1862 = arith.muli %scan3A_1797, %mul3A_1861 : i32
        %swap3A_1863 = arith.index_cast %mul3A_1862 : i32 to index
        %swap3A_1864 = tpu.vector_load %arg19[%swap3A_1863] {strides = array<i32>} : memref<2176xf32, #tpu.memory_space<vmem>>, vector<16xf32>,
        tpu.vector_store %arg19[%swap3A_1863], %add3A_1860 {strides = array<i32>} : memref<2176xf32, #tpu.memory_space<vmem>>, vector<16xf32>,
        %scan3A_1865 = arith.constant 1 : i32
        %scan3A_1866 = arith.addi %scan3A_1797, %scan3A_1865 : i32
        %get3A_1867 = arith.index_cast %scan3A_1866 : i32 to index
        %get3A_1868 = arith.constant 0 : index
        %get3A_1869 = tpu.vector_load %arg12[%get3A_1867, %get3A_1868] {strides = array<i32>} : memref<128x128xf32, #tpu.memory_space<vmem>>, vector<16xf32>,
        %get3A_1870 = arith.index_cast %scan3A_1866 : i32 to index
        %get3A_1871 = arith.constant 0 : index
        %get3A_1872 = tpu.vector_load %arg14[%get3A_1870, %get3A_1871] {strides = array<i32>} : memref<128x128xf32, #tpu.memory_space<vmem>>, vector<16xf32>,
        %mul3A_1873 = arith.mulf %get3A_1869, %get3A_1872 : vector<16xf32>
        %get3A_1874 = arith.index_cast %scan3A_1866 : i32 to index
        %get3A_1875 = arith.constant 16 : index
        %get3A_1876 = tpu.vector_load %arg12[%get3A_1874, %get3A_1875] {strides = array<i32>} : memref<128x128xf32, #tpu.memory_space<vmem>>, vector<16xf32>,
        %get3A_1877 = arith.index_cast %scan3A_1866 : i32 to index
        %get3A_1878 = arith.constant 16 : index
        %get3A_1879 = tpu.vector_load %arg14[%get3A_1877, %get3A_1878] {strides = array<i32>} : memref<128x128xf32, #tpu.memory_space<vmem>>, vector<16xf32>,
        %mul3A_1880 = arith.mulf %get3A_1876, %get3A_1879 : vector<16xf32>
        %add3A_1881 = arith.addf %mul3A_1873, %mul3A_1880 : vector<16xf32>
        %get3A_1882 = arith.index_cast %scan3A_1866 : i32 to index
        %get3A_1883 = arith.constant 32 : index
        %get3A_1884 = tpu.vector_load %arg12[%get3A_1882, %get3A_1883] {strides = array<i32>} : memref<128x128xf32, #tpu.memory_space<vmem>>, vector<16xf32>,
        %get3A_1885 = arith.index_cast %scan3A_1866 : i32 to index
        %get3A_1886 = arith.constant 32 : index
        %get3A_1887 = tpu.vector_load %arg14[%get3A_1885, %get3A_1886] {strides = array<i32>} : memref<128x128xf32, #tpu.memory_space<vmem>>, vector<16xf32>,
        %mul3A_1888 = arith.mulf %get3A_1884, %get3A_1887 : vector<16xf32>
        %add3A_1889 = arith.addf %add3A_1881, %mul3A_1888 : vector<16xf32>
        %get3A_1890 = arith.index_cast %scan3A_1866 : i32 to index
        %get3A_1891 = arith.constant 48 : index
        %get3A_1892 = tpu.vector_load %arg12[%get3A_1890, %get3A_1891] {strides = array<i32>} : memref<128x128xf32, #tpu.memory_space<vmem>>, vector<16xf32>,
        %get3A_1893 = arith.index_cast %scan3A_1866 : i32 to index
        %get3A_1894 = arith.constant 48 : index
        %get3A_1895 = tpu.vector_load %arg14[%get3A_1893, %get3A_1894] {strides = array<i32>} : memref<128x128xf32, #tpu.memory_space<vmem>>, vector<16xf32>,
        %mul3A_1896 = arith.mulf %get3A_1892, %get3A_1895 : vector<16xf32>
        %add3A_1897 = arith.addf %add3A_1889, %mul3A_1896 : vector<16xf32>
        %get3A_1898 = arith.index_cast %scan3A_1866 : i32 to index
        %get3A_1899 = arith.constant 64 : index
        %get3A_1900 = tpu.vector_load %arg12[%get3A_1898, %get3A_1899] {strides = array<i32>} : memref<128x128xf32, #tpu.memory_space<vmem>>, vector<16xf32>,
        %get3A_1901 = arith.index_cast %scan3A_1866 : i32 to index
        %get3A_1902 = arith.constant 64 : index
        %get3A_1903 = tpu.vector_load %arg14[%get3A_1901, %get3A_1902] {strides = array<i32>} : memref<128x128xf32, #tpu.memory_space<vmem>>, vector<16xf32>,
        %mul3A_1904 = arith.mulf %get3A_1900, %get3A_1903 : vector<16xf32>
        %add3A_1905 = arith.addf %add3A_1897, %mul3A_1904 : vector<16xf32>
        %get3A_1906 = arith.index_cast %scan3A_1866 : i32 to index
        %get3A_1907 = arith.constant 80 : index
        %get3A_1908 = tpu.vector_load %arg12[%get3A_1906, %get3A_1907] {strides = array<i32>} : memref<128x128xf32, #tpu.memory_space<vmem>>, vector<16xf32>,
        %get3A_1909 = arith.index_cast %scan3A_1866 : i32 to index
        %get3A_1910 = arith.constant 80 : index
        %get3A_1911 = tpu.vector_load %arg14[%get3A_1909, %get3A_1910] {strides = array<i32>} : memref<128x128xf32, #tpu.memory_space<vmem>>, vector<16xf32>,
        %mul3A_1912 = arith.mulf %get3A_1908, %get3A_1911 : vector<16xf32>
        %add3A_1913 = arith.addf %add3A_1905, %mul3A_1912 : vector<16xf32>
        %get3A_1914 = arith.index_cast %scan3A_1866 : i32 to index
        %get3A_1915 = arith.constant 96 : index
        %get3A_1916 = tpu.vector_load %arg12[%get3A_1914, %get3A_1915] {strides = array<i32>} : memref<128x128xf32, #tpu.memory_space<vmem>>, vector<16xf32>,
        %get3A_1917 = arith.index_cast %scan3A_1866 : i32 to index
        %get3A_1918 = arith.constant 96 : index
        %get3A_1919 = tpu.vector_load %arg14[%get3A_1917, %get3A_1918] {strides = array<i32>} : memref<128x128xf32, #tpu.memory_space<vmem>>, vector<16xf32>,
        %mul3A_1920 = arith.mulf %get3A_1916, %get3A_1919 : vector<16xf32>
        %add3A_1921 = arith.addf %add3A_1913, %mul3A_1920 : vector<16xf32>
        %get3A_1922 = arith.index_cast %scan3A_1866 : i32 to index
        %get3A_1923 = arith.constant 112 : index
        %get3A_1924 = tpu.vector_load %arg12[%get3A_1922, %get3A_1923] {strides = array<i32>} : memref<128x128xf32, #tpu.memory_space<vmem>>, vector<16xf32>,
        %get3A_1925 = arith.index_cast %scan3A_1866 : i32 to index
        %get3A_1926 = arith.constant 112 : index
        %get3A_1927 = tpu.vector_load %arg14[%get3A_1925, %get3A_1926] {strides = array<i32>} : memref<128x128xf32, #tpu.memory_space<vmem>>, vector<16xf32>,
        %mul3A_1928 = arith.mulf %get3A_1924, %get3A_1927 : vector<16xf32>
        %add3A_1929 = arith.addf %add3A_1921, %mul3A_1928 : vector<16xf32>
        %mul3A_1930 = arith.constant 17 : i32
        %mul3A_1931 = arith.muli %scan3A_1866, %mul3A_1930 : i32
        %swap3A_1932 = arith.index_cast %mul3A_1931 : i32 to index
        %swap3A_1933 = tpu.vector_load %arg19[%swap3A_1932] {strides = array<i32>} : memref<2176xf32, #tpu.memory_space<vmem>>, vector<16xf32>,
        tpu.vector_store %arg19[%swap3A_1932], %add3A_1929 {strides = array<i32>} : memref<2176xf32, #tpu.memory_space<vmem>>, vector<16xf32>,
        %scan3A_1934 = arith.constant 2 : i32
        %scan3A_1935 = arith.addi %scan3A_1797, %scan3A_1934 : i32
        %get3A_1936 = arith.index_cast %scan3A_1935 : i32 to index
        %get3A_1937 = arith.constant 0 : index
        %get3A_1938 = tpu.vector_load %arg12[%get3A_1936, %get3A_1937] {strides = array<i32>} : memref<128x128xf32, #tpu.memory_space<vmem>>, vector<16xf32>,
        %get3A_1939 = arith.index_cast %scan3A_1935 : i32 to index
        %get3A_1940 = arith.constant 0 : index
        %get3A_1941 = tpu.vector_load %arg14[%get3A_1939, %get3A_1940] {strides = array<i32>} : memref<128x128xf32, #tpu.memory_space<vmem>>, vector<16xf32>,
        %mul3A_1942 = arith.mulf %get3A_1938, %get3A_1941 : vector<16xf32>
        %get3A_1943 = arith.index_cast %scan3A_1935 : i32 to index
        %get3A_1944 = arith.constant 16 : index
        %get3A_1945 = tpu.vector_load %arg12[%get3A_1943, %get3A_1944] {strides = array<i32>} : memref<128x128xf32, #tpu.memory_space<vmem>>, vector<16xf32>,
        %get3A_1946 = arith.index_cast %scan3A_1935 : i32 to index
        %get3A_1947 = arith.constant 16 : index
        %get3A_1948 = tpu.vector_load %arg14[%get3A_1946, %get3A_1947] {strides = array<i32>} : memref<128x128xf32, #tpu.memory_space<vmem>>, vector<16xf32>,
        %mul3A_1949 = arith.mulf %get3A_1945, %get3A_1948 : vector<16xf32>
        %add3A_1950 = arith.addf %mul3A_1942, %mul3A_1949 : vector<16xf32>
        %get3A_1951 = arith.index_cast %scan3A_1935 : i32 to index
        %get3A_1952 = arith.constant 32 : index
        %get3A_1953 = tpu.vector_load %arg12[%get3A_1951, %get3A_1952] {strides = array<i32>} : memref<128x128xf32, #tpu.memory_space<vmem>>, vector<16xf32>,
        %get3A_1954 = arith.index_cast %scan3A_1935 : i32 to index
        %get3A_1955 = arith.constant 32 : index
        %get3A_1956 = tpu.vector_load %arg14[%get3A_1954, %get3A_1955] {strides = array<i32>} : memref<128x128xf32, #tpu.memory_space<vmem>>, vector<16xf32>,
        %mul3A_1957 = arith.mulf %get3A_1953, %get3A_1956 : vector<16xf32>
        %add3A_1958 = arith.addf %add3A_1950, %mul3A_1957 : vector<16xf32>
        %get3A_1959 = arith.index_cast %scan3A_1935 : i32 to index
        %get3A_1960 = arith.constant 48 : index
        %get3A_1961 = tpu.vector_load %arg12[%get3A_1959, %get3A_1960] {strides = array<i32>} : memref<128x128xf32, #tpu.memory_space<vmem>>, vector<16xf32>,
        %get3A_1962 = arith.index_cast %scan3A_1935 : i32 to index
        %get3A_1963 = arith.constant 48 : index
        %get3A_1964 = tpu.vector_load %arg14[%get3A_1962, %get3A_1963] {strides = array<i32>} : memref<128x128xf32, #tpu.memory_space<vmem>>, vector<16xf32>,
        %mul3A_1965 = arith.mulf %get3A_1961, %get3A_1964 : vector<16xf32>
        %add3A_1966 = arith.addf %add3A_1958, %mul3A_1965 : vector<16xf32>
        %get3A_1967 = arith.index_cast %scan3A_1935 : i32 to index
        %get3A_1968 = arith.constant 64 : index
        %get3A_1969 = tpu.vector_load %arg12[%get3A_1967, %get3A_1968] {strides = array<i32>} : memref<128x128xf32, #tpu.memory_space<vmem>>, vector<16xf32>,
        %get3A_1970 = arith.index_cast %scan3A_1935 : i32 to index
        %get3A_1971 = arith.constant 64 : index
        %get3A_1972 = tpu.vector_load %arg14[%get3A_1970, %get3A_1971] {strides = array<i32>} : memref<128x128xf32, #tpu.memory_space<vmem>>, vector<16xf32>,
        %mul3A_1973 = arith.mulf %get3A_1969, %get3A_1972 : vector<16xf32>
        %add3A_1974 = arith.addf %add3A_1966, %mul3A_1973 : vector<16xf32>
        %get3A_1975 = arith.index_cast %scan3A_1935 : i32 to index
        %get3A_1976 = arith.constant 80 : index
        %get3A_1977 = tpu.vector_load %arg12[%get3A_1975, %get3A_1976] {strides = array<i32>} : memref<128x128xf32, #tpu.memory_space<vmem>>, vector<16xf32>,
        %get3A_1978 = arith.index_cast %scan3A_1935 : i32 to index
        %get3A_1979 = arith.constant 80 : index
        %get3A_1980 = tpu.vector_load %arg14[%get3A_1978, %get3A_1979] {strides = array<i32>} : memref<128x128xf32, #tpu.memory_space<vmem>>, vector<16xf32>,
        %mul3A_1981 = arith.mulf %get3A_1977, %get3A_1980 : vector<16xf32>
        %add3A_1982 = arith.addf %add3A_1974, %mul3A_1981 : vector<16xf32>
        %get3A_1983 = arith.index_cast %scan3A_1935 : i32 to index
        %get3A_1984 = arith.constant 96 : index
        %get3A_1985 = tpu.vector_load %arg12[%get3A_1983, %get3A_1984] {strides = array<i32>} : memref<128x128xf32, #tpu.memory_space<vmem>>, vector<16xf32>,
        %get3A_1986 = arith.index_cast %scan3A_1935 : i32 to index
        %get3A_1987 = arith.constant 96 : index
        %get3A_1988 = tpu.vector_load %arg14[%get3A_1986, %get3A_1987] {strides = array<i32>} : memref<128x128xf32, #tpu.memory_space<vmem>>, vector<16xf32>,
        %mul3A_1989 = arith.mulf %get3A_1985, %get3A_1988 : vector<16xf32>
        %add3A_1990 = arith.addf %add3A_1982, %mul3A_1989 : vector<16xf32>
        %get3A_1991 = arith.index_cast %scan3A_1935 : i32 to index
        %get3A_1992 = arith.constant 112 : index
        %get3A_1993 = tpu.vector_load %arg12[%get3A_1991, %get3A_1992] {strides = array<i32>} : memref<128x128xf32, #tpu.memory_space<vmem>>, vector<16xf32>,
        %get3A_1994 = arith.index_cast %scan3A_1935 : i32 to index
        %get3A_1995 = arith.constant 112 : index
        %get3A_1996 = tpu.vector_load %arg14[%get3A_1994, %get3A_1995] {strides = array<i32>} : memref<128x128xf32, #tpu.memory_space<vmem>>, vector<16xf32>,
        %mul3A_1997 = arith.mulf %get3A_1993, %get3A_1996 : vector<16xf32>
        %add3A_1998 = arith.addf %add3A_1990, %mul3A_1997 : vector<16xf32>
        %mul3A_1999 = arith.constant 17 : i32
        %mul3A_2000 = arith.muli %scan3A_1935, %mul3A_1999 : i32
        %swap3A_2001 = arith.index_cast %mul3A_2000 : i32 to index
        %swap3A_2002 = tpu.vector_load %arg19[%swap3A_2001] {strides = array<i32>} : memref<2176xf32, #tpu.memory_space<vmem>>, vector<16xf32>,
        tpu.vector_store %arg19[%swap3A_2001], %add3A_1998 {strides = array<i32>} : memref<2176xf32, #tpu.memory_space<vmem>>, vector<16xf32>,
        %scan3A_2003 = arith.constant 3 : i32
        %scan3A_2004 = arith.addi %scan3A_1797, %scan3A_2003 : i32
        %get3A_2005 = arith.index_cast %scan3A_2004 : i32 to index
        %get3A_2006 = arith.constant 0 : index
        %get3A_2007 = tpu.vector_load %arg12[%get3A_2005, %get3A_2006] {strides = array<i32>} : memref<128x128xf32, #tpu.memory_space<vmem>>, vector<16xf32>,
        %get3A_2008 = arith.index_cast %scan3A_2004 : i32 to index
        %get3A_2009 = arith.constant 0 : index
        %get3A_2010 = tpu.vector_load %arg14[%get3A_2008, %get3A_2009] {strides = array<i32>} : memref<128x128xf32, #tpu.memory_space<vmem>>, vector<16xf32>,
        %mul3A_2011 = arith.mulf %get3A_2007, %get3A_2010 : vector<16xf32>
        %get3A_2012 = arith.index_cast %scan3A_2004 : i32 to index
        %get3A_2013 = arith.constant 16 : index
        %get3A_2014 = tpu.vector_load %arg12[%get3A_2012, %get3A_2013] {strides = array<i32>} : memref<128x128xf32, #tpu.memory_space<vmem>>, vector<16xf32>,
        %get3A_2015 = arith.index_cast %scan3A_2004 : i32 to index
        %get3A_2016 = arith.constant 16 : index
        %get3A_2017 = tpu.vector_load %arg14[%get3A_2015, %get3A_2016] {strides = array<i32>} : memref<128x128xf32, #tpu.memory_space<vmem>>, vector<16xf32>,
        %mul3A_2018 = arith.mulf %get3A_2014, %get3A_2017 : vector<16xf32>
        %add3A_2019 = arith.addf %mul3A_2011, %mul3A_2018 : vector<16xf32>
        %get3A_2020 = arith.index_cast %scan3A_2004 : i32 to index
        %get3A_2021 = arith.constant 32 : index
        %get3A_2022 = tpu.vector_load %arg12[%get3A_2020, %get3A_2021] {strides = array<i32>} : memref<128x128xf32, #tpu.memory_space<vmem>>, vector<16xf32>,
        %get3A_2023 = arith.index_cast %scan3A_2004 : i32 to index
        %get3A_2024 = arith.constant 32 : index
        %get3A_2025 = tpu.vector_load %arg14[%get3A_2023, %get3A_2024] {strides = array<i32>} : memref<128x128xf32, #tpu.memory_space<vmem>>, vector<16xf32>,
        %mul3A_2026 = arith.mulf %get3A_2022, %get3A_2025 : vector<16xf32>
        %add3A_2027 = arith.addf %add3A_2019, %mul3A_2026 : vector<16xf32>
        %get3A_2028 = arith.index_cast %scan3A_2004 : i32 to index
        %get3A_2029 = arith.constant 48 : index
        %get3A_2030 = tpu.vector_load %arg12[%get3A_2028, %get3A_2029] {strides = array<i32>} : memref<128x128xf32, #tpu.memory_space<vmem>>, vector<16xf32>,
        %get3A_2031 = arith.index_cast %scan3A_2004 : i32 to index
        %get3A_2032 = arith.constant 48 : index
        %get3A_2033 = tpu.vector_load %arg14[%get3A_2031, %get3A_2032] {strides = array<i32>} : memref<128x128xf32, #tpu.memory_space<vmem>>, vector<16xf32>,
        %mul3A_2034 = arith.mulf %get3A_2030, %get3A_2033 : vector<16xf32>
        %add3A_2035 = arith.addf %add3A_2027, %mul3A_2034 : vector<16xf32>
        %get3A_2036 = arith.index_cast %scan3A_2004 : i32 to index
        %get3A_2037 = arith.constant 64 : index
        %get3A_2038 = tpu.vector_load %arg12[%get3A_2036, %get3A_2037] {strides = array<i32>} : memref<128x128xf32, #tpu.memory_space<vmem>>, vector<16xf32>,
        %get3A_2039 = arith.index_cast %scan3A_2004 : i32 to index
        %get3A_2040 = arith.constant 64 : index
        %get3A_2041 = tpu.vector_load %arg14[%get3A_2039, %get3A_2040] {strides = array<i32>} : memref<128x128xf32, #tpu.memory_space<vmem>>, vector<16xf32>,
        %mul3A_2042 = arith.mulf %get3A_2038, %get3A_2041 : vector<16xf32>
        %add3A_2043 = arith.addf %add3A_2035, %mul3A_2042 : vector<16xf32>
        %get3A_2044 = arith.index_cast %scan3A_2004 : i32 to index
        %get3A_2045 = arith.constant 80 : index
        %get3A_2046 = tpu.vector_load %arg12[%get3A_2044, %get3A_2045] {strides = array<i32>} : memref<128x128xf32, #tpu.memory_space<vmem>>, vector<16xf32>,
        %get3A_2047 = arith.index_cast %scan3A_2004 : i32 to index
        %get3A_2048 = arith.constant 80 : index
        %get3A_2049 = tpu.vector_load %arg14[%get3A_2047, %get3A_2048] {strides = array<i32>} : memref<128x128xf32, #tpu.memory_space<vmem>>, vector<16xf32>,
        %mul3A_2050 = arith.mulf %get3A_2046, %get3A_2049 : vector<16xf32>
        %add3A_2051 = arith.addf %add3A_2043, %mul3A_2050 : vector<16xf32>
        %get3A_2052 = arith.index_cast %scan3A_2004 : i32 to index
        %get3A_2053 = arith.constant 96 : index
        %get3A_2054 = tpu.vector_load %arg12[%get3A_2052, %get3A_2053] {strides = array<i32>} : memref<128x128xf32, #tpu.memory_space<vmem>>, vector<16xf32>,
        %get3A_2055 = arith.index_cast %scan3A_2004 : i32 to index
        %get3A_2056 = arith.constant 96 : index
        %get3A_2057 = tpu.vector_load %arg14[%get3A_2055, %get3A_2056] {strides = array<i32>} : memref<128x128xf32, #tpu.memory_space<vmem>>, vector<16xf32>,
        %mul3A_2058 = arith.mulf %get3A_2054, %get3A_2057 : vector<16xf32>
        %add3A_2059 = arith.addf %add3A_2051, %mul3A_2058 : vector<16xf32>
        %get3A_2060 = arith.index_cast %scan3A_2004 : i32 to index
        %get3A_2061 = arith.constant 112 : index
        %get3A_2062 = tpu.vector_load %arg12[%get3A_2060, %get3A_2061] {strides = array<i32>} : memref<128x128xf32, #tpu.memory_space<vmem>>, vector<16xf32>,
        %get3A_2063 = arith.index_cast %scan3A_2004 : i32 to index
        %get3A_2064 = arith.constant 112 : index
        %get3A_2065 = tpu.vector_load %arg14[%get3A_2063, %get3A_2064] {strides = array<i32>} : memref<128x128xf32, #tpu.memory_space<vmem>>, vector<16xf32>,
        %mul3A_2066 = arith.mulf %get3A_2062, %get3A_2065 : vector<16xf32>
        %add3A_2067 = arith.addf %add3A_2059, %mul3A_2066 : vector<16xf32>
        %mul3A_2068 = arith.constant 17 : i32
        %mul3A_2069 = arith.muli %scan3A_2004, %mul3A_2068 : i32
        %swap3A_2070 = arith.index_cast %mul3A_2069 : i32 to index
        %swap3A_2071 = tpu.vector_load %arg19[%swap3A_2070] {strides = array<i32>} : memref<2176xf32, #tpu.memory_space<vmem>>, vector<16xf32>,
        tpu.vector_store %arg19[%swap3A_2070], %add3A_2067 {strides = array<i32>} : memref<2176xf32, #tpu.memory_space<vmem>>, vector<16xf32>,
      }
      %scan3A_217 = arith.constant 128 : i32
      %add3A_218 = arith.constant 0 : i32
      %add3A_219 = vector.broadcast %add3A_218 : i32 to vector<16xi32>
      %add3A_220 = arith.addi %iota3A, %add3A_219 : vector<16xi32>
      %mul3A_221 = arith.constant 17 : i32
      %mul3A_222 = vector.broadcast %mul3A_221 : i32 to vector<16xi32>
      %mul3A_223 = arith.muli %add3A_220, %mul3A_222 : vector<16xi32>
      %gather3A = tpu.vector_load_idx %arg19[%mul3A_223] : memref<2176xf32, #tpu.memory_space<vmem>>[vector<16xi32>], vector<16xf32>,
      %add3A_224 = arith.constant 1 : i32
      %add3A_225 = vector.broadcast %add3A_224 : i32 to vector<16xi32>
      %add3A_226 = arith.addi %mul3A_223, %add3A_225 : vector<16xi32>
      %gather3A_227 = tpu.vector_load_idx %arg19[%add3A_226] : memref<2176xf32, #tpu.memory_space<vmem>>[vector<16xi32>], vector<16xf32>,
      %add3A_228 = arith.addf %gather3A, %gather3A_227 : vector<16xf32>
      %add3A_229 = arith.constant 2 : i32
      %add3A_230 = vector.broadcast %add3A_229 : i32 to vector<16xi32>
      %add3A_231 = arith.addi %mul3A_223, %add3A_230 : vector<16xi32>
      %gather3A_232 = tpu.vector_load_idx %arg19[%add3A_231] : memref<2176xf32, #tpu.memory_space<vmem>>[vector<16xi32>], vector<16xf32>,
      %add3A_233 = arith.addf %add3A_228, %gather3A_232 : vector<16xf32>
      %add3A_234 = arith.constant 3 : i32
      %add3A_235 = vector.broadcast %add3A_234 : i32 to vector<16xi32>
      %add3A_236 = arith.addi %mul3A_223, %add3A_235 : vector<16xi32>
      %gather3A_237 = tpu.vector_load_idx %arg19[%add3A_236] : memref<2176xf32, #tpu.memory_space<vmem>>[vector<16xi32>], vector<16xf32>,
      %add3A_238 = arith.addf %add3A_233, %gather3A_237 : vector<16xf32>
      %add3A_239 = arith.constant 4 : i32
      %add3A_240 = vector.broadcast %add3A_239 : i32 to vector<16xi32>
      %add3A_241 = arith.addi %mul3A_223, %add3A_240 : vector<16xi32>
      %gather3A_242 = tpu.vector_load_idx %arg19[%add3A_241] : memref<2176xf32, #tpu.memory_space<vmem>>[vector<16xi32>], vector<16xf32>,
      %add3A_243 = arith.addf %add3A_238, %gather3A_242 : vector<16xf32>
      %add3A_244 = arith.constant 5 : i32
      %add3A_245 = vector.broadcast %add3A_244 : i32 to vector<16xi32>
      %add3A_246 = arith.addi %mul3A_223, %add3A_245 : vector<16xi32>
      %gather3A_247 = tpu.vector_load_idx %arg19[%add3A_246] : memref<2176xf32, #tpu.memory_space<vmem>>[vector<16xi32>], vector<16xf32>,
      %add3A_248 = arith.addf %add3A_243, %gather3A_247 : vector<16xf32>
      %add3A_249 = arith.constant 6 : i32
      %add3A_250 = vector.broadcast %add3A_249 : i32 to vector<16xi32>
      %add3A_251 = arith.addi %mul3A_223, %add3A_250 : vector<16xi32>
      %gather3A_252 = tpu.vector_load_idx %arg19[%add3A_251] : memref<2176xf32, #tpu.memory_space<vmem>>[vector<16xi32>], vector<16xf32>,
      %add3A_253 = arith.addf %add3A_248, %gather3A_252 : vector<16xf32>
      %add3A_254 = arith.constant 7 : i32
      %add3A_255 = vector.broadcast %add3A_254 : i32 to vector<16xi32>
      %add3A_256 = arith.addi %mul3A_223, %add3A_255 : vector<16xi32>
      %gather3A_257 = tpu.vector_load_idx %arg19[%add3A_256] : memref<2176xf32, #tpu.memory_space<vmem>>[vector<16xi32>], vector<16xf32>,
      %add3A_258 = arith.addf %add3A_253, %gather3A_257 : vector<16xf32>
      %add3A_259 = arith.constant 8 : i32
      %add3A_260 = vector.broadcast %add3A_259 : i32 to vector<16xi32>
      %add3A_261 = arith.addi %mul3A_223, %add3A_260 : vector<16xi32>
      %gather3A_262 = tpu.vector_load_idx %arg19[%add3A_261] : memref<2176xf32, #tpu.memory_space<vmem>>[vector<16xi32>], vector<16xf32>,
      %add3A_263 = arith.addf %add3A_258, %gather3A_262 : vector<16xf32>
      %add3A_264 = arith.constant 9 : i32
      %add3A_265 = vector.broadcast %add3A_264 : i32 to vector<16xi32>
      %add3A_266 = arith.addi %mul3A_223, %add3A_265 : vector<16xi32>
      %gather3A_267 = tpu.vector_load_idx %arg19[%add3A_266] : memref<2176xf32, #tpu.memory_space<vmem>>[vector<16xi32>], vector<16xf32>,
      %add3A_268 = arith.addf %add3A_263, %gather3A_267 : vector<16xf32>
      %add3A_269 = arith.constant 10 : i32
      %add3A_270 = vector.broadcast %add3A_269 : i32 to vector<16xi32>
      %add3A_271 = arith.addi %mul3A_223, %add3A_270 : vector<16xi32>
      %gather3A_272 = tpu.vector_load_idx %arg19[%add3A_271] : memref<2176xf32, #tpu.memory_space<vmem>>[vector<16xi32>], vector<16xf32>,
      %add3A_273 = arith.addf %add3A_268, %gather3A_272 : vector<16xf32>
      %add3A_274 = arith.constant 11 : i32
      %add3A_275 = vector.broadcast %add3A_274 : i32 to vector<16xi32>
      %add3A_276 = arith.addi %mul3A_223, %add3A_275 : vector<16xi32>
      %gather3A_277 = tpu.vector_load_idx %arg19[%add3A_276] : memref<2176xf32, #tpu.memory_space<vmem>>[vector<16xi32>], vector<16xf32>,
      %add3A_278 = arith.addf %add3A_273, %gather3A_277 : vector<16xf32>
      %add3A_279 = arith.constant 12 : i32
      %add3A_280 = vector.broadcast %add3A_279 : i32 to vector<16xi32>
      %add3A_281 = arith.addi %mul3A_223, %add3A_280 : vector<16xi32>
      %gather3A_282 = tpu.vector_load_idx %arg19[%add3A_281] : memref<2176xf32, #tpu.memory_space<vmem>>[vector<16xi32>], vector<16xf32>,
      %add3A_283 = arith.addf %add3A_278, %gather3A_282 : vector<16xf32>
      %add3A_284 = arith.constant 13 : i32
      %add3A_285 = vector.broadcast %add3A_284 : i32 to vector<16xi32>
      %add3A_286 = arith.addi %mul3A_223, %add3A_285 : vector<16xi32>
      %gather3A_287 = tpu.vector_load_idx %arg19[%add3A_286] : memref<2176xf32, #tpu.memory_space<vmem>>[vector<16xi32>], vector<16xf32>,
      %add3A_288 = arith.addf %add3A_283, %gather3A_287 : vector<16xf32>
      %add3A_289 = arith.constant 14 : i32
      %add3A_290 = vector.broadcast %add3A_289 : i32 to vector<16xi32>
      %add3A_291 = arith.addi %mul3A_223, %add3A_290 : vector<16xi32>
      %gather3A_292 = tpu.vector_load_idx %arg19[%add3A_291] : memref<2176xf32, #tpu.memory_space<vmem>>[vector<16xi32>], vector<16xf32>,
      %add3A_293 = arith.addf %add3A_288, %gather3A_292 : vector<16xf32>
      %add3A_294 = arith.constant 15 : i32
      %add3A_295 = vector.broadcast %add3A_294 : i32 to vector<16xi32>
      %add3A_296 = arith.addi %mul3A_223, %add3A_295 : vector<16xi32>
      %gather3A_297 = tpu.vector_load_idx %arg19[%add3A_296] : memref<2176xf32, #tpu.memory_space<vmem>>[vector<16xi32>], vector<16xf32>,
      %add3A_298 = arith.addf %add3A_293, %gather3A_297 : vector<16xf32>
      %get3A_299 = arith.index_cast %add3A_199 : i32 to index
      %get3A_300 = arith.constant 0 : index
      %get3A_301 = tpu.vector_load %arg16[%get3A_299, %get3A_300] {strides = array<i32>} : memref<4x128xf32, #tpu.memory_space<vmem>>, vector<16xf32>,
      %add3A_302 = arith.addf %add3A_298, %get3A_301 : vector<16xf32>
      %get3A_303 = arith.index_cast %add3A_199 : i32 to index
      %get3A_304 = arith.constant 0 : index
      %get3A_305 = tpu.vector_load %arg17[%get3A_303, %get3A_304] {strides = array<i32>} : memref<4x128xf32, #tpu.memory_space<vmem>>, vector<16xf32>,
      %add3A_306 = arith.addf %add3A_302, %get3A_305 : vector<16xf32>
      %add3A_307 = arith.addf %add3A_306, %get3A_189 : vector<16xf32>
      %mul3A_308 = arith.constant 128 : i32
      %mul3A_309 = arith.muli %add3A_199, %mul3A_308 : i32
      %add3A_310 = arith.constant 0 : i32
      %add3A_311 = arith.addi %mul3A_309, %add3A_310 : i32
      %swap3A = arith.index_cast %add3A_311 : i32 to index
      %swap3A_312 = tpu.vector_load %arg20[%swap3A] {strides = array<i32>} : memref<512xf32, #tpu.memory_space<vmem>>, vector<16xf32>,
      tpu.vector_store %arg20[%swap3A], %add3A_307 {strides = array<i32>} : memref<512xf32, #tpu.memory_space<vmem>>, vector<16xf32>,
      %add3A_313 = arith.constant 16 : i32
      %add3A_314 = vector.broadcast %add3A_313 : i32 to vector<16xi32>
      %add3A_315 = arith.addi %iota3A, %add3A_314 : vector<16xi32>
      %mul3A_316 = arith.constant 17 : i32
      %mul3A_317 = vector.broadcast %mul3A_316 : i32 to vector<16xi32>
      %mul3A_318 = arith.muli %add3A_315, %mul3A_317 : vector<16xi32>
      %gather3A_319 = tpu.vector_load_idx %arg19[%mul3A_318] : memref<2176xf32, #tpu.memory_space<vmem>>[vector<16xi32>], vector<16xf32>,
      %add3A_320 = arith.constant 1 : i32
      %add3A_321 = vector.broadcast %add3A_320 : i32 to vector<16xi32>
      %add3A_322 = arith.addi %mul3A_318, %add3A_321 : vector<16xi32>
      %gather3A_323 = tpu.vector_load_idx %arg19[%add3A_322] : memref<2176xf32, #tpu.memory_space<vmem>>[vector<16xi32>], vector<16xf32>,
      %add3A_324 = arith.addf %gather3A_319, %gather3A_323 : vector<16xf32>
      %add3A_325 = arith.constant 2 : i32
      %add3A_326 = vector.broadcast %add3A_325 : i32 to vector<16xi32>
      %add3A_327 = arith.addi %mul3A_318, %add3A_326 : vector<16xi32>
      %gather3A_328 = tpu.vector_load_idx %arg19[%add3A_327] : memref<2176xf32, #tpu.memory_space<vmem>>[vector<16xi32>], vector<16xf32>,
      %add3A_329 = arith.addf %add3A_324, %gather3A_328 : vector<16xf32>
      %add3A_330 = arith.constant 3 : i32
      %add3A_331 = vector.broadcast %add3A_330 : i32 to vector<16xi32>
      %add3A_332 = arith.addi %mul3A_318, %add3A_331 : vector<16xi32>
      %gather3A_333 = tpu.vector_load_idx %arg19[%add3A_332] : memref<2176xf32, #tpu.memory_space<vmem>>[vector<16xi32>], vector<16xf32>,
      %add3A_334 = arith.addf %add3A_329, %gather3A_333 : vector<16xf32>
      %add3A_335 = arith.constant 4 : i32
      %add3A_336 = vector.broadcast %add3A_335 : i32 to vector<16xi32>
      %add3A_337 = arith.addi %mul3A_318, %add3A_336 : vector<16xi32>
      %gather3A_338 = tpu.vector_load_idx %arg19[%add3A_337] : memref<2176xf32, #tpu.memory_space<vmem>>[vector<16xi32>], vector<16xf32>,
      %add3A_339 = arith.addf %add3A_334, %gather3A_338 : vector<16xf32>
      %add3A_340 = arith.constant 5 : i32
      %add3A_341 = vector.broadcast %add3A_340 : i32 to vector<16xi32>
      %add3A_342 = arith.addi %mul3A_318, %add3A_341 : vector<16xi32>
      %gather3A_343 = tpu.vector_load_idx %arg19[%add3A_342] : memref<2176xf32, #tpu.memory_space<vmem>>[vector<16xi32>], vector<16xf32>,
      %add3A_344 = arith.addf %add3A_339, %gather3A_343 : vector<16xf32>
      %add3A_345 = arith.constant 6 : i32
      %add3A_346 = vector.broadcast %add3A_345 : i32 to vector<16xi32>
      %add3A_347 = arith.addi %mul3A_318, %add3A_346 : vector<16xi32>
      %gather3A_348 = tpu.vector_load_idx %arg19[%add3A_347] : memref<2176xf32, #tpu.memory_space<vmem>>[vector<16xi32>], vector<16xf32>,
      %add3A_349 = arith.addf %add3A_344, %gather3A_348 : vector<16xf32>
      %add3A_350 = arith.constant 7 : i32
      %add3A_351 = vector.broadcast %add3A_350 : i32 to vector<16xi32>
      %add3A_352 = arith.addi %mul3A_318, %add3A_351 : vector<16xi32>
      %gather3A_353 = tpu.vector_load_idx %arg19[%add3A_352] : memref<2176xf32, #tpu.memory_space<vmem>>[vector<16xi32>], vector<16xf32>,
      %add3A_354 = arith.addf %add3A_349, %gather3A_353 : vector<16xf32>
      %add3A_355 = arith.constant 8 : i32
      %add3A_356 = vector.broadcast %add3A_355 : i32 to vector<16xi32>
      %add3A_357 = arith.addi %mul3A_318, %add3A_356 : vector<16xi32>
      %gather3A_358 = tpu.vector_load_idx %arg19[%add3A_357] : memref<2176xf32, #tpu.memory_space<vmem>>[vector<16xi32>], vector<16xf32>,
      %add3A_359 = arith.addf %add3A_354, %gather3A_358 : vector<16xf32>
      %add3A_360 = arith.constant 9 : i32
      %add3A_361 = vector.broadcast %add3A_360 : i32 to vector<16xi32>
      %add3A_362 = arith.addi %mul3A_318, %add3A_361 : vector<16xi32>
      %gather3A_363 = tpu.vector_load_idx %arg19[%add3A_362] : memref<2176xf32, #tpu.memory_space<vmem>>[vector<16xi32>], vector<16xf32>,
      %add3A_364 = arith.addf %add3A_359, %gather3A_363 : vector<16xf32>
      %add3A_365 = arith.constant 10 : i32
      %add3A_366 = vector.broadcast %add3A_365 : i32 to vector<16xi32>
      %add3A_367 = arith.addi %mul3A_318, %add3A_366 : vector<16xi32>
      %gather3A_368 = tpu.vector_load_idx %arg19[%add3A_367] : memref<2176xf32, #tpu.memory_space<vmem>>[vector<16xi32>], vector<16xf32>,
      %add3A_369 = arith.addf %add3A_364, %gather3A_368 : vector<16xf32>
      %add3A_370 = arith.constant 11 : i32
      %add3A_371 = vector.broadcast %add3A_370 : i32 to vector<16xi32>
      %add3A_372 = arith.addi %mul3A_318, %add3A_371 : vector<16xi32>
      %gather3A_373 = tpu.vector_load_idx %arg19[%add3A_372] : memref<2176xf32, #tpu.memory_space<vmem>>[vector<16xi32>], vector<16xf32>,
      %add3A_374 = arith.addf %add3A_369, %gather3A_373 : vector<16xf32>
      %add3A_375 = arith.constant 12 : i32
      %add3A_376 = vector.broadcast %add3A_375 : i32 to vector<16xi32>
      %add3A_377 = arith.addi %mul3A_318, %add3A_376 : vector<16xi32>
      %gather3A_378 = tpu.vector_load_idx %arg19[%add3A_377] : memref<2176xf32, #tpu.memory_space<vmem>>[vector<16xi32>], vector<16xf32>,
      %add3A_379 = arith.addf %add3A_374, %gather3A_378 : vector<16xf32>
      %add3A_380 = arith.constant 13 : i32
      %add3A_381 = vector.broadcast %add3A_380 : i32 to vector<16xi32>
      %add3A_382 = arith.addi %mul3A_318, %add3A_381 : vector<16xi32>
      %gather3A_383 = tpu.vector_load_idx %arg19[%add3A_382] : memref<2176xf32, #tpu.memory_space<vmem>>[vector<16xi32>], vector<16xf32>,
      %add3A_384 = arith.addf %add3A_379, %gather3A_383 : vector<16xf32>
      %add3A_385 = arith.constant 14 : i32
      %add3A_386 = vector.broadcast %add3A_385 : i32 to vector<16xi32>
      %add3A_387 = arith.addi %mul3A_318, %add3A_386 : vector<16xi32>
      %gather3A_388 = tpu.vector_load_idx %arg19[%add3A_387] : memref<2176xf32, #tpu.memory_space<vmem>>[vector<16xi32>], vector<16xf32>,
      %add3A_389 = arith.addf %add3A_384, %gather3A_388 : vector<16xf32>
      %add3A_390 = arith.constant 15 : i32
      %add3A_391 = vector.broadcast %add3A_390 : i32 to vector<16xi32>
      %add3A_392 = arith.addi %mul3A_318, %add3A_391 : vector<16xi32>
      %gather3A_393 = tpu.vector_load_idx %arg19[%add3A_392] : memref<2176xf32, #tpu.memory_space<vmem>>[vector<16xi32>], vector<16xf32>,
      %add3A_394 = arith.addf %add3A_389, %gather3A_393 : vector<16xf32>
      %get3A_395 = arith.index_cast %add3A_199 : i32 to index
      %get3A_396 = arith.constant 16 : index
      %get3A_397 = tpu.vector_load %arg16[%get3A_395, %get3A_396] {strides = array<i32>} : memref<4x128xf32, #tpu.memory_space<vmem>>, vector<16xf32>,
      %add3A_398 = arith.addf %add3A_394, %get3A_397 : vector<16xf32>
      %get3A_399 = arith.index_cast %add3A_199 : i32 to index
      %get3A_400 = arith.constant 16 : index
      %get3A_401 = tpu.vector_load %arg17[%get3A_399, %get3A_400] {strides = array<i32>} : memref<4x128xf32, #tpu.memory_space<vmem>>, vector<16xf32>,
      %add3A_402 = arith.addf %add3A_398, %get3A_401 : vector<16xf32>
      %add3A_403 = arith.addf %add3A_402, %get3A_189 : vector<16xf32>
      %mul3A_404 = arith.constant 128 : i32
      %mul3A_405 = arith.muli %add3A_199, %mul3A_404 : i32
      %add3A_406 = arith.constant 16 : i32
      %add3A_407 = arith.addi %mul3A_405, %add3A_406 : i32
      %swap3A_408 = arith.index_cast %add3A_407 : i32 to index
      %swap3A_409 = tpu.vector_load %arg20[%swap3A_408] {strides = array<i32>} : memref<512xf32, #tpu.memory_space<vmem>>, vector<16xf32>,
      tpu.vector_store %arg20[%swap3A_408], %add3A_403 {strides = array<i32>} : memref<512xf32, #tpu.memory_space<vmem>>, vector<16xf32>,
      %add3A_410 = arith.constant 32 : i32
      %add3A_411 = vector.broadcast %add3A_410 : i32 to vector<16xi32>
      %add3A_412 = arith.addi %iota3A, %add3A_411 : vector<16xi32>
      %mul3A_413 = arith.constant 17 : i32
      %mul3A_414 = vector.broadcast %mul3A_413 : i32 to vector<16xi32>
      %mul3A_415 = arith.muli %add3A_412, %mul3A_414 : vector<16xi32>
      %gather3A_416 = tpu.vector_load_idx %arg19[%mul3A_415] : memref<2176xf32, #tpu.memory_space<vmem>>[vector<16xi32>], vector<16xf32>,
      %add3A_417 = arith.constant 1 : i32
      %add3A_418 = vector.broadcast %add3A_417 : i32 to vector<16xi32>
      %add3A_419 = arith.addi %mul3A_415, %add3A_418 : vector<16xi32>
      %gather3A_420 = tpu.vector_load_idx %arg19[%add3A_419] : memref<2176xf32, #tpu.memory_space<vmem>>[vector<16xi32>], vector<16xf32>,
      %add3A_421 = arith.addf %gather3A_416, %gather3A_420 : vector<16xf32>
      %add3A_422 = arith.constant 2 : i32
      %add3A_423 = vector.broadcast %add3A_422 : i32 to vector<16xi32>
      %add3A_424 = arith.addi %mul3A_415, %add3A_423 : vector<16xi32>
      %gather3A_425 = tpu.vector_load_idx %arg19[%add3A_424] : memref<2176xf32, #tpu.memory_space<vmem>>[vector<16xi32>], vector<16xf32>,
      %add3A_426 = arith.addf %add3A_421, %gather3A_425 : vector<16xf32>
      %add3A_427 = arith.constant 3 : i32
      %add3A_428 = vector.broadcast %add3A_427 : i32 to vector<16xi32>
      %add3A_429 = arith.addi %mul3A_415, %add3A_428 : vector<16xi32>
      %gather3A_430 = tpu.vector_load_idx %arg19[%add3A_429] : memref<2176xf32, #tpu.memory_space<vmem>>[vector<16xi32>], vector<16xf32>,
      %add3A_431 = arith.addf %add3A_426, %gather3A_430 : vector<16xf32>
      %add3A_432 = arith.constant 4 : i32
      %add3A_433 = vector.broadcast %add3A_432 : i32 to vector<16xi32>
      %add3A_434 = arith.addi %mul3A_415, %add3A_433 : vector<16xi32>
      %gather3A_435 = tpu.vector_load_idx %arg19[%add3A_434] : memref<2176xf32, #tpu.memory_space<vmem>>[vector<16xi32>], vector<16xf32>,
      %add3A_436 = arith.addf %add3A_431, %gather3A_435 : vector<16xf32>
      %add3A_437 = arith.constant 5 : i32
      %add3A_438 = vector.broadcast %add3A_437 : i32 to vector<16xi32>
      %add3A_439 = arith.addi %mul3A_415, %add3A_438 : vector<16xi32>
      %gather3A_440 = tpu.vector_load_idx %arg19[%add3A_439] : memref<2176xf32, #tpu.memory_space<vmem>>[vector<16xi32>], vector<16xf32>,
      %add3A_441 = arith.addf %add3A_436, %gather3A_440 : vector<16xf32>
      %add3A_442 = arith.constant 6 : i32
      %add3A_443 = vector.broadcast %add3A_442 : i32 to vector<16xi32>
      %add3A_444 = arith.addi %mul3A_415, %add3A_443 : vector<16xi32>
      %gather3A_445 = tpu.vector_load_idx %arg19[%add3A_444] : memref<2176xf32, #tpu.memory_space<vmem>>[vector<16xi32>], vector<16xf32>,
      %add3A_446 = arith.addf %add3A_441, %gather3A_445 : vector<16xf32>
      %add3A_447 = arith.constant 7 : i32
      %add3A_448 = vector.broadcast %add3A_447 : i32 to vector<16xi32>
      %add3A_449 = arith.addi %mul3A_415, %add3A_448 : vector<16xi32>
      %gather3A_450 = tpu.vector_load_idx %arg19[%add3A_449] : memref<2176xf32, #tpu.memory_space<vmem>>[vector<16xi32>], vector<16xf32>,
      %add3A_451 = arith.addf %add3A_446, %gather3A_450 : vector<16xf32>
      %add3A_452 = arith.constant 8 : i32
      %add3A_453 = vector.broadcast %add3A_452 : i32 to vector<16xi32>
      %add3A_454 = arith.addi %mul3A_415, %add3A_453 : vector<16xi32>
      %gather3A_455 = tpu.vector_load_idx %arg19[%add3A_454] : memref<2176xf32, #tpu.memory_space<vmem>>[vector<16xi32>], vector<16xf32>,
      %add3A_456 = arith.addf %add3A_451, %gather3A_455 : vector<16xf32>
      %add3A_457 = arith.constant 9 : i32
      %add3A_458 = vector.broadcast %add3A_457 : i32 to vector<16xi32>
      %add3A_459 = arith.addi %mul3A_415, %add3A_458 : vector<16xi32>
      %gather3A_460 = tpu.vector_load_idx %arg19[%add3A_459] : memref<2176xf32, #tpu.memory_space<vmem>>[vector<16xi32>], vector<16xf32>,
      %add3A_461 = arith.addf %add3A_456, %gather3A_460 : vector<16xf32>
      %add3A_462 = arith.constant 10 : i32
      %add3A_463 = vector.broadcast %add3A_462 : i32 to vector<16xi32>
      %add3A_464 = arith.addi %mul3A_415, %add3A_463 : vector<16xi32>
      %gather3A_465 = tpu.vector_load_idx %arg19[%add3A_464] : memref<2176xf32, #tpu.memory_space<vmem>>[vector<16xi32>], vector<16xf32>,
      %add3A_466 = arith.addf %add3A_461, %gather3A_465 : vector<16xf32>
      %add3A_467 = arith.constant 11 : i32
      %add3A_468 = vector.broadcast %add3A_467 : i32 to vector<16xi32>
      %add3A_469 = arith.addi %mul3A_415, %add3A_468 : vector<16xi32>
      %gather3A_470 = tpu.vector_load_idx %arg19[%add3A_469] : memref<2176xf32, #tpu.memory_space<vmem>>[vector<16xi32>], vector<16xf32>,
      %add3A_471 = arith.addf %add3A_466, %gather3A_470 : vector<16xf32>
      %add3A_472 = arith.constant 12 : i32
      %add3A_473 = vector.broadcast %add3A_472 : i32 to vector<16xi32>
      %add3A_474 = arith.addi %mul3A_415, %add3A_473 : vector<16xi32>
      %gather3A_475 = tpu.vector_load_idx %arg19[%add3A_474] : memref<2176xf32, #tpu.memory_space<vmem>>[vector<16xi32>], vector<16xf32>,
      %add3A_476 = arith.addf %add3A_471, %gather3A_475 : vector<16xf32>
      %add3A_477 = arith.constant 13 : i32
      %add3A_478 = vector.broadcast %add3A_477 : i32 to vector<16xi32>
      %add3A_479 = arith.addi %mul3A_415, %add3A_478 : vector<16xi32>
      %gather3A_480 = tpu.vector_load_idx %arg19[%add3A_479] : memref<2176xf32, #tpu.memory_space<vmem>>[vector<16xi32>], vector<16xf32>,
      %add3A_481 = arith.addf %add3A_476, %gather3A_480 : vector<16xf32>
      %add3A_482 = arith.constant 14 : i32
      %add3A_483 = vector.broadcast %add3A_482 : i32 to vector<16xi32>
      %add3A_484 = arith.addi %mul3A_415, %add3A_483 : vector<16xi32>
      %gather3A_485 = tpu.vector_load_idx %arg19[%add3A_484] : memref<2176xf32, #tpu.memory_space<vmem>>[vector<16xi32>], vector<16xf32>,
      %add3A_486 = arith.addf %add3A_481, %gather3A_485 : vector<16xf32>
      %add3A_487 = arith.constant 15 : i32
      %add3A_488 = vector.broadcast %add3A_487 : i32 to vector<16xi32>
      %add3A_489 = arith.addi %mul3A_415, %add3A_488 : vector<16xi32>
      %gather3A_490 = tpu.vector_load_idx %arg19[%add3A_489] : memref<2176xf32, #tpu.memory_space<vmem>>[vector<16xi32>], vector<16xf32>,
      %add3A_491 = arith.addf %add3A_486, %gather3A_490 : vector<16xf32>
      %get3A_492 = arith.index_cast %add3A_199 : i32 to index
      %get3A_493 = arith.constant 32 : index
      %get3A_494 = tpu.vector_load %arg16[%get3A_492, %get3A_493] {strides = array<i32>} : memref<4x128xf32, #tpu.memory_space<vmem>>, vector<16xf32>,
      %add3A_495 = arith.addf %add3A_491, %get3A_494 : vector<16xf32>
      %get3A_496 = arith.index_cast %add3A_199 : i32 to index
      %get3A_497 = arith.constant 32 : index
      %get3A_498 = tpu.vector_load %arg17[%get3A_496, %get3A_497] {strides = array<i32>} : memref<4x128xf32, #tpu.memory_space<vmem>>, vector<16xf32>,
      %add3A_499 = arith.addf %add3A_495, %get3A_498 : vector<16xf32>
      %add3A_500 = arith.addf %add3A_499, %get3A_189 : vector<16xf32>
      %mul3A_501 = arith.constant 128 : i32
      %mul3A_502 = arith.muli %add3A_199, %mul3A_501 : i32
      %add3A_503 = arith.constant 32 : i32
      %add3A_504 = arith.addi %mul3A_502, %add3A_503 : i32
      %swap3A_505 = arith.index_cast %add3A_504 : i32 to index
      %swap3A_506 = tpu.vector_load %arg20[%swap3A_505] {strides = array<i32>} : memref<512xf32, #tpu.memory_space<vmem>>, vector<16xf32>,
      tpu.vector_store %arg20[%swap3A_505], %add3A_500 {strides = array<i32>} : memref<512xf32, #tpu.memory_space<vmem>>, vector<16xf32>,
      %add3A_507 = arith.constant 48 : i32
      %add3A_508 = vector.broadcast %add3A_507 : i32 to vector<16xi32>
      %add3A_509 = arith.addi %iota3A, %add3A_508 : vector<16xi32>
      %mul3A_510 = arith.constant 17 : i32
      %mul3A_511 = vector.broadcast %mul3A_510 : i32 to vector<16xi32>
      %mul3A_512 = arith.muli %add3A_509, %mul3A_511 : vector<16xi32>
      %gather3A_513 = tpu.vector_load_idx %arg19[%mul3A_512] : memref<2176xf32, #tpu.memory_space<vmem>>[vector<16xi32>], vector<16xf32>,
      %add3A_514 = arith.constant 1 : i32
      %add3A_515 = vector.broadcast %add3A_514 : i32 to vector<16xi32>
      %add3A_516 = arith.addi %mul3A_512, %add3A_515 : vector<16xi32>
      %gather3A_517 = tpu.vector_load_idx %arg19[%add3A_516] : memref<2176xf32, #tpu.memory_space<vmem>>[vector<16xi32>], vector<16xf32>,
      %add3A_518 = arith.addf %gather3A_513, %gather3A_517 : vector<16xf32>
      %add3A_519 = arith.constant 2 : i32
      %add3A_520 = vector.broadcast %add3A_519 : i32 to vector<16xi32>
      %add3A_521 = arith.addi %mul3A_512, %add3A_520 : vector<16xi32>
      %gather3A_522 = tpu.vector_load_idx %arg19[%add3A_521] : memref<2176xf32, #tpu.memory_space<vmem>>[vector<16xi32>], vector<16xf32>,
      %add3A_523 = arith.addf %add3A_518, %gather3A_522 : vector<16xf32>
      %add3A_524 = arith.constant 3 : i32
      %add3A_525 = vector.broadcast %add3A_524 : i32 to vector<16xi32>
      %add3A_526 = arith.addi %mul3A_512, %add3A_525 : vector<16xi32>
      %gather3A_527 = tpu.vector_load_idx %arg19[%add3A_526] : memref<2176xf32, #tpu.memory_space<vmem>>[vector<16xi32>], vector<16xf32>,
      %add3A_528 = arith.addf %add3A_523, %gather3A_527 : vector<16xf32>
      %add3A_529 = arith.constant 4 : i32
      %add3A_530 = vector.broadcast %add3A_529 : i32 to vector<16xi32>
      %add3A_531 = arith.addi %mul3A_512, %add3A_530 : vector<16xi32>
      %gather3A_532 = tpu.vector_load_idx %arg19[%add3A_531] : memref<2176xf32, #tpu.memory_space<vmem>>[vector<16xi32>], vector<16xf32>,
      %add3A_533 = arith.addf %add3A_528, %gather3A_532 : vector<16xf32>
      %add3A_534 = arith.constant 5 : i32
      %add3A_535 = vector.broadcast %add3A_534 : i32 to vector<16xi32>
      %add3A_536 = arith.addi %mul3A_512, %add3A_535 : vector<16xi32>
      %gather3A_537 = tpu.vector_load_idx %arg19[%add3A_536] : memref<2176xf32, #tpu.memory_space<vmem>>[vector<16xi32>], vector<16xf32>,
      %add3A_538 = arith.addf %add3A_533, %gather3A_537 : vector<16xf32>
      %add3A_539 = arith.constant 6 : i32
      %add3A_540 = vector.broadcast %add3A_539 : i32 to vector<16xi32>
      %add3A_541 = arith.addi %mul3A_512, %add3A_540 : vector<16xi32>
      %gather3A_542 = tpu.vector_load_idx %arg19[%add3A_541] : memref<2176xf32, #tpu.memory_space<vmem>>[vector<16xi32>], vector<16xf32>,
      %add3A_543 = arith.addf %add3A_538, %gather3A_542 : vector<16xf32>
      %add3A_544 = arith.constant 7 : i32
      %add3A_545 = vector.broadcast %add3A_544 : i32 to vector<16xi32>
      %add3A_546 = arith.addi %mul3A_512, %add3A_545 : vector<16xi32>
      %gather3A_547 = tpu.vector_load_idx %arg19[%add3A_546] : memref<2176xf32, #tpu.memory_space<vmem>>[vector<16xi32>], vector<16xf32>,
      %add3A_548 = arith.addf %add3A_543, %gather3A_547 : vector<16xf32>
      %add3A_549 = arith.constant 8 : i32
      %add3A_550 = vector.broadcast %add3A_549 : i32 to vector<16xi32>
      %add3A_551 = arith.addi %mul3A_512, %add3A_550 : vector<16xi32>
      %gather3A_552 = tpu.vector_load_idx %arg19[%add3A_551] : memref<2176xf32, #tpu.memory_space<vmem>>[vector<16xi32>], vector<16xf32>,
      %add3A_553 = arith.addf %add3A_548, %gather3A_552 : vector<16xf32>
      %add3A_554 = arith.constant 9 : i32
      %add3A_555 = vector.broadcast %add3A_554 : i32 to vector<16xi32>
      %add3A_556 = arith.addi %mul3A_512, %add3A_555 : vector<16xi32>
      %gather3A_557 = tpu.vector_load_idx %arg19[%add3A_556] : memref<2176xf32, #tpu.memory_space<vmem>>[vector<16xi32>], vector<16xf32>,
      %add3A_558 = arith.addf %add3A_553, %gather3A_557 : vector<16xf32>
      %add3A_559 = arith.constant 10 : i32
      %add3A_560 = vector.broadcast %add3A_559 : i32 to vector<16xi32>
      %add3A_561 = arith.addi %mul3A_512, %add3A_560 : vector<16xi32>
      %gather3A_562 = tpu.vector_load_idx %arg19[%add3A_561] : memref<2176xf32, #tpu.memory_space<vmem>>[vector<16xi32>], vector<16xf32>,
      %add3A_563 = arith.addf %add3A_558, %gather3A_562 : vector<16xf32>
      %add3A_564 = arith.constant 11 : i32
      %add3A_565 = vector.broadcast %add3A_564 : i32 to vector<16xi32>
      %add3A_566 = arith.addi %mul3A_512, %add3A_565 : vector<16xi32>
      %gather3A_567 = tpu.vector_load_idx %arg19[%add3A_566] : memref<2176xf32, #tpu.memory_space<vmem>>[vector<16xi32>], vector<16xf32>,
      %add3A_568 = arith.addf %add3A_563, %gather3A_567 : vector<16xf32>
      %add3A_569 = arith.constant 12 : i32
      %add3A_570 = vector.broadcast %add3A_569 : i32 to vector<16xi32>
      %add3A_571 = arith.addi %mul3A_512, %add3A_570 : vector<16xi32>
      %gather3A_572 = tpu.vector_load_idx %arg19[%add3A_571] : memref<2176xf32, #tpu.memory_space<vmem>>[vector<16xi32>], vector<16xf32>,
      %add3A_573 = arith.addf %add3A_568, %gather3A_572 : vector<16xf32>
      %add3A_574 = arith.constant 13 : i32
      %add3A_575 = vector.broadcast %add3A_574 : i32 to vector<16xi32>
      %add3A_576 = arith.addi %mul3A_512, %add3A_575 : vector<16xi32>
      %gather3A_577 = tpu.vector_load_idx %arg19[%add3A_576] : memref<2176xf32, #tpu.memory_space<vmem>>[vector<16xi32>], vector<16xf32>,
      %add3A_578 = arith.addf %add3A_573, %gather3A_577 : vector<16xf32>
      %add3A_579 = arith.constant 14 : i32
      %add3A_580 = vector.broadcast %add3A_579 : i32 to vector<16xi32>
      %add3A_581 = arith.addi %mul3A_512, %add3A_580 : vector<16xi32>
      %gather3A_582 = tpu.vector_load_idx %arg19[%add3A_581] : memref<2176xf32, #tpu.memory_space<vmem>>[vector<16xi32>], vector<16xf32>,
      %add3A_583 = arith.addf %add3A_578, %gather3A_582 : vector<16xf32>
      %add3A_584 = arith.constant 15 : i32
      %add3A_585 = vector.broadcast %add3A_584 : i32 to vector<16xi32>
      %add3A_586 = arith.addi %mul3A_512, %add3A_585 : vector<16xi32>
      %gather3A_587 = tpu.vector_load_idx %arg19[%add3A_586] : memref<2176xf32, #tpu.memory_space<vmem>>[vector<16xi32>], vector<16xf32>,
      %add3A_588 = arith.addf %add3A_583, %gather3A_587 : vector<16xf32>
      %get3A_589 = arith.index_cast %add3A_199 : i32 to index
      %get3A_590 = arith.constant 48 : index
      %get3A_591 = tpu.vector_load %arg16[%get3A_589, %get3A_590] {strides = array<i32>} : memref<4x128xf32, #tpu.memory_space<vmem>>, vector<16xf32>,
      %add3A_592 = arith.addf %add3A_588, %get3A_591 : vector<16xf32>
      %get3A_593 = arith.index_cast %add3A_199 : i32 to index
      %get3A_594 = arith.constant 48 : index
      %get3A_595 = tpu.vector_load %arg17[%get3A_593, %get3A_594] {strides = array<i32>} : memref<4x128xf32, #tpu.memory_space<vmem>>, vector<16xf32>,
      %add3A_596 = arith.addf %add3A_592, %get3A_595 : vector<16xf32>
      %add3A_597 = arith.addf %add3A_596, %get3A_189 : vector<16xf32>
      %mul3A_598 = arith.constant 128 : i32
      %mul3A_599 = arith.muli %add3A_199, %mul3A_598 : i32
      %add3A_600 = arith.constant 48 : i32
      %add3A_601 = arith.addi %mul3A_599, %add3A_600 : i32
      %swap3A_602 = arith.index_cast %add3A_601 : i32 to index
      %swap3A_603 = tpu.vector_load %arg20[%swap3A_602] {strides = array<i32>} : memref<512xf32, #tpu.memory_space<vmem>>, vector<16xf32>,
      tpu.vector_store %arg20[%swap3A_602], %add3A_597 {strides = array<i32>} : memref<512xf32, #tpu.memory_space<vmem>>, vector<16xf32>,
      %add3A_604 = arith.constant 64 : i32
      %add3A_605 = vector.broadcast %add3A_604 : i32 to vector<16xi32>
      %add3A_606 = arith.addi %iota3A, %add3A_605 : vector<16xi32>
      %mul3A_607 = arith.constant 17 : i32
      %mul3A_608 = vector.broadcast %mul3A_607 : i32 to vector<16xi32>
      %mul3A_609 = arith.muli %add3A_606, %mul3A_608 : vector<16xi32>
      %gather3A_610 = tpu.vector_load_idx %arg19[%mul3A_609] : memref<2176xf32, #tpu.memory_space<vmem>>[vector<16xi32>], vector<16xf32>,
      %add3A_611 = arith.constant 1 : i32
      %add3A_612 = vector.broadcast %add3A_611 : i32 to vector<16xi32>
      %add3A_613 = arith.addi %mul3A_609, %add3A_612 : vector<16xi32>
      %gather3A_614 = tpu.vector_load_idx %arg19[%add3A_613] : memref<2176xf32, #tpu.memory_space<vmem>>[vector<16xi32>], vector<16xf32>,
      %add3A_615 = arith.addf %gather3A_610, %gather3A_614 : vector<16xf32>
      %add3A_616 = arith.constant 2 : i32
      %add3A_617 = vector.broadcast %add3A_616 : i32 to vector<16xi32>
      %add3A_618 = arith.addi %mul3A_609, %add3A_617 : vector<16xi32>
      %gather3A_619 = tpu.vector_load_idx %arg19[%add3A_618] : memref<2176xf32, #tpu.memory_space<vmem>>[vector<16xi32>], vector<16xf32>,
      %add3A_620 = arith.addf %add3A_615, %gather3A_619 : vector<16xf32>
      %add3A_621 = arith.constant 3 : i32
      %add3A_622 = vector.broadcast %add3A_621 : i32 to vector<16xi32>
      %add3A_623 = arith.addi %mul3A_609, %add3A_622 : vector<16xi32>
      %gather3A_624 = tpu.vector_load_idx %arg19[%add3A_623] : memref<2176xf32, #tpu.memory_space<vmem>>[vector<16xi32>], vector<16xf32>,
      %add3A_625 = arith.addf %add3A_620, %gather3A_624 : vector<16xf32>
      %add3A_626 = arith.constant 4 : i32
      %add3A_627 = vector.broadcast %add3A_626 : i32 to vector<16xi32>
      %add3A_628 = arith.addi %mul3A_609, %add3A_627 : vector<16xi32>
      %gather3A_629 = tpu.vector_load_idx %arg19[%add3A_628] : memref<2176xf32, #tpu.memory_space<vmem>>[vector<16xi32>], vector<16xf32>,
      %add3A_630 = arith.addf %add3A_625, %gather3A_629 : vector<16xf32>
      %add3A_631 = arith.constant 5 : i32
      %add3A_632 = vector.broadcast %add3A_631 : i32 to vector<16xi32>
      %add3A_633 = arith.addi %mul3A_609, %add3A_632 : vector<16xi32>
      %gather3A_634 = tpu.vector_load_idx %arg19[%add3A_633] : memref<2176xf32, #tpu.memory_space<vmem>>[vector<16xi32>], vector<16xf32>,
      %add3A_635 = arith.addf %add3A_630, %gather3A_634 : vector<16xf32>
      %add3A_636 = arith.constant 6 : i32
      %add3A_637 = vector.broadcast %add3A_636 : i32 to vector<16xi32>
      %add3A_638 = arith.addi %mul3A_609, %add3A_637 : vector<16xi32>
      %gather3A_639 = tpu.vector_load_idx %arg19[%add3A_638] : memref<2176xf32, #tpu.memory_space<vmem>>[vector<16xi32>], vector<16xf32>,
      %add3A_640 = arith.addf %add3A_635, %gather3A_639 : vector<16xf32>
      %add3A_641 = arith.constant 7 : i32
      %add3A_642 = vector.broadcast %add3A_641 : i32 to vector<16xi32>
      %add3A_643 = arith.addi %mul3A_609, %add3A_642 : vector<16xi32>
      %gather3A_644 = tpu.vector_load_idx %arg19[%add3A_643] : memref<2176xf32, #tpu.memory_space<vmem>>[vector<16xi32>], vector<16xf32>,
      %add3A_645 = arith.addf %add3A_640, %gather3A_644 : vector<16xf32>
      %add3A_646 = arith.constant 8 : i32
      %add3A_647 = vector.broadcast %add3A_646 : i32 to vector<16xi32>
      %add3A_648 = arith.addi %mul3A_609, %add3A_647 : vector<16xi32>
      %gather3A_649 = tpu.vector_load_idx %arg19[%add3A_648] : memref<2176xf32, #tpu.memory_space<vmem>>[vector<16xi32>], vector<16xf32>,
      %add3A_650 = arith.addf %add3A_645, %gather3A_649 : vector<16xf32>
      %add3A_651 = arith.constant 9 : i32
      %add3A_652 = vector.broadcast %add3A_651 : i32 to vector<16xi32>
      %add3A_653 = arith.addi %mul3A_609, %add3A_652 : vector<16xi32>
      %gather3A_654 = tpu.vector_load_idx %arg19[%add3A_653] : memref<2176xf32, #tpu.memory_space<vmem>>[vector<16xi32>], vector<16xf32>,
      %add3A_655 = arith.addf %add3A_650, %gather3A_654 : vector<16xf32>
      %add3A_656 = arith.constant 10 : i32
      %add3A_657 = vector.broadcast %add3A_656 : i32 to vector<16xi32>
      %add3A_658 = arith.addi %mul3A_609, %add3A_657 : vector<16xi32>
      %gather3A_659 = tpu.vector_load_idx %arg19[%add3A_658] : memref<2176xf32, #tpu.memory_space<vmem>>[vector<16xi32>], vector<16xf32>,
      %add3A_660 = arith.addf %add3A_655, %gather3A_659 : vector<16xf32>
      %add3A_661 = arith.constant 11 : i32
      %add3A_662 = vector.broadcast %add3A_661 : i32 to vector<16xi32>
      %add3A_663 = arith.addi %mul3A_609, %add3A_662 : vector<16xi32>
      %gather3A_664 = tpu.vector_load_idx %arg19[%add3A_663] : memref<2176xf32, #tpu.memory_space<vmem>>[vector<16xi32>], vector<16xf32>,
      %add3A_665 = arith.addf %add3A_660, %gather3A_664 : vector<16xf32>
      %add3A_666 = arith.constant 12 : i32
      %add3A_667 = vector.broadcast %add3A_666 : i32 to vector<16xi32>
      %add3A_668 = arith.addi %mul3A_609, %add3A_667 : vector<16xi32>
      %gather3A_669 = tpu.vector_load_idx %arg19[%add3A_668] : memref<2176xf32, #tpu.memory_space<vmem>>[vector<16xi32>], vector<16xf32>,
      %add3A_670 = arith.addf %add3A_665, %gather3A_669 : vector<16xf32>
      %add3A_671 = arith.constant 13 : i32
      %add3A_672 = vector.broadcast %add3A_671 : i32 to vector<16xi32>
      %add3A_673 = arith.addi %mul3A_609, %add3A_672 : vector<16xi32>
      %gather3A_674 = tpu.vector_load_idx %arg19[%add3A_673] : memref<2176xf32, #tpu.memory_space<vmem>>[vector<16xi32>], vector<16xf32>,
      %add3A_675 = arith.addf %add3A_670, %gather3A_674 : vector<16xf32>
      %add3A_676 = arith.constant 14 : i32
      %add3A_677 = vector.broadcast %add3A_676 : i32 to vector<16xi32>
      %add3A_678 = arith.addi %mul3A_609, %add3A_677 : vector<16xi32>
      %gather3A_679 = tpu.vector_load_idx %arg19[%add3A_678] : memref<2176xf32, #tpu.memory_space<vmem>>[vector<16xi32>], vector<16xf32>,
      %add3A_680 = arith.addf %add3A_675, %gather3A_679 : vector<16xf32>
      %add3A_681 = arith.constant 15 : i32
      %add3A_682 = vector.broadcast %add3A_681 : i32 to vector<16xi32>
      %add3A_683 = arith.addi %mul3A_609, %add3A_682 : vector<16xi32>
      %gather3A_684 = tpu.vector_load_idx %arg19[%add3A_683] : memref<2176xf32, #tpu.memory_space<vmem>>[vector<16xi32>], vector<16xf32>,
      %add3A_685 = arith.addf %add3A_680, %gather3A_684 : vector<16xf32>
      %get3A_686 = arith.index_cast %add3A_199 : i32 to index
      %get3A_687 = arith.constant 64 : index
      %get3A_688 = tpu.vector_load %arg16[%get3A_686, %get3A_687] {strides = array<i32>} : memref<4x128xf32, #tpu.memory_space<vmem>>, vector<16xf32>,
      %add3A_689 = arith.addf %add3A_685, %get3A_688 : vector<16xf32>
      %get3A_690 = arith.index_cast %add3A_199 : i32 to index
      %get3A_691 = arith.constant 64 : index
      %get3A_692 = tpu.vector_load %arg17[%get3A_690, %get3A_691] {strides = array<i32>} : memref<4x128xf32, #tpu.memory_space<vmem>>, vector<16xf32>,
      %add3A_693 = arith.addf %add3A_689, %get3A_692 : vector<16xf32>
      %add3A_694 = arith.addf %add3A_693, %get3A_189 : vector<16xf32>
      %mul3A_695 = arith.constant 128 : i32
      %mul3A_696 = arith.muli %add3A_199, %mul3A_695 : i32
      %add3A_697 = arith.constant 64 : i32
      %add3A_698 = arith.addi %mul3A_696, %add3A_697 : i32
      %swap3A_699 = arith.index_cast %add3A_698 : i32 to index
      %swap3A_700 = tpu.vector_load %arg20[%swap3A_699] {strides = array<i32>} : memref<512xf32, #tpu.memory_space<vmem>>, vector<16xf32>,
      tpu.vector_store %arg20[%swap3A_699], %add3A_694 {strides = array<i32>} : memref<512xf32, #tpu.memory_space<vmem>>, vector<16xf32>,
      %add3A_701 = arith.constant 80 : i32
      %add3A_702 = vector.broadcast %add3A_701 : i32 to vector<16xi32>
      %add3A_703 = arith.addi %iota3A, %add3A_702 : vector<16xi32>
      %mul3A_704 = arith.constant 17 : i32
      %mul3A_705 = vector.broadcast %mul3A_704 : i32 to vector<16xi32>
      %mul3A_706 = arith.muli %add3A_703, %mul3A_705 : vector<16xi32>
      %gather3A_707 = tpu.vector_load_idx %arg19[%mul3A_706] : memref<2176xf32, #tpu.memory_space<vmem>>[vector<16xi32>], vector<16xf32>,
      %add3A_708 = arith.constant 1 : i32
      %add3A_709 = vector.broadcast %add3A_708 : i32 to vector<16xi32>
      %add3A_710 = arith.addi %mul3A_706, %add3A_709 : vector<16xi32>
      %gather3A_711 = tpu.vector_load_idx %arg19[%add3A_710] : memref<2176xf32, #tpu.memory_space<vmem>>[vector<16xi32>], vector<16xf32>,
      %add3A_712 = arith.addf %gather3A_707, %gather3A_711 : vector<16xf32>
      %add3A_713 = arith.constant 2 : i32
      %add3A_714 = vector.broadcast %add3A_713 : i32 to vector<16xi32>
      %add3A_715 = arith.addi %mul3A_706, %add3A_714 : vector<16xi32>
      %gather3A_716 = tpu.vector_load_idx %arg19[%add3A_715] : memref<2176xf32, #tpu.memory_space<vmem>>[vector<16xi32>], vector<16xf32>,
      %add3A_717 = arith.addf %add3A_712, %gather3A_716 : vector<16xf32>
      %add3A_718 = arith.constant 3 : i32
      %add3A_719 = vector.broadcast %add3A_718 : i32 to vector<16xi32>
      %add3A_720 = arith.addi %mul3A_706, %add3A_719 : vector<16xi32>
      %gather3A_721 = tpu.vector_load_idx %arg19[%add3A_720] : memref<2176xf32, #tpu.memory_space<vmem>>[vector<16xi32>], vector<16xf32>,
      %add3A_722 = arith.addf %add3A_717, %gather3A_721 : vector<16xf32>
      %add3A_723 = arith.constant 4 : i32
      %add3A_724 = vector.broadcast %add3A_723 : i32 to vector<16xi32>
      %add3A_725 = arith.addi %mul3A_706, %add3A_724 : vector<16xi32>
      %gather3A_726 = tpu.vector_load_idx %arg19[%add3A_725] : memref<2176xf32, #tpu.memory_space<vmem>>[vector<16xi32>], vector<16xf32>,
      %add3A_727 = arith.addf %add3A_722, %gather3A_726 : vector<16xf32>
      %add3A_728 = arith.constant 5 : i32
      %add3A_729 = vector.broadcast %add3A_728 : i32 to vector<16xi32>
      %add3A_730 = arith.addi %mul3A_706, %add3A_729 : vector<16xi32>
      %gather3A_731 = tpu.vector_load_idx %arg19[%add3A_730] : memref<2176xf32, #tpu.memory_space<vmem>>[vector<16xi32>], vector<16xf32>,
      %add3A_732 = arith.addf %add3A_727, %gather3A_731 : vector<16xf32>
      %add3A_733 = arith.constant 6 : i32
      %add3A_734 = vector.broadcast %add3A_733 : i32 to vector<16xi32>
      %add3A_735 = arith.addi %mul3A_706, %add3A_734 : vector<16xi32>
      %gather3A_736 = tpu.vector_load_idx %arg19[%add3A_735] : memref<2176xf32, #tpu.memory_space<vmem>>[vector<16xi32>], vector<16xf32>,
      %add3A_737 = arith.addf %add3A_732, %gather3A_736 : vector<16xf32>
      %add3A_738 = arith.constant 7 : i32
      %add3A_739 = vector.broadcast %add3A_738 : i32 to vector<16xi32>
      %add3A_740 = arith.addi %mul3A_706, %add3A_739 : vector<16xi32>
      %gather3A_741 = tpu.vector_load_idx %arg19[%add3A_740] : memref<2176xf32, #tpu.memory_space<vmem>>[vector<16xi32>], vector<16xf32>,
      %add3A_742 = arith.addf %add3A_737, %gather3A_741 : vector<16xf32>
      %add3A_743 = arith.constant 8 : i32
      %add3A_744 = vector.broadcast %add3A_743 : i32 to vector<16xi32>
      %add3A_745 = arith.addi %mul3A_706, %add3A_744 : vector<16xi32>
      %gather3A_746 = tpu.vector_load_idx %arg19[%add3A_745] : memref<2176xf32, #tpu.memory_space<vmem>>[vector<16xi32>], vector<16xf32>,
      %add3A_747 = arith.addf %add3A_742, %gather3A_746 : vector<16xf32>
      %add3A_748 = arith.constant 9 : i32
      %add3A_749 = vector.broadcast %add3A_748 : i32 to vector<16xi32>
      %add3A_750 = arith.addi %mul3A_706, %add3A_749 : vector<16xi32>
      %gather3A_751 = tpu.vector_load_idx %arg19[%add3A_750] : memref<2176xf32, #tpu.memory_space<vmem>>[vector<16xi32>], vector<16xf32>,
      %add3A_752 = arith.addf %add3A_747, %gather3A_751 : vector<16xf32>
      %add3A_753 = arith.constant 10 : i32
      %add3A_754 = vector.broadcast %add3A_753 : i32 to vector<16xi32>
      %add3A_755 = arith.addi %mul3A_706, %add3A_754 : vector<16xi32>
      %gather3A_756 = tpu.vector_load_idx %arg19[%add3A_755] : memref<2176xf32, #tpu.memory_space<vmem>>[vector<16xi32>], vector<16xf32>,
      %add3A_757 = arith.addf %add3A_752, %gather3A_756 : vector<16xf32>
      %add3A_758 = arith.constant 11 : i32
      %add3A_759 = vector.broadcast %add3A_758 : i32 to vector<16xi32>
      %add3A_760 = arith.addi %mul3A_706, %add3A_759 : vector<16xi32>
      %gather3A_761 = tpu.vector_load_idx %arg19[%add3A_760] : memref<2176xf32, #tpu.memory_space<vmem>>[vector<16xi32>], vector<16xf32>,
      %add3A_762 = arith.addf %add3A_757, %gather3A_761 : vector<16xf32>
      %add3A_763 = arith.constant 12 : i32
      %add3A_764 = vector.broadcast %add3A_763 : i32 to vector<16xi32>
      %add3A_765 = arith.addi %mul3A_706, %add3A_764 : vector<16xi32>
      %gather3A_766 = tpu.vector_load_idx %arg19[%add3A_765] : memref<2176xf32, #tpu.memory_space<vmem>>[vector<16xi32>], vector<16xf32>,
      %add3A_767 = arith.addf %add3A_762, %gather3A_766 : vector<16xf32>
      %add3A_768 = arith.constant 13 : i32
      %add3A_769 = vector.broadcast %add3A_768 : i32 to vector<16xi32>
      %add3A_770 = arith.addi %mul3A_706, %add3A_769 : vector<16xi32>
      %gather3A_771 = tpu.vector_load_idx %arg19[%add3A_770] : memref<2176xf32, #tpu.memory_space<vmem>>[vector<16xi32>], vector<16xf32>,
      %add3A_772 = arith.addf %add3A_767, %gather3A_771 : vector<16xf32>
      %add3A_773 = arith.constant 14 : i32
      %add3A_774 = vector.broadcast %add3A_773 : i32 to vector<16xi32>
      %add3A_775 = arith.addi %mul3A_706, %add3A_774 : vector<16xi32>
      %gather3A_776 = tpu.vector_load_idx %arg19[%add3A_775] : memref<2176xf32, #tpu.memory_space<vmem>>[vector<16xi32>], vector<16xf32>,
      %add3A_777 = arith.addf %add3A_772, %gather3A_776 : vector<16xf32>
      %add3A_778 = arith.constant 15 : i32
      %add3A_779 = vector.broadcast %add3A_778 : i32 to vector<16xi32>
      %add3A_780 = arith.addi %mul3A_706, %add3A_779 : vector<16xi32>
      %gather3A_781 = tpu.vector_load_idx %arg19[%add3A_780] : memref<2176xf32, #tpu.memory_space<vmem>>[vector<16xi32>], vector<16xf32>,
      %add3A_782 = arith.addf %add3A_777, %gather3A_781 : vector<16xf32>
      %get3A_783 = arith.index_cast %add3A_199 : i32 to index
      %get3A_784 = arith.constant 80 : index
      %get3A_785 = tpu.vector_load %arg16[%get3A_783, %get3A_784] {strides = array<i32>} : memref<4x128xf32, #tpu.memory_space<vmem>>, vector<16xf32>,
      %add3A_786 = arith.addf %add3A_782, %get3A_785 : vector<16xf32>
      %get3A_787 = arith.index_cast %add3A_199 : i32 to index
      %get3A_788 = arith.constant 80 : index
      %get3A_789 = tpu.vector_load %arg17[%get3A_787, %get3A_788] {strides = array<i32>} : memref<4x128xf32, #tpu.memory_space<vmem>>, vector<16xf32>,
      %add3A_790 = arith.addf %add3A_786, %get3A_789 : vector<16xf32>
      %add3A_791 = arith.addf %add3A_790, %get3A_189 : vector<16xf32>
      %mul3A_792 = arith.constant 128 : i32
      %mul3A_793 = arith.muli %add3A_199, %mul3A_792 : i32
      %add3A_794 = arith.constant 80 : i32
      %add3A_795 = arith.addi %mul3A_793, %add3A_794 : i32
      %swap3A_796 = arith.index_cast %add3A_795 : i32 to index
      %swap3A_797 = tpu.vector_load %arg20[%swap3A_796] {strides = array<i32>} : memref<512xf32, #tpu.memory_space<vmem>>, vector<16xf32>,
      tpu.vector_store %arg20[%swap3A_796], %add3A_791 {strides = array<i32>} : memref<512xf32, #tpu.memory_space<vmem>>, vector<16xf32>,
      %add3A_798 = arith.constant 96 : i32
      %add3A_799 = vector.broadcast %add3A_798 : i32 to vector<16xi32>
      %add3A_800 = arith.addi %iota3A, %add3A_799 : vector<16xi32>
      %mul3A_801 = arith.constant 17 : i32
      %mul3A_802 = vector.broadcast %mul3A_801 : i32 to vector<16xi32>
      %mul3A_803 = arith.muli %add3A_800, %mul3A_802 : vector<16xi32>
      %gather3A_804 = tpu.vector_load_idx %arg19[%mul3A_803] : memref<2176xf32, #tpu.memory_space<vmem>>[vector<16xi32>], vector<16xf32>,
      %add3A_805 = arith.constant 1 : i32
      %add3A_806 = vector.broadcast %add3A_805 : i32 to vector<16xi32>
      %add3A_807 = arith.addi %mul3A_803, %add3A_806 : vector<16xi32>
      %gather3A_808 = tpu.vector_load_idx %arg19[%add3A_807] : memref<2176xf32, #tpu.memory_space<vmem>>[vector<16xi32>], vector<16xf32>,
      %add3A_809 = arith.addf %gather3A_804, %gather3A_808 : vector<16xf32>
      %add3A_810 = arith.constant 2 : i32
      %add3A_811 = vector.broadcast %add3A_810 : i32 to vector<16xi32>
      %add3A_812 = arith.addi %mul3A_803, %add3A_811 : vector<16xi32>
      %gather3A_813 = tpu.vector_load_idx %arg19[%add3A_812] : memref<2176xf32, #tpu.memory_space<vmem>>[vector<16xi32>], vector<16xf32>,
      %add3A_814 = arith.addf %add3A_809, %gather3A_813 : vector<16xf32>
      %add3A_815 = arith.constant 3 : i32
      %add3A_816 = vector.broadcast %add3A_815 : i32 to vector<16xi32>
      %add3A_817 = arith.addi %mul3A_803, %add3A_816 : vector<16xi32>
      %gather3A_818 = tpu.vector_load_idx %arg19[%add3A_817] : memref<2176xf32, #tpu.memory_space<vmem>>[vector<16xi32>], vector<16xf32>,
      %add3A_819 = arith.addf %add3A_814, %gather3A_818 : vector<16xf32>
      %add3A_820 = arith.constant 4 : i32
      %add3A_821 = vector.broadcast %add3A_820 : i32 to vector<16xi32>
      %add3A_822 = arith.addi %mul3A_803, %add3A_821 : vector<16xi32>
      %gather3A_823 = tpu.vector_load_idx %arg19[%add3A_822] : memref<2176xf32, #tpu.memory_space<vmem>>[vector<16xi32>], vector<16xf32>,
      %add3A_824 = arith.addf %add3A_819, %gather3A_823 : vector<16xf32>
      %add3A_825 = arith.constant 5 : i32
      %add3A_826 = vector.broadcast %add3A_825 : i32 to vector<16xi32>
      %add3A_827 = arith.addi %mul3A_803, %add3A_826 : vector<16xi32>
      %gather3A_828 = tpu.vector_load_idx %arg19[%add3A_827] : memref<2176xf32, #tpu.memory_space<vmem>>[vector<16xi32>], vector<16xf32>,
      %add3A_829 = arith.addf %add3A_824, %gather3A_828 : vector<16xf32>
      %add3A_830 = arith.constant 6 : i32
      %add3A_831 = vector.broadcast %add3A_830 : i32 to vector<16xi32>
      %add3A_832 = arith.addi %mul3A_803, %add3A_831 : vector<16xi32>
      %gather3A_833 = tpu.vector_load_idx %arg19[%add3A_832] : memref<2176xf32, #tpu.memory_space<vmem>>[vector<16xi32>], vector<16xf32>,
      %add3A_834 = arith.addf %add3A_829, %gather3A_833 : vector<16xf32>
      %add3A_835 = arith.constant 7 : i32
      %add3A_836 = vector.broadcast %add3A_835 : i32 to vector<16xi32>
      %add3A_837 = arith.addi %mul3A_803, %add3A_836 : vector<16xi32>
      %gather3A_838 = tpu.vector_load_idx %arg19[%add3A_837] : memref<2176xf32, #tpu.memory_space<vmem>>[vector<16xi32>], vector<16xf32>,
      %add3A_839 = arith.addf %add3A_834, %gather3A_838 : vector<16xf32>
      %add3A_840 = arith.constant 8 : i32
      %add3A_841 = vector.broadcast %add3A_840 : i32 to vector<16xi32>
      %add3A_842 = arith.addi %mul3A_803, %add3A_841 : vector<16xi32>
      %gather3A_843 = tpu.vector_load_idx %arg19[%add3A_842] : memref<2176xf32, #tpu.memory_space<vmem>>[vector<16xi32>], vector<16xf32>,
      %add3A_844 = arith.addf %add3A_839, %gather3A_843 : vector<16xf32>
      %add3A_845 = arith.constant 9 : i32
      %add3A_846 = vector.broadcast %add3A_845 : i32 to vector<16xi32>
      %add3A_847 = arith.addi %mul3A_803, %add3A_846 : vector<16xi32>
      %gather3A_848 = tpu.vector_load_idx %arg19[%add3A_847] : memref<2176xf32, #tpu.memory_space<vmem>>[vector<16xi32>], vector<16xf32>,
      %add3A_849 = arith.addf %add3A_844, %gather3A_848 : vector<16xf32>
      %add3A_850 = arith.constant 10 : i32
      %add3A_851 = vector.broadcast %add3A_850 : i32 to vector<16xi32>
      %add3A_852 = arith.addi %mul3A_803, %add3A_851 : vector<16xi32>
      %gather3A_853 = tpu.vector_load_idx %arg19[%add3A_852] : memref<2176xf32, #tpu.memory_space<vmem>>[vector<16xi32>], vector<16xf32>,
      %add3A_854 = arith.addf %add3A_849, %gather3A_853 : vector<16xf32>
      %add3A_855 = arith.constant 11 : i32
      %add3A_856 = vector.broadcast %add3A_855 : i32 to vector<16xi32>
      %add3A_857 = arith.addi %mul3A_803, %add3A_856 : vector<16xi32>
      %gather3A_858 = tpu.vector_load_idx %arg19[%add3A_857] : memref<2176xf32, #tpu.memory_space<vmem>>[vector<16xi32>], vector<16xf32>,
      %add3A_859 = arith.addf %add3A_854, %gather3A_858 : vector<16xf32>
      %add3A_860 = arith.constant 12 : i32
      %add3A_861 = vector.broadcast %add3A_860 : i32 to vector<16xi32>
      %add3A_862 = arith.addi %mul3A_803, %add3A_861 : vector<16xi32>
      %gather3A_863 = tpu.vector_load_idx %arg19[%add3A_862] : memref<2176xf32, #tpu.memory_space<vmem>>[vector<16xi32>], vector<16xf32>,
      %add3A_864 = arith.addf %add3A_859, %gather3A_863 : vector<16xf32>
      %add3A_865 = arith.constant 13 : i32
      %add3A_866 = vector.broadcast %add3A_865 : i32 to vector<16xi32>
      %add3A_867 = arith.addi %mul3A_803, %add3A_866 : vector<16xi32>
      %gather3A_868 = tpu.vector_load_idx %arg19[%add3A_867] : memref<2176xf32, #tpu.memory_space<vmem>>[vector<16xi32>], vector<16xf32>,
      %add3A_869 = arith.addf %add3A_864, %gather3A_868 : vector<16xf32>
      %add3A_870 = arith.constant 14 : i32
      %add3A_871 = vector.broadcast %add3A_870 : i32 to vector<16xi32>
      %add3A_872 = arith.addi %mul3A_803, %add3A_871 : vector<16xi32>
      %gather3A_873 = tpu.vector_load_idx %arg19[%add3A_872] : memref<2176xf32, #tpu.memory_space<vmem>>[vector<16xi32>], vector<16xf32>,
      %add3A_874 = arith.addf %add3A_869, %gather3A_873 : vector<16xf32>
      %add3A_875 = arith.constant 15 : i32
      %add3A_876 = vector.broadcast %add3A_875 : i32 to vector<16xi32>
      %add3A_877 = arith.addi %mul3A_803, %add3A_876 : vector<16xi32>
      %gather3A_878 = tpu.vector_load_idx %arg19[%add3A_877] : memref<2176xf32, #tpu.memory_space<vmem>>[vector<16xi32>], vector<16xf32>,
      %add3A_879 = arith.addf %add3A_874, %gather3A_878 : vector<16xf32>
      %get3A_880 = arith.index_cast %add3A_199 : i32 to index
      %get3A_881 = arith.constant 96 : index
      %get3A_882 = tpu.vector_load %arg16[%get3A_880, %get3A_881] {strides = array<i32>} : memref<4x128xf32, #tpu.memory_space<vmem>>, vector<16xf32>,
      %add3A_883 = arith.addf %add3A_879, %get3A_882 : vector<16xf32>
      %get3A_884 = arith.index_cast %add3A_199 : i32 to index
      %get3A_885 = arith.constant 96 : index
      %get3A_886 = tpu.vector_load %arg17[%get3A_884, %get3A_885] {strides = array<i32>} : memref<4x128xf32, #tpu.memory_space<vmem>>, vector<16xf32>,
      %add3A_887 = arith.addf %add3A_883, %get3A_886 : vector<16xf32>
      %add3A_888 = arith.addf %add3A_887, %get3A_189 : vector<16xf32>
      %mul3A_889 = arith.constant 128 : i32
      %mul3A_890 = arith.muli %add3A_199, %mul3A_889 : i32
      %add3A_891 = arith.constant 96 : i32
      %add3A_892 = arith.addi %mul3A_890, %add3A_891 : i32
      %swap3A_893 = arith.index_cast %add3A_892 : i32 to index
      %swap3A_894 = tpu.vector_load %arg20[%swap3A_893] {strides = array<i32>} : memref<512xf32, #tpu.memory_space<vmem>>, vector<16xf32>,
      tpu.vector_store %arg20[%swap3A_893], %add3A_888 {strides = array<i32>} : memref<512xf32, #tpu.memory_space<vmem>>, vector<16xf32>,
      %add3A_895 = arith.constant 112 : i32
      %add3A_896 = vector.broadcast %add3A_895 : i32 to vector<16xi32>
      %add3A_897 = arith.addi %iota3A, %add3A_896 : vector<16xi32>
      %mul3A_898 = arith.constant 17 : i32
      %mul3A_899 = vector.broadcast %mul3A_898 : i32 to vector<16xi32>
      %mul3A_900 = arith.muli %add3A_897, %mul3A_899 : vector<16xi32>
      %gather3A_901 = tpu.vector_load_idx %arg19[%mul3A_900] : memref<2176xf32, #tpu.memory_space<vmem>>[vector<16xi32>], vector<16xf32>,
      %add3A_902 = arith.constant 1 : i32
      %add3A_903 = vector.broadcast %add3A_902 : i32 to vector<16xi32>
      %add3A_904 = arith.addi %mul3A_900, %add3A_903 : vector<16xi32>
      %gather3A_905 = tpu.vector_load_idx %arg19[%add3A_904] : memref<2176xf32, #tpu.memory_space<vmem>>[vector<16xi32>], vector<16xf32>,
      %add3A_906 = arith.addf %gather3A_901, %gather3A_905 : vector<16xf32>
      %add3A_907 = arith.constant 2 : i32
      %add3A_908 = vector.broadcast %add3A_907 : i32 to vector<16xi32>
      %add3A_909 = arith.addi %mul3A_900, %add3A_908 : vector<16xi32>
      %gather3A_910 = tpu.vector_load_idx %arg19[%add3A_909] : memref<2176xf32, #tpu.memory_space<vmem>>[vector<16xi32>], vector<16xf32>,
      %add3A_911 = arith.addf %add3A_906, %gather3A_910 : vector<16xf32>
      %add3A_912 = arith.constant 3 : i32
      %add3A_913 = vector.broadcast %add3A_912 : i32 to vector<16xi32>
      %add3A_914 = arith.addi %mul3A_900, %add3A_913 : vector<16xi32>
      %gather3A_915 = tpu.vector_load_idx %arg19[%add3A_914] : memref<2176xf32, #tpu.memory_space<vmem>>[vector<16xi32>], vector<16xf32>,
      %add3A_916 = arith.addf %add3A_911, %gather3A_915 : vector<16xf32>
      %add3A_917 = arith.constant 4 : i32
      %add3A_918 = vector.broadcast %add3A_917 : i32 to vector<16xi32>
      %add3A_919 = arith.addi %mul3A_900, %add3A_918 : vector<16xi32>
      %gather3A_920 = tpu.vector_load_idx %arg19[%add3A_919] : memref<2176xf32, #tpu.memory_space<vmem>>[vector<16xi32>], vector<16xf32>,
      %add3A_921 = arith.addf %add3A_916, %gather3A_920 : vector<16xf32>
      %add3A_922 = arith.constant 5 : i32
      %add3A_923 = vector.broadcast %add3A_922 : i32 to vector<16xi32>
      %add3A_924 = arith.addi %mul3A_900, %add3A_923 : vector<16xi32>
      %gather3A_925 = tpu.vector_load_idx %arg19[%add3A_924] : memref<2176xf32, #tpu.memory_space<vmem>>[vector<16xi32>], vector<16xf32>,
      %add3A_926 = arith.addf %add3A_921, %gather3A_925 : vector<16xf32>
      %add3A_927 = arith.constant 6 : i32
      %add3A_928 = vector.broadcast %add3A_927 : i32 to vector<16xi32>
      %add3A_929 = arith.addi %mul3A_900, %add3A_928 : vector<16xi32>
      %gather3A_930 = tpu.vector_load_idx %arg19[%add3A_929] : memref<2176xf32, #tpu.memory_space<vmem>>[vector<16xi32>], vector<16xf32>,
      %add3A_931 = arith.addf %add3A_926, %gather3A_930 : vector<16xf32>
      %add3A_932 = arith.constant 7 : i32
      %add3A_933 = vector.broadcast %add3A_932 : i32 to vector<16xi32>
      %add3A_934 = arith.addi %mul3A_900, %add3A_933 : vector<16xi32>
      %gather3A_935 = tpu.vector_load_idx %arg19[%add3A_934] : memref<2176xf32, #tpu.memory_space<vmem>>[vector<16xi32>], vector<16xf32>,
      %add3A_936 = arith.addf %add3A_931, %gather3A_935 : vector<16xf32>
      %add3A_937 = arith.constant 8 : i32
      %add3A_938 = vector.broadcast %add3A_937 : i32 to vector<16xi32>
      %add3A_939 = arith.addi %mul3A_900, %add3A_938 : vector<16xi32>
      %gather3A_940 = tpu.vector_load_idx %arg19[%add3A_939] : memref<2176xf32, #tpu.memory_space<vmem>>[vector<16xi32>], vector<16xf32>,
      %add3A_941 = arith.addf %add3A_936, %gather3A_940 : vector<16xf32>
      %add3A_942 = arith.constant 9 : i32
      %add3A_943 = vector.broadcast %add3A_942 : i32 to vector<16xi32>
      %add3A_944 = arith.addi %mul3A_900, %add3A_943 : vector<16xi32>
      %gather3A_945 = tpu.vector_load_idx %arg19[%add3A_944] : memref<2176xf32, #tpu.memory_space<vmem>>[vector<16xi32>], vector<16xf32>,
      %add3A_946 = arith.addf %add3A_941, %gather3A_945 : vector<16xf32>
      %add3A_947 = arith.constant 10 : i32
      %add3A_948 = vector.broadcast %add3A_947 : i32 to vector<16xi32>
      %add3A_949 = arith.addi %mul3A_900, %add3A_948 : vector<16xi32>
      %gather3A_950 = tpu.vector_load_idx %arg19[%add3A_949] : memref<2176xf32, #tpu.memory_space<vmem>>[vector<16xi32>], vector<16xf32>,
      %add3A_951 = arith.addf %add3A_946, %gather3A_950 : vector<16xf32>
      %add3A_952 = arith.constant 11 : i32
      %add3A_953 = vector.broadcast %add3A_952 : i32 to vector<16xi32>
      %add3A_954 = arith.addi %mul3A_900, %add3A_953 : vector<16xi32>
      %gather3A_955 = tpu.vector_load_idx %arg19[%add3A_954] : memref<2176xf32, #tpu.memory_space<vmem>>[vector<16xi32>], vector<16xf32>,
      %add3A_956 = arith.addf %add3A_951, %gather3A_955 : vector<16xf32>
      %add3A_957 = arith.constant 12 : i32
      %add3A_958 = vector.broadcast %add3A_957 : i32 to vector<16xi32>
      %add3A_959 = arith.addi %mul3A_900, %add3A_958 : vector<16xi32>
      %gather3A_960 = tpu.vector_load_idx %arg19[%add3A_959] : memref<2176xf32, #tpu.memory_space<vmem>>[vector<16xi32>], vector<16xf32>,
      %add3A_961 = arith.addf %add3A_956, %gather3A_960 : vector<16xf32>
      %add3A_962 = arith.constant 13 : i32
      %add3A_963 = vector.broadcast %add3A_962 : i32 to vector<16xi32>
      %add3A_964 = arith.addi %mul3A_900, %add3A_963 : vector<16xi32>
      %gather3A_965 = tpu.vector_load_idx %arg19[%add3A_964] : memref<2176xf32, #tpu.memory_space<vmem>>[vector<16xi32>], vector<16xf32>,
      %add3A_966 = arith.addf %add3A_961, %gather3A_965 : vector<16xf32>
      %add3A_967 = arith.constant 14 : i32
      %add3A_968 = vector.broadcast %add3A_967 : i32 to vector<16xi32>
      %add3A_969 = arith.addi %mul3A_900, %add3A_968 : vector<16xi32>
      %gather3A_970 = tpu.vector_load_idx %arg19[%add3A_969] : memref<2176xf32, #tpu.memory_space<vmem>>[vector<16xi32>], vector<16xf32>,
      %add3A_971 = arith.addf %add3A_966, %gather3A_970 : vector<16xf32>
      %add3A_972 = arith.constant 15 : i32
      %add3A_973 = vector.broadcast %add3A_972 : i32 to vector<16xi32>
      %add3A_974 = arith.addi %mul3A_900, %add3A_973 : vector<16xi32>
      %gather3A_975 = tpu.vector_load_idx %arg19[%add3A_974] : memref<2176xf32, #tpu.memory_space<vmem>>[vector<16xi32>], vector<16xf32>,
      %add3A_976 = arith.addf %add3A_971, %gather3A_975 : vector<16xf32>
      %get3A_977 = arith.index_cast %add3A_199 : i32 to index
      %get3A_978 = arith.constant 112 : index
      %get3A_979 = tpu.vector_load %arg16[%get3A_977, %get3A_978] {strides = array<i32>} : memref<4x128xf32, #tpu.memory_space<vmem>>, vector<16xf32>,
      %add3A_980 = arith.addf %add3A_976, %get3A_979 : vector<16xf32>
      %get3A_981 = arith.index_cast %add3A_199 : i32 to index
      %get3A_982 = arith.constant 112 : index
      %get3A_983 = tpu.vector_load %arg17[%get3A_981, %get3A_982] {strides = array<i32>} : memref<4x128xf32, #tpu.memory_space<vmem>>, vector<16xf32>,
      %add3A_984 = arith.addf %add3A_980, %get3A_983 : vector<16xf32>
      %add3A_985 = arith.addf %add3A_984, %get3A_189 : vector<16xf32>
      %mul3A_986 = arith.constant 128 : i32
      %mul3A_987 = arith.muli %add3A_199, %mul3A_986 : i32
      %add3A_988 = arith.constant 112 : i32
      %add3A_989 = arith.addi %mul3A_987, %add3A_988 : i32
      %swap3A_990 = arith.index_cast %add3A_989 : i32 to index
      %swap3A_991 = tpu.vector_load %arg20[%swap3A_990] {strides = array<i32>} : memref<512xf32, #tpu.memory_space<vmem>>, vector<16xf32>,
      tpu.vector_store %arg20[%swap3A_990], %add3A_985 {strides = array<i32>} : memref<512xf32, #tpu.memory_space<vmem>>, vector<16xf32>,
      %eq3A = arith.constant 0 : i32
      %eq3A_992 = arith.cmpi eq, %scan3A_195, %eq3A : i32
      %convert_element_type3A = arith.extui %eq3A_992 : i1 to i32
      %cond3A = arith.constant 0 : i32
      %cond3A_993 = arith.cmpi ne, %convert_element_type3A, %cond3A : i32
      scf.if %cond3A_993 {
        %add3A_1797 = arith.constant 2 : i32
        %add3A_1798 = arith.addi %add3A_199, %add3A_1797 : i32
        %dma_start3A_1799 = arith.constant 0 : i32
        %dma_start3A_1800 = tpu.memref_slice %arg10[%add3A_1798, %dma_start3A_1799] : memref<4x128xi32, #tpu.memory_space<vmem>> -> memref<1x128xi32, #tpu.memory_space<vmem>>
        %dma_start3A_1801 = tpu.memref_squeeze %dma_start3A_1800 : memref<1x128xi32, #tpu.memory_space<vmem>> -> memref<128xi32, #tpu.memory_space<vmem>>
        %dma_start3A_1802 = arith.constant 0 : i32
        %dma_start3A_1803 = arith.constant 0 : i32
        %dma_start3A_1804 = tpu.memref_slice %arg4[%dma_start3A_1802, %dma_start3A_1803] : memref<100000x128xf32, #tpu.memory_space<hbm>> -> memref<100000x128xf32, #tpu.memory_space<hbm>>
        tpu.enqueue_indirect_dma source(%dma_start3A_1804 : memref<100000x128xf32, #tpu.memory_space<hbm>>) target(%arg12 : memref<128x128xf32, #tpu.memory_space<vmem>>) offsets(%dma_start3A_1801 : memref<128xi32, #tpu.memory_space<vmem>>) semaphore(%arg21 : memref<!tpu.dma_semaphore, #tpu.memory_space<semaphore_mem>>)
        %add3A_1805 = arith.constant 2 : i32
        %add3A_1806 = arith.addi %add3A_199, %add3A_1805 : i32
        %dma_start3A_1807 = arith.constant 0 : i32
        %dma_start3A_1808 = tpu.memref_slice %arg11[%add3A_1806, %dma_start3A_1807] : memref<4x128xi32, #tpu.memory_space<vmem>> -> memref<1x128xi32, #tpu.memory_space<vmem>>
        %dma_start3A_1809 = tpu.memref_squeeze %dma_start3A_1808 : memref<1x128xi32, #tpu.memory_space<vmem>> -> memref<128xi32, #tpu.memory_space<vmem>>
        %dma_start3A_1810 = arith.constant 0 : i32
        %dma_start3A_1811 = arith.constant 0 : i32
        %dma_start3A_1812 = tpu.memref_slice %arg5[%dma_start3A_1810, %dma_start3A_1811] : memref<100000x128xf32, #tpu.memory_space<hbm>> -> memref<100000x128xf32, #tpu.memory_space<hbm>>
        tpu.enqueue_indirect_dma source(%dma_start3A_1812 : memref<100000x128xf32, #tpu.memory_space<hbm>>) target(%arg14 : memref<128x128xf32, #tpu.memory_space<vmem>>) offsets(%dma_start3A_1809 : memref<128xi32, #tpu.memory_space<vmem>>) semaphore(%arg23 : memref<!tpu.dma_semaphore, #tpu.memory_space<semaphore_mem>>)
      } else {
      }
      %mul3A_994 = arith.constant 2 : i32
      %mul3A_995 = arith.muli %mul3A_994, %scan3A_195 : i32
      %add3A_996 = arith.constant 1 : i32
      %add3A_997 = arith.addi %mul3A_995, %add3A_996 : i32
      %dma_wait3A_998 = arith.constant 0 : i32
      %dma_wait3A_999 = tpu.memref_slice %arg10[%add3A_997, %dma_wait3A_998] : memref<4x128xi32, #tpu.memory_space<vmem>> -> memref<1x128xi32, #tpu.memory_space<vmem>>
      %dma_wait3A_1000 = tpu.memref_squeeze %dma_wait3A_999 : memref<1x128xi32, #tpu.memory_space<vmem>> -> memref<128xi32, #tpu.memory_space<vmem>>
      %dma_wait3A_1001 = arith.constant 0 : i32
      %dma_wait3A_1002 = arith.constant 0 : i32
      %dma_wait3A_1003 = tpu.memref_slice %arg4[%dma_wait3A_1001, %dma_wait3A_1002] : memref<100000x128xf32, #tpu.memory_space<hbm>> -> memref<100000x128xf32, #tpu.memory_space<hbm>>
      tpu.wait_indirect_dma semaphore(%arg22 : memref<!tpu.dma_semaphore, #tpu.memory_space<semaphore_mem>>) src(%dma_wait3A_1003 : memref<100000x128xf32, #tpu.memory_space<hbm>>) dst(%arg13 : memref<128x128xf32, #tpu.memory_space<vmem>>)
      %dma_wait3A_1004 = arith.constant 0 : i32
      %dma_wait3A_1005 = tpu.memref_slice %arg11[%add3A_997, %dma_wait3A_1004] : memref<4x128xi32, #tpu.memory_space<vmem>> -> memref<1x128xi32, #tpu.memory_space<vmem>>
      %dma_wait3A_1006 = tpu.memref_squeeze %dma_wait3A_1005 : memref<1x128xi32, #tpu.memory_space<vmem>> -> memref<128xi32, #tpu.memory_space<vmem>>
      %dma_wait3A_1007 = arith.constant 0 : i32
      %dma_wait3A_1008 = arith.constant 0 : i32
      %dma_wait3A_1009 = tpu.memref_slice %arg5[%dma_wait3A_1007, %dma_wait3A_1008] : memref<100000x128xf32, #tpu.memory_space<hbm>> -> memref<100000x128xf32, #tpu.memory_space<hbm>>
      tpu.wait_indirect_dma semaphore(%arg24 : memref<!tpu.dma_semaphore, #tpu.memory_space<semaphore_mem>>) src(%dma_wait3A_1009 : memref<100000x128xf32, #tpu.memory_space<hbm>>) dst(%arg15 : memref<128x128xf32, #tpu.memory_space<vmem>>)
      %scan3A_1010 = arith.constant 0 : i32
      %scan3A_1011 = arith.constant 0 : i32
      %scan3A_1012 = arith.constant 128 : i32
      %scan3A_1013 = arith.addi %scan3A_1011, %scan3A_1012 : i32
      %scan3A_1014 = arith.constant 4 : i32
      scf.for %scan3A_1797 = %scan3A_1011 to %scan3A_1013 step %scan3A_1014  : i32 {
        %get3A_1798 = arith.index_cast %scan3A_1797 : i32 to index
        %get3A_1799 = arith.constant 0 : index
        %get3A_1800 = tpu.vector_load %arg13[%get3A_1798, %get3A_1799] {strides = array<i32>} : memref<128x128xf32, #tpu.memory_space<vmem>>, vector<16xf32>,
        %get3A_1801 = arith.index_cast %scan3A_1797 : i32 to index
        %get3A_1802 = arith.constant 0 : index
        %get3A_1803 = tpu.vector_load %arg15[%get3A_1801, %get3A_1802] {strides = array<i32>} : memref<128x128xf32, #tpu.memory_space<vmem>>, vector<16xf32>,
        %mul3A_1804 = arith.mulf %get3A_1800, %get3A_1803 : vector<16xf32>
        %get3A_1805 = arith.index_cast %scan3A_1797 : i32 to index
        %get3A_1806 = arith.constant 16 : index
        %get3A_1807 = tpu.vector_load %arg13[%get3A_1805, %get3A_1806] {strides = array<i32>} : memref<128x128xf32, #tpu.memory_space<vmem>>, vector<16xf32>,
        %get3A_1808 = arith.index_cast %scan3A_1797 : i32 to index
        %get3A_1809 = arith.constant 16 : index
        %get3A_1810 = tpu.vector_load %arg15[%get3A_1808, %get3A_1809] {strides = array<i32>} : memref<128x128xf32, #tpu.memory_space<vmem>>, vector<16xf32>,
        %mul3A_1811 = arith.mulf %get3A_1807, %get3A_1810 : vector<16xf32>
        %add3A_1812 = arith.addf %mul3A_1804, %mul3A_1811 : vector<16xf32>
        %get3A_1813 = arith.index_cast %scan3A_1797 : i32 to index
        %get3A_1814 = arith.constant 32 : index
        %get3A_1815 = tpu.vector_load %arg13[%get3A_1813, %get3A_1814] {strides = array<i32>} : memref<128x128xf32, #tpu.memory_space<vmem>>, vector<16xf32>,
        %get3A_1816 = arith.index_cast %scan3A_1797 : i32 to index
        %get3A_1817 = arith.constant 32 : index
        %get3A_1818 = tpu.vector_load %arg15[%get3A_1816, %get3A_1817] {strides = array<i32>} : memref<128x128xf32, #tpu.memory_space<vmem>>, vector<16xf32>,
        %mul3A_1819 = arith.mulf %get3A_1815, %get3A_1818 : vector<16xf32>
        %add3A_1820 = arith.addf %add3A_1812, %mul3A_1819 : vector<16xf32>
        %get3A_1821 = arith.index_cast %scan3A_1797 : i32 to index
        %get3A_1822 = arith.constant 48 : index
        %get3A_1823 = tpu.vector_load %arg13[%get3A_1821, %get3A_1822] {strides = array<i32>} : memref<128x128xf32, #tpu.memory_space<vmem>>, vector<16xf32>,
        %get3A_1824 = arith.index_cast %scan3A_1797 : i32 to index
        %get3A_1825 = arith.constant 48 : index
        %get3A_1826 = tpu.vector_load %arg15[%get3A_1824, %get3A_1825] {strides = array<i32>} : memref<128x128xf32, #tpu.memory_space<vmem>>, vector<16xf32>,
        %mul3A_1827 = arith.mulf %get3A_1823, %get3A_1826 : vector<16xf32>
        %add3A_1828 = arith.addf %add3A_1820, %mul3A_1827 : vector<16xf32>
        %get3A_1829 = arith.index_cast %scan3A_1797 : i32 to index
        %get3A_1830 = arith.constant 64 : index
        %get3A_1831 = tpu.vector_load %arg13[%get3A_1829, %get3A_1830] {strides = array<i32>} : memref<128x128xf32, #tpu.memory_space<vmem>>, vector<16xf32>,
        %get3A_1832 = arith.index_cast %scan3A_1797 : i32 to index
        %get3A_1833 = arith.constant 64 : index
        %get3A_1834 = tpu.vector_load %arg15[%get3A_1832, %get3A_1833] {strides = array<i32>} : memref<128x128xf32, #tpu.memory_space<vmem>>, vector<16xf32>,
        %mul3A_1835 = arith.mulf %get3A_1831, %get3A_1834 : vector<16xf32>
        %add3A_1836 = arith.addf %add3A_1828, %mul3A_1835 : vector<16xf32>
        %get3A_1837 = arith.index_cast %scan3A_1797 : i32 to index
        %get3A_1838 = arith.constant 80 : index
        %get3A_1839 = tpu.vector_load %arg13[%get3A_1837, %get3A_1838] {strides = array<i32>} : memref<128x128xf32, #tpu.memory_space<vmem>>, vector<16xf32>,
        %get3A_1840 = arith.index_cast %scan3A_1797 : i32 to index
        %get3A_1841 = arith.constant 80 : index
        %get3A_1842 = tpu.vector_load %arg15[%get3A_1840, %get3A_1841] {strides = array<i32>} : memref<128x128xf32, #tpu.memory_space<vmem>>, vector<16xf32>,
        %mul3A_1843 = arith.mulf %get3A_1839, %get3A_1842 : vector<16xf32>
        %add3A_1844 = arith.addf %add3A_1836, %mul3A_1843 : vector<16xf32>
        %get3A_1845 = arith.index_cast %scan3A_1797 : i32 to index
        %get3A_1846 = arith.constant 96 : index
        %get3A_1847 = tpu.vector_load %arg13[%get3A_1845, %get3A_1846] {strides = array<i32>} : memref<128x128xf32, #tpu.memory_space<vmem>>, vector<16xf32>,
        %get3A_1848 = arith.index_cast %scan3A_1797 : i32 to index
        %get3A_1849 = arith.constant 96 : index
        %get3A_1850 = tpu.vector_load %arg15[%get3A_1848, %get3A_1849] {strides = array<i32>} : memref<128x128xf32, #tpu.memory_space<vmem>>, vector<16xf32>,
        %mul3A_1851 = arith.mulf %get3A_1847, %get3A_1850 : vector<16xf32>
        %add3A_1852 = arith.addf %add3A_1844, %mul3A_1851 : vector<16xf32>
        %get3A_1853 = arith.index_cast %scan3A_1797 : i32 to index
        %get3A_1854 = arith.constant 112 : index
        %get3A_1855 = tpu.vector_load %arg13[%get3A_1853, %get3A_1854] {strides = array<i32>} : memref<128x128xf32, #tpu.memory_space<vmem>>, vector<16xf32>,
        %get3A_1856 = arith.index_cast %scan3A_1797 : i32 to index
        %get3A_1857 = arith.constant 112 : index
        %get3A_1858 = tpu.vector_load %arg15[%get3A_1856, %get3A_1857] {strides = array<i32>} : memref<128x128xf32, #tpu.memory_space<vmem>>, vector<16xf32>,
        %mul3A_1859 = arith.mulf %get3A_1855, %get3A_1858 : vector<16xf32>
        %add3A_1860 = arith.addf %add3A_1852, %mul3A_1859 : vector<16xf32>
        %mul3A_1861 = arith.constant 17 : i32
        %mul3A_1862 = arith.muli %scan3A_1797, %mul3A_1861 : i32
        %swap3A_1863 = arith.index_cast %mul3A_1862 : i32 to index
        %swap3A_1864 = tpu.vector_load %arg19[%swap3A_1863] {strides = array<i32>} : memref<2176xf32, #tpu.memory_space<vmem>>, vector<16xf32>,
        tpu.vector_store %arg19[%swap3A_1863], %add3A_1860 {strides = array<i32>} : memref<2176xf32, #tpu.memory_space<vmem>>, vector<16xf32>,
        %scan3A_1865 = arith.constant 1 : i32
        %scan3A_1866 = arith.addi %scan3A_1797, %scan3A_1865 : i32
        %get3A_1867 = arith.index_cast %scan3A_1866 : i32 to index
        %get3A_1868 = arith.constant 0 : index
        %get3A_1869 = tpu.vector_load %arg13[%get3A_1867, %get3A_1868] {strides = array<i32>} : memref<128x128xf32, #tpu.memory_space<vmem>>, vector<16xf32>,
        %get3A_1870 = arith.index_cast %scan3A_1866 : i32 to index
        %get3A_1871 = arith.constant 0 : index
        %get3A_1872 = tpu.vector_load %arg15[%get3A_1870, %get3A_1871] {strides = array<i32>} : memref<128x128xf32, #tpu.memory_space<vmem>>, vector<16xf32>,
        %mul3A_1873 = arith.mulf %get3A_1869, %get3A_1872 : vector<16xf32>
        %get3A_1874 = arith.index_cast %scan3A_1866 : i32 to index
        %get3A_1875 = arith.constant 16 : index
        %get3A_1876 = tpu.vector_load %arg13[%get3A_1874, %get3A_1875] {strides = array<i32>} : memref<128x128xf32, #tpu.memory_space<vmem>>, vector<16xf32>,
        %get3A_1877 = arith.index_cast %scan3A_1866 : i32 to index
        %get3A_1878 = arith.constant 16 : index
        %get3A_1879 = tpu.vector_load %arg15[%get3A_1877, %get3A_1878] {strides = array<i32>} : memref<128x128xf32, #tpu.memory_space<vmem>>, vector<16xf32>,
        %mul3A_1880 = arith.mulf %get3A_1876, %get3A_1879 : vector<16xf32>
        %add3A_1881 = arith.addf %mul3A_1873, %mul3A_1880 : vector<16xf32>
        %get3A_1882 = arith.index_cast %scan3A_1866 : i32 to index
        %get3A_1883 = arith.constant 32 : index
        %get3A_1884 = tpu.vector_load %arg13[%get3A_1882, %get3A_1883] {strides = array<i32>} : memref<128x128xf32, #tpu.memory_space<vmem>>, vector<16xf32>,
        %get3A_1885 = arith.index_cast %scan3A_1866 : i32 to index
        %get3A_1886 = arith.constant 32 : index
        %get3A_1887 = tpu.vector_load %arg15[%get3A_1885, %get3A_1886] {strides = array<i32>} : memref<128x128xf32, #tpu.memory_space<vmem>>, vector<16xf32>,
        %mul3A_1888 = arith.mulf %get3A_1884, %get3A_1887 : vector<16xf32>
        %add3A_1889 = arith.addf %add3A_1881, %mul3A_1888 : vector<16xf32>
        %get3A_1890 = arith.index_cast %scan3A_1866 : i32 to index
        %get3A_1891 = arith.constant 48 : index
        %get3A_1892 = tpu.vector_load %arg13[%get3A_1890, %get3A_1891] {strides = array<i32>} : memref<128x128xf32, #tpu.memory_space<vmem>>, vector<16xf32>,
        %get3A_1893 = arith.index_cast %scan3A_1866 : i32 to index
        %get3A_1894 = arith.constant 48 : index
        %get3A_1895 = tpu.vector_load %arg15[%get3A_1893, %get3A_1894] {strides = array<i32>} : memref<128x128xf32, #tpu.memory_space<vmem>>, vector<16xf32>,
        %mul3A_1896 = arith.mulf %get3A_1892, %get3A_1895 : vector<16xf32>
        %add3A_1897 = arith.addf %add3A_1889, %mul3A_1896 : vector<16xf32>
        %get3A_1898 = arith.index_cast %scan3A_1866 : i32 to index
        %get3A_1899 = arith.constant 64 : index
        %get3A_1900 = tpu.vector_load %arg13[%get3A_1898, %get3A_1899] {strides = array<i32>} : memref<128x128xf32, #tpu.memory_space<vmem>>, vector<16xf32>,
        %get3A_1901 = arith.index_cast %scan3A_1866 : i32 to index
        %get3A_1902 = arith.constant 64 : index
        %get3A_1903 = tpu.vector_load %arg15[%get3A_1901, %get3A_1902] {strides = array<i32>} : memref<128x128xf32, #tpu.memory_space<vmem>>, vector<16xf32>,
        %mul3A_1904 = arith.mulf %get3A_1900, %get3A_1903 : vector<16xf32>
        %add3A_1905 = arith.addf %add3A_1897, %mul3A_1904 : vector<16xf32>
        %get3A_1906 = arith.index_cast %scan3A_1866 : i32 to index
        %get3A_1907 = arith.constant 80 : index
        %get3A_1908 = tpu.vector_load %arg13[%get3A_1906, %get3A_1907] {strides = array<i32>} : memref<128x128xf32, #tpu.memory_space<vmem>>, vector<16xf32>,
        %get3A_1909 = arith.index_cast %scan3A_1866 : i32 to index
        %get3A_1910 = arith.constant 80 : index
        %get3A_1911 = tpu.vector_load %arg15[%get3A_1909, %get3A_1910] {strides = array<i32>} : memref<128x128xf32, #tpu.memory_space<vmem>>, vector<16xf32>,
        %mul3A_1912 = arith.mulf %get3A_1908, %get3A_1911 : vector<16xf32>
        %add3A_1913 = arith.addf %add3A_1905, %mul3A_1912 : vector<16xf32>
        %get3A_1914 = arith.index_cast %scan3A_1866 : i32 to index
        %get3A_1915 = arith.constant 96 : index
        %get3A_1916 = tpu.vector_load %arg13[%get3A_1914, %get3A_1915] {strides = array<i32>} : memref<128x128xf32, #tpu.memory_space<vmem>>, vector<16xf32>,
        %get3A_1917 = arith.index_cast %scan3A_1866 : i32 to index
        %get3A_1918 = arith.constant 96 : index
        %get3A_1919 = tpu.vector_load %arg15[%get3A_1917, %get3A_1918] {strides = array<i32>} : memref<128x128xf32, #tpu.memory_space<vmem>>, vector<16xf32>,
        %mul3A_1920 = arith.mulf %get3A_1916, %get3A_1919 : vector<16xf32>
        %add3A_1921 = arith.addf %add3A_1913, %mul3A_1920 : vector<16xf32>
        %get3A_1922 = arith.index_cast %scan3A_1866 : i32 to index
        %get3A_1923 = arith.constant 112 : index
        %get3A_1924 = tpu.vector_load %arg13[%get3A_1922, %get3A_1923] {strides = array<i32>} : memref<128x128xf32, #tpu.memory_space<vmem>>, vector<16xf32>,
        %get3A_1925 = arith.index_cast %scan3A_1866 : i32 to index
        %get3A_1926 = arith.constant 112 : index
        %get3A_1927 = tpu.vector_load %arg15[%get3A_1925, %get3A_1926] {strides = array<i32>} : memref<128x128xf32, #tpu.memory_space<vmem>>, vector<16xf32>,
        %mul3A_1928 = arith.mulf %get3A_1924, %get3A_1927 : vector<16xf32>
        %add3A_1929 = arith.addf %add3A_1921, %mul3A_1928 : vector<16xf32>
        %mul3A_1930 = arith.constant 17 : i32
        %mul3A_1931 = arith.muli %scan3A_1866, %mul3A_1930 : i32
        %swap3A_1932 = arith.index_cast %mul3A_1931 : i32 to index
        %swap3A_1933 = tpu.vector_load %arg19[%swap3A_1932] {strides = array<i32>} : memref<2176xf32, #tpu.memory_space<vmem>>, vector<16xf32>,
        tpu.vector_store %arg19[%swap3A_1932], %add3A_1929 {strides = array<i32>} : memref<2176xf32, #tpu.memory_space<vmem>>, vector<16xf32>,
        %scan3A_1934 = arith.constant 2 : i32
        %scan3A_1935 = arith.addi %scan3A_1797, %scan3A_1934 : i32
        %get3A_1936 = arith.index_cast %scan3A_1935 : i32 to index
        %get3A_1937 = arith.constant 0 : index
        %get3A_1938 = tpu.vector_load %arg13[%get3A_1936, %get3A_1937] {strides = array<i32>} : memref<128x128xf32, #tpu.memory_space<vmem>>, vector<16xf32>,
        %get3A_1939 = arith.index_cast %scan3A_1935 : i32 to index
        %get3A_1940 = arith.constant 0 : index
        %get3A_1941 = tpu.vector_load %arg15[%get3A_1939, %get3A_1940] {strides = array<i32>} : memref<128x128xf32, #tpu.memory_space<vmem>>, vector<16xf32>,
        %mul3A_1942 = arith.mulf %get3A_1938, %get3A_1941 : vector<16xf32>
        %get3A_1943 = arith.index_cast %scan3A_1935 : i32 to index
        %get3A_1944 = arith.constant 16 : index
        %get3A_1945 = tpu.vector_load %arg13[%get3A_1943, %get3A_1944] {strides = array<i32>} : memref<128x128xf32, #tpu.memory_space<vmem>>, vector<16xf32>,
        %get3A_1946 = arith.index_cast %scan3A_1935 : i32 to index
        %get3A_1947 = arith.constant 16 : index
        %get3A_1948 = tpu.vector_load %arg15[%get3A_1946, %get3A_1947] {strides = array<i32>} : memref<128x128xf32, #tpu.memory_space<vmem>>, vector<16xf32>,
        %mul3A_1949 = arith.mulf %get3A_1945, %get3A_1948 : vector<16xf32>
        %add3A_1950 = arith.addf %mul3A_1942, %mul3A_1949 : vector<16xf32>
        %get3A_1951 = arith.index_cast %scan3A_1935 : i32 to index
        %get3A_1952 = arith.constant 32 : index
        %get3A_1953 = tpu.vector_load %arg13[%get3A_1951, %get3A_1952] {strides = array<i32>} : memref<128x128xf32, #tpu.memory_space<vmem>>, vector<16xf32>,
        %get3A_1954 = arith.index_cast %scan3A_1935 : i32 to index
        %get3A_1955 = arith.constant 32 : index
        %get3A_1956 = tpu.vector_load %arg15[%get3A_1954, %get3A_1955] {strides = array<i32>} : memref<128x128xf32, #tpu.memory_space<vmem>>, vector<16xf32>,
        %mul3A_1957 = arith.mulf %get3A_1953, %get3A_1956 : vector<16xf32>
        %add3A_1958 = arith.addf %add3A_1950, %mul3A_1957 : vector<16xf32>
        %get3A_1959 = arith.index_cast %scan3A_1935 : i32 to index
        %get3A_1960 = arith.constant 48 : index
        %get3A_1961 = tpu.vector_load %arg13[%get3A_1959, %get3A_1960] {strides = array<i32>} : memref<128x128xf32, #tpu.memory_space<vmem>>, vector<16xf32>,
        %get3A_1962 = arith.index_cast %scan3A_1935 : i32 to index
        %get3A_1963 = arith.constant 48 : index
        %get3A_1964 = tpu.vector_load %arg15[%get3A_1962, %get3A_1963] {strides = array<i32>} : memref<128x128xf32, #tpu.memory_space<vmem>>, vector<16xf32>,
        %mul3A_1965 = arith.mulf %get3A_1961, %get3A_1964 : vector<16xf32>
        %add3A_1966 = arith.addf %add3A_1958, %mul3A_1965 : vector<16xf32>
        %get3A_1967 = arith.index_cast %scan3A_1935 : i32 to index
        %get3A_1968 = arith.constant 64 : index
        %get3A_1969 = tpu.vector_load %arg13[%get3A_1967, %get3A_1968] {strides = array<i32>} : memref<128x128xf32, #tpu.memory_space<vmem>>, vector<16xf32>,
        %get3A_1970 = arith.index_cast %scan3A_1935 : i32 to index
        %get3A_1971 = arith.constant 64 : index
        %get3A_1972 = tpu.vector_load %arg15[%get3A_1970, %get3A_1971] {strides = array<i32>} : memref<128x128xf32, #tpu.memory_space<vmem>>, vector<16xf32>,
        %mul3A_1973 = arith.mulf %get3A_1969, %get3A_1972 : vector<16xf32>
        %add3A_1974 = arith.addf %add3A_1966, %mul3A_1973 : vector<16xf32>
        %get3A_1975 = arith.index_cast %scan3A_1935 : i32 to index
        %get3A_1976 = arith.constant 80 : index
        %get3A_1977 = tpu.vector_load %arg13[%get3A_1975, %get3A_1976] {strides = array<i32>} : memref<128x128xf32, #tpu.memory_space<vmem>>, vector<16xf32>,
        %get3A_1978 = arith.index_cast %scan3A_1935 : i32 to index
        %get3A_1979 = arith.constant 80 : index
        %get3A_1980 = tpu.vector_load %arg15[%get3A_1978, %get3A_1979] {strides = array<i32>} : memref<128x128xf32, #tpu.memory_space<vmem>>, vector<16xf32>,
        %mul3A_1981 = arith.mulf %get3A_1977, %get3A_1980 : vector<16xf32>
        %add3A_1982 = arith.addf %add3A_1974, %mul3A_1981 : vector<16xf32>
        %get3A_1983 = arith.index_cast %scan3A_1935 : i32 to index
        %get3A_1984 = arith.constant 96 : index
        %get3A_1985 = tpu.vector_load %arg13[%get3A_1983, %get3A_1984] {strides = array<i32>} : memref<128x128xf32, #tpu.memory_space<vmem>>, vector<16xf32>,
        %get3A_1986 = arith.index_cast %scan3A_1935 : i32 to index
        %get3A_1987 = arith.constant 96 : index
        %get3A_1988 = tpu.vector_load %arg15[%get3A_1986, %get3A_1987] {strides = array<i32>} : memref<128x128xf32, #tpu.memory_space<vmem>>, vector<16xf32>,
        %mul3A_1989 = arith.mulf %get3A_1985, %get3A_1988 : vector<16xf32>
        %add3A_1990 = arith.addf %add3A_1982, %mul3A_1989 : vector<16xf32>
        %get3A_1991 = arith.index_cast %scan3A_1935 : i32 to index
        %get3A_1992 = arith.constant 112 : index
        %get3A_1993 = tpu.vector_load %arg13[%get3A_1991, %get3A_1992] {strides = array<i32>} : memref<128x128xf32, #tpu.memory_space<vmem>>, vector<16xf32>,
        %get3A_1994 = arith.index_cast %scan3A_1935 : i32 to index
        %get3A_1995 = arith.constant 112 : index
        %get3A_1996 = tpu.vector_load %arg15[%get3A_1994, %get3A_1995] {strides = array<i32>} : memref<128x128xf32, #tpu.memory_space<vmem>>, vector<16xf32>,
        %mul3A_1997 = arith.mulf %get3A_1993, %get3A_1996 : vector<16xf32>
        %add3A_1998 = arith.addf %add3A_1990, %mul3A_1997 : vector<16xf32>
        %mul3A_1999 = arith.constant 17 : i32
        %mul3A_2000 = arith.muli %scan3A_1935, %mul3A_1999 : i32
        %swap3A_2001 = arith.index_cast %mul3A_2000 : i32 to index
        %swap3A_2002 = tpu.vector_load %arg19[%swap3A_2001] {strides = array<i32>} : memref<2176xf32, #tpu.memory_space<vmem>>, vector<16xf32>,
        tpu.vector_store %arg19[%swap3A_2001], %add3A_1998 {strides = array<i32>} : memref<2176xf32, #tpu.memory_space<vmem>>, vector<16xf32>,
        %scan3A_2003 = arith.constant 3 : i32
        %scan3A_2004 = arith.addi %scan3A_1797, %scan3A_2003 : i32
        %get3A_2005 = arith.index_cast %scan3A_2004 : i32 to index
        %get3A_2006 = arith.constant 0 : index
        %get3A_2007 = tpu.vector_load %arg13[%get3A_2005, %get3A_2006] {strides = array<i32>} : memref<128x128xf32, #tpu.memory_space<vmem>>, vector<16xf32>,
        %get3A_2008 = arith.index_cast %scan3A_2004 : i32 to index
        %get3A_2009 = arith.constant 0 : index
        %get3A_2010 = tpu.vector_load %arg15[%get3A_2008, %get3A_2009] {strides = array<i32>} : memref<128x128xf32, #tpu.memory_space<vmem>>, vector<16xf32>,
        %mul3A_2011 = arith.mulf %get3A_2007, %get3A_2010 : vector<16xf32>
        %get3A_2012 = arith.index_cast %scan3A_2004 : i32 to index
        %get3A_2013 = arith.constant 16 : index
        %get3A_2014 = tpu.vector_load %arg13[%get3A_2012, %get3A_2013] {strides = array<i32>} : memref<128x128xf32, #tpu.memory_space<vmem>>, vector<16xf32>,
        %get3A_2015 = arith.index_cast %scan3A_2004 : i32 to index
        %get3A_2016 = arith.constant 16 : index
        %get3A_2017 = tpu.vector_load %arg15[%get3A_2015, %get3A_2016] {strides = array<i32>} : memref<128x128xf32, #tpu.memory_space<vmem>>, vector<16xf32>,
        %mul3A_2018 = arith.mulf %get3A_2014, %get3A_2017 : vector<16xf32>
        %add3A_2019 = arith.addf %mul3A_2011, %mul3A_2018 : vector<16xf32>
        %get3A_2020 = arith.index_cast %scan3A_2004 : i32 to index
        %get3A_2021 = arith.constant 32 : index
        %get3A_2022 = tpu.vector_load %arg13[%get3A_2020, %get3A_2021] {strides = array<i32>} : memref<128x128xf32, #tpu.memory_space<vmem>>, vector<16xf32>,
        %get3A_2023 = arith.index_cast %scan3A_2004 : i32 to index
        %get3A_2024 = arith.constant 32 : index
        %get3A_2025 = tpu.vector_load %arg15[%get3A_2023, %get3A_2024] {strides = array<i32>} : memref<128x128xf32, #tpu.memory_space<vmem>>, vector<16xf32>,
        %mul3A_2026 = arith.mulf %get3A_2022, %get3A_2025 : vector<16xf32>
        %add3A_2027 = arith.addf %add3A_2019, %mul3A_2026 : vector<16xf32>
        %get3A_2028 = arith.index_cast %scan3A_2004 : i32 to index
        %get3A_2029 = arith.constant 48 : index
        %get3A_2030 = tpu.vector_load %arg13[%get3A_2028, %get3A_2029] {strides = array<i32>} : memref<128x128xf32, #tpu.memory_space<vmem>>, vector<16xf32>,
        %get3A_2031 = arith.index_cast %scan3A_2004 : i32 to index
        %get3A_2032 = arith.constant 48 : index
        %get3A_2033 = tpu.vector_load %arg15[%get3A_2031, %get3A_2032] {strides = array<i32>} : memref<128x128xf32, #tpu.memory_space<vmem>>, vector<16xf32>,
        %mul3A_2034 = arith.mulf %get3A_2030, %get3A_2033 : vector<16xf32>
        %add3A_2035 = arith.addf %add3A_2027, %mul3A_2034 : vector<16xf32>
        %get3A_2036 = arith.index_cast %scan3A_2004 : i32 to index
        %get3A_2037 = arith.constant 64 : index
        %get3A_2038 = tpu.vector_load %arg13[%get3A_2036, %get3A_2037] {strides = array<i32>} : memref<128x128xf32, #tpu.memory_space<vmem>>, vector<16xf32>,
        %get3A_2039 = arith.index_cast %scan3A_2004 : i32 to index
        %get3A_2040 = arith.constant 64 : index
        %get3A_2041 = tpu.vector_load %arg15[%get3A_2039, %get3A_2040] {strides = array<i32>} : memref<128x128xf32, #tpu.memory_space<vmem>>, vector<16xf32>,
        %mul3A_2042 = arith.mulf %get3A_2038, %get3A_2041 : vector<16xf32>
        %add3A_2043 = arith.addf %add3A_2035, %mul3A_2042 : vector<16xf32>
        %get3A_2044 = arith.index_cast %scan3A_2004 : i32 to index
        %get3A_2045 = arith.constant 80 : index
        %get3A_2046 = tpu.vector_load %arg13[%get3A_2044, %get3A_2045] {strides = array<i32>} : memref<128x128xf32, #tpu.memory_space<vmem>>, vector<16xf32>,
        %get3A_2047 = arith.index_cast %scan3A_2004 : i32 to index
        %get3A_2048 = arith.constant 80 : index
        %get3A_2049 = tpu.vector_load %arg15[%get3A_2047, %get3A_2048] {strides = array<i32>} : memref<128x128xf32, #tpu.memory_space<vmem>>, vector<16xf32>,
        %mul3A_2050 = arith.mulf %get3A_2046, %get3A_2049 : vector<16xf32>
        %add3A_2051 = arith.addf %add3A_2043, %mul3A_2050 : vector<16xf32>
        %get3A_2052 = arith.index_cast %scan3A_2004 : i32 to index
        %get3A_2053 = arith.constant 96 : index
        %get3A_2054 = tpu.vector_load %arg13[%get3A_2052, %get3A_2053] {strides = array<i32>} : memref<128x128xf32, #tpu.memory_space<vmem>>, vector<16xf32>,
        %get3A_2055 = arith.index_cast %scan3A_2004 : i32 to index
        %get3A_2056 = arith.constant 96 : index
        %get3A_2057 = tpu.vector_load %arg15[%get3A_2055, %get3A_2056] {strides = array<i32>} : memref<128x128xf32, #tpu.memory_space<vmem>>, vector<16xf32>,
        %mul3A_2058 = arith.mulf %get3A_2054, %get3A_2057 : vector<16xf32>
        %add3A_2059 = arith.addf %add3A_2051, %mul3A_2058 : vector<16xf32>
        %get3A_2060 = arith.index_cast %scan3A_2004 : i32 to index
        %get3A_2061 = arith.constant 112 : index
        %get3A_2062 = tpu.vector_load %arg13[%get3A_2060, %get3A_2061] {strides = array<i32>} : memref<128x128xf32, #tpu.memory_space<vmem>>, vector<16xf32>,
        %get3A_2063 = arith.index_cast %scan3A_2004 : i32 to index
        %get3A_2064 = arith.constant 112 : index
        %get3A_2065 = tpu.vector_load %arg15[%get3A_2063, %get3A_2064] {strides = array<i32>} : memref<128x128xf32, #tpu.memory_space<vmem>>, vector<16xf32>,
        %mul3A_2066 = arith.mulf %get3A_2062, %get3A_2065 : vector<16xf32>
        %add3A_2067 = arith.addf %add3A_2059, %mul3A_2066 : vector<16xf32>
        %mul3A_2068 = arith.constant 17 : i32
        %mul3A_2069 = arith.muli %scan3A_2004, %mul3A_2068 : i32
        %swap3A_2070 = arith.index_cast %mul3A_2069 : i32 to index
        %swap3A_2071 = tpu.vector_load %arg19[%swap3A_2070] {strides = array<i32>} : memref<2176xf32, #tpu.memory_space<vmem>>, vector<16xf32>,
        tpu.vector_store %arg19[%swap3A_2070], %add3A_2067 {strides = array<i32>} : memref<2176xf32, #tpu.memory_space<vmem>>, vector<16xf32>,
      }
      %scan3A_1015 = arith.constant 128 : i32
      %add3A_1016 = arith.constant 0 : i32
      %add3A_1017 = vector.broadcast %add3A_1016 : i32 to vector<16xi32>
      %add3A_1018 = arith.addi %iota3A, %add3A_1017 : vector<16xi32>
      %mul3A_1019 = arith.constant 17 : i32
      %mul3A_1020 = vector.broadcast %mul3A_1019 : i32 to vector<16xi32>
      %mul3A_1021 = arith.muli %add3A_1018, %mul3A_1020 : vector<16xi32>
      %gather3A_1022 = tpu.vector_load_idx %arg19[%mul3A_1021] : memref<2176xf32, #tpu.memory_space<vmem>>[vector<16xi32>], vector<16xf32>,
      %add3A_1023 = arith.constant 1 : i32
      %add3A_1024 = vector.broadcast %add3A_1023 : i32 to vector<16xi32>
      %add3A_1025 = arith.addi %mul3A_1021, %add3A_1024 : vector<16xi32>
      %gather3A_1026 = tpu.vector_load_idx %arg19[%add3A_1025] : memref<2176xf32, #tpu.memory_space<vmem>>[vector<16xi32>], vector<16xf32>,
      %add3A_1027 = arith.addf %gather3A_1022, %gather3A_1026 : vector<16xf32>
      %add3A_1028 = arith.constant 2 : i32
      %add3A_1029 = vector.broadcast %add3A_1028 : i32 to vector<16xi32>
      %add3A_1030 = arith.addi %mul3A_1021, %add3A_1029 : vector<16xi32>
      %gather3A_1031 = tpu.vector_load_idx %arg19[%add3A_1030] : memref<2176xf32, #tpu.memory_space<vmem>>[vector<16xi32>], vector<16xf32>,
      %add3A_1032 = arith.addf %add3A_1027, %gather3A_1031 : vector<16xf32>
      %add3A_1033 = arith.constant 3 : i32
      %add3A_1034 = vector.broadcast %add3A_1033 : i32 to vector<16xi32>
      %add3A_1035 = arith.addi %mul3A_1021, %add3A_1034 : vector<16xi32>
      %gather3A_1036 = tpu.vector_load_idx %arg19[%add3A_1035] : memref<2176xf32, #tpu.memory_space<vmem>>[vector<16xi32>], vector<16xf32>,
      %add3A_1037 = arith.addf %add3A_1032, %gather3A_1036 : vector<16xf32>
      %add3A_1038 = arith.constant 4 : i32
      %add3A_1039 = vector.broadcast %add3A_1038 : i32 to vector<16xi32>
      %add3A_1040 = arith.addi %mul3A_1021, %add3A_1039 : vector<16xi32>
      %gather3A_1041 = tpu.vector_load_idx %arg19[%add3A_1040] : memref<2176xf32, #tpu.memory_space<vmem>>[vector<16xi32>], vector<16xf32>,
      %add3A_1042 = arith.addf %add3A_1037, %gather3A_1041 : vector<16xf32>
      %add3A_1043 = arith.constant 5 : i32
      %add3A_1044 = vector.broadcast %add3A_1043 : i32 to vector<16xi32>
      %add3A_1045 = arith.addi %mul3A_1021, %add3A_1044 : vector<16xi32>
      %gather3A_1046 = tpu.vector_load_idx %arg19[%add3A_1045] : memref<2176xf32, #tpu.memory_space<vmem>>[vector<16xi32>], vector<16xf32>,
      %add3A_1047 = arith.addf %add3A_1042, %gather3A_1046 : vector<16xf32>
      %add3A_1048 = arith.constant 6 : i32
      %add3A_1049 = vector.broadcast %add3A_1048 : i32 to vector<16xi32>
      %add3A_1050 = arith.addi %mul3A_1021, %add3A_1049 : vector<16xi32>
      %gather3A_1051 = tpu.vector_load_idx %arg19[%add3A_1050] : memref<2176xf32, #tpu.memory_space<vmem>>[vector<16xi32>], vector<16xf32>,
      %add3A_1052 = arith.addf %add3A_1047, %gather3A_1051 : vector<16xf32>
      %add3A_1053 = arith.constant 7 : i32
      %add3A_1054 = vector.broadcast %add3A_1053 : i32 to vector<16xi32>
      %add3A_1055 = arith.addi %mul3A_1021, %add3A_1054 : vector<16xi32>
      %gather3A_1056 = tpu.vector_load_idx %arg19[%add3A_1055] : memref<2176xf32, #tpu.memory_space<vmem>>[vector<16xi32>], vector<16xf32>,
      %add3A_1057 = arith.addf %add3A_1052, %gather3A_1056 : vector<16xf32>
      %add3A_1058 = arith.constant 8 : i32
      %add3A_1059 = vector.broadcast %add3A_1058 : i32 to vector<16xi32>
      %add3A_1060 = arith.addi %mul3A_1021, %add3A_1059 : vector<16xi32>
      %gather3A_1061 = tpu.vector_load_idx %arg19[%add3A_1060] : memref<2176xf32, #tpu.memory_space<vmem>>[vector<16xi32>], vector<16xf32>,
      %add3A_1062 = arith.addf %add3A_1057, %gather3A_1061 : vector<16xf32>
      %add3A_1063 = arith.constant 9 : i32
      %add3A_1064 = vector.broadcast %add3A_1063 : i32 to vector<16xi32>
      %add3A_1065 = arith.addi %mul3A_1021, %add3A_1064 : vector<16xi32>
      %gather3A_1066 = tpu.vector_load_idx %arg19[%add3A_1065] : memref<2176xf32, #tpu.memory_space<vmem>>[vector<16xi32>], vector<16xf32>,
      %add3A_1067 = arith.addf %add3A_1062, %gather3A_1066 : vector<16xf32>
      %add3A_1068 = arith.constant 10 : i32
      %add3A_1069 = vector.broadcast %add3A_1068 : i32 to vector<16xi32>
      %add3A_1070 = arith.addi %mul3A_1021, %add3A_1069 : vector<16xi32>
      %gather3A_1071 = tpu.vector_load_idx %arg19[%add3A_1070] : memref<2176xf32, #tpu.memory_space<vmem>>[vector<16xi32>], vector<16xf32>,
      %add3A_1072 = arith.addf %add3A_1067, %gather3A_1071 : vector<16xf32>
      %add3A_1073 = arith.constant 11 : i32
      %add3A_1074 = vector.broadcast %add3A_1073 : i32 to vector<16xi32>
      %add3A_1075 = arith.addi %mul3A_1021, %add3A_1074 : vector<16xi32>
      %gather3A_1076 = tpu.vector_load_idx %arg19[%add3A_1075] : memref<2176xf32, #tpu.memory_space<vmem>>[vector<16xi32>], vector<16xf32>,
      %add3A_1077 = arith.addf %add3A_1072, %gather3A_1076 : vector<16xf32>
      %add3A_1078 = arith.constant 12 : i32
      %add3A_1079 = vector.broadcast %add3A_1078 : i32 to vector<16xi32>
      %add3A_1080 = arith.addi %mul3A_1021, %add3A_1079 : vector<16xi32>
      %gather3A_1081 = tpu.vector_load_idx %arg19[%add3A_1080] : memref<2176xf32, #tpu.memory_space<vmem>>[vector<16xi32>], vector<16xf32>,
      %add3A_1082 = arith.addf %add3A_1077, %gather3A_1081 : vector<16xf32>
      %add3A_1083 = arith.constant 13 : i32
      %add3A_1084 = vector.broadcast %add3A_1083 : i32 to vector<16xi32>
      %add3A_1085 = arith.addi %mul3A_1021, %add3A_1084 : vector<16xi32>
      %gather3A_1086 = tpu.vector_load_idx %arg19[%add3A_1085] : memref<2176xf32, #tpu.memory_space<vmem>>[vector<16xi32>], vector<16xf32>,
      %add3A_1087 = arith.addf %add3A_1082, %gather3A_1086 : vector<16xf32>
      %add3A_1088 = arith.constant 14 : i32
      %add3A_1089 = vector.broadcast %add3A_1088 : i32 to vector<16xi32>
      %add3A_1090 = arith.addi %mul3A_1021, %add3A_1089 : vector<16xi32>
      %gather3A_1091 = tpu.vector_load_idx %arg19[%add3A_1090] : memref<2176xf32, #tpu.memory_space<vmem>>[vector<16xi32>], vector<16xf32>,
      %add3A_1092 = arith.addf %add3A_1087, %gather3A_1091 : vector<16xf32>
      %add3A_1093 = arith.constant 15 : i32
      %add3A_1094 = vector.broadcast %add3A_1093 : i32 to vector<16xi32>
      %add3A_1095 = arith.addi %mul3A_1021, %add3A_1094 : vector<16xi32>
      %gather3A_1096 = tpu.vector_load_idx %arg19[%add3A_1095] : memref<2176xf32, #tpu.memory_space<vmem>>[vector<16xi32>], vector<16xf32>,
      %add3A_1097 = arith.addf %add3A_1092, %gather3A_1096 : vector<16xf32>
      %get3A_1098 = arith.index_cast %add3A_997 : i32 to index
      %get3A_1099 = arith.constant 0 : index
      %get3A_1100 = tpu.vector_load %arg16[%get3A_1098, %get3A_1099] {strides = array<i32>} : memref<4x128xf32, #tpu.memory_space<vmem>>, vector<16xf32>,
      %add3A_1101 = arith.addf %add3A_1097, %get3A_1100 : vector<16xf32>
      %get3A_1102 = arith.index_cast %add3A_997 : i32 to index
      %get3A_1103 = arith.constant 0 : index
      %get3A_1104 = tpu.vector_load %arg17[%get3A_1102, %get3A_1103] {strides = array<i32>} : memref<4x128xf32, #tpu.memory_space<vmem>>, vector<16xf32>,
      %add3A_1105 = arith.addf %add3A_1101, %get3A_1104 : vector<16xf32>
      %add3A_1106 = arith.addf %add3A_1105, %get3A_189 : vector<16xf32>
      %mul3A_1107 = arith.constant 128 : i32
      %mul3A_1108 = arith.muli %add3A_997, %mul3A_1107 : i32
      %add3A_1109 = arith.constant 0 : i32
      %add3A_1110 = arith.addi %mul3A_1108, %add3A_1109 : i32
      %swap3A_1111 = arith.index_cast %add3A_1110 : i32 to index
      %swap3A_1112 = tpu.vector_load %arg20[%swap3A_1111] {strides = array<i32>} : memref<512xf32, #tpu.memory_space<vmem>>, vector<16xf32>,
      tpu.vector_store %arg20[%swap3A_1111], %add3A_1106 {strides = array<i32>} : memref<512xf32, #tpu.memory_space<vmem>>, vector<16xf32>,
      %add3A_1113 = arith.constant 16 : i32
      %add3A_1114 = vector.broadcast %add3A_1113 : i32 to vector<16xi32>
      %add3A_1115 = arith.addi %iota3A, %add3A_1114 : vector<16xi32>
      %mul3A_1116 = arith.constant 17 : i32
      %mul3A_1117 = vector.broadcast %mul3A_1116 : i32 to vector<16xi32>
      %mul3A_1118 = arith.muli %add3A_1115, %mul3A_1117 : vector<16xi32>
      %gather3A_1119 = tpu.vector_load_idx %arg19[%mul3A_1118] : memref<2176xf32, #tpu.memory_space<vmem>>[vector<16xi32>], vector<16xf32>,
      %add3A_1120 = arith.constant 1 : i32
      %add3A_1121 = vector.broadcast %add3A_1120 : i32 to vector<16xi32>
      %add3A_1122 = arith.addi %mul3A_1118, %add3A_1121 : vector<16xi32>
      %gather3A_1123 = tpu.vector_load_idx %arg19[%add3A_1122] : memref<2176xf32, #tpu.memory_space<vmem>>[vector<16xi32>], vector<16xf32>,
      %add3A_1124 = arith.addf %gather3A_1119, %gather3A_1123 : vector<16xf32>
      %add3A_1125 = arith.constant 2 : i32
      %add3A_1126 = vector.broadcast %add3A_1125 : i32 to vector<16xi32>
      %add3A_1127 = arith.addi %mul3A_1118, %add3A_1126 : vector<16xi32>
      %gather3A_1128 = tpu.vector_load_idx %arg19[%add3A_1127] : memref<2176xf32, #tpu.memory_space<vmem>>[vector<16xi32>], vector<16xf32>,
      %add3A_1129 = arith.addf %add3A_1124, %gather3A_1128 : vector<16xf32>
      %add3A_1130 = arith.constant 3 : i32
      %add3A_1131 = vector.broadcast %add3A_1130 : i32 to vector<16xi32>
      %add3A_1132 = arith.addi %mul3A_1118, %add3A_1131 : vector<16xi32>
      %gather3A_1133 = tpu.vector_load_idx %arg19[%add3A_1132] : memref<2176xf32, #tpu.memory_space<vmem>>[vector<16xi32>], vector<16xf32>,
      %add3A_1134 = arith.addf %add3A_1129, %gather3A_1133 : vector<16xf32>
      %add3A_1135 = arith.constant 4 : i32
      %add3A_1136 = vector.broadcast %add3A_1135 : i32 to vector<16xi32>
      %add3A_1137 = arith.addi %mul3A_1118, %add3A_1136 : vector<16xi32>
      %gather3A_1138 = tpu.vector_load_idx %arg19[%add3A_1137] : memref<2176xf32, #tpu.memory_space<vmem>>[vector<16xi32>], vector<16xf32>,
      %add3A_1139 = arith.addf %add3A_1134, %gather3A_1138 : vector<16xf32>
      %add3A_1140 = arith.constant 5 : i32
      %add3A_1141 = vector.broadcast %add3A_1140 : i32 to vector<16xi32>
      %add3A_1142 = arith.addi %mul3A_1118, %add3A_1141 : vector<16xi32>
      %gather3A_1143 = tpu.vector_load_idx %arg19[%add3A_1142] : memref<2176xf32, #tpu.memory_space<vmem>>[vector<16xi32>], vector<16xf32>,
      %add3A_1144 = arith.addf %add3A_1139, %gather3A_1143 : vector<16xf32>
      %add3A_1145 = arith.constant 6 : i32
      %add3A_1146 = vector.broadcast %add3A_1145 : i32 to vector<16xi32>
      %add3A_1147 = arith.addi %mul3A_1118, %add3A_1146 : vector<16xi32>
      %gather3A_1148 = tpu.vector_load_idx %arg19[%add3A_1147] : memref<2176xf32, #tpu.memory_space<vmem>>[vector<16xi32>], vector<16xf32>,
      %add3A_1149 = arith.addf %add3A_1144, %gather3A_1148 : vector<16xf32>
      %add3A_1150 = arith.constant 7 : i32
      %add3A_1151 = vector.broadcast %add3A_1150 : i32 to vector<16xi32>
      %add3A_1152 = arith.addi %mul3A_1118, %add3A_1151 : vector<16xi32>
      %gather3A_1153 = tpu.vector_load_idx %arg19[%add3A_1152] : memref<2176xf32, #tpu.memory_space<vmem>>[vector<16xi32>], vector<16xf32>,
      %add3A_1154 = arith.addf %add3A_1149, %gather3A_1153 : vector<16xf32>
      %add3A_1155 = arith.constant 8 : i32
      %add3A_1156 = vector.broadcast %add3A_1155 : i32 to vector<16xi32>
      %add3A_1157 = arith.addi %mul3A_1118, %add3A_1156 : vector<16xi32>
      %gather3A_1158 = tpu.vector_load_idx %arg19[%add3A_1157] : memref<2176xf32, #tpu.memory_space<vmem>>[vector<16xi32>], vector<16xf32>,
      %add3A_1159 = arith.addf %add3A_1154, %gather3A_1158 : vector<16xf32>
      %add3A_1160 = arith.constant 9 : i32
      %add3A_1161 = vector.broadcast %add3A_1160 : i32 to vector<16xi32>
      %add3A_1162 = arith.addi %mul3A_1118, %add3A_1161 : vector<16xi32>
      %gather3A_1163 = tpu.vector_load_idx %arg19[%add3A_1162] : memref<2176xf32, #tpu.memory_space<vmem>>[vector<16xi32>], vector<16xf32>,
      %add3A_1164 = arith.addf %add3A_1159, %gather3A_1163 : vector<16xf32>
      %add3A_1165 = arith.constant 10 : i32
      %add3A_1166 = vector.broadcast %add3A_1165 : i32 to vector<16xi32>
      %add3A_1167 = arith.addi %mul3A_1118, %add3A_1166 : vector<16xi32>
      %gather3A_1168 = tpu.vector_load_idx %arg19[%add3A_1167] : memref<2176xf32, #tpu.memory_space<vmem>>[vector<16xi32>], vector<16xf32>,
      %add3A_1169 = arith.addf %add3A_1164, %gather3A_1168 : vector<16xf32>
      %add3A_1170 = arith.constant 11 : i32
      %add3A_1171 = vector.broadcast %add3A_1170 : i32 to vector<16xi32>
      %add3A_1172 = arith.addi %mul3A_1118, %add3A_1171 : vector<16xi32>
      %gather3A_1173 = tpu.vector_load_idx %arg19[%add3A_1172] : memref<2176xf32, #tpu.memory_space<vmem>>[vector<16xi32>], vector<16xf32>,
      %add3A_1174 = arith.addf %add3A_1169, %gather3A_1173 : vector<16xf32>
      %add3A_1175 = arith.constant 12 : i32
      %add3A_1176 = vector.broadcast %add3A_1175 : i32 to vector<16xi32>
      %add3A_1177 = arith.addi %mul3A_1118, %add3A_1176 : vector<16xi32>
      %gather3A_1178 = tpu.vector_load_idx %arg19[%add3A_1177] : memref<2176xf32, #tpu.memory_space<vmem>>[vector<16xi32>], vector<16xf32>,
      %add3A_1179 = arith.addf %add3A_1174, %gather3A_1178 : vector<16xf32>
      %add3A_1180 = arith.constant 13 : i32
      %add3A_1181 = vector.broadcast %add3A_1180 : i32 to vector<16xi32>
      %add3A_1182 = arith.addi %mul3A_1118, %add3A_1181 : vector<16xi32>
      %gather3A_1183 = tpu.vector_load_idx %arg19[%add3A_1182] : memref<2176xf32, #tpu.memory_space<vmem>>[vector<16xi32>], vector<16xf32>,
      %add3A_1184 = arith.addf %add3A_1179, %gather3A_1183 : vector<16xf32>
      %add3A_1185 = arith.constant 14 : i32
      %add3A_1186 = vector.broadcast %add3A_1185 : i32 to vector<16xi32>
      %add3A_1187 = arith.addi %mul3A_1118, %add3A_1186 : vector<16xi32>
      %gather3A_1188 = tpu.vector_load_idx %arg19[%add3A_1187] : memref<2176xf32, #tpu.memory_space<vmem>>[vector<16xi32>], vector<16xf32>,
      %add3A_1189 = arith.addf %add3A_1184, %gather3A_1188 : vector<16xf32>
      %add3A_1190 = arith.constant 15 : i32
      %add3A_1191 = vector.broadcast %add3A_1190 : i32 to vector<16xi32>
      %add3A_1192 = arith.addi %mul3A_1118, %add3A_1191 : vector<16xi32>
      %gather3A_1193 = tpu.vector_load_idx %arg19[%add3A_1192] : memref<2176xf32, #tpu.memory_space<vmem>>[vector<16xi32>], vector<16xf32>,
      %add3A_1194 = arith.addf %add3A_1189, %gather3A_1193 : vector<16xf32>
      %get3A_1195 = arith.index_cast %add3A_997 : i32 to index
      %get3A_1196 = arith.constant 16 : index
      %get3A_1197 = tpu.vector_load %arg16[%get3A_1195, %get3A_1196] {strides = array<i32>} : memref<4x128xf32, #tpu.memory_space<vmem>>, vector<16xf32>,
      %add3A_1198 = arith.addf %add3A_1194, %get3A_1197 : vector<16xf32>
      %get3A_1199 = arith.index_cast %add3A_997 : i32 to index
      %get3A_1200 = arith.constant 16 : index
      %get3A_1201 = tpu.vector_load %arg17[%get3A_1199, %get3A_1200] {strides = array<i32>} : memref<4x128xf32, #tpu.memory_space<vmem>>, vector<16xf32>,
      %add3A_1202 = arith.addf %add3A_1198, %get3A_1201 : vector<16xf32>
      %add3A_1203 = arith.addf %add3A_1202, %get3A_189 : vector<16xf32>
      %mul3A_1204 = arith.constant 128 : i32
      %mul3A_1205 = arith.muli %add3A_997, %mul3A_1204 : i32
      %add3A_1206 = arith.constant 16 : i32
      %add3A_1207 = arith.addi %mul3A_1205, %add3A_1206 : i32
      %swap3A_1208 = arith.index_cast %add3A_1207 : i32 to index
      %swap3A_1209 = tpu.vector_load %arg20[%swap3A_1208] {strides = array<i32>} : memref<512xf32, #tpu.memory_space<vmem>>, vector<16xf32>,
      tpu.vector_store %arg20[%swap3A_1208], %add3A_1203 {strides = array<i32>} : memref<512xf32, #tpu.memory_space<vmem>>, vector<16xf32>,
      %add3A_1210 = arith.constant 32 : i32
      %add3A_1211 = vector.broadcast %add3A_1210 : i32 to vector<16xi32>
      %add3A_1212 = arith.addi %iota3A, %add3A_1211 : vector<16xi32>
      %mul3A_1213 = arith.constant 17 : i32
      %mul3A_1214 = vector.broadcast %mul3A_1213 : i32 to vector<16xi32>
      %mul3A_1215 = arith.muli %add3A_1212, %mul3A_1214 : vector<16xi32>
      %gather3A_1216 = tpu.vector_load_idx %arg19[%mul3A_1215] : memref<2176xf32, #tpu.memory_space<vmem>>[vector<16xi32>], vector<16xf32>,
      %add3A_1217 = arith.constant 1 : i32
      %add3A_1218 = vector.broadcast %add3A_1217 : i32 to vector<16xi32>
      %add3A_1219 = arith.addi %mul3A_1215, %add3A_1218 : vector<16xi32>
      %gather3A_1220 = tpu.vector_load_idx %arg19[%add3A_1219] : memref<2176xf32, #tpu.memory_space<vmem>>[vector<16xi32>], vector<16xf32>,
      %add3A_1221 = arith.addf %gather3A_1216, %gather3A_1220 : vector<16xf32>
      %add3A_1222 = arith.constant 2 : i32
      %add3A_1223 = vector.broadcast %add3A_1222 : i32 to vector<16xi32>
      %add3A_1224 = arith.addi %mul3A_1215, %add3A_1223 : vector<16xi32>
      %gather3A_1225 = tpu.vector_load_idx %arg19[%add3A_1224] : memref<2176xf32, #tpu.memory_space<vmem>>[vector<16xi32>], vector<16xf32>,
      %add3A_1226 = arith.addf %add3A_1221, %gather3A_1225 : vector<16xf32>
      %add3A_1227 = arith.constant 3 : i32
      %add3A_1228 = vector.broadcast %add3A_1227 : i32 to vector<16xi32>
      %add3A_1229 = arith.addi %mul3A_1215, %add3A_1228 : vector<16xi32>
      %gather3A_1230 = tpu.vector_load_idx %arg19[%add3A_1229] : memref<2176xf32, #tpu.memory_space<vmem>>[vector<16xi32>], vector<16xf32>,
      %add3A_1231 = arith.addf %add3A_1226, %gather3A_1230 : vector<16xf32>
      %add3A_1232 = arith.constant 4 : i32
      %add3A_1233 = vector.broadcast %add3A_1232 : i32 to vector<16xi32>
      %add3A_1234 = arith.addi %mul3A_1215, %add3A_1233 : vector<16xi32>
      %gather3A_1235 = tpu.vector_load_idx %arg19[%add3A_1234] : memref<2176xf32, #tpu.memory_space<vmem>>[vector<16xi32>], vector<16xf32>,
      %add3A_1236 = arith.addf %add3A_1231, %gather3A_1235 : vector<16xf32>
      %add3A_1237 = arith.constant 5 : i32
      %add3A_1238 = vector.broadcast %add3A_1237 : i32 to vector<16xi32>
      %add3A_1239 = arith.addi %mul3A_1215, %add3A_1238 : vector<16xi32>
      %gather3A_1240 = tpu.vector_load_idx %arg19[%add3A_1239] : memref<2176xf32, #tpu.memory_space<vmem>>[vector<16xi32>], vector<16xf32>,
      %add3A_1241 = arith.addf %add3A_1236, %gather3A_1240 : vector<16xf32>
      %add3A_1242 = arith.constant 6 : i32
      %add3A_1243 = vector.broadcast %add3A_1242 : i32 to vector<16xi32>
      %add3A_1244 = arith.addi %mul3A_1215, %add3A_1243 : vector<16xi32>
      %gather3A_1245 = tpu.vector_load_idx %arg19[%add3A_1244] : memref<2176xf32, #tpu.memory_space<vmem>>[vector<16xi32>], vector<16xf32>,
      %add3A_1246 = arith.addf %add3A_1241, %gather3A_1245 : vector<16xf32>
      %add3A_1247 = arith.constant 7 : i32
      %add3A_1248 = vector.broadcast %add3A_1247 : i32 to vector<16xi32>
      %add3A_1249 = arith.addi %mul3A_1215, %add3A_1248 : vector<16xi32>
      %gather3A_1250 = tpu.vector_load_idx %arg19[%add3A_1249] : memref<2176xf32, #tpu.memory_space<vmem>>[vector<16xi32>], vector<16xf32>,
      %add3A_1251 = arith.addf %add3A_1246, %gather3A_1250 : vector<16xf32>
      %add3A_1252 = arith.constant 8 : i32
      %add3A_1253 = vector.broadcast %add3A_1252 : i32 to vector<16xi32>
      %add3A_1254 = arith.addi %mul3A_1215, %add3A_1253 : vector<16xi32>
      %gather3A_1255 = tpu.vector_load_idx %arg19[%add3A_1254] : memref<2176xf32, #tpu.memory_space<vmem>>[vector<16xi32>], vector<16xf32>,
      %add3A_1256 = arith.addf %add3A_1251, %gather3A_1255 : vector<16xf32>
      %add3A_1257 = arith.constant 9 : i32
      %add3A_1258 = vector.broadcast %add3A_1257 : i32 to vector<16xi32>
      %add3A_1259 = arith.addi %mul3A_1215, %add3A_1258 : vector<16xi32>
      %gather3A_1260 = tpu.vector_load_idx %arg19[%add3A_1259] : memref<2176xf32, #tpu.memory_space<vmem>>[vector<16xi32>], vector<16xf32>,
      %add3A_1261 = arith.addf %add3A_1256, %gather3A_1260 : vector<16xf32>
      %add3A_1262 = arith.constant 10 : i32
      %add3A_1263 = vector.broadcast %add3A_1262 : i32 to vector<16xi32>
      %add3A_1264 = arith.addi %mul3A_1215, %add3A_1263 : vector<16xi32>
      %gather3A_1265 = tpu.vector_load_idx %arg19[%add3A_1264] : memref<2176xf32, #tpu.memory_space<vmem>>[vector<16xi32>], vector<16xf32>,
      %add3A_1266 = arith.addf %add3A_1261, %gather3A_1265 : vector<16xf32>
      %add3A_1267 = arith.constant 11 : i32
      %add3A_1268 = vector.broadcast %add3A_1267 : i32 to vector<16xi32>
      %add3A_1269 = arith.addi %mul3A_1215, %add3A_1268 : vector<16xi32>
      %gather3A_1270 = tpu.vector_load_idx %arg19[%add3A_1269] : memref<2176xf32, #tpu.memory_space<vmem>>[vector<16xi32>], vector<16xf32>,
      %add3A_1271 = arith.addf %add3A_1266, %gather3A_1270 : vector<16xf32>
      %add3A_1272 = arith.constant 12 : i32
      %add3A_1273 = vector.broadcast %add3A_1272 : i32 to vector<16xi32>
      %add3A_1274 = arith.addi %mul3A_1215, %add3A_1273 : vector<16xi32>
      %gather3A_1275 = tpu.vector_load_idx %arg19[%add3A_1274] : memref<2176xf32, #tpu.memory_space<vmem>>[vector<16xi32>], vector<16xf32>,
      %add3A_1276 = arith.addf %add3A_1271, %gather3A_1275 : vector<16xf32>
      %add3A_1277 = arith.constant 13 : i32
      %add3A_1278 = vector.broadcast %add3A_1277 : i32 to vector<16xi32>
      %add3A_1279 = arith.addi %mul3A_1215, %add3A_1278 : vector<16xi32>
      %gather3A_1280 = tpu.vector_load_idx %arg19[%add3A_1279] : memref<2176xf32, #tpu.memory_space<vmem>>[vector<16xi32>], vector<16xf32>,
      %add3A_1281 = arith.addf %add3A_1276, %gather3A_1280 : vector<16xf32>
      %add3A_1282 = arith.constant 14 : i32
      %add3A_1283 = vector.broadcast %add3A_1282 : i32 to vector<16xi32>
      %add3A_1284 = arith.addi %mul3A_1215, %add3A_1283 : vector<16xi32>
      %gather3A_1285 = tpu.vector_load_idx %arg19[%add3A_1284] : memref<2176xf32, #tpu.memory_space<vmem>>[vector<16xi32>], vector<16xf32>,
      %add3A_1286 = arith.addf %add3A_1281, %gather3A_1285 : vector<16xf32>
      %add3A_1287 = arith.constant 15 : i32
      %add3A_1288 = vector.broadcast %add3A_1287 : i32 to vector<16xi32>
      %add3A_1289 = arith.addi %mul3A_1215, %add3A_1288 : vector<16xi32>
      %gather3A_1290 = tpu.vector_load_idx %arg19[%add3A_1289] : memref<2176xf32, #tpu.memory_space<vmem>>[vector<16xi32>], vector<16xf32>,
      %add3A_1291 = arith.addf %add3A_1286, %gather3A_1290 : vector<16xf32>
      %get3A_1292 = arith.index_cast %add3A_997 : i32 to index
      %get3A_1293 = arith.constant 32 : index
      %get3A_1294 = tpu.vector_load %arg16[%get3A_1292, %get3A_1293] {strides = array<i32>} : memref<4x128xf32, #tpu.memory_space<vmem>>, vector<16xf32>,
      %add3A_1295 = arith.addf %add3A_1291, %get3A_1294 : vector<16xf32>
      %get3A_1296 = arith.index_cast %add3A_997 : i32 to index
      %get3A_1297 = arith.constant 32 : index
      %get3A_1298 = tpu.vector_load %arg17[%get3A_1296, %get3A_1297] {strides = array<i32>} : memref<4x128xf32, #tpu.memory_space<vmem>>, vector<16xf32>,
      %add3A_1299 = arith.addf %add3A_1295, %get3A_1298 : vector<16xf32>
      %add3A_1300 = arith.addf %add3A_1299, %get3A_189 : vector<16xf32>
      %mul3A_1301 = arith.constant 128 : i32
      %mul3A_1302 = arith.muli %add3A_997, %mul3A_1301 : i32
      %add3A_1303 = arith.constant 32 : i32
      %add3A_1304 = arith.addi %mul3A_1302, %add3A_1303 : i32
      %swap3A_1305 = arith.index_cast %add3A_1304 : i32 to index
      %swap3A_1306 = tpu.vector_load %arg20[%swap3A_1305] {strides = array<i32>} : memref<512xf32, #tpu.memory_space<vmem>>, vector<16xf32>,
      tpu.vector_store %arg20[%swap3A_1305], %add3A_1300 {strides = array<i32>} : memref<512xf32, #tpu.memory_space<vmem>>, vector<16xf32>,
      %add3A_1307 = arith.constant 48 : i32
      %add3A_1308 = vector.broadcast %add3A_1307 : i32 to vector<16xi32>
      %add3A_1309 = arith.addi %iota3A, %add3A_1308 : vector<16xi32>
      %mul3A_1310 = arith.constant 17 : i32
      %mul3A_1311 = vector.broadcast %mul3A_1310 : i32 to vector<16xi32>
      %mul3A_1312 = arith.muli %add3A_1309, %mul3A_1311 : vector<16xi32>
      %gather3A_1313 = tpu.vector_load_idx %arg19[%mul3A_1312] : memref<2176xf32, #tpu.memory_space<vmem>>[vector<16xi32>], vector<16xf32>,
      %add3A_1314 = arith.constant 1 : i32
      %add3A_1315 = vector.broadcast %add3A_1314 : i32 to vector<16xi32>
      %add3A_1316 = arith.addi %mul3A_1312, %add3A_1315 : vector<16xi32>
      %gather3A_1317 = tpu.vector_load_idx %arg19[%add3A_1316] : memref<2176xf32, #tpu.memory_space<vmem>>[vector<16xi32>], vector<16xf32>,
      %add3A_1318 = arith.addf %gather3A_1313, %gather3A_1317 : vector<16xf32>
      %add3A_1319 = arith.constant 2 : i32
      %add3A_1320 = vector.broadcast %add3A_1319 : i32 to vector<16xi32>
      %add3A_1321 = arith.addi %mul3A_1312, %add3A_1320 : vector<16xi32>
      %gather3A_1322 = tpu.vector_load_idx %arg19[%add3A_1321] : memref<2176xf32, #tpu.memory_space<vmem>>[vector<16xi32>], vector<16xf32>,
      %add3A_1323 = arith.addf %add3A_1318, %gather3A_1322 : vector<16xf32>
      %add3A_1324 = arith.constant 3 : i32
      %add3A_1325 = vector.broadcast %add3A_1324 : i32 to vector<16xi32>
      %add3A_1326 = arith.addi %mul3A_1312, %add3A_1325 : vector<16xi32>
      %gather3A_1327 = tpu.vector_load_idx %arg19[%add3A_1326] : memref<2176xf32, #tpu.memory_space<vmem>>[vector<16xi32>], vector<16xf32>,
      %add3A_1328 = arith.addf %add3A_1323, %gather3A_1327 : vector<16xf32>
      %add3A_1329 = arith.constant 4 : i32
      %add3A_1330 = vector.broadcast %add3A_1329 : i32 to vector<16xi32>
      %add3A_1331 = arith.addi %mul3A_1312, %add3A_1330 : vector<16xi32>
      %gather3A_1332 = tpu.vector_load_idx %arg19[%add3A_1331] : memref<2176xf32, #tpu.memory_space<vmem>>[vector<16xi32>], vector<16xf32>,
      %add3A_1333 = arith.addf %add3A_1328, %gather3A_1332 : vector<16xf32>
      %add3A_1334 = arith.constant 5 : i32
      %add3A_1335 = vector.broadcast %add3A_1334 : i32 to vector<16xi32>
      %add3A_1336 = arith.addi %mul3A_1312, %add3A_1335 : vector<16xi32>
      %gather3A_1337 = tpu.vector_load_idx %arg19[%add3A_1336] : memref<2176xf32, #tpu.memory_space<vmem>>[vector<16xi32>], vector<16xf32>,
      %add3A_1338 = arith.addf %add3A_1333, %gather3A_1337 : vector<16xf32>
      %add3A_1339 = arith.constant 6 : i32
      %add3A_1340 = vector.broadcast %add3A_1339 : i32 to vector<16xi32>
      %add3A_1341 = arith.addi %mul3A_1312, %add3A_1340 : vector<16xi32>
      %gather3A_1342 = tpu.vector_load_idx %arg19[%add3A_1341] : memref<2176xf32, #tpu.memory_space<vmem>>[vector<16xi32>], vector<16xf32>,
      %add3A_1343 = arith.addf %add3A_1338, %gather3A_1342 : vector<16xf32>
      %add3A_1344 = arith.constant 7 : i32
      %add3A_1345 = vector.broadcast %add3A_1344 : i32 to vector<16xi32>
      %add3A_1346 = arith.addi %mul3A_1312, %add3A_1345 : vector<16xi32>
      %gather3A_1347 = tpu.vector_load_idx %arg19[%add3A_1346] : memref<2176xf32, #tpu.memory_space<vmem>>[vector<16xi32>], vector<16xf32>,
      %add3A_1348 = arith.addf %add3A_1343, %gather3A_1347 : vector<16xf32>
      %add3A_1349 = arith.constant 8 : i32
      %add3A_1350 = vector.broadcast %add3A_1349 : i32 to vector<16xi32>
      %add3A_1351 = arith.addi %mul3A_1312, %add3A_1350 : vector<16xi32>
      %gather3A_1352 = tpu.vector_load_idx %arg19[%add3A_1351] : memref<2176xf32, #tpu.memory_space<vmem>>[vector<16xi32>], vector<16xf32>,
      %add3A_1353 = arith.addf %add3A_1348, %gather3A_1352 : vector<16xf32>
      %add3A_1354 = arith.constant 9 : i32
      %add3A_1355 = vector.broadcast %add3A_1354 : i32 to vector<16xi32>
      %add3A_1356 = arith.addi %mul3A_1312, %add3A_1355 : vector<16xi32>
      %gather3A_1357 = tpu.vector_load_idx %arg19[%add3A_1356] : memref<2176xf32, #tpu.memory_space<vmem>>[vector<16xi32>], vector<16xf32>,
      %add3A_1358 = arith.addf %add3A_1353, %gather3A_1357 : vector<16xf32>
      %add3A_1359 = arith.constant 10 : i32
      %add3A_1360 = vector.broadcast %add3A_1359 : i32 to vector<16xi32>
      %add3A_1361 = arith.addi %mul3A_1312, %add3A_1360 : vector<16xi32>
      %gather3A_1362 = tpu.vector_load_idx %arg19[%add3A_1361] : memref<2176xf32, #tpu.memory_space<vmem>>[vector<16xi32>], vector<16xf32>,
      %add3A_1363 = arith.addf %add3A_1358, %gather3A_1362 : vector<16xf32>
      %add3A_1364 = arith.constant 11 : i32
      %add3A_1365 = vector.broadcast %add3A_1364 : i32 to vector<16xi32>
      %add3A_1366 = arith.addi %mul3A_1312, %add3A_1365 : vector<16xi32>
      %gather3A_1367 = tpu.vector_load_idx %arg19[%add3A_1366] : memref<2176xf32, #tpu.memory_space<vmem>>[vector<16xi32>], vector<16xf32>,
      %add3A_1368 = arith.addf %add3A_1363, %gather3A_1367 : vector<16xf32>
      %add3A_1369 = arith.constant 12 : i32
      %add3A_1370 = vector.broadcast %add3A_1369 : i32 to vector<16xi32>
      %add3A_1371 = arith.addi %mul3A_1312, %add3A_1370 : vector<16xi32>
      %gather3A_1372 = tpu.vector_load_idx %arg19[%add3A_1371] : memref<2176xf32, #tpu.memory_space<vmem>>[vector<16xi32>], vector<16xf32>,
      %add3A_1373 = arith.addf %add3A_1368, %gather3A_1372 : vector<16xf32>
      %add3A_1374 = arith.constant 13 : i32
      %add3A_1375 = vector.broadcast %add3A_1374 : i32 to vector<16xi32>
      %add3A_1376 = arith.addi %mul3A_1312, %add3A_1375 : vector<16xi32>
      %gather3A_1377 = tpu.vector_load_idx %arg19[%add3A_1376] : memref<2176xf32, #tpu.memory_space<vmem>>[vector<16xi32>], vector<16xf32>,
      %add3A_1378 = arith.addf %add3A_1373, %gather3A_1377 : vector<16xf32>
      %add3A_1379 = arith.constant 14 : i32
      %add3A_1380 = vector.broadcast %add3A_1379 : i32 to vector<16xi32>
      %add3A_1381 = arith.addi %mul3A_1312, %add3A_1380 : vector<16xi32>
      %gather3A_1382 = tpu.vector_load_idx %arg19[%add3A_1381] : memref<2176xf32, #tpu.memory_space<vmem>>[vector<16xi32>], vector<16xf32>,
      %add3A_1383 = arith.addf %add3A_1378, %gather3A_1382 : vector<16xf32>
      %add3A_1384 = arith.constant 15 : i32
      %add3A_1385 = vector.broadcast %add3A_1384 : i32 to vector<16xi32>
      %add3A_1386 = arith.addi %mul3A_1312, %add3A_1385 : vector<16xi32>
      %gather3A_1387 = tpu.vector_load_idx %arg19[%add3A_1386] : memref<2176xf32, #tpu.memory_space<vmem>>[vector<16xi32>], vector<16xf32>,
      %add3A_1388 = arith.addf %add3A_1383, %gather3A_1387 : vector<16xf32>
      %get3A_1389 = arith.index_cast %add3A_997 : i32 to index
      %get3A_1390 = arith.constant 48 : index
      %get3A_1391 = tpu.vector_load %arg16[%get3A_1389, %get3A_1390] {strides = array<i32>} : memref<4x128xf32, #tpu.memory_space<vmem>>, vector<16xf32>,
      %add3A_1392 = arith.addf %add3A_1388, %get3A_1391 : vector<16xf32>
      %get3A_1393 = arith.index_cast %add3A_997 : i32 to index
      %get3A_1394 = arith.constant 48 : index
      %get3A_1395 = tpu.vector_load %arg17[%get3A_1393, %get3A_1394] {strides = array<i32>} : memref<4x128xf32, #tpu.memory_space<vmem>>, vector<16xf32>,
      %add3A_1396 = arith.addf %add3A_1392, %get3A_1395 : vector<16xf32>
      %add3A_1397 = arith.addf %add3A_1396, %get3A_189 : vector<16xf32>
      %mul3A_1398 = arith.constant 128 : i32
      %mul3A_1399 = arith.muli %add3A_997, %mul3A_1398 : i32
      %add3A_1400 = arith.constant 48 : i32
      %add3A_1401 = arith.addi %mul3A_1399, %add3A_1400 : i32
      %swap3A_1402 = arith.index_cast %add3A_1401 : i32 to index
      %swap3A_1403 = tpu.vector_load %arg20[%swap3A_1402] {strides = array<i32>} : memref<512xf32, #tpu.memory_space<vmem>>, vector<16xf32>,
      tpu.vector_store %arg20[%swap3A_1402], %add3A_1397 {strides = array<i32>} : memref<512xf32, #tpu.memory_space<vmem>>, vector<16xf32>,
      %add3A_1404 = arith.constant 64 : i32
      %add3A_1405 = vector.broadcast %add3A_1404 : i32 to vector<16xi32>
      %add3A_1406 = arith.addi %iota3A, %add3A_1405 : vector<16xi32>
      %mul3A_1407 = arith.constant 17 : i32
      %mul3A_1408 = vector.broadcast %mul3A_1407 : i32 to vector<16xi32>
      %mul3A_1409 = arith.muli %add3A_1406, %mul3A_1408 : vector<16xi32>
      %gather3A_1410 = tpu.vector_load_idx %arg19[%mul3A_1409] : memref<2176xf32, #tpu.memory_space<vmem>>[vector<16xi32>], vector<16xf32>,
      %add3A_1411 = arith.constant 1 : i32
      %add3A_1412 = vector.broadcast %add3A_1411 : i32 to vector<16xi32>
      %add3A_1413 = arith.addi %mul3A_1409, %add3A_1412 : vector<16xi32>
      %gather3A_1414 = tpu.vector_load_idx %arg19[%add3A_1413] : memref<2176xf32, #tpu.memory_space<vmem>>[vector<16xi32>], vector<16xf32>,
      %add3A_1415 = arith.addf %gather3A_1410, %gather3A_1414 : vector<16xf32>
      %add3A_1416 = arith.constant 2 : i32
      %add3A_1417 = vector.broadcast %add3A_1416 : i32 to vector<16xi32>
      %add3A_1418 = arith.addi %mul3A_1409, %add3A_1417 : vector<16xi32>
      %gather3A_1419 = tpu.vector_load_idx %arg19[%add3A_1418] : memref<2176xf32, #tpu.memory_space<vmem>>[vector<16xi32>], vector<16xf32>,
      %add3A_1420 = arith.addf %add3A_1415, %gather3A_1419 : vector<16xf32>
      %add3A_1421 = arith.constant 3 : i32
      %add3A_1422 = vector.broadcast %add3A_1421 : i32 to vector<16xi32>
      %add3A_1423 = arith.addi %mul3A_1409, %add3A_1422 : vector<16xi32>
      %gather3A_1424 = tpu.vector_load_idx %arg19[%add3A_1423] : memref<2176xf32, #tpu.memory_space<vmem>>[vector<16xi32>], vector<16xf32>,
      %add3A_1425 = arith.addf %add3A_1420, %gather3A_1424 : vector<16xf32>
      %add3A_1426 = arith.constant 4 : i32
      %add3A_1427 = vector.broadcast %add3A_1426 : i32 to vector<16xi32>
      %add3A_1428 = arith.addi %mul3A_1409, %add3A_1427 : vector<16xi32>
      %gather3A_1429 = tpu.vector_load_idx %arg19[%add3A_1428] : memref<2176xf32, #tpu.memory_space<vmem>>[vector<16xi32>], vector<16xf32>,
      %add3A_1430 = arith.addf %add3A_1425, %gather3A_1429 : vector<16xf32>
      %add3A_1431 = arith.constant 5 : i32
      %add3A_1432 = vector.broadcast %add3A_1431 : i32 to vector<16xi32>
      %add3A_1433 = arith.addi %mul3A_1409, %add3A_1432 : vector<16xi32>
      %gather3A_1434 = tpu.vector_load_idx %arg19[%add3A_1433] : memref<2176xf32, #tpu.memory_space<vmem>>[vector<16xi32>], vector<16xf32>,
      %add3A_1435 = arith.addf %add3A_1430, %gather3A_1434 : vector<16xf32>
      %add3A_1436 = arith.constant 6 : i32
      %add3A_1437 = vector.broadcast %add3A_1436 : i32 to vector<16xi32>
      %add3A_1438 = arith.addi %mul3A_1409, %add3A_1437 : vector<16xi32>
      %gather3A_1439 = tpu.vector_load_idx %arg19[%add3A_1438] : memref<2176xf32, #tpu.memory_space<vmem>>[vector<16xi32>], vector<16xf32>,
      %add3A_1440 = arith.addf %add3A_1435, %gather3A_1439 : vector<16xf32>
      %add3A_1441 = arith.constant 7 : i32
      %add3A_1442 = vector.broadcast %add3A_1441 : i32 to vector<16xi32>
      %add3A_1443 = arith.addi %mul3A_1409, %add3A_1442 : vector<16xi32>
      %gather3A_1444 = tpu.vector_load_idx %arg19[%add3A_1443] : memref<2176xf32, #tpu.memory_space<vmem>>[vector<16xi32>], vector<16xf32>,
      %add3A_1445 = arith.addf %add3A_1440, %gather3A_1444 : vector<16xf32>
      %add3A_1446 = arith.constant 8 : i32
      %add3A_1447 = vector.broadcast %add3A_1446 : i32 to vector<16xi32>
      %add3A_1448 = arith.addi %mul3A_1409, %add3A_1447 : vector<16xi32>
      %gather3A_1449 = tpu.vector_load_idx %arg19[%add3A_1448] : memref<2176xf32, #tpu.memory_space<vmem>>[vector<16xi32>], vector<16xf32>,
      %add3A_1450 = arith.addf %add3A_1445, %gather3A_1449 : vector<16xf32>
      %add3A_1451 = arith.constant 9 : i32
      %add3A_1452 = vector.broadcast %add3A_1451 : i32 to vector<16xi32>
      %add3A_1453 = arith.addi %mul3A_1409, %add3A_1452 : vector<16xi32>
      %gather3A_1454 = tpu.vector_load_idx %arg19[%add3A_1453] : memref<2176xf32, #tpu.memory_space<vmem>>[vector<16xi32>], vector<16xf32>,
      %add3A_1455 = arith.addf %add3A_1450, %gather3A_1454 : vector<16xf32>
      %add3A_1456 = arith.constant 10 : i32
      %add3A_1457 = vector.broadcast %add3A_1456 : i32 to vector<16xi32>
      %add3A_1458 = arith.addi %mul3A_1409, %add3A_1457 : vector<16xi32>
      %gather3A_1459 = tpu.vector_load_idx %arg19[%add3A_1458] : memref<2176xf32, #tpu.memory_space<vmem>>[vector<16xi32>], vector<16xf32>,
      %add3A_1460 = arith.addf %add3A_1455, %gather3A_1459 : vector<16xf32>
      %add3A_1461 = arith.constant 11 : i32
      %add3A_1462 = vector.broadcast %add3A_1461 : i32 to vector<16xi32>
      %add3A_1463 = arith.addi %mul3A_1409, %add3A_1462 : vector<16xi32>
      %gather3A_1464 = tpu.vector_load_idx %arg19[%add3A_1463] : memref<2176xf32, #tpu.memory_space<vmem>>[vector<16xi32>], vector<16xf32>,
      %add3A_1465 = arith.addf %add3A_1460, %gather3A_1464 : vector<16xf32>
      %add3A_1466 = arith.constant 12 : i32
      %add3A_1467 = vector.broadcast %add3A_1466 : i32 to vector<16xi32>
      %add3A_1468 = arith.addi %mul3A_1409, %add3A_1467 : vector<16xi32>
      %gather3A_1469 = tpu.vector_load_idx %arg19[%add3A_1468] : memref<2176xf32, #tpu.memory_space<vmem>>[vector<16xi32>], vector<16xf32>,
      %add3A_1470 = arith.addf %add3A_1465, %gather3A_1469 : vector<16xf32>
      %add3A_1471 = arith.constant 13 : i32
      %add3A_1472 = vector.broadcast %add3A_1471 : i32 to vector<16xi32>
      %add3A_1473 = arith.addi %mul3A_1409, %add3A_1472 : vector<16xi32>
      %gather3A_1474 = tpu.vector_load_idx %arg19[%add3A_1473] : memref<2176xf32, #tpu.memory_space<vmem>>[vector<16xi32>], vector<16xf32>,
      %add3A_1475 = arith.addf %add3A_1470, %gather3A_1474 : vector<16xf32>
      %add3A_1476 = arith.constant 14 : i32
      %add3A_1477 = vector.broadcast %add3A_1476 : i32 to vector<16xi32>
      %add3A_1478 = arith.addi %mul3A_1409, %add3A_1477 : vector<16xi32>
      %gather3A_1479 = tpu.vector_load_idx %arg19[%add3A_1478] : memref<2176xf32, #tpu.memory_space<vmem>>[vector<16xi32>], vector<16xf32>,
      %add3A_1480 = arith.addf %add3A_1475, %gather3A_1479 : vector<16xf32>
      %add3A_1481 = arith.constant 15 : i32
      %add3A_1482 = vector.broadcast %add3A_1481 : i32 to vector<16xi32>
      %add3A_1483 = arith.addi %mul3A_1409, %add3A_1482 : vector<16xi32>
      %gather3A_1484 = tpu.vector_load_idx %arg19[%add3A_1483] : memref<2176xf32, #tpu.memory_space<vmem>>[vector<16xi32>], vector<16xf32>,
      %add3A_1485 = arith.addf %add3A_1480, %gather3A_1484 : vector<16xf32>
      %get3A_1486 = arith.index_cast %add3A_997 : i32 to index
      %get3A_1487 = arith.constant 64 : index
      %get3A_1488 = tpu.vector_load %arg16[%get3A_1486, %get3A_1487] {strides = array<i32>} : memref<4x128xf32, #tpu.memory_space<vmem>>, vector<16xf32>,
      %add3A_1489 = arith.addf %add3A_1485, %get3A_1488 : vector<16xf32>
      %get3A_1490 = arith.index_cast %add3A_997 : i32 to index
      %get3A_1491 = arith.constant 64 : index
      %get3A_1492 = tpu.vector_load %arg17[%get3A_1490, %get3A_1491] {strides = array<i32>} : memref<4x128xf32, #tpu.memory_space<vmem>>, vector<16xf32>,
      %add3A_1493 = arith.addf %add3A_1489, %get3A_1492 : vector<16xf32>
      %add3A_1494 = arith.addf %add3A_1493, %get3A_189 : vector<16xf32>
      %mul3A_1495 = arith.constant 128 : i32
      %mul3A_1496 = arith.muli %add3A_997, %mul3A_1495 : i32
      %add3A_1497 = arith.constant 64 : i32
      %add3A_1498 = arith.addi %mul3A_1496, %add3A_1497 : i32
      %swap3A_1499 = arith.index_cast %add3A_1498 : i32 to index
      %swap3A_1500 = tpu.vector_load %arg20[%swap3A_1499] {strides = array<i32>} : memref<512xf32, #tpu.memory_space<vmem>>, vector<16xf32>,
      tpu.vector_store %arg20[%swap3A_1499], %add3A_1494 {strides = array<i32>} : memref<512xf32, #tpu.memory_space<vmem>>, vector<16xf32>,
      %add3A_1501 = arith.constant 80 : i32
      %add3A_1502 = vector.broadcast %add3A_1501 : i32 to vector<16xi32>
      %add3A_1503 = arith.addi %iota3A, %add3A_1502 : vector<16xi32>
      %mul3A_1504 = arith.constant 17 : i32
      %mul3A_1505 = vector.broadcast %mul3A_1504 : i32 to vector<16xi32>
      %mul3A_1506 = arith.muli %add3A_1503, %mul3A_1505 : vector<16xi32>
      %gather3A_1507 = tpu.vector_load_idx %arg19[%mul3A_1506] : memref<2176xf32, #tpu.memory_space<vmem>>[vector<16xi32>], vector<16xf32>,
      %add3A_1508 = arith.constant 1 : i32
      %add3A_1509 = vector.broadcast %add3A_1508 : i32 to vector<16xi32>
      %add3A_1510 = arith.addi %mul3A_1506, %add3A_1509 : vector<16xi32>
      %gather3A_1511 = tpu.vector_load_idx %arg19[%add3A_1510] : memref<2176xf32, #tpu.memory_space<vmem>>[vector<16xi32>], vector<16xf32>,
      %add3A_1512 = arith.addf %gather3A_1507, %gather3A_1511 : vector<16xf32>
      %add3A_1513 = arith.constant 2 : i32
      %add3A_1514 = vector.broadcast %add3A_1513 : i32 to vector<16xi32>
      %add3A_1515 = arith.addi %mul3A_1506, %add3A_1514 : vector<16xi32>
      %gather3A_1516 = tpu.vector_load_idx %arg19[%add3A_1515] : memref<2176xf32, #tpu.memory_space<vmem>>[vector<16xi32>], vector<16xf32>,
      %add3A_1517 = arith.addf %add3A_1512, %gather3A_1516 : vector<16xf32>
      %add3A_1518 = arith.constant 3 : i32
      %add3A_1519 = vector.broadcast %add3A_1518 : i32 to vector<16xi32>
      %add3A_1520 = arith.addi %mul3A_1506, %add3A_1519 : vector<16xi32>
      %gather3A_1521 = tpu.vector_load_idx %arg19[%add3A_1520] : memref<2176xf32, #tpu.memory_space<vmem>>[vector<16xi32>], vector<16xf32>,
      %add3A_1522 = arith.addf %add3A_1517, %gather3A_1521 : vector<16xf32>
      %add3A_1523 = arith.constant 4 : i32
      %add3A_1524 = vector.broadcast %add3A_1523 : i32 to vector<16xi32>
      %add3A_1525 = arith.addi %mul3A_1506, %add3A_1524 : vector<16xi32>
      %gather3A_1526 = tpu.vector_load_idx %arg19[%add3A_1525] : memref<2176xf32, #tpu.memory_space<vmem>>[vector<16xi32>], vector<16xf32>,
      %add3A_1527 = arith.addf %add3A_1522, %gather3A_1526 : vector<16xf32>
      %add3A_1528 = arith.constant 5 : i32
      %add3A_1529 = vector.broadcast %add3A_1528 : i32 to vector<16xi32>
      %add3A_1530 = arith.addi %mul3A_1506, %add3A_1529 : vector<16xi32>
      %gather3A_1531 = tpu.vector_load_idx %arg19[%add3A_1530] : memref<2176xf32, #tpu.memory_space<vmem>>[vector<16xi32>], vector<16xf32>,
      %add3A_1532 = arith.addf %add3A_1527, %gather3A_1531 : vector<16xf32>
      %add3A_1533 = arith.constant 6 : i32
      %add3A_1534 = vector.broadcast %add3A_1533 : i32 to vector<16xi32>
      %add3A_1535 = arith.addi %mul3A_1506, %add3A_1534 : vector<16xi32>
      %gather3A_1536 = tpu.vector_load_idx %arg19[%add3A_1535] : memref<2176xf32, #tpu.memory_space<vmem>>[vector<16xi32>], vector<16xf32>,
      %add3A_1537 = arith.addf %add3A_1532, %gather3A_1536 : vector<16xf32>
      %add3A_1538 = arith.constant 7 : i32
      %add3A_1539 = vector.broadcast %add3A_1538 : i32 to vector<16xi32>
      %add3A_1540 = arith.addi %mul3A_1506, %add3A_1539 : vector<16xi32>
      %gather3A_1541 = tpu.vector_load_idx %arg19[%add3A_1540] : memref<2176xf32, #tpu.memory_space<vmem>>[vector<16xi32>], vector<16xf32>,
      %add3A_1542 = arith.addf %add3A_1537, %gather3A_1541 : vector<16xf32>
      %add3A_1543 = arith.constant 8 : i32
      %add3A_1544 = vector.broadcast %add3A_1543 : i32 to vector<16xi32>
      %add3A_1545 = arith.addi %mul3A_1506, %add3A_1544 : vector<16xi32>
      %gather3A_1546 = tpu.vector_load_idx %arg19[%add3A_1545] : memref<2176xf32, #tpu.memory_space<vmem>>[vector<16xi32>], vector<16xf32>,
      %add3A_1547 = arith.addf %add3A_1542, %gather3A_1546 : vector<16xf32>
      %add3A_1548 = arith.constant 9 : i32
      %add3A_1549 = vector.broadcast %add3A_1548 : i32 to vector<16xi32>
      %add3A_1550 = arith.addi %mul3A_1506, %add3A_1549 : vector<16xi32>
      %gather3A_1551 = tpu.vector_load_idx %arg19[%add3A_1550] : memref<2176xf32, #tpu.memory_space<vmem>>[vector<16xi32>], vector<16xf32>,
      %add3A_1552 = arith.addf %add3A_1547, %gather3A_1551 : vector<16xf32>
      %add3A_1553 = arith.constant 10 : i32
      %add3A_1554 = vector.broadcast %add3A_1553 : i32 to vector<16xi32>
      %add3A_1555 = arith.addi %mul3A_1506, %add3A_1554 : vector<16xi32>
      %gather3A_1556 = tpu.vector_load_idx %arg19[%add3A_1555] : memref<2176xf32, #tpu.memory_space<vmem>>[vector<16xi32>], vector<16xf32>,
      %add3A_1557 = arith.addf %add3A_1552, %gather3A_1556 : vector<16xf32>
      %add3A_1558 = arith.constant 11 : i32
      %add3A_1559 = vector.broadcast %add3A_1558 : i32 to vector<16xi32>
      %add3A_1560 = arith.addi %mul3A_1506, %add3A_1559 : vector<16xi32>
      %gather3A_1561 = tpu.vector_load_idx %arg19[%add3A_1560] : memref<2176xf32, #tpu.memory_space<vmem>>[vector<16xi32>], vector<16xf32>,
      %add3A_1562 = arith.addf %add3A_1557, %gather3A_1561 : vector<16xf32>
      %add3A_1563 = arith.constant 12 : i32
      %add3A_1564 = vector.broadcast %add3A_1563 : i32 to vector<16xi32>
      %add3A_1565 = arith.addi %mul3A_1506, %add3A_1564 : vector<16xi32>
      %gather3A_1566 = tpu.vector_load_idx %arg19[%add3A_1565] : memref<2176xf32, #tpu.memory_space<vmem>>[vector<16xi32>], vector<16xf32>,
      %add3A_1567 = arith.addf %add3A_1562, %gather3A_1566 : vector<16xf32>
      %add3A_1568 = arith.constant 13 : i32
      %add3A_1569 = vector.broadcast %add3A_1568 : i32 to vector<16xi32>
      %add3A_1570 = arith.addi %mul3A_1506, %add3A_1569 : vector<16xi32>
      %gather3A_1571 = tpu.vector_load_idx %arg19[%add3A_1570] : memref<2176xf32, #tpu.memory_space<vmem>>[vector<16xi32>], vector<16xf32>,
      %add3A_1572 = arith.addf %add3A_1567, %gather3A_1571 : vector<16xf32>
      %add3A_1573 = arith.constant 14 : i32
      %add3A_1574 = vector.broadcast %add3A_1573 : i32 to vector<16xi32>
      %add3A_1575 = arith.addi %mul3A_1506, %add3A_1574 : vector<16xi32>
      %gather3A_1576 = tpu.vector_load_idx %arg19[%add3A_1575] : memref<2176xf32, #tpu.memory_space<vmem>>[vector<16xi32>], vector<16xf32>,
      %add3A_1577 = arith.addf %add3A_1572, %gather3A_1576 : vector<16xf32>
      %add3A_1578 = arith.constant 15 : i32
      %add3A_1579 = vector.broadcast %add3A_1578 : i32 to vector<16xi32>
      %add3A_1580 = arith.addi %mul3A_1506, %add3A_1579 : vector<16xi32>
      %gather3A_1581 = tpu.vector_load_idx %arg19[%add3A_1580] : memref<2176xf32, #tpu.memory_space<vmem>>[vector<16xi32>], vector<16xf32>,
      %add3A_1582 = arith.addf %add3A_1577, %gather3A_1581 : vector<16xf32>
      %get3A_1583 = arith.index_cast %add3A_997 : i32 to index
      %get3A_1584 = arith.constant 80 : index
      %get3A_1585 = tpu.vector_load %arg16[%get3A_1583, %get3A_1584] {strides = array<i32>} : memref<4x128xf32, #tpu.memory_space<vmem>>, vector<16xf32>,
      %add3A_1586 = arith.addf %add3A_1582, %get3A_1585 : vector<16xf32>
      %get3A_1587 = arith.index_cast %add3A_997 : i32 to index
      %get3A_1588 = arith.constant 80 : index
      %get3A_1589 = tpu.vector_load %arg17[%get3A_1587, %get3A_1588] {strides = array<i32>} : memref<4x128xf32, #tpu.memory_space<vmem>>, vector<16xf32>,
      %add3A_1590 = arith.addf %add3A_1586, %get3A_1589 : vector<16xf32>
      %add3A_1591 = arith.addf %add3A_1590, %get3A_189 : vector<16xf32>
      %mul3A_1592 = arith.constant 128 : i32
      %mul3A_1593 = arith.muli %add3A_997, %mul3A_1592 : i32
      %add3A_1594 = arith.constant 80 : i32
      %add3A_1595 = arith.addi %mul3A_1593, %add3A_1594 : i32
      %swap3A_1596 = arith.index_cast %add3A_1595 : i32 to index
      %swap3A_1597 = tpu.vector_load %arg20[%swap3A_1596] {strides = array<i32>} : memref<512xf32, #tpu.memory_space<vmem>>, vector<16xf32>,
      tpu.vector_store %arg20[%swap3A_1596], %add3A_1591 {strides = array<i32>} : memref<512xf32, #tpu.memory_space<vmem>>, vector<16xf32>,
      %add3A_1598 = arith.constant 96 : i32
      %add3A_1599 = vector.broadcast %add3A_1598 : i32 to vector<16xi32>
      %add3A_1600 = arith.addi %iota3A, %add3A_1599 : vector<16xi32>
      %mul3A_1601 = arith.constant 17 : i32
      %mul3A_1602 = vector.broadcast %mul3A_1601 : i32 to vector<16xi32>
      %mul3A_1603 = arith.muli %add3A_1600, %mul3A_1602 : vector<16xi32>
      %gather3A_1604 = tpu.vector_load_idx %arg19[%mul3A_1603] : memref<2176xf32, #tpu.memory_space<vmem>>[vector<16xi32>], vector<16xf32>,
      %add3A_1605 = arith.constant 1 : i32
      %add3A_1606 = vector.broadcast %add3A_1605 : i32 to vector<16xi32>
      %add3A_1607 = arith.addi %mul3A_1603, %add3A_1606 : vector<16xi32>
      %gather3A_1608 = tpu.vector_load_idx %arg19[%add3A_1607] : memref<2176xf32, #tpu.memory_space<vmem>>[vector<16xi32>], vector<16xf32>,
      %add3A_1609 = arith.addf %gather3A_1604, %gather3A_1608 : vector<16xf32>
      %add3A_1610 = arith.constant 2 : i32
      %add3A_1611 = vector.broadcast %add3A_1610 : i32 to vector<16xi32>
      %add3A_1612 = arith.addi %mul3A_1603, %add3A_1611 : vector<16xi32>
      %gather3A_1613 = tpu.vector_load_idx %arg19[%add3A_1612] : memref<2176xf32, #tpu.memory_space<vmem>>[vector<16xi32>], vector<16xf32>,
      %add3A_1614 = arith.addf %add3A_1609, %gather3A_1613 : vector<16xf32>
      %add3A_1615 = arith.constant 3 : i32
      %add3A_1616 = vector.broadcast %add3A_1615 : i32 to vector<16xi32>
      %add3A_1617 = arith.addi %mul3A_1603, %add3A_1616 : vector<16xi32>
      %gather3A_1618 = tpu.vector_load_idx %arg19[%add3A_1617] : memref<2176xf32, #tpu.memory_space<vmem>>[vector<16xi32>], vector<16xf32>,
      %add3A_1619 = arith.addf %add3A_1614, %gather3A_1618 : vector<16xf32>
      %add3A_1620 = arith.constant 4 : i32
      %add3A_1621 = vector.broadcast %add3A_1620 : i32 to vector<16xi32>
      %add3A_1622 = arith.addi %mul3A_1603, %add3A_1621 : vector<16xi32>
      %gather3A_1623 = tpu.vector_load_idx %arg19[%add3A_1622] : memref<2176xf32, #tpu.memory_space<vmem>>[vector<16xi32>], vector<16xf32>,
      %add3A_1624 = arith.addf %add3A_1619, %gather3A_1623 : vector<16xf32>
      %add3A_1625 = arith.constant 5 : i32
      %add3A_1626 = vector.broadcast %add3A_1625 : i32 to vector<16xi32>
      %add3A_1627 = arith.addi %mul3A_1603, %add3A_1626 : vector<16xi32>
      %gather3A_1628 = tpu.vector_load_idx %arg19[%add3A_1627] : memref<2176xf32, #tpu.memory_space<vmem>>[vector<16xi32>], vector<16xf32>,
      %add3A_1629 = arith.addf %add3A_1624, %gather3A_1628 : vector<16xf32>
      %add3A_1630 = arith.constant 6 : i32
      %add3A_1631 = vector.broadcast %add3A_1630 : i32 to vector<16xi32>
      %add3A_1632 = arith.addi %mul3A_1603, %add3A_1631 : vector<16xi32>
      %gather3A_1633 = tpu.vector_load_idx %arg19[%add3A_1632] : memref<2176xf32, #tpu.memory_space<vmem>>[vector<16xi32>], vector<16xf32>,
      %add3A_1634 = arith.addf %add3A_1629, %gather3A_1633 : vector<16xf32>
      %add3A_1635 = arith.constant 7 : i32
      %add3A_1636 = vector.broadcast %add3A_1635 : i32 to vector<16xi32>
      %add3A_1637 = arith.addi %mul3A_1603, %add3A_1636 : vector<16xi32>
      %gather3A_1638 = tpu.vector_load_idx %arg19[%add3A_1637] : memref<2176xf32, #tpu.memory_space<vmem>>[vector<16xi32>], vector<16xf32>,
      %add3A_1639 = arith.addf %add3A_1634, %gather3A_1638 : vector<16xf32>
      %add3A_1640 = arith.constant 8 : i32
      %add3A_1641 = vector.broadcast %add3A_1640 : i32 to vector<16xi32>
      %add3A_1642 = arith.addi %mul3A_1603, %add3A_1641 : vector<16xi32>
      %gather3A_1643 = tpu.vector_load_idx %arg19[%add3A_1642] : memref<2176xf32, #tpu.memory_space<vmem>>[vector<16xi32>], vector<16xf32>,
      %add3A_1644 = arith.addf %add3A_1639, %gather3A_1643 : vector<16xf32>
      %add3A_1645 = arith.constant 9 : i32
      %add3A_1646 = vector.broadcast %add3A_1645 : i32 to vector<16xi32>
      %add3A_1647 = arith.addi %mul3A_1603, %add3A_1646 : vector<16xi32>
      %gather3A_1648 = tpu.vector_load_idx %arg19[%add3A_1647] : memref<2176xf32, #tpu.memory_space<vmem>>[vector<16xi32>], vector<16xf32>,
      %add3A_1649 = arith.addf %add3A_1644, %gather3A_1648 : vector<16xf32>
      %add3A_1650 = arith.constant 10 : i32
      %add3A_1651 = vector.broadcast %add3A_1650 : i32 to vector<16xi32>
      %add3A_1652 = arith.addi %mul3A_1603, %add3A_1651 : vector<16xi32>
      %gather3A_1653 = tpu.vector_load_idx %arg19[%add3A_1652] : memref<2176xf32, #tpu.memory_space<vmem>>[vector<16xi32>], vector<16xf32>,
      %add3A_1654 = arith.addf %add3A_1649, %gather3A_1653 : vector<16xf32>
      %add3A_1655 = arith.constant 11 : i32
      %add3A_1656 = vector.broadcast %add3A_1655 : i32 to vector<16xi32>
      %add3A_1657 = arith.addi %mul3A_1603, %add3A_1656 : vector<16xi32>
      %gather3A_1658 = tpu.vector_load_idx %arg19[%add3A_1657] : memref<2176xf32, #tpu.memory_space<vmem>>[vector<16xi32>], vector<16xf32>,
      %add3A_1659 = arith.addf %add3A_1654, %gather3A_1658 : vector<16xf32>
      %add3A_1660 = arith.constant 12 : i32
      %add3A_1661 = vector.broadcast %add3A_1660 : i32 to vector<16xi32>
      %add3A_1662 = arith.addi %mul3A_1603, %add3A_1661 : vector<16xi32>
      %gather3A_1663 = tpu.vector_load_idx %arg19[%add3A_1662] : memref<2176xf32, #tpu.memory_space<vmem>>[vector<16xi32>], vector<16xf32>,
      %add3A_1664 = arith.addf %add3A_1659, %gather3A_1663 : vector<16xf32>
      %add3A_1665 = arith.constant 13 : i32
      %add3A_1666 = vector.broadcast %add3A_1665 : i32 to vector<16xi32>
      %add3A_1667 = arith.addi %mul3A_1603, %add3A_1666 : vector<16xi32>
      %gather3A_1668 = tpu.vector_load_idx %arg19[%add3A_1667] : memref<2176xf32, #tpu.memory_space<vmem>>[vector<16xi32>], vector<16xf32>,
      %add3A_1669 = arith.addf %add3A_1664, %gather3A_1668 : vector<16xf32>
      %add3A_1670 = arith.constant 14 : i32
      %add3A_1671 = vector.broadcast %add3A_1670 : i32 to vector<16xi32>
      %add3A_1672 = arith.addi %mul3A_1603, %add3A_1671 : vector<16xi32>
      %gather3A_1673 = tpu.vector_load_idx %arg19[%add3A_1672] : memref<2176xf32, #tpu.memory_space<vmem>>[vector<16xi32>], vector<16xf32>,
      %add3A_1674 = arith.addf %add3A_1669, %gather3A_1673 : vector<16xf32>
      %add3A_1675 = arith.constant 15 : i32
      %add3A_1676 = vector.broadcast %add3A_1675 : i32 to vector<16xi32>
      %add3A_1677 = arith.addi %mul3A_1603, %add3A_1676 : vector<16xi32>
      %gather3A_1678 = tpu.vector_load_idx %arg19[%add3A_1677] : memref<2176xf32, #tpu.memory_space<vmem>>[vector<16xi32>], vector<16xf32>,
      %add3A_1679 = arith.addf %add3A_1674, %gather3A_1678 : vector<16xf32>
      %get3A_1680 = arith.index_cast %add3A_997 : i32 to index
      %get3A_1681 = arith.constant 96 : index
      %get3A_1682 = tpu.vector_load %arg16[%get3A_1680, %get3A_1681] {strides = array<i32>} : memref<4x128xf32, #tpu.memory_space<vmem>>, vector<16xf32>,
      %add3A_1683 = arith.addf %add3A_1679, %get3A_1682 : vector<16xf32>
      %get3A_1684 = arith.index_cast %add3A_997 : i32 to index
      %get3A_1685 = arith.constant 96 : index
      %get3A_1686 = tpu.vector_load %arg17[%get3A_1684, %get3A_1685] {strides = array<i32>} : memref<4x128xf32, #tpu.memory_space<vmem>>, vector<16xf32>,
      %add3A_1687 = arith.addf %add3A_1683, %get3A_1686 : vector<16xf32>
      %add3A_1688 = arith.addf %add3A_1687, %get3A_189 : vector<16xf32>
      %mul3A_1689 = arith.constant 128 : i32
      %mul3A_1690 = arith.muli %add3A_997, %mul3A_1689 : i32
      %add3A_1691 = arith.constant 96 : i32
      %add3A_1692 = arith.addi %mul3A_1690, %add3A_1691 : i32
      %swap3A_1693 = arith.index_cast %add3A_1692 : i32 to index
      %swap3A_1694 = tpu.vector_load %arg20[%swap3A_1693] {strides = array<i32>} : memref<512xf32, #tpu.memory_space<vmem>>, vector<16xf32>,
      tpu.vector_store %arg20[%swap3A_1693], %add3A_1688 {strides = array<i32>} : memref<512xf32, #tpu.memory_space<vmem>>, vector<16xf32>,
      %add3A_1695 = arith.constant 112 : i32
      %add3A_1696 = vector.broadcast %add3A_1695 : i32 to vector<16xi32>
      %add3A_1697 = arith.addi %iota3A, %add3A_1696 : vector<16xi32>
      %mul3A_1698 = arith.constant 17 : i32
      %mul3A_1699 = vector.broadcast %mul3A_1698 : i32 to vector<16xi32>
      %mul3A_1700 = arith.muli %add3A_1697, %mul3A_1699 : vector<16xi32>
      %gather3A_1701 = tpu.vector_load_idx %arg19[%mul3A_1700] : memref<2176xf32, #tpu.memory_space<vmem>>[vector<16xi32>], vector<16xf32>,
      %add3A_1702 = arith.constant 1 : i32
      %add3A_1703 = vector.broadcast %add3A_1702 : i32 to vector<16xi32>
      %add3A_1704 = arith.addi %mul3A_1700, %add3A_1703 : vector<16xi32>
      %gather3A_1705 = tpu.vector_load_idx %arg19[%add3A_1704] : memref<2176xf32, #tpu.memory_space<vmem>>[vector<16xi32>], vector<16xf32>,
      %add3A_1706 = arith.addf %gather3A_1701, %gather3A_1705 : vector<16xf32>
      %add3A_1707 = arith.constant 2 : i32
      %add3A_1708 = vector.broadcast %add3A_1707 : i32 to vector<16xi32>
      %add3A_1709 = arith.addi %mul3A_1700, %add3A_1708 : vector<16xi32>
      %gather3A_1710 = tpu.vector_load_idx %arg19[%add3A_1709] : memref<2176xf32, #tpu.memory_space<vmem>>[vector<16xi32>], vector<16xf32>,
      %add3A_1711 = arith.addf %add3A_1706, %gather3A_1710 : vector<16xf32>
      %add3A_1712 = arith.constant 3 : i32
      %add3A_1713 = vector.broadcast %add3A_1712 : i32 to vector<16xi32>
      %add3A_1714 = arith.addi %mul3A_1700, %add3A_1713 : vector<16xi32>
      %gather3A_1715 = tpu.vector_load_idx %arg19[%add3A_1714] : memref<2176xf32, #tpu.memory_space<vmem>>[vector<16xi32>], vector<16xf32>,
      %add3A_1716 = arith.addf %add3A_1711, %gather3A_1715 : vector<16xf32>
      %add3A_1717 = arith.constant 4 : i32
      %add3A_1718 = vector.broadcast %add3A_1717 : i32 to vector<16xi32>
      %add3A_1719 = arith.addi %mul3A_1700, %add3A_1718 : vector<16xi32>
      %gather3A_1720 = tpu.vector_load_idx %arg19[%add3A_1719] : memref<2176xf32, #tpu.memory_space<vmem>>[vector<16xi32>], vector<16xf32>,
      %add3A_1721 = arith.addf %add3A_1716, %gather3A_1720 : vector<16xf32>
      %add3A_1722 = arith.constant 5 : i32
      %add3A_1723 = vector.broadcast %add3A_1722 : i32 to vector<16xi32>
      %add3A_1724 = arith.addi %mul3A_1700, %add3A_1723 : vector<16xi32>
      %gather3A_1725 = tpu.vector_load_idx %arg19[%add3A_1724] : memref<2176xf32, #tpu.memory_space<vmem>>[vector<16xi32>], vector<16xf32>,
      %add3A_1726 = arith.addf %add3A_1721, %gather3A_1725 : vector<16xf32>
      %add3A_1727 = arith.constant 6 : i32
      %add3A_1728 = vector.broadcast %add3A_1727 : i32 to vector<16xi32>
      %add3A_1729 = arith.addi %mul3A_1700, %add3A_1728 : vector<16xi32>
      %gather3A_1730 = tpu.vector_load_idx %arg19[%add3A_1729] : memref<2176xf32, #tpu.memory_space<vmem>>[vector<16xi32>], vector<16xf32>,
      %add3A_1731 = arith.addf %add3A_1726, %gather3A_1730 : vector<16xf32>
      %add3A_1732 = arith.constant 7 : i32
      %add3A_1733 = vector.broadcast %add3A_1732 : i32 to vector<16xi32>
      %add3A_1734 = arith.addi %mul3A_1700, %add3A_1733 : vector<16xi32>
      %gather3A_1735 = tpu.vector_load_idx %arg19[%add3A_1734] : memref<2176xf32, #tpu.memory_space<vmem>>[vector<16xi32>], vector<16xf32>,
      %add3A_1736 = arith.addf %add3A_1731, %gather3A_1735 : vector<16xf32>
      %add3A_1737 = arith.constant 8 : i32
      %add3A_1738 = vector.broadcast %add3A_1737 : i32 to vector<16xi32>
      %add3A_1739 = arith.addi %mul3A_1700, %add3A_1738 : vector<16xi32>
      %gather3A_1740 = tpu.vector_load_idx %arg19[%add3A_1739] : memref<2176xf32, #tpu.memory_space<vmem>>[vector<16xi32>], vector<16xf32>,
      %add3A_1741 = arith.addf %add3A_1736, %gather3A_1740 : vector<16xf32>
      %add3A_1742 = arith.constant 9 : i32
      %add3A_1743 = vector.broadcast %add3A_1742 : i32 to vector<16xi32>
      %add3A_1744 = arith.addi %mul3A_1700, %add3A_1743 : vector<16xi32>
      %gather3A_1745 = tpu.vector_load_idx %arg19[%add3A_1744] : memref<2176xf32, #tpu.memory_space<vmem>>[vector<16xi32>], vector<16xf32>,
      %add3A_1746 = arith.addf %add3A_1741, %gather3A_1745 : vector<16xf32>
      %add3A_1747 = arith.constant 10 : i32
      %add3A_1748 = vector.broadcast %add3A_1747 : i32 to vector<16xi32>
      %add3A_1749 = arith.addi %mul3A_1700, %add3A_1748 : vector<16xi32>
      %gather3A_1750 = tpu.vector_load_idx %arg19[%add3A_1749] : memref<2176xf32, #tpu.memory_space<vmem>>[vector<16xi32>], vector<16xf32>,
      %add3A_1751 = arith.addf %add3A_1746, %gather3A_1750 : vector<16xf32>
      %add3A_1752 = arith.constant 11 : i32
      %add3A_1753 = vector.broadcast %add3A_1752 : i32 to vector<16xi32>
      %add3A_1754 = arith.addi %mul3A_1700, %add3A_1753 : vector<16xi32>
      %gather3A_1755 = tpu.vector_load_idx %arg19[%add3A_1754] : memref<2176xf32, #tpu.memory_space<vmem>>[vector<16xi32>], vector<16xf32>,
      %add3A_1756 = arith.addf %add3A_1751, %gather3A_1755 : vector<16xf32>
      %add3A_1757 = arith.constant 12 : i32
      %add3A_1758 = vector.broadcast %add3A_1757 : i32 to vector<16xi32>
      %add3A_1759 = arith.addi %mul3A_1700, %add3A_1758 : vector<16xi32>
      %gather3A_1760 = tpu.vector_load_idx %arg19[%add3A_1759] : memref<2176xf32, #tpu.memory_space<vmem>>[vector<16xi32>], vector<16xf32>,
      %add3A_1761 = arith.addf %add3A_1756, %gather3A_1760 : vector<16xf32>
      %add3A_1762 = arith.constant 13 : i32
      %add3A_1763 = vector.broadcast %add3A_1762 : i32 to vector<16xi32>
      %add3A_1764 = arith.addi %mul3A_1700, %add3A_1763 : vector<16xi32>
      %gather3A_1765 = tpu.vector_load_idx %arg19[%add3A_1764] : memref<2176xf32, #tpu.memory_space<vmem>>[vector<16xi32>], vector<16xf32>,
      %add3A_1766 = arith.addf %add3A_1761, %gather3A_1765 : vector<16xf32>
      %add3A_1767 = arith.constant 14 : i32
      %add3A_1768 = vector.broadcast %add3A_1767 : i32 to vector<16xi32>
      %add3A_1769 = arith.addi %mul3A_1700, %add3A_1768 : vector<16xi32>
      %gather3A_1770 = tpu.vector_load_idx %arg19[%add3A_1769] : memref<2176xf32, #tpu.memory_space<vmem>>[vector<16xi32>], vector<16xf32>,
      %add3A_1771 = arith.addf %add3A_1766, %gather3A_1770 : vector<16xf32>
      %add3A_1772 = arith.constant 15 : i32
      %add3A_1773 = vector.broadcast %add3A_1772 : i32 to vector<16xi32>
      %add3A_1774 = arith.addi %mul3A_1700, %add3A_1773 : vector<16xi32>
      %gather3A_1775 = tpu.vector_load_idx %arg19[%add3A_1774] : memref<2176xf32, #tpu.memory_space<vmem>>[vector<16xi32>], vector<16xf32>,
      %add3A_1776 = arith.addf %add3A_1771, %gather3A_1775 : vector<16xf32>
      %get3A_1777 = arith.index_cast %add3A_997 : i32 to index
      %get3A_1778 = arith.constant 112 : index
      %get3A_1779 = tpu.vector_load %arg16[%get3A_1777, %get3A_1778] {strides = array<i32>} : memref<4x128xf32, #tpu.memory_space<vmem>>, vector<16xf32>,
      %add3A_1780 = arith.addf %add3A_1776, %get3A_1779 : vector<16xf32>
      %get3A_1781 = arith.index_cast %add3A_997 : i32 to index
      %get3A_1782 = arith.constant 112 : index
      %get3A_1783 = tpu.vector_load %arg17[%get3A_1781, %get3A_1782] {strides = array<i32>} : memref<4x128xf32, #tpu.memory_space<vmem>>, vector<16xf32>,
      %add3A_1784 = arith.addf %add3A_1780, %get3A_1783 : vector<16xf32>
      %add3A_1785 = arith.addf %add3A_1784, %get3A_189 : vector<16xf32>
      %mul3A_1786 = arith.constant 128 : i32
      %mul3A_1787 = arith.muli %add3A_997, %mul3A_1786 : i32
      %add3A_1788 = arith.constant 112 : i32
      %add3A_1789 = arith.addi %mul3A_1787, %add3A_1788 : i32
      %swap3A_1790 = arith.index_cast %add3A_1789 : i32 to index
      %swap3A_1791 = tpu.vector_load %arg20[%swap3A_1790] {strides = array<i32>} : memref<512xf32, #tpu.memory_space<vmem>>, vector<16xf32>,
      tpu.vector_store %arg20[%swap3A_1790], %add3A_1785 {strides = array<i32>} : memref<512xf32, #tpu.memory_space<vmem>>, vector<16xf32>,
      %eq3A_1792 = arith.constant 0 : i32
      %eq3A_1793 = arith.cmpi eq, %scan3A_195, %eq3A_1792 : i32
      %convert_element_type3A_1794 = arith.extui %eq3A_1793 : i1 to i32
      %cond3A_1795 = arith.constant 0 : i32
      %cond3A_1796 = arith.cmpi ne, %convert_element_type3A_1794, %cond3A_1795 : i32
      scf.if %cond3A_1796 {
        %add3A_1797 = arith.constant 2 : i32
        %add3A_1798 = arith.addi %add3A_997, %add3A_1797 : i32
        %dma_start3A_1799 = arith.constant 0 : i32
        %dma_start3A_1800 = tpu.memref_slice %arg10[%add3A_1798, %dma_start3A_1799] : memref<4x128xi32, #tpu.memory_space<vmem>> -> memref<1x128xi32, #tpu.memory_space<vmem>>
        %dma_start3A_1801 = tpu.memref_squeeze %dma_start3A_1800 : memref<1x128xi32, #tpu.memory_space<vmem>> -> memref<128xi32, #tpu.memory_space<vmem>>
        %dma_start3A_1802 = arith.constant 0 : i32
        %dma_start3A_1803 = arith.constant 0 : i32
        %dma_start3A_1804 = tpu.memref_slice %arg4[%dma_start3A_1802, %dma_start3A_1803] : memref<100000x128xf32, #tpu.memory_space<hbm>> -> memref<100000x128xf32, #tpu.memory_space<hbm>>
        tpu.enqueue_indirect_dma source(%dma_start3A_1804 : memref<100000x128xf32, #tpu.memory_space<hbm>>) target(%arg13 : memref<128x128xf32, #tpu.memory_space<vmem>>) offsets(%dma_start3A_1801 : memref<128xi32, #tpu.memory_space<vmem>>) semaphore(%arg22 : memref<!tpu.dma_semaphore, #tpu.memory_space<semaphore_mem>>)
        %add3A_1805 = arith.constant 2 : i32
        %add3A_1806 = arith.addi %add3A_997, %add3A_1805 : i32
        %dma_start3A_1807 = arith.constant 0 : i32
        %dma_start3A_1808 = tpu.memref_slice %arg11[%add3A_1806, %dma_start3A_1807] : memref<4x128xi32, #tpu.memory_space<vmem>> -> memref<1x128xi32, #tpu.memory_space<vmem>>
        %dma_start3A_1809 = tpu.memref_squeeze %dma_start3A_1808 : memref<1x128xi32, #tpu.memory_space<vmem>> -> memref<128xi32, #tpu.memory_space<vmem>>
        %dma_start3A_1810 = arith.constant 0 : i32
        %dma_start3A_1811 = arith.constant 0 : i32
        %dma_start3A_1812 = tpu.memref_slice %arg5[%dma_start3A_1810, %dma_start3A_1811] : memref<100000x128xf32, #tpu.memory_space<hbm>> -> memref<100000x128xf32, #tpu.memory_space<hbm>>
        tpu.enqueue_indirect_dma source(%dma_start3A_1812 : memref<100000x128xf32, #tpu.memory_space<hbm>>) target(%arg15 : memref<128x128xf32, #tpu.memory_space<vmem>>) offsets(%dma_start3A_1809 : memref<128xi32, #tpu.memory_space<vmem>>) semaphore(%arg24 : memref<!tpu.dma_semaphore, #tpu.memory_space<semaphore_mem>>)
      } else {
      }
    }
    %scan3A_194 = arith.constant 2 : i32
    "tpu.region"() ({
      %run_scoped3A = tpu.sem_alloc : memref<!tpu.dma_semaphore, #tpu.memory_space<semaphore_mem>>
      %dma_start3A_195 = tpu.memref_slice %arg9[%mul3A_2] : memref<16384xf32, #tpu.memory_space<hbm>> -> memref<512xf32, #tpu.memory_space<hbm>>
      %dma_start3A_196 = tpu.memref_slice %arg9[%mul3A_2] : memref<16384xf32, #tpu.memory_space<hbm>> -> memref<512xf32, #tpu.memory_space<hbm>>
      tpu.enqueue_dma source(%arg20 : memref<512xf32, #tpu.memory_space<vmem>>) target(%dma_start3A_196 : memref<512xf32, #tpu.memory_space<hbm>>) target_semaphore(%run_scoped3A : memref<!tpu.dma_semaphore, #tpu.memory_space<semaphore_mem>>)
      %dma_wait3A_197 = tpu.memref_slice %arg9[%mul3A_2] : memref<16384xf32, #tpu.memory_space<hbm>> -> memref<512xf32, #tpu.memory_space<hbm>>
      %dma_wait3A_198 = tpu.memref_slice %arg9[%mul3A_2] : memref<16384xf32, #tpu.memory_space<hbm>> -> memref<512xf32, #tpu.memory_space<hbm>>
      tpu.wait_dma2 semaphore(%run_scoped3A : memref<!tpu.dma_semaphore, #tpu.memory_space<semaphore_mem>>) src(%arg20 : memref<512xf32, #tpu.memory_space<vmem>>) dst(%dma_wait3A_198 : memref<512xf32, #tpu.memory_space<hbm>>)
      tpu.yield
    }) : () -> ()
    return
  }
}

</mosaic_0001>

<sc_bundles>
// kernel: kernel.3.cloned.1.call-start
scs
__scs_entry_jumppad:
0x0: {  	(pc) =	sbr.rel $0x88, $3  }
0x1: {  	(tag) =	ssettag $0x0;
	lr =	simm.s32 $0x1  }
0x2: {  	[smem:$0x3F9B] =	sst lr;
	_ =	strace $0xD0000000  }
0x3: {  	_ = 	snop  }
0x4: {  	_ = 	snop  }
0x5: {  	_ = 	snop  }
0x6: {  	_ = 	snop  }
0x7: {  	_ = 	snop  }
__scs_overlays_trampoline_lowered:
0x8: {  	[smem:$0x3FAA] =	sst s0  }
0x9: {  	[smem:$0x3FAB] =	sst s1  }
0xa: {  	[smem:$0x3FAC] =	sst s2  }
0xb: {  	[smem:$0x3FAD] =	sst s3  }
0xc: {  	[smem:$0x3FAE] =	sst s4  }
0xd: {  	[smem:$0x3FAF] =	sst s5  }
0xe: {  	[smem:$0x3FB0] =	sst s6  }
0xf: {  	[smem:$0x3FB1] =	sst s7  }
0x10: {  	[smem:$0x3FB2] =	sst s8  }
0x11: {  	[smem:$0x3FB3] =	sst s9;
	s0 =	simm.s32 @!p0 $0x0  }
0x12: {  	s1 =	sld [smem:$0x3F99];
	s0 =	simm.s32 @p0 $0x1  }
0x13: {  	[smem:$0x3FB4] =	sst s0;
	s0 =	simm.s32 @!p1 $0x0  }
0x14: {  	s2 =	sld [smem:$0x3F98];
	s0 =	simm.s32 @p1 $0x1  }
0x15: {  	[smem:$0x3FB5] =	sst s0;
	s0 =	simm.s32 @!p2 $0x0  }
0x16: {  	s3 =	sld [smem:$0x3FDB];
	s0 =	simm.s32 @p2 $0x1  }
0x17: {  	s4 =	simm.s32 $0x1BF5;
	[smem:$0x3FB7] =	sst s0  }
0x18: {  	s0 =	sld [smem:$0x3F9A];
	_ =	swait.ge [sflag:s4], $0x0  }
0x19: {  	s7 =	sld [smem:$0x3F9B]  }
0x1a: {  	s8 =	sadd.s32 $0xFFFFE003, lr  }
0x1b: {  	s9 =	sadd.s32 $0xFFFFFEF7, lr;
	s5 =	simm.s32 $0xFFFFFFFF;
	p2 =	slt.u32 s8, $0xFFFFF086  }
0x1c: {  	p1 =	slt.u32 s9, $0xF7A;
	s5 =	simm.s32 @!p2 $0x0  }
0x1d: {  	s5 =	simm.s32 @p1 $0x1;
	p0 =	seq.s32 s7, s2  }
0x1e: {  	s7 =	smul.u32 @!p0 $0xF7A, s2;
	p2 =	seq.s32 @!p0 s5, $0x0  }
0x1f: {  	s9 =	smul.u32 $0xF7A, s1;
	s8 =	simm.s32 @!p0 $0x1BF5;
	p2 =	por !p2, p0  }
0x20: {  	[sflag:s8] =	ssyncset.s32 @!p0 $0xFFFFF086;
	s6 =	sadd.s32 @!p0 s3, s7;
	s7 =	simm.s32 @!p0 $0x108  }
0x21: {  	s3 =	sadd.s32 s3, s9;
	s6 =	sadd.s32 @!p0 $0x88, s6;
	s7 =	simm.s32 @p2 $0x1082  }
0x22: {  	[simem:s7], [sflag:s8] =	dma.local @!p0 [hbm:s6], $0xF7A  }
0x23: {  	s9 =	sor.u32 $0xD0000000, s2;
	s6 =	simm.s32 $0x108;
	_ =	swait.ge @!p0 [sflag:s8], $0x0  }
0x24: {  	s3 =	sadd.s32 $0x88, s3;
	s6 =	simm.s32 @!p1 $0x1082;
	[sflag:s4] =	ssyncset.s32 $0xFFFFF086  }
0x25: {  	[simem:s6], [sflag:s4] =	dma.local [hbm:s3], $0xF7A  }
0x26: {  	[smem:$0x3F9B] =	sst s1;
	(tag) =	ssettag s2;
	_ =	strace s9  }
0x27: {  	s1 =	sld [smem:$0x3FAB]  }
0x28: {  	s2 =	sld [smem:$0x3FAC]  }
0x29: {  	s4 =	sld [smem:$0x3FAE]  }
0x2a: {  	p0 =	seq.s32 s5, $0x0;
	s5 =	sld [smem:$0x3FAF]  }
0x2b: {  	s6 =	sld [smem:$0x3FB0]  }
0x2c: {  	s7 =	sld [smem:$0x3FB1]  }
0x2d: {  	s3 =	simm.s32 $0x108;
	s8 =	sld [smem:$0x3FB2]  }
0x2e: {  	s3 =	simm.s32 @!p0 $0x1082;
	s9 =	sld [smem:$0x3FB3]  }
0x2f: {  	lr =	sadd.s32 s0, s3;
	s0 =	sld [smem:$0x3FAA]  }
0x30: {  	s3 =	sld [smem:$0x3FAD]  }
0x31: {  	[smem:$0x3FB6] =	sst s10  }
0x32: {  	s10 =	sld [smem:$0x3FB4];
	_ =	sdelay $0x3  }
0x33: {  	p0 =	seq.s32 s10, $0x1;
	s10 =	sld [smem:$0x3FB6];
	_ =	sdelay $0x3  }
0x34: {  	[smem:$0x3FB6] =	sst s10  }
0x35: {  	s10 =	sld [smem:$0x3FB5];
	_ =	sdelay $0x3  }
0x36: {  	p1 =	seq.s32 s10, $0x1;
	s10 =	sld [smem:$0x3FB6];
	_ =	sdelay $0x3  }
0x37: {  	[smem:$0x3FB6] =	sst s10  }
0x38: {  	s10 =	sld [smem:$0x3FB7]  }
0x39: {  	_ = 	snop;
	(pc) =	sbr.ind lr, $3  }
0x3a: {  	_ = 	snop  }
0x3b: {  	_ = 	snop  }
0x3c: {  	p2 =	seq.s32 s10, $0x1;
	s10 =	sld [smem:$0x3FB6]  }
0x3d: {  	_ =	shalt  }
0x3e: {  	_ =	shalt  }
0x3f: {  	_ =	shalt  }
0x40: {  	_ =	shalt  }
0x41: {  	_ =	shalt  }
0x42: {  	_ =	shalt  }
0x43: {  	_ =	shalt  }
0x44: {  	_ =	shalt  }
0x45: {  	_ =	shalt  }
0x46: {  	_ =	shalt  }
0x47: {  	_ =	shalt  }
0x48: {  	_ =	shalt  }
0x49: {  	_ =	shalt  }
0x4a: {  	_ =	shalt  }
0x4b: {  	_ =	shalt  }
0x4c: {  	_ =	shalt  }
0x4d: {  	_ =	shalt  }
0x4e: {  	_ =	shalt  }
0x4f: {  	_ =	shalt  }
0x50: {  	_ =	shalt  }
0x51: {  	_ =	shalt  }
0x52: {  	_ =	shalt  }
0x53: {  	_ =	shalt  }
0x54: {  	_ =	shalt  }
0x55: {  	_ =	shalt  }
0x56: {  	_ =	shalt  }
0x57: {  	_ =	shalt  }
0x58: {  	_ =	shalt  }
0x59: {  	_ =	shalt  }
0x5a: {  	_ =	shalt  }
0x5b: {  	_ =	shalt  }
0x5c: {  	_ =	shalt  }
0x5d: {  	_ =	shalt  }
0x5e: {  	_ =	shalt  }
0x5f: {  	_ =	shalt  }
0x60: {  	_ =	shalt  }
0x61: {  	_ =	shalt  }
0x62: {  	_ =	shalt  }
0x63: {  	_ =	shalt  }
0x64: {  	_ =	shalt  }
0x65: {  	_ =	shalt  }
0x66: {  	_ =	shalt  }
0x67: {  	_ =	shalt  }
0x68: {  	_ =	shalt  }
0x69: {  	_ =	shalt  }
0x6a: {  	_ =	shalt  }
0x6b: {  	_ =	shalt  }
0x6c: {  	_ =	shalt  }
0x6d: {  	_ =	shalt  }
0x6e: {  	_ =	shalt  }
0x6f: {  	_ =	shalt  }
0x70: {  	_ =	shalt  }
0x71: {  	_ =	shalt  }
0x72: {  	_ =	shalt  }
0x73: {  	_ =	shalt  }
0x74: {  	_ =	shalt  }
0x75: {  	_ =	shalt  }
0x76: {  	_ =	shalt  }
0x77: {  	_ =	shalt  }
0x78: {  	_ =	shalt  }
0x79: {  	_ =	shalt  }
0x7a: {  	_ =	shalt  }
0x7b: {  	_ =	shalt  }
0x7c: {  	_ =	shalt  }
0x7d: {  	_ =	shalt  }
0x7e: {  	_ =	shalt  }
0x7f: {  	_ =	shalt  }
0x80: {  	_ =	shalt  }
0x81: {  	_ =	shalt  }
0x82: {  	_ =	shalt  }
0x83: {  	_ =	shalt  }
0x84: {  	_ =	shalt  }
0x85: {  	_ =	shalt  }
0x86: {  	_ =	shalt  }
0x87: {  	_ =	shalt  }
.Lfunc_end0:
.L_simem_size_0:
called_computation_lowered:
.L_overlay_start_0:
0x88: {  	s2 =	sld [smem:$0x3FD9]  }
0x89: {  	s3 =	sld [smem:$0x3FFE];
	_ =	sdelay $0x1  }
0x8a: {  	s1 =	srdreg.scid  }
0x8b: {  	s0 =	sand.u32 $0x1, s1  }
0x8c: {  	s17 =	sshll.u32 s0, $0xA;
	s2 =	sadd.s32 s3, s2  }
0x8d: {  	s2 =	sadd.s32 s2, s17  }
0x8e: {  	[smem:$0x3FC2] =	sst s2  }
0x8f: {  	_ = 	snop  }
0x90: {  	s2 =	sld [smem:$0x3FC8]  }
0x91: {  	s18 =	sld [smem:$0x3FC7]  }
0x92: {  	s4 =	sld [smem:$0x3FD0];
	(tm) =	ssettm $0x1  }
0x93: {  	s5 =	sld [smem:$0x3FFB];
	_ =	sdelay $0x3  }
0x94: {  	_ =	strace s5  }
0x95: {  	s5 =	sld [smem:$0x3FFC];
	_ =	sdelay $0x3  }
0x96: {  	_ =	strace s5  }
0x97: {  	s5 =	sld [smem:$0x3FFD];
	_ =	sdelay $0x3  }
0x98: {  	_ =	strace s5  }
0x99: {  	_ =	strace $0x8FFFFFFF  }
0x9a: {  	s19 =	sld [smem:$0x3FDB];
	_ =	sdelay $0x1  }
0x9b: {  	s6 =	simm.s32 $_scs_section_size  }
0x9c: {  	s7 =	simm.s32 $_size__tile_overlayer_lowered;
	s8 =	simm.s32 $_tile_overlayer_lowered  }
0x9d: {  	s22 =	simm.s32 $0x1BFF;
	s21 =	sshll.u32 s8, $0x1;
	s5 =	sadd.s32 s6, s19  }
0x9e: {  	s9 =	simm.s32 $0x0;
	s20 =	sshll.u32 s7, $0x1;
	s7 =	sadd.s32 s21, s5  }
0x9f: {  	[timem:s9], [sflag:s22] =	dma.local [hbm:s7], s20  }
0xa0: {  	_ =	swait.ge [sflag:s22], s20  }
0xa1: {  	s6 =	ssub.s32 $0x0, s20;
	[sflag:s22] =	ssyncset.done $0x0  }
0xa2: {  	[sflag:s22] =	ssyncadd.s32 s6;
	_ =	sdelay $0x1  }
0xa3: {  	s23 =	simm.s32 $0x1B8B  }
0xa4: {  	_ =	swait.ge [sflag:s23], $0x1  }
0xa5: {  	[sflag:s23] =	ssyncset.done $0x0  }
0xa6: {  	s25 =	simm.s32 $0x1B8E;
	s24 =	sld [smem:$0x3FFE];
	[sflag:s23] =	ssyncadd.s32 $0xFFFFFFFF  }
0xa7: {  	s26 =	simm.s32 $execute0_lowered;
	[smem:$0x3FD2] =	sst s25  }
0xa8: {  	s7 =	sshll.u32 s26, $0x1;
	_ =	strace $0x80000046;
	[dreg:$0x1] =	wrdreg $0xFFFFFFFF  }
0xa9: {  	s28 =	simm.s32 $_size_execute0_lowered;
	s5 =	sadd.s32 s5, s7;
	[dreg:$0x0] =	wrdreg $0x0  }
0xaa: {  	s7 =	sshll.u32 s28, $0x1;
	[dreg:$0x2] =	wrdreg s5  }
0xab: {  	[dreg:$0x3] =	wrdreg s7  }
0xac: {  	[dreg:$0x4] =	wrdreg $0xC0  }
0xad: {  	_ =	task [dreg:s9], $0x5FFFF  }
0xae: {  	[dreg:$0x1] =	wrdreg $0xFFFFFFFF  }
0xaf: {  	[dreg:$0x0] =	wrdreg $0x60  }
0xb0: {  	[dreg:$0x2] =	wrdreg s24  }
0xb1: {  	[dreg:$0x3] =	wrdreg s2  }
0xb2: {  	[dreg:$0x4] =	wrdreg s18  }
0xb3: {  	[dreg:$0x5] =	wrdreg s4  }
0xb4: {  	[dreg:$0x6] =	wrdreg $0x9  }
0xb5: {  	_ =	task.clear_ibuf [dreg:s9], $0x7FFFF;
	_ =	strace $0x90000046  }
0xb6: {  	s29 =	simm.s32 $0x9;
	_ =	strace $0x80000048  }
0xb7: {  	_ =	swait.ge [sflag:s29], $0x1  }
0xb8: {  	[sflag:s29] =	ssyncadd.s32 $0xFFFFFFFF  }
0xb9: {  	_ =	strace $0x90000048  }
0xba: {  	_ =	sfence  }
0xbb: {  	s30 =	sld [smem:$0x0];
	_ =	sdelay $0x2  }
0xbc: {  	s31 =	sshll.u32 s1, $0xD;
	s1 =	sshrl.u32 s1, $0x2  }
0xbd: {  	s3 =	sand.u32 $0x4000, s31;
	s1 =	sadd.s32 s1, s30  }
0xbe: {  	s0 =	sor.u32 s3, s0;
	s1 =	sshll.u32 s1, $0x11  }
0xbf: {  	s0 =	sor.u32 s1, s0  }
0xc0: {  	s0 =	sadd.s32 $0x8F2B, s0  }
0xc1: {  	[sflag:s0] =	ssyncadd.remote.s32 $0x1  }
0xc2: {  	_ =	sfence.sel $0xFFFF  }
0xc3: {  	[dreg:$0x0] =	wrdreg $0xFFFFFFFF;
	(pc) =	sbr.abs _section_cstart, $3  }
0xc4: {  	[dreg:$0x1] =	wrdreg $0xFFFFFFFF  }
0xc5: {  	_ =	task.clear_ibuf [dreg:s9], $0x2FFFF;
	_ =	strace $0x9FFFFFFF  }
0xc6: {  	(tm) =	ssettm $0x7FFFFFFF  }
0xc7: {  	_ =	shalt  }
tec
execute0_lowered:
.L_overlay_start_1:
0x0: {  	(tag) =	ssettag $0x1  }
0x1: {  	v0 =	vlaneseq.u32  }
0x2: {  	v0 =	vmul.u32 $0x11, v0;
	_ =	sdelay $0x1  }
0x3: {  	v1 =	vadd.s32 $0x4, v0  }
0x4: {  	[tilespmem:$0x1FC20] =	vst v1;
	v1 =	vadd.s32 $0x5, v0  }
0x5: {  	[tilespmem:$0x1FC30] =	vst v1;
	v1 =	vadd.s32 $0x6, v0  }
0x6: {  	[tilespmem:$0x1FC40] =	vst v1;
	v1 =	vadd.s32 $0x7, v0  }
0x7: {  	[tilespmem:$0x1FC50] =	vst v1;
	v1 =	vadd.s32 $0x8, v0  }
0x8: {  	[tilespmem:$0x1FC60] =	vst v1;
	v1 =	vadd.s32 $0x9, v0  }
0x9: {  	[tilespmem:$0x1FC70] =	vst v1;
	v1 =	vadd.s32 $0xA, v0  }
0xa: {  	[tilespmem:$0x1FC80] =	vst v1;
	v1 =	vadd.s32 $0xB, v0  }
0xb: {  	[tilespmem:$0x1FC90] =	vst v1;
	v1 =	vadd.s32 $0xC, v0  }
0xc: {  	[tilespmem:$0x1FCA0] =	vst v1;
	v1 =	vadd.s32 $0xD, v0  }
0xd: {  	[tilespmem:$0x1FCB0] =	vst v1;
	v1 =	vadd.s32 $0xE, v0  }
0xe: {  	s2 =	rddreg [dreg:$0x0];
	[tilespmem:$0x1FCC0] =	vst v1;
	v1 =	vadd.s32 $0xF, v0  }
0xf: {  	s0 =	rddreg [dreg:$0x1];
	[tilespmem:$0x1FCD0] =	vst v1;
	v1 =	vadd.s32 $0x110, v0  }
0x10: {  	s1 =	rddreg [dreg:$0x2];
	s3 =	simm.s32 $0x0;
	[tilespmem:$0x1FCE0] =	vst v1;
	v1 =	vadd.s32 $0x111, v0  }
0x11: {  	[smem:$0x7FF] =	sst s3;
	[tilespmem:$0x1FCF0] =	vst v1;
	v1 =	vadd.s32 $0x112, v0  }
0x12: {  	s4 =	rddreg [dreg:$0x3];
	v10 =	vadd.s32 $0x1, v0;
	_ =	strace $0x80000047;
	[tilespmem:$0x1FD00] =	vst v1  }
0x13: {  	v11 =	vadd.s32 $0x2, v0;
	[tilespmem:$0x1FFD0] =	vst v10  }
0x14: {  	v12 =	vadd.s32 $0x3, v0;
	[tilespmem:$0x1FFE0] =	vst v11  }
0x15: {  	v1 =	vadd.s32 $0x113, v0;
	[tilespmem:$0x1FFF0] =	vst v12  }
0x16: {  	[tilespmem:$0x1FD10] =	vst v1;
	v1 =	vadd.s32 $0x114, v0  }
0x17: {  	[tilespmem:$0x1FD20] =	vst v1;
	v1 =	vadd.s32 $0x115, v0  }
0x18: {  	[tilespmem:$0x1FD30] =	vst v1;
	v1 =	vadd.s32 $0x116, v0  }
0x19: {  	[tilespmem:$0x1FD40] =	vst v1;
	v1 =	vadd.s32 $0x117, v0  }
0x1a: {  	[tilespmem:$0x1FD50] =	vst v1;
	v1 =	vadd.s32 $0x118, v0  }
0x1b: {  	[tilespmem:$0x1FD60] =	vst v1;
	v1 =	vadd.s32 $0x119, v0  }
0x1c: {  	[tilespmem:$0x1FD70] =	vst v1;
	v1 =	vadd.s32 $0x11A, v0  }
0x1d: {  	[tilespmem:$0x1FD80] =	vst v1;
	v1 =	vadd.s32 $0x11B, v0  }
0x1e: {  	[tilespmem:$0x1FD90] =	vst v1;
	v1 =	vadd.s32 $0x11C, v0  }
0x1f: {  	[tilespmem:$0x1FDA0] =	vst v1;
	v1 =	vadd.s32 $0x11D, v0  }
0x20: {  	[tilespmem:$0x1FDB0] =	vst v1;
	v1 =	vadd.s32 $0x11E, v0  }
0x21: {  	[tilespmem:$0x1FDC0] =	vst v1;
	v1 =	vadd.s32 $0x11F, v0  }
0x22: {  	[tilespmem:$0x1FDD0] =	vst v1;
	v1 =	vadd.s32 $0x220, v0  }
0x23: {  	[tilespmem:$0x1FDE0] =	vst v1;
	v1 =	vadd.s32 $0x221, v0  }
0x24: {  	[tilespmem:$0x1FDF0] =	vst v1;
	v1 =	vadd.s32 $0x222, v0  }
0x25: {  	[tilespmem:$0x1FE00] =	vst v1;
	v1 =	vadd.s32 $0x223, v0  }
0x26: {  	[tilespmem:$0x1FE10] =	vst v1;
	v1 =	vadd.s32 $0x224, v0  }
0x27: {  	[tilespmem:$0x1FE20] =	vst v1;
	v1 =	vadd.s32 $0x225, v0  }
0x28: {  	[tilespmem:$0x1FE30] =	vst v1;
	v1 =	vadd.s32 $0x226, v0  }
0x29: {  	[tilespmem:$0x1FE40] =	vst v1;
	v1 =	vadd.s32 $0x227, v0  }
0x2a: {  	[tilespmem:$0x1FE50] =	vst v1;
	v1 =	vadd.s32 $0x228, v0  }
0x2b: {  	[tilespmem:$0x1FE60] =	vst v1;
	v1 =	vadd.s32 $0x229, v0  }
0x2c: {  	[tilespmem:$0x1FE70] =	vst v1;
	v1 =	vadd.s32 $0x22A, v0  }
0x2d: {  	[tilespmem:$0x1FE80] =	vst v1;
	v1 =	vadd.s32 $0x22B, v0  }
0x2e: {  	[tilespmem:$0x1FE90] =	vst v1;
	v1 =	vadd.s32 $0x22C, v0  }
0x2f: {  	[tilespmem:$0x1FEA0] =	vst v1;
	v1 =	vadd.s32 $0x22D, v0  }
0x30: {  	[tilespmem:$0x1FEB0] =	vst v1;
	v1 =	vadd.s32 $0x22E, v0  }
0x31: {  	[tilespmem:$0x1FEC0] =	vst v1;
	v1 =	vadd.s32 $0x22F, v0  }
0x32: {  	[tilespmem:$0x1FED0] =	vst v1;
	v1 =	vadd.s32 $0x330, v0  }
0x33: {  	[tilespmem:$0x1FEE0] =	vst v1;
	v1 =	vadd.s32 $0x331, v0  }
0x34: {  	[tilespmem:$0x1FEF0] =	vst v1;
	v1 =	vadd.s32 $0x332, v0  }
0x35: {  	[tilespmem:$0x1FF00] =	vst v1;
	v1 =	vadd.s32 $0x333, v0  }
0x36: {  	[tilespmem:$0x1FF10] =	vst v1;
	v1 =	vadd.s32 $0x334, v0  }
0x37: {  	s5 =	srdreg.scid;
	s6 =	stileid.u32;
	[tilespmem:$0x1FF20] =	vst v1;
	v1 =	vadd.s32 $0x335, v0  }
0x38: {  	s12 =	simm.s32 $0x6;
	s13 =	simm.s32 $0x200;
	s15 =	simm.s32 $0x80;
	[tilespmem:$0x1FF30] =	vst v1;
	v1 =	vadd.s32 $0x336, v0  }
0x39: {  	s28 =	simm.s32 $0x180;
	s30 =	simm.s32 $0x380;
	s14 =	simm.s32 $0x5;
	[tilespmem:$0x1FF40] =	vst v1;
	v1 =	vadd.s32 $0x337, v0  }
0x3a: {  	s16 =	simm.s32 $0x1;
	s17 =	simm.s32 $0x3;
	s18 =	simm.s32 $0x10880;
	[tilespmem:$0x1FF50] =	vst v1;
	v1 =	vadd.s32 $0x338, v0  }
0x3b: {  	s19 =	simm.s32 $0x2;
	s20 =	simm.s32 $0x4;
	s23 =	simm.s32 $0x0;
	[tilespmem:$0x1FF60] =	vst v1;
	v1 =	vadd.s32 $0x339, v0  }
0x3c: {  	s7 =	sand.u32 $0x1, s5;
	s5 =	sadd.s32 $0x1000, s2;
	s9 =	sshll.u32 s6, $0x6;
	[tilespmem:$0x1FF70] =	vst v1;
	v1 =	vadd.s32 $0x33A, v0  }
.Ltmp0:
0x3d: {  	s8 =	sshll.u32 s7, $0xA;
	s7 =	ssub.s32 $0x2, s7;
	[tilespmem:$0x1FF80] =	vst v1;
	v1 =	vadd.s32 $0x33B, v0;
	(pc) =	sbr.rel .LBB2_1-.Ltmp0, $4  }
0x3e: {  	s6 =	sadd.s32 $0x4200, s2;
	s10 =	sor.u32 s9, s8;
	s29 =	sshrl.u32 s7, $0x1;
	[tilespmem:$0x1FF90] =	vst v1;
	v1 =	vadd.s32 $0x33C, v0  }
0x3f: {  	s26 =	sadd.s32 $0x7400, s2;
	s8 =	sadd.s32 s2, s10;
	s31 =	ssub.s32 s7, s29;
	[tilespmem:$0x1FFA0] =	vst v1;
	v1 =	vadd.s32 $0x33D, v0  }
0x40: {  	s10 =	sadd.s32 s4, s10;
	s2 =	simm.s32 $0x4400;
	s4 =	simm.s32 $0xC400;
	[tilespmem:$0x1FFB0] =	vst v1;
	v1 =	vadd.s32 $0x33E, v0  }
0x41: {  	s9 =	sadd.s32 $0x800, s8;
	s11 =	smax.u32 s31, $0x1;
	[dreg:$0x5] =	wrdreg s26;
	[tilespmem:$0x1FFC0] =	vst v1  }
.LBB2_8:
0x42: {  	s23 =	sadd.s32 $0x1, s23  }
0x43: {  	p0 =	sne.s32 s23, s11  }
.Ltmp1:
0x44: {  	s7 =	simm.s32 $0x11100;
	(pc) =	sbr.rel @!p0 .LBB2_9-.Ltmp1, $4  }
0x45: {  	[hbm4b:s10+s3] =	stream.linear.scatter [tilespmem:s7], [sflag:$0x6], $0x200, $0x38;
	[tilespmem:$0x11300] =	vst v63  }
0x46: {  	_ =	swait.ge [sflag:s12], $0x200  }
0x47: {  	[sflag:s12] =	ssyncset.done $0x0  }
0x48: {  	[sflag:s12] =	ssyncadd.s32 $0xFFFFFE00  }
.LBB2_1:
0x49: {  	[tilespmem:s3], [sflag:$0x6] =	stream.linear.gather [hbm4b:s9+s3], $0x200, $0x38;
	[tilespmem:$0x11300] =	vst v63  }
0x4a: {  	_ =	swait.ge [sflag:s12], $0x200  }
0x4b: {  	[sflag:s12] =	ssyncset.done $0x0  }
0x4c: {  	[sflag:s12] =	ssyncadd.s32 $0xFFFFFE00  }
0x4d: {  	[tilespmem:s13], [sflag:$0x6] =	stream.linear.gather [hbm4b:s8+s3], $0x200, $0x38;
	[tilespmem:$0x11300] =	vst v63  }
0x4e: {  	_ =	swait.ge [sflag:s12], $0x200  }
0x4f: {  	[sflag:s12] =	ssyncset.done $0x0  }
0x50: {  	s21 =	simm.s32 $0x10800;
	s7 =	rddreg [dreg:$0x5];
	[sflag:s12] =	ssyncadd.s32 $0xFFFFFE00  }
0x51: {  	[tilespmem:s21], [sflag:$0x6] =	stream.linear.gather [hbm4b:s7+s3], $0x80, $0x38;
	[tilespmem:$0x11300] =	vst v63  }
0x52: {  	_ =	swait.ge [sflag:s12], $0x80  }
0x53: {  	[sflag:s12] =	ssyncset.done $0x0  }
0x54: {  	s25 =	simm.s32 $0x400;
	[sflag:s12] =	ssyncadd.s32 $0xFFFFFF80  }
0x55: {  	[tilespmem:s25], [sflag:$0x1] =	stream.indirect.gather [hbm4b:s0+s15], $0x80, s3, s15, $0xb8;
	[tilespmem:$0x11300] =	vst v63  }
0x56: {  	s26 =	simm.s32 $0x8400  }
0x57: {  	[tilespmem:s26], [sflag:$0x3] =	stream.indirect.gather [hbm4b:s1+s15], $0x80, s13, s15, $0xb8;
	[tilespmem:$0x11300] =	vst v63  }
0x58: {  	s29 =	simm.s32 $0x10400  }
0x59: {  	[tilespmem:s29], [sflag:$0x5] =	stream.indirect.gather [hbm4b:s5+s15], $0x1, s3, s15, $0xb8;
	[tilespmem:$0x11300] =	vst v63  }
0x5a: {  	s31 =	simm.s32 $0x10600  }
0x5b: {  	[tilespmem:s31], [sflag:$0x5] =	stream.indirect.gather [hbm4b:s6+s15], $0x1, s13, s15, $0xb8;
	[tilespmem:$0x11300] =	vst v63  }
0x5c: {  	s21 =	simm.s32 $0x10480  }
0x5d: {  	[tilespmem:s21], [sflag:$0x5] =	stream.indirect.gather [hbm4b:s5+s15], $0x1, s15, s15, $0xb8;
	[tilespmem:$0x11300] =	vst v63  }
0x5e: {  	s22 =	simm.s32 $0x10680;
	s7 =	simm.s32 $0x280  }
0x5f: {  	[tilespmem:s22], [sflag:$0x5] =	stream.indirect.gather [hbm4b:s6+s15], $0x1, s7, s15, $0xb8;
	[tilespmem:$0x11300] =	vst v63  }
0x60: {  	s24 =	simm.s32 $0x100;
	s22 =	simm.s32 $0x10500  }
0x61: {  	[tilespmem:s22], [sflag:$0x5] =	stream.indirect.gather [hbm4b:s5+s15], $0x1, s24, s15, $0xb8;
	[tilespmem:$0x11300] =	vst v63  }
0x62: {  	s25 =	simm.s32 $0x300;
	s26 =	simm.s32 $0x10700  }
0x63: {  	[tilespmem:s26], [sflag:$0x5] =	stream.indirect.gather [hbm4b:s6+s15], $0x1, s25, s15, $0xb8;
	[tilespmem:$0x11300] =	vst v63  }
0x64: {  	s29 =	simm.s32 $0x10580  }
0x65: {  	[tilespmem:s29], [sflag:$0x5] =	stream.indirect.gather [hbm4b:s5+s15], $0x1, s28, s15, $0xb8;
	[tilespmem:$0x11300] =	vst v63  }
0x66: {  	s31 =	simm.s32 $0x10780  }
0x67: {  	[tilespmem:s31], [sflag:$0x5] =	stream.indirect.gather [hbm4b:s6+s15], $0x1, s30, s15, $0xb8;
	[tilespmem:$0x11300] =	vst v63  }
0x68: {  	_ = 	snop  }
0x69: {  	[tilespmem:s2], [sflag:$0x2] =	stream.indirect.gather [hbm4b:s0+s15], $0x80, s15, s15, $0xb8;
	[tilespmem:$0x11300] =	vst v63  }
0x6a: {  	_ = 	snop  }
0x6b: {  	[tilespmem:s4], [sflag:$0x4] =	stream.indirect.gather [hbm4b:s1+s15], $0x80, s7, s15, $0xb8;
	[tilespmem:$0x11300] =	vst v63  }
0x6c: {  	_ =	swait.ge [sflag:s14], $0x80  }
0x6d: {  	[sflag:s14] =	ssyncset.done $0x0  }
0x6e: {  	[sflag:s14] =	ssyncadd.s32 $0xFFFFFF80  }
0x6f: {  	_ =	swait.ge [sflag:s14], $0x80  }
0x70: {  	[sflag:s14] =	ssyncset.done $0x0  }
0x71: {  	[sflag:s14] =	ssyncadd.s32 $0xFFFFFF80  }
0x72: {  	_ =	swait.ge [sflag:s14], $0x80  }
0x73: {  	[sflag:s14] =	ssyncset.done $0x0  }
0x74: {  	[sflag:s14] =	ssyncadd.s32 $0xFFFFFF80  }
0x75: {  	_ =	swait.ge [sflag:s14], $0x80  }
0x76: {  	[sflag:s14] =	ssyncset.done $0x0  }
0x77: {  	[sflag:s14] =	ssyncadd.s32 $0xFFFFFF80  }
0x78: {  	_ =	swait.ge [sflag:s14], $0x80  }
0x79: {  	[sflag:s14] =	ssyncset.done $0x0  }
0x7a: {  	[sflag:s14] =	ssyncadd.s32 $0xFFFFFF80  }
0x7b: {  	_ =	swait.ge [sflag:s14], $0x80  }
0x7c: {  	[sflag:s14] =	ssyncset.done $0x0  }
0x7d: {  	[sflag:s14] =	ssyncadd.s32 $0xFFFFFF80  }
0x7e: {  	_ =	swait.ge [sflag:s14], $0x80  }
0x7f: {  	[sflag:s14] =	ssyncset.done $0x0  }
0x80: {  	[sflag:s14] =	ssyncadd.s32 $0xFFFFFF80  }
0x81: {  	_ =	swait.ge [sflag:s14], $0x80  }
0x82: {  	[sflag:s14] =	ssyncset.done $0x0  }
0x83: {  	[sflag:s14] =	ssyncadd.s32 $0xFFFFFF80  }
0x84: {  	p0 =	por $0x1, $0x1;
	s24 =	simm.s32 $0x0;
	v63 =	vld [tilespmem:$0x10800]  }
.LBB2_2:
0x85: {  	_ =	swait.ge [sflag:s16], $0x4000  }
0x86: {  	[sflag:s16] =	ssyncset.done $0x0  }
0x87: {  	[sflag:s16] =	ssyncadd.s32 $0xFFFFC000  }
0x88: {  	_ =	swait.ge [sflag:s17], $0x4000  }
0x89: {  	[sflag:s17] =	ssyncset.done $0x0  }
0x8a: {  	s25 =	simm.s32 $0x500;
	[sflag:s17] =	ssyncadd.s32 $0xFFFFC000  }
0x8b: {  	s26 =	simm.s32 $0x8500;
	v1 =	vld [tilespmem:s25+$0xFFFFFF00]  }
0x8c: {  	v2 =	vld [tilespmem:s26+$0xFFFFFF00]  }
0x8d: {  	v3 =	vld [tilespmem:s25+$0xFFFFFF10]  }
0x8e: {  	v4 =	vld [tilespmem:s26+$0xFFFFFF10]  }
0x8f: {  	v5 =	vld [tilespmem:s26+$0xFFFFFF20]  }
0x90: {  	v6 =	vld [tilespmem:s25+$0xFFFFFF20]  }
0x91: {  	v7 =	vld [tilespmem:s26+$0xFFFFFF30]  }
0x92: {  	v8 =	vld [tilespmem:s25+$0xFFFFFF30]  }
0x93: {  	v1 =	vmul.f32 v2, v1;
	v2 =	vmul.f32 v4, v3;
	v3 =	vld [tilespmem:s26+$0xFFFFFF40]  }
0x94: {  	v4 =	vld [tilespmem:s25+$0xFFFFFF40]  }
0x95: {  	v1 =	vadd.f32 v2, v1;
	v2 =	vmul.f32 v5, v6;
	v5 =	vld [tilespmem:s26+$0xFFFFFF50]  }
0x96: {  	v6 =	vld [tilespmem:s25+$0xFFFFFF50]  }
0x97: {  	v1 =	vadd.f32 v2, v1;
	v2 =	vmul.f32 v7, v8;
	v7 =	vld [tilespmem:s26+$0xFFFFFF60]  }
0x98: {  	v8 =	vld [tilespmem:s25+$0xFFFFFF60]  }
0x99: {  	v1 =	vadd.f32 v2, v1;
	v2 =	vmul.f32 v3, v4;
	v3 =	vld [tilespmem:s26+$0xFFFFFF70]  }
0x9a: {  	v4 =	vld [tilespmem:s25+$0xFFFFFF70]  }
0x9b: {  	v1 =	vadd.f32 v2, v1;
	v2 =	vmul.f32 v5, v6;
	_ =	sdelay $0x1  }
0x9c: {  	v1 =	vadd.f32 v2, v1;
	v2 =	vmul.f32 v7, v8;
	_ =	sdelay $0x1  }
0x9d: {  	v1 =	vadd.f32 v2, v1;
	v2 =	vmul.f32 v3, v4;
	_ =	sdelay $0x1  }
0x9e: {  	v1 =	vadd.f32 v2, v1  }
0x9f: {  	s29 =	simm.s32 $0x108A2  }
0xa0: {  	[tilespmem:s29+$0xFFFFFFDE] =	vst v1  }
0xa1: {  	v1 =	vld [tilespmem:s25+$0xFFFFFF80]  }
0xa2: {  	v2 =	vld [tilespmem:s26+$0xFFFFFF80]  }
0xa3: {  	v3 =	vld [tilespmem:s26+$0xFFFFFF90]  }
0xa4: {  	v4 =	vld [tilespmem:s25+$0xFFFFFF90]  }
0xa5: {  	v5 =	vld [tilespmem:s26+$0xFFFFFFA0]  }
0xa6: {  	v6 =	vld [tilespmem:s25+$0xFFFFFFA0]  }
0xa7: {  	v7 =	vld [tilespmem:s26+$0xFFFFFFB0]  }
0xa8: {  	v8 =	vld [tilespmem:s25+$0xFFFFFFB0]  }
0xa9: {  	v1 =	vmul.f32 v2, v1;
	v2 =	vmul.f32 v3, v4;
	v3 =	vld [tilespmem:s26+$0xFFFFFFC0]  }
0xaa: {  	v4 =	vld [tilespmem:s25+$0xFFFFFFC0]  }
0xab: {  	v1 =	vadd.f32 v2, v1;
	v2 =	vmul.f32 v5, v6;
	v5 =	vld [tilespmem:s26+$0xFFFFFFD0]  }
0xac: {  	v6 =	vld [tilespmem:s25+$0xFFFFFFD0]  }
0xad: {  	v1 =	vadd.f32 v2, v1;
	v2 =	vmul.f32 v7, v8;
	v7 =	vld [tilespmem:s26+$0xFFFFFFE0]  }
0xae: {  	v8 =	vld [tilespmem:s25+$0xFFFFFFE0]  }
0xaf: {  	v1 =	vadd.f32 v2, v1;
	v2 =	vmul.f32 v3, v4;
	v3 =	vld [tilespmem:s26+$0xFFFFFFF0]  }
0xb0: {  	v4 =	vld [tilespmem:s25+$0xFFFFFFF0]  }
0xb1: {  	v1 =	vadd.f32 v2, v1;
	v2 =	vmul.f32 v5, v6;
	_ =	sdelay $0x1  }
0xb2: {  	v1 =	vadd.f32 v2, v1;
	v2 =	vmul.f32 v7, v8;
	_ =	sdelay $0x1  }
0xb3: {  	v1 =	vadd.f32 v2, v1;
	v2 =	vmul.f32 v3, v4;
	_ =	sdelay $0x1  }
0xb4: {  	v1 =	vadd.f32 v2, v1;
	_ =	sdelay $0x1  }
0xb5: {  	[tilespmem:s29+$0xFFFFFFEF] =	vst v1  }
0xb6: {  	v1 =	vld [tilespmem:s25+$0x0]  }
0xb7: {  	v2 =	vld [tilespmem:s26+$0x0]  }
0xb8: {  	v3 =	vld [tilespmem:s26+$0x10]  }
0xb9: {  	v4 =	vld [tilespmem:s25+$0x10]  }
0xba: {  	v5 =	vld [tilespmem:s26+$0x20]  }
0xbb: {  	v6 =	vld [tilespmem:s25+$0x20]  }
0xbc: {  	v7 =	vld [tilespmem:s26+$0x30]  }
0xbd: {  	v8 =	vld [tilespmem:s25+$0x30]  }
0xbe: {  	v1 =	vmul.f32 v2, v1;
	v2 =	vmul.f32 v3, v4;
	v3 =	vld [tilespmem:s26+$0x40]  }
0xbf: {  	v4 =	vld [tilespmem:s25+$0x40]  }
0xc0: {  	v1 =	vadd.f32 v2, v1;
	v2 =	vmul.f32 v5, v6;
	v5 =	vld [tilespmem:s26+$0x50]  }
0xc1: {  	v6 =	vld [tilespmem:s25+$0x50]  }
0xc2: {  	v1 =	vadd.f32 v2, v1;
	v2 =	vmul.f32 v7, v8;
	v7 =	vld [tilespmem:s26+$0x60]  }
0xc3: {  	v8 =	vld [tilespmem:s25+$0x60]  }
0xc4: {  	v1 =	vadd.f32 v2, v1;
	v2 =	vmul.f32 v3, v4;
	v3 =	vld [tilespmem:s26+$0x70]  }
0xc5: {  	v4 =	vld [tilespmem:s25+$0x70]  }
0xc6: {  	v1 =	vadd.f32 v2, v1;
	v2 =	vmul.f32 v5, v6;
	_ =	sdelay $0x1  }
0xc7: {  	v1 =	vadd.f32 v2, v1;
	v2 =	vmul.f32 v7, v8;
	_ =	sdelay $0x1  }
0xc8: {  	v1 =	vadd.f32 v2, v1;
	v2 =	vmul.f32 v3, v4;
	_ =	sdelay $0x1  }
0xc9: {  	v1 =	vadd.f32 v2, v1;
	_ =	sdelay $0x1  }
0xca: {  	[tilespmem:s29+$0x0] =	vst v1  }
0xcb: {  	v1 =	vld [tilespmem:s25+$0x80]  }
0xcc: {  	v3 =	vld [tilespmem:s26+$0x90]  }
0xcd: {  	v5 =	vld [tilespmem:s25+$0x90]  }
0xce: {  	v7 =	vld [tilespmem:s26+$0x80]  }
0xcf: {  	v8 =	vld [tilespmem:s25+$0xA0]  }
0xd0: {  	v9 =	vld [tilespmem:s26+$0xA0]  }
0xd1: {  	v4 =	vld [tilespmem:s25+$0xB0]  }
0xd2: {  	v6 =	vld [tilespmem:s26+$0xB0]  }
0xd3: {  	v2 =	vld [tilespmem:s25+$0xC0];
	v3 =	vmul.f32 v3, v5;
	v7 =	vmul.f32 v7, v1  }
0xd4: {  	v5 =	vld [tilespmem:s26+$0xC0]  }
0xd5: {  	s22 =	simm.s32 $0x0;
	v1 =	vld [tilespmem:s25+$0xD0];
	v8 =	vmul.f32 v9, v8;
	v7 =	vadd.f32 v3, v7  }
0xd6: {  	s7 =	simm.s32 $0x8700;
	s21 =	simm.s32 $0x500;
	s31 =	simm.s32 $0x108A2;
	v3 =	vld [tilespmem:s26+$0xD0]  }
.LBB2_3:
0xd7: {  	s22 =	sadd.s32 $0x4, s22;
	v7 =	vadd.f32 v8, v7;
	v4 =	vmul.f32 v6, v4;
	v6 =	vld [tilespmem:s25+$0xE0];
	s29 =	sadd.s32 $0x44, s29;
	s21 =	sadd.s32 $0x200, s21  }
0xd8: {  	p1 =	slt.u32 s22, $0x7C;
	v8 =	vld [tilespmem:s26+$0xE0]  }
0xd9: {  	v4 =	vadd.f32 v4, v7;
	v2 =	vmul.f32 v5, v2;
	v5 =	vld [tilespmem:s25+$0xF0];
	s25 =	smov.u32 s21  }
0xda: {  	v7 =	vld [tilespmem:s26+$0xF0];
	s26 =	smov.u32 s7  }
0xdb: {  	v2 =	vadd.f32 v2, v4;
	v1 =	vmul.f32 v3, v1;
	_ =	sdelay $0x1  }
0xdc: {  	v1 =	vadd.f32 v1, v2;
	v2 =	vmul.f32 v8, v6;
	_ =	sdelay $0x1  }
0xdd: {  	v1 =	vadd.f32 v2, v1;
	v2 =	vmul.f32 v7, v5;
	_ =	sdelay $0x1  }
0xde: {  	v1 =	vadd.f32 v2, v1;
	_ =	sdelay $0x1  }
0xdf: {  	[tilespmem:s31+$0x11] =	vst v1;
	s31 =	smov.u32 s29  }
0xe0: {  	v1 =	vld [tilespmem:s21+$0xFFFFFF00]  }
0xe1: {  	v2 =	vld [tilespmem:s7+$0xFFFFFF00]  }
0xe2: {  	v3 =	vld [tilespmem:s21+$0xFFFFFF10]  }
0xe3: {  	v4 =	vld [tilespmem:s7+$0xFFFFFF10]  }
0xe4: {  	v5 =	vld [tilespmem:s7+$0xFFFFFF20]  }
0xe5: {  	v6 =	vld [tilespmem:s21+$0xFFFFFF20]  }
0xe6: {  	v7 =	vld [tilespmem:s7+$0xFFFFFF30]  }
0xe7: {  	v8 =	vld [tilespmem:s21+$0xFFFFFF30]  }
0xe8: {  	v1 =	vmul.f32 v2, v1;
	v2 =	vmul.f32 v4, v3;
	v3 =	vld [tilespmem:s7+$0xFFFFFF40]  }
0xe9: {  	v4 =	vld [tilespmem:s21+$0xFFFFFF40]  }
0xea: {  	v1 =	vadd.f32 v2, v1;
	v2 =	vmul.f32 v5, v6;
	v5 =	vld [tilespmem:s7+$0xFFFFFF50]  }
0xeb: {  	v6 =	vld [tilespmem:s21+$0xFFFFFF50]  }
0xec: {  	v1 =	vadd.f32 v2, v1;
	v2 =	vmul.f32 v7, v8;
	v7 =	vld [tilespmem:s7+$0xFFFFFF60]  }
0xed: {  	v8 =	vld [tilespmem:s21+$0xFFFFFF60]  }
0xee: {  	v1 =	vadd.f32 v2, v1;
	v2 =	vmul.f32 v3, v4;
	v3 =	vld [tilespmem:s7+$0xFFFFFF70]  }
0xef: {  	v4 =	vld [tilespmem:s21+$0xFFFFFF70]  }
0xf0: {  	v1 =	vadd.f32 v2, v1;
	v2 =	vmul.f32 v5, v6;
	_ =	sdelay $0x1  }
0xf1: {  	v1 =	vadd.f32 v2, v1;
	v2 =	vmul.f32 v7, v8;
	_ =	sdelay $0x1  }
0xf2: {  	v1 =	vadd.f32 v2, v1;
	v2 =	vmul.f32 v3, v4;
	_ =	sdelay $0x1  }
0xf3: {  	v1 =	vadd.f32 v2, v1;
	_ =	sdelay $0x1  }
0xf4: {  	[tilespmem:s29+$0xFFFFFFDE] =	vst v1  }
0xf5: {  	v1 =	vld [tilespmem:s21+$0xFFFFFF80]  }
0xf6: {  	v2 =	vld [tilespmem:s7+$0xFFFFFF80];
	_ =	sdelay $0x2  }
0xf7: {  	v3 =	vld [tilespmem:s7+$0xFFFFFF90]  }
0xf8: {  	v4 =	vld [tilespmem:s21+$0xFFFFFF90]  }
0xf9: {  	v1 =	vmul.f32 v2, v1;
	v2 =	vld [tilespmem:s7+$0xFFFFFFA0]  }
0xfa: {  	v5 =	vld [tilespmem:s21+$0xFFFFFFA0]  }
0xfb: {  	v6 =	vld [tilespmem:s7+$0xFFFFFFB0]  }
0xfc: {  	v7 =	vld [tilespmem:s21+$0xFFFFFFB0]  }
0xfd: {  	v3 =	vmul.f32 v3, v4;
	v4 =	vld [tilespmem:s7+$0xFFFFFFC0]  }
0xfe: {  	v8 =	vld [tilespmem:s21+$0xFFFFFFC0]  }
0xff: {  	v1 =	vadd.f32 v3, v1;
	v2 =	vmul.f32 v2, v5;
	v3 =	vld [tilespmem:s7+$0xFFFFFFD0]  }
0x100: {  	v5 =	vld [tilespmem:s21+$0xFFFFFFD0]  }
0x101: {  	v1 =	vadd.f32 v2, v1;
	v2 =	vmul.f32 v6, v7;
	v6 =	vld [tilespmem:s7+$0xFFFFFFE0]  }
0x102: {  	v7 =	vld [tilespmem:s21+$0xFFFFFFE0]  }
0x103: {  	v1 =	vadd.f32 v2, v1;
	v2 =	vmul.f32 v4, v8;
	v4 =	vld [tilespmem:s7+$0xFFFFFFF0]  }
0x104: {  	v8 =	vld [tilespmem:s21+$0xFFFFFFF0]  }
0x105: {  	v1 =	vadd.f32 v2, v1;
	v2 =	vmul.f32 v3, v5;
	_ =	sdelay $0x1  }
0x106: {  	v1 =	vadd.f32 v2, v1;
	v2 =	vmul.f32 v6, v7;
	_ =	sdelay $0x1  }
0x107: {  	v1 =	vadd.f32 v2, v1;
	v2 =	vmul.f32 v4, v8;
	_ =	sdelay $0x1  }
0x108: {  	v1 =	vadd.f32 v2, v1;
	_ =	sdelay $0x1  }
0x109: {  	[tilespmem:s29+$0xFFFFFFEF] =	vst v1  }
0x10a: {  	v1 =	vld [tilespmem:s21+$0x0]  }
0x10b: {  	v2 =	vld [tilespmem:s7+$0x0];
	_ =	sdelay $0x1  }
0x10c: {  	v3 =	vld [tilespmem:s7+$0x10]  }
0x10d: {  	v4 =	vld [tilespmem:s21+$0x10]  }
0x10e: {  	v5 =	vld [tilespmem:s7+$0x20]  }
0x10f: {  	v1 =	vmul.f32 v2, v1;
	v2 =	vld [tilespmem:s21+$0x20]  }
0x110: {  	v6 =	vld [tilespmem:s7+$0x30]  }
0x111: {  	v7 =	vld [tilespmem:s21+$0x30]  }
0x112: {  	v3 =	vmul.f32 v3, v4;
	v4 =	vld [tilespmem:s7+$0x40]  }
0x113: {  	v8 =	vld [tilespmem:s21+$0x40]  }
0x114: {  	v1 =	vadd.f32 v3, v1;
	v2 =	vmul.f32 v5, v2;
	v3 =	vld [tilespmem:s7+$0x50]  }
0x115: {  	v5 =	vld [tilespmem:s21+$0x50]  }
0x116: {  	v1 =	vadd.f32 v2, v1;
	v2 =	vmul.f32 v6, v7;
	v6 =	vld [tilespmem:s7+$0x60]  }
0x117: {  	v7 =	vld [tilespmem:s21+$0x60]  }
0x118: {  	v1 =	vadd.f32 v2, v1;
	v2 =	vmul.f32 v4, v8;
	v4 =	vld [tilespmem:s7+$0x70]  }
0x119: {  	v8 =	vld [tilespmem:s21+$0x70]  }
0x11a: {  	v1 =	vadd.f32 v2, v1;
	v2 =	vmul.f32 v3, v5;
	_ =	sdelay $0x1  }
0x11b: {  	v1 =	vadd.f32 v2, v1;
	v2 =	vmul.f32 v6, v7;
	_ =	sdelay $0x1  }
0x11c: {  	v1 =	vadd.f32 v2, v1;
	v2 =	vmul.f32 v4, v8;
	_ =	sdelay $0x1  }
0x11d: {  	v1 =	vadd.f32 v2, v1;
	_ =	sdelay $0x1  }
0x11e: {  	[tilespmem:s29+$0x0] =	vst v1  }
0x11f: {  	v1 =	vld [tilespmem:s21+$0x80]  }
0x120: {  	v2 =	vld [tilespmem:s7+$0x90]  }
0x121: {  	v3 =	vld [tilespmem:s21+$0x90]  }
0x122: {  	v5 =	vld [tilespmem:s7+$0x80]  }
0x123: {  	v8 =	vld [tilespmem:s21+$0xA0]  }
0x124: {  	v9 =	vld [tilespmem:s7+$0xA0]  }
0x125: {  	v4 =	vld [tilespmem:s21+$0xB0]  }
.Ltmp2:
0x126: {  	v3 =	vmul.f32 v2, v3;
	v6 =	vld [tilespmem:s7+$0xB0];
	(pc) =	sbr.rel @p1 .LBB2_3-.Ltmp2, $4  }
0x127: {  	v1 =	vmul.f32 v5, v1;
	v2 =	vld [tilespmem:s21+$0xC0]  }
0x128: {  	v5 =	vld [tilespmem:s7+$0xC0]  }
0x129: {  	v7 =	vadd.f32 v3, v1;
	v8 =	vmul.f32 v9, v8;
	v1 =	vld [tilespmem:s21+$0xD0]  }
0x12a: {  	s7 =	sadd.s32 $0x200, s7;
	v3 =	vld [tilespmem:s26+$0xD0]  }
0x12b: {  	v7 =	vadd.f32 v8, v7;
	v4 =	vmul.f32 v6, v4;
	v6 =	vld [tilespmem:s25+$0xE0]  }
0x12c: {  	v8 =	vld [tilespmem:s26+$0xE0]  }
0x12d: {  	v4 =	vadd.f32 v4, v7;
	v2 =	vmul.f32 v5, v2;
	v5 =	vld [tilespmem:s25+$0xF0]  }
0x12e: {  	v7 =	vld [tilespmem:s26+$0xF0]  }
0x12f: {  	v2 =	vadd.f32 v2, v4;
	v1 =	vmul.f32 v3, v1;
	_ =	sdelay $0x1  }
0x130: {  	v1 =	vadd.f32 v1, v2;
	v2 =	vmul.f32 v8, v6;
	_ =	sdelay $0x1  }
0x131: {  	v1 =	vadd.f32 v2, v1;
	v2 =	vmul.f32 v7, v5;
	_ =	sdelay $0x1  }
0x132: {  	v1 =	vadd.f32 v2, v1;
	_ =	sdelay $0x1  }
0x133: {  	[tilespmem:s31+$0x11] =	vst v1  }
0x134: {  	v1 =	vld.idx.msk [tilespmem:v0+s18+$0x0], $0xffff  }
0x135: {  	v2 =	vld.idx.msk [tilespmem:v10+s18+$0x0], $0xffff;
	_ =	sdelay $0x1  }
0x136: {  	v3 =	vld.idx.msk [tilespmem:v11+s18+$0x0], $0xffff;
	_ =	sdelay $0x1  }
0x137: {  	v4 =	vld.idx.msk [tilespmem:v12+s18+$0x0], $0xffff  }
0x138: {  	v1 =	vadd.f32 v2, v1;
	v2 =	vld [tilespmem:$0x1FC20];
	_ =	sdelay $0x1  }
0x139: {  	v1 =	vadd.f32 v3, v1;
	v3 =	vld [tilespmem:$0x1FC30];
	_ =	sdelay $0x1  }
0x13a: {  	v1 =	vadd.f32 v4, v1;
	v4 =	vld [tilespmem:$0x1FC40];
	_ =	sdelay $0x3  }
0x13b: {  	v2 =	vld.idx.msk [tilespmem:v2+s18+$0x0], $0xffff;
	_ =	sdelay $0x1  }
0x13c: {  	v3 =	vld.idx.msk [tilespmem:v3+s18+$0x0], $0xffff;
	_ =	sdelay $0x1  }
0x13d: {  	v4 =	vld.idx.msk [tilespmem:v4+s18+$0x0], $0xffff  }
0x13e: {  	v1 =	vadd.f32 v2, v1;
	v2 =	vld [tilespmem:$0x1FC50];
	_ =	sdelay $0x1  }
0x13f: {  	v1 =	vadd.f32 v3, v1;
	v3 =	vld [tilespmem:$0x1FC60];
	_ =	sdelay $0x1  }
0x140: {  	v1 =	vadd.f32 v4, v1;
	v4 =	vld [tilespmem:$0x1FC70];
	_ =	sdelay $0x3  }
0x141: {  	v2 =	vld.idx.msk [tilespmem:v2+s18+$0x0], $0xffff;
	_ =	sdelay $0x1  }
0x142: {  	v3 =	vld.idx.msk [tilespmem:v3+s18+$0x0], $0xffff;
	_ =	sdelay $0x1  }
0x143: {  	v4 =	vld.idx.msk [tilespmem:v4+s18+$0x0], $0xffff  }
0x144: {  	v1 =	vadd.f32 v2, v1;
	v2 =	vld [tilespmem:$0x1FC80];
	_ =	sdelay $0x1  }
0x145: {  	v1 =	vadd.f32 v3, v1;
	v3 =	vld [tilespmem:$0x1FC90];
	_ =	sdelay $0x1  }
0x146: {  	v1 =	vadd.f32 v4, v1;
	v4 =	vld [tilespmem:$0x1FCA0];
	_ =	sdelay $0x3  }
0x147: {  	v2 =	vld.idx.msk [tilespmem:v2+s18+$0x0], $0xffff;
	_ =	sdelay $0x1  }
0x148: {  	v3 =	vld.idx.msk [tilespmem:v3+s18+$0x0], $0xffff;
	_ =	sdelay $0x1  }
0x149: {  	v4 =	vld.idx.msk [tilespmem:v4+s18+$0x0], $0xffff  }
0x14a: {  	v1 =	vadd.f32 v2, v1;
	v2 =	vld [tilespmem:$0x1FCB0];
	_ =	sdelay $0x1  }
0x14b: {  	v1 =	vadd.f32 v3, v1;
	v3 =	vld [tilespmem:$0x1FCC0];
	_ =	sdelay $0x1  }
0x14c: {  	v1 =	vadd.f32 v4, v1;
	v4 =	vld [tilespmem:$0x1FCD0];
	_ =	sdelay $0x3  }
0x14d: {  	v2 =	vld.idx.msk [tilespmem:v2+s18+$0x0], $0xffff;
	_ =	sdelay $0x1  }
0x14e: {  	v3 =	vld.idx.msk [tilespmem:v3+s18+$0x0], $0xffff;
	_ =	sdelay $0x1  }
0x14f: {  	v4 =	vld.idx.msk [tilespmem:v4+s18+$0x0], $0xffff  }
0x150: {  	v1 =	vadd.f32 v2, v1  }
0x151: {  	v2 =	vld [tilespmem:s24+$0x10400]  }
0x152: {  	v1 =	vadd.f32 v3, v1  }
0x153: {  	v3 =	vld [tilespmem:s24+$0x10600]  }
0x154: {  	v1 =	vadd.f32 v4, v1;
	_ =	sdelay $0x1  }
0x155: {  	v1 =	vadd.f32 v2, v1;
	_ =	sdelay $0x1  }
0x156: {  	v1 =	vadd.f32 v3, v1;
	_ =	sdelay $0x1  }
0x157: {  	v1 =	vadd.f32 v1, v63  }
0x158: {  	v2 =	vld [tilespmem:$0x1FCF0]  }
0x159: {  	[tilespmem:s24+$0x11100] =	vst v1;
	v1 =	vld [tilespmem:$0x1FCE0];
	_ =	sdelay $0x1  }
0x15a: {  	v3 =	vld [tilespmem:$0x1FD00];
	_ =	sdelay $0x1  }
0x15b: {  	v4 =	vld [tilespmem:$0x1FD10];
	_ =	sdelay $0x2  }
0x15c: {  	v2 =	vld.idx.msk [tilespmem:v2+s18+$0x0], $0xffff  }
0x15d: {  	v1 =	vld.idx.msk [tilespmem:v1+s18+$0x0], $0xffff;
	_ =	sdelay $0x1  }
0x15e: {  	v3 =	vld.idx.msk [tilespmem:v3+s18+$0x0], $0xffff;
	_ =	sdelay $0x1  }
0x15f: {  	v4 =	vld.idx.msk [tilespmem:v4+s18+$0x0], $0xffff  }
0x160: {  	v1 =	vadd.f32 v2, v1;
	v2 =	vld [tilespmem:$0x1FD20];
	_ =	sdelay $0x1  }
0x161: {  	v1 =	vadd.f32 v3, v1;
	v3 =	vld [tilespmem:$0x1FD30];
	_ =	sdelay $0x1  }
0x162: {  	v1 =	vadd.f32 v4, v1;
	v4 =	vld [tilespmem:$0x1FD40];
	_ =	sdelay $0x3  }
0x163: {  	v2 =	vld.idx.msk [tilespmem:v2+s18+$0x0], $0xffff;
	_ =	sdelay $0x1  }
0x164: {  	v3 =	vld.idx.msk [tilespmem:v3+s18+$0x0], $0xffff;
	_ =	sdelay $0x1  }
0x165: {  	v4 =	vld.idx.msk [tilespmem:v4+s18+$0x0], $0xffff  }
0x166: {  	v1 =	vadd.f32 v2, v1;
	v2 =	vld [tilespmem:$0x1FD50];
	_ =	sdelay $0x1  }
0x167: {  	v1 =	vadd.f32 v3, v1;
	v3 =	vld [tilespmem:$0x1FD60];
	_ =	sdelay $0x1  }
0x168: {  	v1 =	vadd.f32 v4, v1;
	v4 =	vld [tilespmem:$0x1FD70];
	_ =	sdelay $0x3  }
0x169: {  	v2 =	vld.idx.msk [tilespmem:v2+s18+$0x0], $0xffff;
	_ =	sdelay $0x1  }
0x16a: {  	v3 =	vld.idx.msk [tilespmem:v3+s18+$0x0], $0xffff;
	_ =	sdelay $0x1  }
0x16b: {  	v4 =	vld.idx.msk [tilespmem:v4+s18+$0x0], $0xffff  }
0x16c: {  	v1 =	vadd.f32 v2, v1;
	v2 =	vld [tilespmem:$0x1FD80];
	_ =	sdelay $0x1  }
0x16d: {  	v1 =	vadd.f32 v3, v1;
	v3 =	vld [tilespmem:$0x1FD90];
	_ =	sdelay $0x1  }
0x16e: {  	v1 =	vadd.f32 v4, v1;
	v4 =	vld [tilespmem:$0x1FDA0];
	_ =	sdelay $0x3  }
0x16f: {  	v2 =	vld.idx.msk [tilespmem:v2+s18+$0x0], $0xffff;
	_ =	sdelay $0x1  }
0x170: {  	v3 =	vld.idx.msk [tilespmem:v3+s18+$0x0], $0xffff;
	_ =	sdelay $0x1  }
0x171: {  	v4 =	vld.idx.msk [tilespmem:v4+s18+$0x0], $0xffff  }
0x172: {  	v1 =	vadd.f32 v2, v1;
	v2 =	vld [tilespmem:$0x1FDB0];
	_ =	sdelay $0x1  }
0x173: {  	v1 =	vadd.f32 v3, v1;
	v3 =	vld [tilespmem:$0x1FDC0];
	_ =	sdelay $0x1  }
0x174: {  	v1 =	vadd.f32 v4, v1;
	v4 =	vld [tilespmem:$0x1FDD0];
	_ =	sdelay $0x3  }
0x175: {  	v2 =	vld.idx.msk [tilespmem:v2+s18+$0x0], $0xffff;
	_ =	sdelay $0x1  }
0x176: {  	v3 =	vld.idx.msk [tilespmem:v3+s18+$0x0], $0xffff;
	_ =	sdelay $0x1  }
0x177: {  	v4 =	vld.idx.msk [tilespmem:v4+s18+$0x0], $0xffff  }
0x178: {  	v1 =	vadd.f32 v2, v1  }
0x179: {  	v2 =	vld [tilespmem:s24+$0x10410]  }
0x17a: {  	v1 =	vadd.f32 v3, v1  }
0x17b: {  	v3 =	vld [tilespmem:s24+$0x10610]  }
0x17c: {  	v1 =	vadd.f32 v4, v1;
	_ =	sdelay $0x1  }
0x17d: {  	v1 =	vadd.f32 v2, v1;
	_ =	sdelay $0x1  }
0x17e: {  	v1 =	vadd.f32 v3, v1;
	_ =	sdelay $0x1  }
0x17f: {  	v1 =	vadd.f32 v1, v63  }
0x180: {  	v2 =	vld [tilespmem:$0x1FDF0]  }
0x181: {  	[tilespmem:s24+$0x11110] =	vst v1;
	v1 =	vld [tilespmem:$0x1FDE0];
	_ =	sdelay $0x1  }
0x182: {  	v3 =	vld [tilespmem:$0x1FE00];
	_ =	sdelay $0x1  }
0x183: {  	v4 =	vld [tilespmem:$0x1FE10];
	_ =	sdelay $0x2  }
0x184: {  	v2 =	vld.idx.msk [tilespmem:v2+s18+$0x0], $0xffff  }
0x185: {  	v1 =	vld.idx.msk [tilespmem:v1+s18+$0x0], $0xffff;
	_ =	sdelay $0x1  }
0x186: {  	v3 =	vld.idx.msk [tilespmem:v3+s18+$0x0], $0xffff;
	_ =	sdelay $0x1  }
0x187: {  	v4 =	vld.idx.msk [tilespmem:v4+s18+$0x0], $0xffff  }
0x188: {  	v1 =	vadd.f32 v2, v1;
	v2 =	vld [tilespmem:$0x1FE20];
	_ =	sdelay $0x1  }
0x189: {  	v1 =	vadd.f32 v3, v1;
	v3 =	vld [tilespmem:$0x1FE30];
	_ =	sdelay $0x1  }
0x18a: {  	v1 =	vadd.f32 v4, v1;
	v4 =	vld [tilespmem:$0x1FE40];
	_ =	sdelay $0x3  }
0x18b: {  	v2 =	vld.idx.msk [tilespmem:v2+s18+$0x0], $0xffff;
	_ =	sdelay $0x1  }
0x18c: {  	v3 =	vld.idx.msk [tilespmem:v3+s18+$0x0], $0xffff;
	_ =	sdelay $0x1  }
0x18d: {  	v4 =	vld.idx.msk [tilespmem:v4+s18+$0x0], $0xffff  }
0x18e: {  	v1 =	vadd.f32 v2, v1;
	v2 =	vld [tilespmem:$0x1FE50];
	_ =	sdelay $0x1  }
0x18f: {  	v1 =	vadd.f32 v3, v1;
	v3 =	vld [tilespmem:$0x1FE60];
	_ =	sdelay $0x1  }
0x190: {  	v1 =	vadd.f32 v4, v1;
	v4 =	vld [tilespmem:$0x1FE70];
	_ =	sdelay $0x3  }
0x191: {  	v2 =	vld.idx.msk [tilespmem:v2+s18+$0x0], $0xffff;
	_ =	sdelay $0x1  }
0x192: {  	v3 =	vld.idx.msk [tilespmem:v3+s18+$0x0], $0xffff;
	_ =	sdelay $0x1  }
0x193: {  	v4 =	vld.idx.msk [tilespmem:v4+s18+$0x0], $0xffff  }
0x194: {  	v1 =	vadd.f32 v2, v1;
	v2 =	vld [tilespmem:$0x1FE80];
	_ =	sdelay $0x1  }
0x195: {  	v1 =	vadd.f32 v3, v1;
	v3 =	vld [tilespmem:$0x1FE90];
	_ =	sdelay $0x1  }
0x196: {  	v1 =	vadd.f32 v4, v1;
	v4 =	vld [tilespmem:$0x1FEA0];
	_ =	sdelay $0x3  }
0x197: {  	v2 =	vld.idx.msk [tilespmem:v2+s18+$0x0], $0xffff;
	_ =	sdelay $0x1  }
0x198: {  	v3 =	vld.idx.msk [tilespmem:v3+s18+$0x0], $0xffff;
	_ =	sdelay $0x1  }
0x199: {  	v4 =	vld.idx.msk [tilespmem:v4+s18+$0x0], $0xffff  }
0x19a: {  	v1 =	vadd.f32 v2, v1;
	v2 =	vld [tilespmem:$0x1FEB0];
	_ =	sdelay $0x1  }
0x19b: {  	v1 =	vadd.f32 v3, v1;
	v3 =	vld [tilespmem:$0x1FEC0];
	_ =	sdelay $0x1  }
0x19c: {  	v1 =	vadd.f32 v4, v1;
	v4 =	vld [tilespmem:$0x1FED0];
	_ =	sdelay $0x3  }
0x19d: {  	v2 =	vld.idx.msk [tilespmem:v2+s18+$0x0], $0xffff;
	_ =	sdelay $0x1  }
0x19e: {  	v3 =	vld.idx.msk [tilespmem:v3+s18+$0x0], $0xffff;
	_ =	sdelay $0x1  }
0x19f: {  	v4 =	vld.idx.msk [tilespmem:v4+s18+$0x0], $0xffff  }
0x1a0: {  	v1 =	vadd.f32 v2, v1  }
0x1a1: {  	v2 =	vld [tilespmem:s24+$0x10420]  }
0x1a2: {  	v1 =	vadd.f32 v3, v1  }
0x1a3: {  	v3 =	vld [tilespmem:s24+$0x10620]  }
0x1a4: {  	v1 =	vadd.f32 v4, v1;
	_ =	sdelay $0x1  }
0x1a5: {  	v1 =	vadd.f32 v2, v1;
	_ =	sdelay $0x1  }
0x1a6: {  	v1 =	vadd.f32 v3, v1;
	_ =	sdelay $0x1  }
0x1a7: {  	v1 =	vadd.f32 v1, v63  }
0x1a8: {  	v2 =	vld [tilespmem:$0x1FEF0]  }
0x1a9: {  	[tilespmem:s24+$0x11120] =	vst v1;
	v1 =	vld [tilespmem:$0x1FEE0];
	_ =	sdelay $0x1  }
0x1aa: {  	v3 =	vld [tilespmem:$0x1FF00];
	_ =	sdelay $0x4  }
0x1ab: {  	v2 =	vld.idx.msk [tilespmem:v2+s18+$0x0], $0xffff  }
0x1ac: {  	v1 =	vld.idx.msk [tilespmem:v1+s18+$0x0], $0xffff;
	_ =	sdelay $0x1  }
0x1ad: {  	v3 =	vld.idx.msk [tilespmem:v3+s18+$0x0], $0xffff  }
0x1ae: {  	v4 =	vld [tilespmem:$0x1FF10];
	_ =	sdelay $0x1  }
0x1af: {  	v1 =	vadd.f32 v2, v1;
	v2 =	vld [tilespmem:$0x1FF20];
	_ =	sdelay $0x1  }
0x1b0: {  	v1 =	vadd.f32 v3, v1;
	v3 =	vld [tilespmem:$0x1FF30];
	_ =	sdelay $0x3  }
0x1b1: {  	v4 =	vld.idx.msk [tilespmem:v4+s18+$0x0], $0xffff;
	_ =	sdelay $0x1  }
0x1b2: {  	v2 =	vld.idx.msk [tilespmem:v2+s18+$0x0], $0xffff;
	_ =	sdelay $0x1  }
0x1b3: {  	v3 =	vld.idx.msk [tilespmem:v3+s18+$0x0], $0xffff  }
0x1b4: {  	v1 =	vadd.f32 v4, v1;
	v4 =	vld [tilespmem:$0x1FF40];
	_ =	sdelay $0x1  }
0x1b5: {  	v1 =	vadd.f32 v2, v1;
	v2 =	vld [tilespmem:$0x1FF50];
	_ =	sdelay $0x1  }
0x1b6: {  	v1 =	vadd.f32 v3, v1;
	v3 =	vld [tilespmem:$0x1FF60];
	_ =	sdelay $0x3  }
0x1b7: {  	v4 =	vld.idx.msk [tilespmem:v4+s18+$0x0], $0xffff;
	_ =	sdelay $0x1  }
0x1b8: {  	v2 =	vld.idx.msk [tilespmem:v2+s18+$0x0], $0xffff;
	_ =	sdelay $0x1  }
0x1b9: {  	v3 =	vld.idx.msk [tilespmem:v3+s18+$0x0], $0xffff  }
0x1ba: {  	v1 =	vadd.f32 v4, v1;
	v4 =	vld [tilespmem:$0x1FF70];
	_ =	sdelay $0x1  }
0x1bb: {  	v1 =	vadd.f32 v2, v1;
	v2 =	vld [tilespmem:$0x1FF80];
	_ =	sdelay $0x1  }
0x1bc: {  	v1 =	vadd.f32 v3, v1;
	v3 =	vld [tilespmem:$0x1FF90];
	_ =	sdelay $0x3  }
0x1bd: {  	v4 =	vld.idx.msk [tilespmem:v4+s18+$0x0], $0xffff;
	_ =	sdelay $0x1  }
0x1be: {  	v2 =	vld.idx.msk [tilespmem:v2+s18+$0x0], $0xffff;
	_ =	sdelay $0x1  }
0x1bf: {  	v3 =	vld.idx.msk [tilespmem:v3+s18+$0x0], $0xffff  }
0x1c0: {  	v1 =	vadd.f32 v4, v1;
	v4 =	vld [tilespmem:$0x1FFA0];
	_ =	sdelay $0x1  }
0x1c1: {  	v1 =	vadd.f32 v2, v1;
	v2 =	vld [tilespmem:$0x1FFB0];
	_ =	sdelay $0x1  }
0x1c2: {  	v1 =	vadd.f32 v3, v1;
	v3 =	vld [tilespmem:$0x1FFC0];
	_ =	sdelay $0x3  }
0x1c3: {  	v4 =	vld.idx.msk [tilespmem:v4+s18+$0x0], $0xffff  }
0x1c4: {  	v5 =	vadd.s32 $0x33F, v0  }
0x1c5: {  	v2 =	vld.idx.msk [tilespmem:v2+s18+$0x0], $0xffff;
	_ =	sdelay $0x1  }
0x1c6: {  	v3 =	vld.idx.msk [tilespmem:v3+s18+$0x0], $0xffff  }
0x1c7: {  	v1 =	vadd.f32 v4, v1  }
0x1c8: {  	v4 =	vld.idx.msk [tilespmem:v5+s18+$0x0], $0xffff  }
0x1c9: {  	v1 =	vadd.f32 v2, v1  }
0x1ca: {  	v2 =	vld [tilespmem:s24+$0x10430]  }
0x1cb: {  	v1 =	vadd.f32 v3, v1  }
0x1cc: {  	v3 =	vld [tilespmem:s24+$0x10630]  }
0x1cd: {  	v1 =	vadd.f32 v4, v1;
	_ =	sdelay $0x1  }
0x1ce: {  	v1 =	vadd.f32 v2, v1;
	_ =	sdelay $0x1  }
0x1cf: {  	v2 =	vadd.s32 $0x440, v0;
	v1 =	vadd.f32 v3, v1  }
0x1d0: {  	v3 =	vadd.s32 $0x441, v0  }
0x1d1: {  	v1 =	vadd.f32 v1, v63  }
0x1d2: {  	v4 =	vadd.s32 $0x442, v0  }
0x1d3: {  	[tilespmem:s24+$0x11130] =	vst v1  }
0x1d4: {  	[tilespmem:$0x1FB60] =	vst v5;
	v5 =	vadd.s32 $0x443, v0;
	v1 =	vld.idx.msk [tilespmem:v2+s18+$0x0], $0xffff  }
0x1d5: {  	[tilespmem:$0x1FB70] =	vst v2;
	v2 =	vld.idx.msk [tilespmem:v3+s18+$0x0], $0xffff  }
0x1d6: {  	v6 =	vadd.s32 $0x444, v0  }
0x1d7: {  	[tilespmem:$0x1FB80] =	vst v3;
	v3 =	vld.idx.msk [tilespmem:v4+s18+$0x0], $0xffff  }
0x1d8: {  	v7 =	vadd.s32 $0x445, v0  }
0x1d9: {  	[tilespmem:$0x1FB90] =	vst v4;
	v4 =	vld.idx.msk [tilespmem:v5+s18+$0x0], $0xffff  }
0x1da: {  	[tilespmem:$0x1FBA0] =	vst v5;
	v5 =	vadd.s32 $0x446, v0;
	v1 =	vadd.f32 v2, v1  }
0x1db: {  	v2 =	vld.idx.msk [tilespmem:v6+s18+$0x0], $0xffff  }
0x1dc: {  	[tilespmem:$0x1FBB0] =	vst v6;
	v6 =	vadd.s32 $0x447, v0;
	v1 =	vadd.f32 v3, v1  }
0x1dd: {  	v3 =	vld.idx.msk [tilespmem:v7+s18+$0x0], $0xffff  }
0x1de: {  	[tilespmem:$0x1FBC0] =	vst v7;
	v7 =	vadd.s32 $0x448, v0;
	v1 =	vadd.f32 v4, v1  }
0x1df: {  	v4 =	vld.idx.msk [tilespmem:v5+s18+$0x0], $0xffff  }
0x1e0: {  	[tilespmem:$0x1FBD0] =	vst v5;
	v5 =	vadd.s32 $0x449, v0;
	v1 =	vadd.f32 v2, v1  }
0x1e1: {  	v2 =	vld.idx.msk [tilespmem:v6+s18+$0x0], $0xffff  }
0x1e2: {  	[tilespmem:$0x1FBE0] =	vst v6;
	v6 =	vadd.s32 $0x44A, v0;
	v1 =	vadd.f32 v3, v1  }
0x1e3: {  	v3 =	vld.idx.msk [tilespmem:v7+s18+$0x0], $0xffff  }
0x1e4: {  	v13 =	vadd.s32 $0x44B, v0;
	v1 =	vadd.f32 v4, v1  }
0x1e5: {  	v4 =	vld.idx.msk [tilespmem:v5+s18+$0x0], $0xffff  }
0x1e6: {  	v14 =	vadd.s32 $0x44C, v0;
	v1 =	vadd.f32 v2, v1  }
0x1e7: {  	v2 =	vld.idx.msk [tilespmem:v6+s18+$0x0], $0xffff  }
0x1e8: {  	v15 =	vadd.s32 $0x44D, v0;
	v1 =	vadd.f32 v3, v1  }
0x1e9: {  	v3 =	vld.idx.msk [tilespmem:v13+s18+$0x0], $0xffff  }
0x1ea: {  	v16 =	vadd.s32 $0x44E, v0;
	v1 =	vadd.f32 v4, v1  }
0x1eb: {  	v4 =	vld.idx.msk [tilespmem:v14+s18+$0x0], $0xffff  }
0x1ec: {  	v17 =	vadd.s32 $0x44F, v0;
	v1 =	vadd.f32 v2, v1  }
0x1ed: {  	v2 =	vld.idx.msk [tilespmem:v15+s18+$0x0], $0xffff  }
0x1ee: {  	v1 =	vadd.f32 v3, v1  }
0x1ef: {  	v3 =	vld.idx.msk [tilespmem:v16+s18+$0x0], $0xffff  }
0x1f0: {  	v1 =	vadd.f32 v4, v1  }
0x1f1: {  	v4 =	vld.idx.msk [tilespmem:v17+s18+$0x0], $0xffff  }
0x1f2: {  	v1 =	vadd.f32 v2, v1  }
0x1f3: {  	v2 =	vld [tilespmem:s24+$0x10440]  }
0x1f4: {  	v1 =	vadd.f32 v3, v1  }
0x1f5: {  	v3 =	vld [tilespmem:s24+$0x10640]  }
0x1f6: {  	v1 =	vadd.f32 v4, v1;
	_ =	sdelay $0x1  }
0x1f7: {  	v1 =	vadd.f32 v2, v1;
	_ =	sdelay $0x1  }
0x1f8: {  	v18 =	vadd.s32 $0x550, v0;
	v1 =	vadd.f32 v3, v1  }
0x1f9: {  	v19 =	vadd.s32 $0x551, v0  }
0x1fa: {  	v1 =	vadd.f32 v1, v63  }
0x1fb: {  	v20 =	vadd.s32 $0x552, v0  }
0x1fc: {  	[tilespmem:s24+$0x11140] =	vst v1  }
0x1fd: {  	v21 =	vadd.s32 $0x553, v0;
	v1 =	vld.idx.msk [tilespmem:v18+s18+$0x0], $0xffff  }
0x1fe: {  	v2 =	vld.idx.msk [tilespmem:v19+s18+$0x0], $0xffff  }
0x1ff: {  	v22 =	vadd.s32 $0x554, v0  }
0x200: {  	v3 =	vld.idx.msk [tilespmem:v20+s18+$0x0], $0xffff  }
0x201: {  	v23 =	vadd.s32 $0x555, v0  }
0x202: {  	v4 =	vld.idx.msk [tilespmem:v21+s18+$0x0], $0xffff  }
0x203: {  	v24 =	vadd.s32 $0x556, v0;
	v1 =	vadd.f32 v2, v1  }
0x204: {  	v2 =	vld.idx.msk [tilespmem:v22+s18+$0x0], $0xffff  }
0x205: {  	v25 =	vadd.s32 $0x557, v0;
	v1 =	vadd.f32 v3, v1  }
0x206: {  	v3 =	vld.idx.msk [tilespmem:v23+s18+$0x0], $0xffff  }
0x207: {  	v26 =	vadd.s32 $0x558, v0;
	v1 =	vadd.f32 v4, v1  }
0x208: {  	v4 =	vld.idx.msk [tilespmem:v24+s18+$0x0], $0xffff  }
0x209: {  	v27 =	vadd.s32 $0x559, v0;
	v1 =	vadd.f32 v2, v1  }
0x20a: {  	v2 =	vld.idx.msk [tilespmem:v25+s18+$0x0], $0xffff  }
0x20b: {  	v28 =	vadd.s32 $0x55A, v0;
	v1 =	vadd.f32 v3, v1  }
0x20c: {  	v3 =	vld.idx.msk [tilespmem:v26+s18+$0x0], $0xffff  }
0x20d: {  	v29 =	vadd.s32 $0x55B, v0;
	v1 =	vadd.f32 v4, v1  }
0x20e: {  	v4 =	vld.idx.msk [tilespmem:v27+s18+$0x0], $0xffff  }
0x20f: {  	v30 =	vadd.s32 $0x55C, v0;
	v1 =	vadd.f32 v2, v1  }
0x210: {  	v2 =	vld.idx.msk [tilespmem:v28+s18+$0x0], $0xffff  }
0x211: {  	v31 =	vadd.s32 $0x55D, v0;
	v1 =	vadd.f32 v3, v1  }
0x212: {  	v3 =	vld.idx.msk [tilespmem:v29+s18+$0x0], $0xffff  }
0x213: {  	v32 =	vadd.s32 $0x55E, v0;
	v1 =	vadd.f32 v4, v1  }
0x214: {  	v4 =	vld.idx.msk [tilespmem:v30+s18+$0x0], $0xffff  }
0x215: {  	v33 =	vadd.s32 $0x55F, v0;
	v1 =	vadd.f32 v2, v1  }
0x216: {  	v2 =	vld.idx.msk [tilespmem:v31+s18+$0x0], $0xffff  }
0x217: {  	v1 =	vadd.f32 v3, v1  }
0x218: {  	v3 =	vld.idx.msk [tilespmem:v32+s18+$0x0], $0xffff  }
0x219: {  	v1 =	vadd.f32 v4, v1  }
0x21a: {  	v4 =	vld.idx.msk [tilespmem:v33+s18+$0x0], $0xffff  }
0x21b: {  	v1 =	vadd.f32 v2, v1  }
0x21c: {  	v2 =	vld [tilespmem:s24+$0x10450]  }
0x21d: {  	v1 =	vadd.f32 v3, v1  }
0x21e: {  	v3 =	vld [tilespmem:s24+$0x10650]  }
0x21f: {  	v1 =	vadd.f32 v4, v1;
	_ =	sdelay $0x1  }
0x220: {  	v1 =	vadd.f32 v2, v1;
	_ =	sdelay $0x1  }
0x221: {  	v34 =	vadd.s32 $0x660, v0;
	v1 =	vadd.f32 v3, v1  }
0x222: {  	v35 =	vadd.s32 $0x661, v0  }
0x223: {  	v1 =	vadd.f32 v1, v63  }
0x224: {  	v36 =	vadd.s32 $0x662, v0  }
0x225: {  	[tilespmem:s24+$0x11150] =	vst v1  }
0x226: {  	v37 =	vadd.s32 $0x663, v0;
	v1 =	vld.idx.msk [tilespmem:v34+s18+$0x0], $0xffff  }
0x227: {  	v2 =	vld.idx.msk [tilespmem:v35+s18+$0x0], $0xffff  }
0x228: {  	v38 =	vadd.s32 $0x664, v0  }
0x229: {  	v3 =	vld.idx.msk [tilespmem:v36+s18+$0x0], $0xffff  }
0x22a: {  	v39 =	vadd.s32 $0x665, v0  }
0x22b: {  	v4 =	vld.idx.msk [tilespmem:v37+s18+$0x0], $0xffff  }
0x22c: {  	v40 =	vadd.s32 $0x666, v0;
	v1 =	vadd.f32 v2, v1  }
0x22d: {  	v2 =	vld.idx.msk [tilespmem:v38+s18+$0x0], $0xffff  }
0x22e: {  	v41 =	vadd.s32 $0x667, v0;
	v1 =	vadd.f32 v3, v1  }
0x22f: {  	v3 =	vld.idx.msk [tilespmem:v39+s18+$0x0], $0xffff  }
0x230: {  	v42 =	vadd.s32 $0x668, v0;
	v1 =	vadd.f32 v4, v1  }
0x231: {  	v4 =	vld.idx.msk [tilespmem:v40+s18+$0x0], $0xffff  }
0x232: {  	v43 =	vadd.s32 $0x669, v0;
	v1 =	vadd.f32 v2, v1  }
0x233: {  	v2 =	vld.idx.msk [tilespmem:v41+s18+$0x0], $0xffff  }
0x234: {  	v44 =	vadd.s32 $0x66A, v0;
	v1 =	vadd.f32 v3, v1  }
0x235: {  	v3 =	vld.idx.msk [tilespmem:v42+s18+$0x0], $0xffff  }
0x236: {  	v45 =	vadd.s32 $0x66B, v0;
	v1 =	vadd.f32 v4, v1  }
0x237: {  	v4 =	vld.idx.msk [tilespmem:v43+s18+$0x0], $0xffff  }
0x238: {  	v46 =	vadd.s32 $0x66C, v0;
	v1 =	vadd.f32 v2, v1  }
0x239: {  	v2 =	vld.idx.msk [tilespmem:v44+s18+$0x0], $0xffff  }
0x23a: {  	v47 =	vadd.s32 $0x66D, v0;
	v1 =	vadd.f32 v3, v1  }
0x23b: {  	v3 =	vld.idx.msk [tilespmem:v45+s18+$0x0], $0xffff  }
0x23c: {  	v48 =	vadd.s32 $0x66E, v0;
	v1 =	vadd.f32 v4, v1  }
0x23d: {  	v4 =	vld.idx.msk [tilespmem:v46+s18+$0x0], $0xffff  }
0x23e: {  	v49 =	vadd.s32 $0x66F, v0;
	v1 =	vadd.f32 v2, v1  }
0x23f: {  	v2 =	vld.idx.msk [tilespmem:v47+s18+$0x0], $0xffff  }
0x240: {  	v1 =	vadd.f32 v3, v1  }
0x241: {  	v3 =	vld.idx.msk [tilespmem:v48+s18+$0x0], $0xffff  }
0x242: {  	v1 =	vadd.f32 v4, v1  }
0x243: {  	v4 =	vld.idx.msk [tilespmem:v49+s18+$0x0], $0xffff  }
0x244: {  	v1 =	vadd.f32 v2, v1  }
0x245: {  	v2 =	vld [tilespmem:s24+$0x10460]  }
0x246: {  	v1 =	vadd.f32 v3, v1  }
0x247: {  	v3 =	vld [tilespmem:s24+$0x10660]  }
0x248: {  	v1 =	vadd.f32 v4, v1;
	_ =	sdelay $0x1  }
0x249: {  	v1 =	vadd.f32 v2, v1;
	_ =	sdelay $0x1  }
0x24a: {  	v50 =	vadd.s32 $0x770, v0;
	v1 =	vadd.f32 v3, v1  }
0x24b: {  	v51 =	vadd.s32 $0x771, v0  }
0x24c: {  	v1 =	vadd.f32 v1, v63  }
0x24d: {  	v52 =	vadd.s32 $0x772, v0  }
0x24e: {  	[tilespmem:s24+$0x11160] =	vst v1  }
0x24f: {  	v53 =	vadd.s32 $0x773, v0;
	v1 =	vld.idx.msk [tilespmem:v50+s18+$0x0], $0xffff  }
0x250: {  	v2 =	vld.idx.msk [tilespmem:v51+s18+$0x0], $0xffff  }
0x251: {  	v54 =	vadd.s32 $0x774, v0  }
0x252: {  	v3 =	vld.idx.msk [tilespmem:v52+s18+$0x0], $0xffff  }
0x253: {  	v55 =	vadd.s32 $0x775, v0  }
0x254: {  	v4 =	vld.idx.msk [tilespmem:v53+s18+$0x0], $0xffff  }
0x255: {  	v56 =	vadd.s32 $0x776, v0;
	v1 =	vadd.f32 v2, v1  }
0x256: {  	v2 =	vld.idx.msk [tilespmem:v54+s18+$0x0], $0xffff  }
0x257: {  	v57 =	vadd.s32 $0x777, v0;
	v1 =	vadd.f32 v3, v1  }
0x258: {  	v3 =	vld.idx.msk [tilespmem:v55+s18+$0x0], $0xffff  }
0x259: {  	v58 =	vadd.s32 $0x778, v0;
	v1 =	vadd.f32 v4, v1  }
0x25a: {  	v4 =	vld.idx.msk [tilespmem:v56+s18+$0x0], $0xffff  }
0x25b: {  	v59 =	vadd.s32 $0x779, v0;
	v1 =	vadd.f32 v2, v1  }
0x25c: {  	v2 =	vld.idx.msk [tilespmem:v57+s18+$0x0], $0xffff  }
0x25d: {  	v60 =	vadd.s32 $0x77A, v0;
	v1 =	vadd.f32 v3, v1  }
0x25e: {  	v3 =	vld.idx.msk [tilespmem:v58+s18+$0x0], $0xffff  }
0x25f: {  	v61 =	vadd.s32 $0x77B, v0;
	v1 =	vadd.f32 v4, v1  }
0x260: {  	v4 =	vld.idx.msk [tilespmem:v59+s18+$0x0], $0xffff  }
0x261: {  	v62 =	vadd.s32 $0x77C, v0;
	v1 =	vadd.f32 v2, v1  }
0x262: {  	[tilespmem:$0x1FC00] =	vst v5;
	v5 =	vld.idx.msk [tilespmem:v60+s18+$0x0], $0xffff  }
0x263: {  	v2 =	vadd.f32 v3, v1;
	v1 =	vadd.s32 $0x77D, v0  }
0x264: {  	[tilespmem:$0x1FC10] =	vst v6;
	v6 =	vld.idx.msk [tilespmem:v61+s18+$0x0], $0xffff  }
0x265: {  	v3 =	vadd.f32 v4, v2;
	v2 =	vadd.s32 $0x77E, v0  }
0x266: {  	v4 =	vld.idx.msk [tilespmem:v62+s18+$0x0], $0xffff  }
0x267: {  	v5 =	vadd.f32 v5, v3;
	v3 =	vadd.s32 $0x77F, v0  }
0x268: {  	[tilespmem:$0x1FBF0] =	vst v7;
	v7 =	vld.idx.msk [tilespmem:v1+s18+$0x0], $0xffff  }
0x269: {  	v5 =	vadd.f32 v6, v5  }
0x26a: {  	v6 =	vld.idx.msk [tilespmem:v2+s18+$0x0], $0xffff  }
0x26b: {  	v4 =	vadd.f32 v4, v5  }
0x26c: {  	v5 =	vld.idx.msk [tilespmem:v3+s18+$0x0], $0xffff  }
0x26d: {  	v4 =	vadd.f32 v7, v4  }
0x26e: {  	v7 =	vld [tilespmem:s24+$0x10470]  }
0x26f: {  	v4 =	vadd.f32 v6, v4  }
0x270: {  	v6 =	vld [tilespmem:s24+$0x10670]  }
0x271: {  	v4 =	vadd.f32 v5, v4;
	_ =	sdelay $0x1  }
0x272: {  	v4 =	vadd.f32 v7, v4;
	_ =	sdelay $0x1  }
0x273: {  	v4 =	vadd.f32 v6, v4;
	_ =	sdelay $0x1  }
0x274: {  	v4 =	vadd.f32 v4, v63;
	_ =	sdelay $0x1  }
0x275: {  	s7 =	simm.s32 @p0 $0x80;
	s21 =	simm.s32 @p0 $0x100;
	s22 =	simm.s32 @p0 $0x400;
	[tilespmem:s24+$0x11170] =	vst v4  }
0x276: {  	[tilespmem:s22], [sflag:$0x1] =	stream.indirect.gather @p0 [hbm4b:s0+s7], $0x80, s21, s7, $0xb8;
	[tilespmem:$0x11300] =	vst v63  }
0x277: {  	s21 =	simm.s32 @p0 $0x300;
	s22 =	simm.s32 @p0 $0x8400  }
0x278: {  	[tilespmem:s22], [sflag:$0x3] =	stream.indirect.gather @p0 [hbm4b:s1+s7], $0x80, s21, s7, $0xb8;
	[tilespmem:$0x11300] =	vst v63  }
0x279: {  	_ =	swait.ge [sflag:s19], $0x4000  }
0x27a: {  	[sflag:s19] =	ssyncset.done $0x0  }
0x27b: {  	[sflag:s19] =	ssyncadd.s32 $0xFFFFC000  }
0x27c: {  	_ =	swait.ge [sflag:s20], $0x4000  }
0x27d: {  	[sflag:s20] =	ssyncset.done $0x0  }
0x27e: {  	s25 =	simm.s32 $0x4500;
	[sflag:s20] =	ssyncadd.s32 $0xFFFFC000  }
0x27f: {  	s26 =	simm.s32 $0xC500;
	v4 =	vld [tilespmem:s25+$0xFFFFFF00]  }
0x280: {  	v5 =	vld [tilespmem:s26+$0xFFFFFF00]  }
0x281: {  	v6 =	vld [tilespmem:s25+$0xFFFFFF10]  }
0x282: {  	v7 =	vld [tilespmem:s26+$0xFFFFFF10]  }
0x283: {  	v8 =	vld [tilespmem:s26+$0xFFFFFF20]  }
0x284: {  	v9 =	vld [tilespmem:s25+$0xFFFFFF20]  }
0x285: {  	v10 =	vld [tilespmem:s26+$0xFFFFFF30]  }
0x286: {  	v11 =	vld [tilespmem:s25+$0xFFFFFF30]  }
0x287: {  	v4 =	vmul.f32 v5, v4;
	v5 =	vmul.f32 v7, v6;
	v6 =	vld [tilespmem:s26+$0xFFFFFF40]  }
0x288: {  	v7 =	vld [tilespmem:s25+$0xFFFFFF40]  }
0x289: {  	v4 =	vadd.f32 v5, v4;
	v5 =	vmul.f32 v8, v9;
	v8 =	vld [tilespmem:s26+$0xFFFFFF50]  }
0x28a: {  	v9 =	vld [tilespmem:s25+$0xFFFFFF50]  }
0x28b: {  	v4 =	vadd.f32 v5, v4;
	v5 =	vmul.f32 v10, v11;
	v10 =	vld [tilespmem:s26+$0xFFFFFF60]  }
0x28c: {  	v11 =	vld [tilespmem:s25+$0xFFFFFF60]  }
0x28d: {  	v4 =	vadd.f32 v5, v4;
	v5 =	vmul.f32 v6, v7;
	v6 =	vld [tilespmem:s26+$0xFFFFFF70]  }
0x28e: {  	v7 =	vld [tilespmem:s25+$0xFFFFFF70]  }
0x28f: {  	v4 =	vadd.f32 v5, v4;
	v5 =	vmul.f32 v8, v9;
	_ =	sdelay $0x1  }
0x290: {  	v4 =	vadd.f32 v5, v4;
	v5 =	vmul.f32 v10, v11;
	_ =	sdelay $0x1  }
0x291: {  	v4 =	vadd.f32 v5, v4;
	v5 =	vmul.f32 v6, v7;
	_ =	sdelay $0x1  }
0x292: {  	v4 =	vadd.f32 v5, v4  }
0x293: {  	s29 =	simm.s32 $0x108A2  }
0x294: {  	[tilespmem:s29+$0xFFFFFFDE] =	vst v4  }
0x295: {  	v4 =	vld [tilespmem:s25+$0xFFFFFF80]  }
0x296: {  	v5 =	vld [tilespmem:s26+$0xFFFFFF80]  }
0x297: {  	v6 =	vld [tilespmem:s26+$0xFFFFFF90]  }
0x298: {  	v7 =	vld [tilespmem:s25+$0xFFFFFF90]  }
0x299: {  	v8 =	vld [tilespmem:s26+$0xFFFFFFA0]  }
0x29a: {  	v9 =	vld [tilespmem:s25+$0xFFFFFFA0]  }
0x29b: {  	v10 =	vld [tilespmem:s26+$0xFFFFFFB0]  }
0x29c: {  	v11 =	vld [tilespmem:s25+$0xFFFFFFB0]  }
0x29d: {  	v4 =	vmul.f32 v5, v4;
	v5 =	vmul.f32 v6, v7;
	v6 =	vld [tilespmem:s26+$0xFFFFFFC0]  }
0x29e: {  	v7 =	vld [tilespmem:s25+$0xFFFFFFC0]  }
0x29f: {  	v4 =	vadd.f32 v5, v4;
	v5 =	vmul.f32 v8, v9;
	v8 =	vld [tilespmem:s26+$0xFFFFFFD0]  }
0x2a0: {  	v9 =	vld [tilespmem:s25+$0xFFFFFFD0]  }
0x2a1: {  	v4 =	vadd.f32 v5, v4;
	v5 =	vmul.f32 v10, v11;
	v10 =	vld [tilespmem:s26+$0xFFFFFFE0]  }
0x2a2: {  	v11 =	vld [tilespmem:s25+$0xFFFFFFE0]  }
0x2a3: {  	v4 =	vadd.f32 v5, v4;
	v5 =	vmul.f32 v6, v7;
	v6 =	vld [tilespmem:s26+$0xFFFFFFF0]  }
0x2a4: {  	v7 =	vld [tilespmem:s25+$0xFFFFFFF0]  }
0x2a5: {  	v4 =	vadd.f32 v5, v4;
	v5 =	vmul.f32 v8, v9;
	_ =	sdelay $0x1  }
0x2a6: {  	v4 =	vadd.f32 v5, v4;
	v5 =	vmul.f32 v10, v11;
	_ =	sdelay $0x1  }
0x2a7: {  	v4 =	vadd.f32 v5, v4;
	v5 =	vmul.f32 v6, v7;
	_ =	sdelay $0x1  }
0x2a8: {  	v4 =	vadd.f32 v5, v4;
	_ =	sdelay $0x1  }
0x2a9: {  	[tilespmem:s29+$0xFFFFFFEF] =	vst v4  }
0x2aa: {  	v4 =	vld [tilespmem:s25+$0x0]  }
0x2ab: {  	v5 =	vld [tilespmem:s26+$0x0]  }
0x2ac: {  	v6 =	vld [tilespmem:s26+$0x10]  }
0x2ad: {  	v7 =	vld [tilespmem:s25+$0x10]  }
0x2ae: {  	v8 =	vld [tilespmem:s26+$0x20]  }
0x2af: {  	v9 =	vld [tilespmem:s25+$0x20]  }
0x2b0: {  	v10 =	vld [tilespmem:s26+$0x30]  }
0x2b1: {  	v11 =	vld [tilespmem:s25+$0x30]  }
0x2b2: {  	v4 =	vmul.f32 v5, v4;
	v5 =	vmul.f32 v6, v7;
	v6 =	vld [tilespmem:s26+$0x40]  }
0x2b3: {  	v7 =	vld [tilespmem:s25+$0x40]  }
0x2b4: {  	v4 =	vadd.f32 v5, v4;
	v5 =	vmul.f32 v8, v9;
	v8 =	vld [tilespmem:s26+$0x50]  }
0x2b5: {  	v9 =	vld [tilespmem:s25+$0x50]  }
0x2b6: {  	v4 =	vadd.f32 v5, v4;
	v5 =	vmul.f32 v10, v11;
	v10 =	vld [tilespmem:s26+$0x60]  }
0x2b7: {  	v11 =	vld [tilespmem:s25+$0x60]  }
0x2b8: {  	v4 =	vadd.f32 v5, v4;
	v5 =	vmul.f32 v6, v7;
	v6 =	vld [tilespmem:s26+$0x70]  }
0x2b9: {  	v7 =	vld [tilespmem:s25+$0x70]  }
0x2ba: {  	v4 =	vadd.f32 v5, v4;
	v5 =	vmul.f32 v8, v9;
	_ =	sdelay $0x1  }
0x2bb: {  	v4 =	vadd.f32 v5, v4;
	v5 =	vmul.f32 v10, v11;
	_ =	sdelay $0x1  }
0x2bc: {  	v4 =	vadd.f32 v5, v4;
	v5 =	vmul.f32 v6, v7;
	_ =	sdelay $0x1  }
0x2bd: {  	v4 =	vadd.f32 v5, v4;
	_ =	sdelay $0x1  }
0x2be: {  	[tilespmem:s29+$0x0] =	vst v4  }
0x2bf: {  	v4 =	vld [tilespmem:s25+$0x80]  }
0x2c0: {  	v7 =	vld [tilespmem:s26+$0x90]  }
0x2c1: {  	v8 =	vld [tilespmem:s25+$0x90]  }
0x2c2: {  	v10 =	vld [tilespmem:s26+$0x80]  }
0x2c3: {  	v11 =	vld [tilespmem:s25+$0xA0]  }
0x2c4: {  	v12 =	vld [tilespmem:s26+$0xA0]  }
0x2c5: {  	v6 =	vld [tilespmem:s25+$0xB0]  }
0x2c6: {  	v9 =	vld [tilespmem:s26+$0xB0]  }
0x2c7: {  	v5 =	vld [tilespmem:s25+$0xC0];
	v8 =	vmul.f32 v7, v8;
	v10 =	vmul.f32 v10, v4  }
0x2c8: {  	v7 =	vld [tilespmem:s26+$0xC0]  }
0x2c9: {  	s31 =	simm.s32 $0x108A2;
	v4 =	vld [tilespmem:s25+$0xD0];
	v11 =	vmul.f32 v12, v11;
	v10 =	vadd.f32 v8, v10  }
0x2ca: {  	s22 =	simm.s32 $0x0;
	s7 =	simm.s32 $0xC700;
	s21 =	simm.s32 $0x4500;
	v8 =	vld [tilespmem:s26+$0xD0]  }
.LBB2_5:
0x2cb: {  	s22 =	sadd.s32 $0x4, s22;
	v10 =	vadd.f32 v11, v10;
	v6 =	vmul.f32 v9, v6;
	v9 =	vld [tilespmem:s25+$0xE0];
	s29 =	sadd.s32 $0x44, s29;
	s21 =	sadd.s32 $0x200, s21  }
0x2cc: {  	p1 =	slt.u32 s22, $0x7C;
	v11 =	vld [tilespmem:s26+$0xE0]  }
0x2cd: {  	v6 =	vadd.f32 v6, v10;
	v5 =	vmul.f32 v7, v5;
	v7 =	vld [tilespmem:s25+$0xF0];
	s25 =	smov.u32 s21  }
0x2ce: {  	v10 =	vld [tilespmem:s26+$0xF0];
	s26 =	smov.u32 s7  }
0x2cf: {  	v5 =	vadd.f32 v5, v6;
	v4 =	vmul.f32 v8, v4;
	_ =	sdelay $0x1  }
0x2d0: {  	v4 =	vadd.f32 v4, v5;
	v5 =	vmul.f32 v11, v9;
	_ =	sdelay $0x1  }
0x2d1: {  	v4 =	vadd.f32 v5, v4;
	v5 =	vmul.f32 v10, v7;
	_ =	sdelay $0x1  }
0x2d2: {  	v4 =	vadd.f32 v5, v4;
	_ =	sdelay $0x1  }
0x2d3: {  	[tilespmem:s31+$0x11] =	vst v4;
	s31 =	smov.u32 s29  }
0x2d4: {  	v4 =	vld [tilespmem:s21+$0xFFFFFF00]  }
0x2d5: {  	v5 =	vld [tilespmem:s7+$0xFFFFFF00]  }
0x2d6: {  	v6 =	vld [tilespmem:s21+$0xFFFFFF10]  }
0x2d7: {  	v7 =	vld [tilespmem:s7+$0xFFFFFF10]  }
0x2d8: {  	v8 =	vld [tilespmem:s7+$0xFFFFFF20]  }
0x2d9: {  	v9 =	vld [tilespmem:s21+$0xFFFFFF20]  }
0x2da: {  	v10 =	vld [tilespmem:s7+$0xFFFFFF30]  }
0x2db: {  	v11 =	vld [tilespmem:s21+$0xFFFFFF30]  }
0x2dc: {  	v4 =	vmul.f32 v5, v4;
	v5 =	vmul.f32 v7, v6;
	v6 =	vld [tilespmem:s7+$0xFFFFFF40]  }
0x2dd: {  	v7 =	vld [tilespmem:s21+$0xFFFFFF40]  }
0x2de: {  	v4 =	vadd.f32 v5, v4;
	v5 =	vmul.f32 v8, v9;
	v8 =	vld [tilespmem:s7+$0xFFFFFF50]  }
0x2df: {  	v9 =	vld [tilespmem:s21+$0xFFFFFF50]  }
0x2e0: {  	v4 =	vadd.f32 v5, v4;
	v5 =	vmul.f32 v10, v11;
	v10 =	vld [tilespmem:s7+$0xFFFFFF60]  }
0x2e1: {  	v11 =	vld [tilespmem:s21+$0xFFFFFF60]  }
0x2e2: {  	v4 =	vadd.f32 v5, v4;
	v5 =	vmul.f32 v6, v7;
	v6 =	vld [tilespmem:s7+$0xFFFFFF70]  }
0x2e3: {  	v7 =	vld [tilespmem:s21+$0xFFFFFF70]  }
0x2e4: {  	v4 =	vadd.f32 v5, v4;
	v5 =	vmul.f32 v8, v9;
	_ =	sdelay $0x1  }
0x2e5: {  	v4 =	vadd.f32 v5, v4;
	v5 =	vmul.f32 v10, v11;
	_ =	sdelay $0x1  }
0x2e6: {  	v4 =	vadd.f32 v5, v4;
	v5 =	vmul.f32 v6, v7;
	_ =	sdelay $0x1  }
0x2e7: {  	v4 =	vadd.f32 v5, v4;
	_ =	sdelay $0x1  }
0x2e8: {  	[tilespmem:s29+$0xFFFFFFDE] =	vst v4  }
0x2e9: {  	v4 =	vld [tilespmem:s21+$0xFFFFFF80]  }
0x2ea: {  	v5 =	vld [tilespmem:s7+$0xFFFFFF80];
	_ =	sdelay $0x2  }
0x2eb: {  	v6 =	vld [tilespmem:s7+$0xFFFFFF90]  }
0x2ec: {  	v7 =	vld [tilespmem:s21+$0xFFFFFF90]  }
0x2ed: {  	v4 =	vmul.f32 v5, v4;
	v5 =	vld [tilespmem:s7+$0xFFFFFFA0]  }
0x2ee: {  	v8 =	vld [tilespmem:s21+$0xFFFFFFA0]  }
0x2ef: {  	v9 =	vld [tilespmem:s7+$0xFFFFFFB0]  }
0x2f0: {  	v10 =	vld [tilespmem:s21+$0xFFFFFFB0]  }
0x2f1: {  	v6 =	vmul.f32 v6, v7;
	v7 =	vld [tilespmem:s7+$0xFFFFFFC0]  }
0x2f2: {  	v11 =	vld [tilespmem:s21+$0xFFFFFFC0]  }
0x2f3: {  	v4 =	vadd.f32 v6, v4;
	v5 =	vmul.f32 v5, v8;
	v6 =	vld [tilespmem:s7+$0xFFFFFFD0]  }
0x2f4: {  	v8 =	vld [tilespmem:s21+$0xFFFFFFD0]  }
0x2f5: {  	v4 =	vadd.f32 v5, v4;
	v5 =	vmul.f32 v9, v10;
	v9 =	vld [tilespmem:s7+$0xFFFFFFE0]  }
0x2f6: {  	v10 =	vld [tilespmem:s21+$0xFFFFFFE0]  }
0x2f7: {  	v4 =	vadd.f32 v5, v4;
	v5 =	vmul.f32 v7, v11;
	v7 =	vld [tilespmem:s7+$0xFFFFFFF0]  }
0x2f8: {  	v11 =	vld [tilespmem:s21+$0xFFFFFFF0]  }
0x2f9: {  	v4 =	vadd.f32 v5, v4;
	v5 =	vmul.f32 v6, v8;
	_ =	sdelay $0x1  }
0x2fa: {  	v4 =	vadd.f32 v5, v4;
	v5 =	vmul.f32 v9, v10;
	_ =	sdelay $0x1  }
0x2fb: {  	v4 =	vadd.f32 v5, v4;
	v5 =	vmul.f32 v7, v11;
	_ =	sdelay $0x1  }
0x2fc: {  	v4 =	vadd.f32 v5, v4;
	_ =	sdelay $0x1  }
0x2fd: {  	[tilespmem:s29+$0xFFFFFFEF] =	vst v4  }
0x2fe: {  	v4 =	vld [tilespmem:s21+$0x0]  }
0x2ff: {  	v5 =	vld [tilespmem:s7+$0x0];
	_ =	sdelay $0x1  }
0x300: {  	v6 =	vld [tilespmem:s7+$0x10]  }
0x301: {  	v7 =	vld [tilespmem:s21+$0x10]  }
0x302: {  	v8 =	vld [tilespmem:s7+$0x20]  }
0x303: {  	v4 =	vmul.f32 v5, v4;
	v5 =	vld [tilespmem:s21+$0x20]  }
0x304: {  	v9 =	vld [tilespmem:s7+$0x30]  }
0x305: {  	v10 =	vld [tilespmem:s21+$0x30]  }
0x306: {  	v6 =	vmul.f32 v6, v7;
	v7 =	vld [tilespmem:s7+$0x40]  }
0x307: {  	v11 =	vld [tilespmem:s21+$0x40]  }
0x308: {  	v4 =	vadd.f32 v6, v4;
	v5 =	vmul.f32 v8, v5;
	v6 =	vld [tilespmem:s7+$0x50]  }
0x309: {  	v8 =	vld [tilespmem:s21+$0x50]  }
0x30a: {  	v4 =	vadd.f32 v5, v4;
	v5 =	vmul.f32 v9, v10;
	v9 =	vld [tilespmem:s7+$0x60]  }
0x30b: {  	v10 =	vld [tilespmem:s21+$0x60]  }
0x30c: {  	v4 =	vadd.f32 v5, v4;
	v5 =	vmul.f32 v7, v11;
	v7 =	vld [tilespmem:s7+$0x70]  }
0x30d: {  	v11 =	vld [tilespmem:s21+$0x70]  }
0x30e: {  	v4 =	vadd.f32 v5, v4;
	v5 =	vmul.f32 v6, v8;
	_ =	sdelay $0x1  }
0x30f: {  	v4 =	vadd.f32 v5, v4;
	v5 =	vmul.f32 v9, v10;
	_ =	sdelay $0x1  }
0x310: {  	v4 =	vadd.f32 v5, v4;
	v5 =	vmul.f32 v7, v11;
	_ =	sdelay $0x1  }
0x311: {  	v4 =	vadd.f32 v5, v4;
	_ =	sdelay $0x1  }
0x312: {  	[tilespmem:s29+$0x0] =	vst v4  }
0x313: {  	v4 =	vld [tilespmem:s21+$0x80]  }
0x314: {  	v5 =	vld [tilespmem:s7+$0x90]  }
0x315: {  	v7 =	vld [tilespmem:s21+$0x90]  }
0x316: {  	v8 =	vld [tilespmem:s7+$0x80]  }
0x317: {  	v11 =	vld [tilespmem:s21+$0xA0]  }
0x318: {  	v12 =	vld [tilespmem:s7+$0xA0]  }
0x319: {  	v6 =	vld [tilespmem:s21+$0xB0]  }
.Ltmp3:
0x31a: {  	v10 =	vmul.f32 v5, v7;
	v9 =	vld [tilespmem:s7+$0xB0];
	(pc) =	sbr.rel @p1 .LBB2_5-.Ltmp3, $4  }
0x31b: {  	v4 =	vmul.f32 v8, v4;
	v5 =	vld [tilespmem:s21+$0xC0]  }
0x31c: {  	v7 =	vld [tilespmem:s7+$0xC0]  }
0x31d: {  	v10 =	vadd.f32 v10, v4;
	v11 =	vmul.f32 v12, v11;
	v4 =	vld [tilespmem:s21+$0xD0]  }
0x31e: {  	s7 =	sadd.s32 $0x200, s7;
	v8 =	vld [tilespmem:s26+$0xD0]  }
0x31f: {  	v10 =	vadd.f32 v11, v10;
	v6 =	vmul.f32 v9, v6;
	v9 =	vld [tilespmem:s25+$0xE0]  }
0x320: {  	v11 =	vld [tilespmem:s26+$0xE0]  }
0x321: {  	v6 =	vadd.f32 v6, v10;
	v5 =	vmul.f32 v7, v5;
	v7 =	vld [tilespmem:s25+$0xF0]  }
0x322: {  	v10 =	vld [tilespmem:s26+$0xF0]  }
0x323: {  	v5 =	vadd.f32 v5, v6;
	v4 =	vmul.f32 v8, v4;
	_ =	sdelay $0x1  }
0x324: {  	v4 =	vadd.f32 v4, v5;
	v5 =	vmul.f32 v11, v9;
	_ =	sdelay $0x1  }
0x325: {  	v4 =	vadd.f32 v5, v4;
	v5 =	vmul.f32 v10, v7;
	v10 =	vld [tilespmem:$0x1FFD0];
	_ =	sdelay $0x1  }
0x326: {  	v11 =	vld [tilespmem:$0x1FFE0];
	_ =	sdelay $0x1  }
0x327: {  	v12 =	vld [tilespmem:$0x1FFF0];
	v4 =	vadd.f32 v5, v4;
	_ =	sdelay $0x1  }
0x328: {  	[tilespmem:s31+$0x11] =	vst v4  }
0x329: {  	v4 =	vld.idx.msk [tilespmem:v0+s18+$0x0], $0xffff  }
0x32a: {  	v5 =	vld.idx.msk [tilespmem:v10+s18+$0x0], $0xffff;
	_ =	sdelay $0x1  }
0x32b: {  	v6 =	vld.idx.msk [tilespmem:v11+s18+$0x0], $0xffff;
	_ =	sdelay $0x1  }
0x32c: {  	v7 =	vld.idx.msk [tilespmem:v12+s18+$0x0], $0xffff  }
0x32d: {  	v4 =	vadd.f32 v5, v4;
	v5 =	vld [tilespmem:$0x1FC20];
	_ =	sdelay $0x1  }
0x32e: {  	v4 =	vadd.f32 v6, v4;
	v6 =	vld [tilespmem:$0x1FC30];
	_ =	sdelay $0x1  }
0x32f: {  	v4 =	vadd.f32 v7, v4;
	v7 =	vld [tilespmem:$0x1FC40];
	_ =	sdelay $0x3  }
0x330: {  	v5 =	vld.idx.msk [tilespmem:v5+s18+$0x0], $0xffff;
	_ =	sdelay $0x1  }
0x331: {  	v6 =	vld.idx.msk [tilespmem:v6+s18+$0x0], $0xffff;
	_ =	sdelay $0x1  }
0x332: {  	v7 =	vld.idx.msk [tilespmem:v7+s18+$0x0], $0xffff  }
0x333: {  	v4 =	vadd.f32 v5, v4;
	v5 =	vld [tilespmem:$0x1FC50];
	_ =	sdelay $0x1  }
0x334: {  	v4 =	vadd.f32 v6, v4;
	v6 =	vld [tilespmem:$0x1FC60];
	_ =	sdelay $0x1  }
0x335: {  	v4 =	vadd.f32 v7, v4;
	v7 =	vld [tilespmem:$0x1FC70];
	_ =	sdelay $0x3  }
0x336: {  	v5 =	vld.idx.msk [tilespmem:v5+s18+$0x0], $0xffff;
	_ =	sdelay $0x1  }
0x337: {  	v6 =	vld.idx.msk [tilespmem:v6+s18+$0x0], $0xffff;
	_ =	sdelay $0x1  }
0x338: {  	v7 =	vld.idx.msk [tilespmem:v7+s18+$0x0], $0xffff  }
0x339: {  	v4 =	vadd.f32 v5, v4;
	v5 =	vld [tilespmem:$0x1FC80];
	_ =	sdelay $0x1  }
0x33a: {  	v4 =	vadd.f32 v6, v4;
	v6 =	vld [tilespmem:$0x1FC90];
	_ =	sdelay $0x1  }
0x33b: {  	v4 =	vadd.f32 v7, v4;
	v7 =	vld [tilespmem:$0x1FCA0];
	_ =	sdelay $0x3  }
0x33c: {  	v5 =	vld.idx.msk [tilespmem:v5+s18+$0x0], $0xffff;
	_ =	sdelay $0x1  }
0x33d: {  	v6 =	vld.idx.msk [tilespmem:v6+s18+$0x0], $0xffff;
	_ =	sdelay $0x1  }
0x33e: {  	v7 =	vld.idx.msk [tilespmem:v7+s18+$0x0], $0xffff  }
0x33f: {  	v4 =	vadd.f32 v5, v4;
	v5 =	vld [tilespmem:$0x1FCB0];
	_ =	sdelay $0x1  }
0x340: {  	v4 =	vadd.f32 v6, v4;
	v6 =	vld [tilespmem:$0x1FCC0];
	_ =	sdelay $0x1  }
0x341: {  	v4 =	vadd.f32 v7, v4;
	v7 =	vld [tilespmem:$0x1FCD0];
	_ =	sdelay $0x3  }
0x342: {  	v5 =	vld.idx.msk [tilespmem:v5+s18+$0x0], $0xffff;
	_ =	sdelay $0x1  }
0x343: {  	v6 =	vld.idx.msk [tilespmem:v6+s18+$0x0], $0xffff;
	_ =	sdelay $0x1  }
0x344: {  	v7 =	vld.idx.msk [tilespmem:v7+s18+$0x0], $0xffff  }
0x345: {  	v4 =	vadd.f32 v5, v4  }
0x346: {  	v5 =	vld [tilespmem:s24+$0x10480]  }
0x347: {  	v4 =	vadd.f32 v6, v4  }
0x348: {  	v6 =	vld [tilespmem:s24+$0x10680]  }
0x349: {  	v4 =	vadd.f32 v7, v4;
	_ =	sdelay $0x1  }
0x34a: {  	v4 =	vadd.f32 v5, v4;
	_ =	sdelay $0x1  }
0x34b: {  	v4 =	vadd.f32 v6, v4;
	_ =	sdelay $0x1  }
0x34c: {  	v4 =	vadd.f32 v4, v63  }
0x34d: {  	v5 =	vld [tilespmem:$0x1FCF0]  }
0x34e: {  	[tilespmem:s24+$0x11180] =	vst v4;
	v4 =	vld [tilespmem:$0x1FCE0];
	_ =	sdelay $0x1  }
0x34f: {  	v6 =	vld [tilespmem:$0x1FD00];
	_ =	sdelay $0x1  }
0x350: {  	v7 =	vld [tilespmem:$0x1FD10];
	_ =	sdelay $0x2  }
0x351: {  	v5 =	vld.idx.msk [tilespmem:v5+s18+$0x0], $0xffff  }
0x352: {  	v4 =	vld.idx.msk [tilespmem:v4+s18+$0x0], $0xffff;
	_ =	sdelay $0x1  }
0x353: {  	v6 =	vld.idx.msk [tilespmem:v6+s18+$0x0], $0xffff;
	_ =	sdelay $0x1  }
0x354: {  	v7 =	vld.idx.msk [tilespmem:v7+s18+$0x0], $0xffff  }
0x355: {  	v4 =	vadd.f32 v5, v4;
	v5 =	vld [tilespmem:$0x1FD20];
	_ =	sdelay $0x1  }
0x356: {  	v4 =	vadd.f32 v6, v4;
	v6 =	vld [tilespmem:$0x1FD30];
	_ =	sdelay $0x1  }
0x357: {  	v4 =	vadd.f32 v7, v4;
	v7 =	vld [tilespmem:$0x1FD40];
	_ =	sdelay $0x3  }
0x358: {  	v5 =	vld.idx.msk [tilespmem:v5+s18+$0x0], $0xffff;
	_ =	sdelay $0x1  }
0x359: {  	v6 =	vld.idx.msk [tilespmem:v6+s18+$0x0], $0xffff;
	_ =	sdelay $0x1  }
0x35a: {  	v7 =	vld.idx.msk [tilespmem:v7+s18+$0x0], $0xffff  }
0x35b: {  	v4 =	vadd.f32 v5, v4;
	v5 =	vld [tilespmem:$0x1FD50];
	_ =	sdelay $0x1  }
0x35c: {  	v4 =	vadd.f32 v6, v4;
	v6 =	vld [tilespmem:$0x1FD60];
	_ =	sdelay $0x1  }
0x35d: {  	v4 =	vadd.f32 v7, v4;
	v7 =	vld [tilespmem:$0x1FD70];
	_ =	sdelay $0x3  }
0x35e: {  	v5 =	vld.idx.msk [tilespmem:v5+s18+$0x0], $0xffff;
	_ =	sdelay $0x1  }
0x35f: {  	v6 =	vld.idx.msk [tilespmem:v6+s18+$0x0], $0xffff;
	_ =	sdelay $0x1  }
0x360: {  	v7 =	vld.idx.msk [tilespmem:v7+s18+$0x0], $0xffff  }
0x361: {  	v4 =	vadd.f32 v5, v4;
	v5 =	vld [tilespmem:$0x1FD80];
	_ =	sdelay $0x1  }
0x362: {  	v4 =	vadd.f32 v6, v4;
	v6 =	vld [tilespmem:$0x1FD90];
	_ =	sdelay $0x1  }
0x363: {  	v4 =	vadd.f32 v7, v4;
	v7 =	vld [tilespmem:$0x1FDA0];
	_ =	sdelay $0x3  }
0x364: {  	v5 =	vld.idx.msk [tilespmem:v5+s18+$0x0], $0xffff;
	_ =	sdelay $0x1  }
0x365: {  	v6 =	vld.idx.msk [tilespmem:v6+s18+$0x0], $0xffff;
	_ =	sdelay $0x1  }
0x366: {  	v7 =	vld.idx.msk [tilespmem:v7+s18+$0x0], $0xffff  }
0x367: {  	v4 =	vadd.f32 v5, v4;
	v5 =	vld [tilespmem:$0x1FDB0];
	_ =	sdelay $0x1  }
0x368: {  	v4 =	vadd.f32 v6, v4;
	v6 =	vld [tilespmem:$0x1FDC0];
	_ =	sdelay $0x1  }
0x369: {  	v4 =	vadd.f32 v7, v4;
	v7 =	vld [tilespmem:$0x1FDD0];
	_ =	sdelay $0x3  }
0x36a: {  	v5 =	vld.idx.msk [tilespmem:v5+s18+$0x0], $0xffff;
	_ =	sdelay $0x1  }
0x36b: {  	v6 =	vld.idx.msk [tilespmem:v6+s18+$0x0], $0xffff;
	_ =	sdelay $0x1  }
0x36c: {  	v7 =	vld.idx.msk [tilespmem:v7+s18+$0x0], $0xffff  }
0x36d: {  	v4 =	vadd.f32 v5, v4  }
0x36e: {  	v5 =	vld [tilespmem:s24+$0x10490]  }
0x36f: {  	v4 =	vadd.f32 v6, v4  }
0x370: {  	v6 =	vld [tilespmem:s24+$0x10690]  }
0x371: {  	v4 =	vadd.f32 v7, v4;
	_ =	sdelay $0x1  }
0x372: {  	v4 =	vadd.f32 v5, v4;
	_ =	sdelay $0x1  }
0x373: {  	v4 =	vadd.f32 v6, v4;
	_ =	sdelay $0x1  }
0x374: {  	v4 =	vadd.f32 v4, v63  }
0x375: {  	v5 =	vld [tilespmem:$0x1FDF0]  }
0x376: {  	[tilespmem:s24+$0x11190] =	vst v4;
	v4 =	vld [tilespmem:$0x1FDE0];
	_ =	sdelay $0x1  }
0x377: {  	v6 =	vld [tilespmem:$0x1FE00];
	_ =	sdelay $0x1  }
0x378: {  	v7 =	vld [tilespmem:$0x1FE10];
	_ =	sdelay $0x2  }
0x379: {  	v5 =	vld.idx.msk [tilespmem:v5+s18+$0x0], $0xffff  }
0x37a: {  	v4 =	vld.idx.msk [tilespmem:v4+s18+$0x0], $0xffff;
	_ =	sdelay $0x1  }
0x37b: {  	v6 =	vld.idx.msk [tilespmem:v6+s18+$0x0], $0xffff;
	_ =	sdelay $0x1  }
0x37c: {  	v7 =	vld.idx.msk [tilespmem:v7+s18+$0x0], $0xffff  }
0x37d: {  	v4 =	vadd.f32 v5, v4;
	v5 =	vld [tilespmem:$0x1FE20];
	_ =	sdelay $0x1  }
0x37e: {  	v4 =	vadd.f32 v6, v4;
	v6 =	vld [tilespmem:$0x1FE30];
	_ =	sdelay $0x1  }
0x37f: {  	v4 =	vadd.f32 v7, v4;
	v7 =	vld [tilespmem:$0x1FE40];
	_ =	sdelay $0x3  }
0x380: {  	v5 =	vld.idx.msk [tilespmem:v5+s18+$0x0], $0xffff;
	_ =	sdelay $0x1  }
0x381: {  	v6 =	vld.idx.msk [tilespmem:v6+s18+$0x0], $0xffff;
	_ =	sdelay $0x1  }
0x382: {  	v7 =	vld.idx.msk [tilespmem:v7+s18+$0x0], $0xffff  }
0x383: {  	v4 =	vadd.f32 v5, v4;
	v5 =	vld [tilespmem:$0x1FE50];
	_ =	sdelay $0x1  }
0x384: {  	v4 =	vadd.f32 v6, v4;
	v6 =	vld [tilespmem:$0x1FE60];
	_ =	sdelay $0x1  }
0x385: {  	v4 =	vadd.f32 v7, v4;
	v7 =	vld [tilespmem:$0x1FE70];
	_ =	sdelay $0x3  }
0x386: {  	v5 =	vld.idx.msk [tilespmem:v5+s18+$0x0], $0xffff;
	_ =	sdelay $0x1  }
0x387: {  	v6 =	vld.idx.msk [tilespmem:v6+s18+$0x0], $0xffff;
	_ =	sdelay $0x1  }
0x388: {  	v7 =	vld.idx.msk [tilespmem:v7+s18+$0x0], $0xffff  }
0x389: {  	v4 =	vadd.f32 v5, v4;
	v5 =	vld [tilespmem:$0x1FE80];
	_ =	sdelay $0x1  }
0x38a: {  	v4 =	vadd.f32 v6, v4;
	v6 =	vld [tilespmem:$0x1FE90];
	_ =	sdelay $0x1  }
0x38b: {  	v4 =	vadd.f32 v7, v4;
	v7 =	vld [tilespmem:$0x1FEA0];
	_ =	sdelay $0x3  }
0x38c: {  	v5 =	vld.idx.msk [tilespmem:v5+s18+$0x0], $0xffff;
	_ =	sdelay $0x1  }
0x38d: {  	v6 =	vld.idx.msk [tilespmem:v6+s18+$0x0], $0xffff;
	_ =	sdelay $0x1  }
0x38e: {  	v7 =	vld.idx.msk [tilespmem:v7+s18+$0x0], $0xffff  }
0x38f: {  	v4 =	vadd.f32 v5, v4;
	v5 =	vld [tilespmem:$0x1FEB0];
	_ =	sdelay $0x1  }
0x390: {  	v4 =	vadd.f32 v6, v4;
	v6 =	vld [tilespmem:$0x1FEC0];
	_ =	sdelay $0x1  }
0x391: {  	v4 =	vadd.f32 v7, v4;
	v7 =	vld [tilespmem:$0x1FED0];
	_ =	sdelay $0x3  }
0x392: {  	v5 =	vld.idx.msk [tilespmem:v5+s18+$0x0], $0xffff;
	_ =	sdelay $0x1  }
0x393: {  	v6 =	vld.idx.msk [tilespmem:v6+s18+$0x0], $0xffff;
	_ =	sdelay $0x1  }
0x394: {  	v7 =	vld.idx.msk [tilespmem:v7+s18+$0x0], $0xffff  }
0x395: {  	v4 =	vadd.f32 v5, v4  }
0x396: {  	v5 =	vld [tilespmem:s24+$0x104A0]  }
0x397: {  	v4 =	vadd.f32 v6, v4  }
0x398: {  	v6 =	vld [tilespmem:s24+$0x106A0]  }
0x399: {  	v4 =	vadd.f32 v7, v4;
	_ =	sdelay $0x1  }
0x39a: {  	v4 =	vadd.f32 v5, v4;
	_ =	sdelay $0x1  }
0x39b: {  	v4 =	vadd.f32 v6, v4;
	_ =	sdelay $0x1  }
0x39c: {  	v4 =	vadd.f32 v4, v63  }
0x39d: {  	v5 =	vld [tilespmem:$0x1FEF0]  }
0x39e: {  	[tilespmem:s24+$0x111A0] =	vst v4;
	v4 =	vld [tilespmem:$0x1FEE0];
	_ =	sdelay $0x1  }
0x39f: {  	v6 =	vld [tilespmem:$0x1FF00];
	_ =	sdelay $0x1  }
0x3a0: {  	v7 =	vld [tilespmem:$0x1FF10];
	_ =	sdelay $0x2  }
0x3a1: {  	v5 =	vld.idx.msk [tilespmem:v5+s18+$0x0], $0xffff  }
0x3a2: {  	v4 =	vld.idx.msk [tilespmem:v4+s18+$0x0], $0xffff;
	_ =	sdelay $0x1  }
0x3a3: {  	v6 =	vld.idx.msk [tilespmem:v6+s18+$0x0], $0xffff;
	_ =	sdelay $0x1  }
0x3a4: {  	v7 =	vld.idx.msk [tilespmem:v7+s18+$0x0], $0xffff  }
0x3a5: {  	v4 =	vadd.f32 v5, v4;
	v5 =	vld [tilespmem:$0x1FF20];
	_ =	sdelay $0x1  }
0x3a6: {  	v4 =	vadd.f32 v6, v4;
	v6 =	vld [tilespmem:$0x1FF30];
	_ =	sdelay $0x1  }
0x3a7: {  	v4 =	vadd.f32 v7, v4;
	v7 =	vld [tilespmem:$0x1FF40];
	_ =	sdelay $0x3  }
0x3a8: {  	v5 =	vld.idx.msk [tilespmem:v5+s18+$0x0], $0xffff;
	_ =	sdelay $0x1  }
0x3a9: {  	v6 =	vld.idx.msk [tilespmem:v6+s18+$0x0], $0xffff;
	_ =	sdelay $0x1  }
0x3aa: {  	v7 =	vld.idx.msk [tilespmem:v7+s18+$0x0], $0xffff  }
0x3ab: {  	v4 =	vadd.f32 v5, v4;
	v5 =	vld [tilespmem:$0x1FF50];
	_ =	sdelay $0x1  }
0x3ac: {  	v4 =	vadd.f32 v6, v4;
	v6 =	vld [tilespmem:$0x1FF60];
	_ =	sdelay $0x1  }
0x3ad: {  	v4 =	vadd.f32 v7, v4;
	v7 =	vld [tilespmem:$0x1FF70];
	_ =	sdelay $0x3  }
0x3ae: {  	v5 =	vld.idx.msk [tilespmem:v5+s18+$0x0], $0xffff;
	_ =	sdelay $0x1  }
0x3af: {  	v6 =	vld.idx.msk [tilespmem:v6+s18+$0x0], $0xffff;
	_ =	sdelay $0x1  }
0x3b0: {  	v7 =	vld.idx.msk [tilespmem:v7+s18+$0x0], $0xffff  }
0x3b1: {  	v4 =	vadd.f32 v5, v4;
	v5 =	vld [tilespmem:$0x1FF80];
	_ =	sdelay $0x1  }
0x3b2: {  	v4 =	vadd.f32 v6, v4;
	v6 =	vld [tilespmem:$0x1FF90];
	_ =	sdelay $0x1  }
0x3b3: {  	v4 =	vadd.f32 v7, v4;
	v7 =	vld [tilespmem:$0x1FFA0];
	_ =	sdelay $0x3  }
0x3b4: {  	v5 =	vld.idx.msk [tilespmem:v5+s18+$0x0], $0xffff;
	_ =	sdelay $0x1  }
0x3b5: {  	v6 =	vld.idx.msk [tilespmem:v6+s18+$0x0], $0xffff;
	_ =	sdelay $0x1  }
0x3b6: {  	v7 =	vld.idx.msk [tilespmem:v7+s18+$0x0], $0xffff  }
0x3b7: {  	v4 =	vadd.f32 v5, v4;
	v5 =	vld [tilespmem:$0x1FFB0];
	_ =	sdelay $0x1  }
0x3b8: {  	v4 =	vadd.f32 v6, v4;
	v6 =	vld [tilespmem:$0x1FFC0];
	_ =	sdelay $0x1  }
0x3b9: {  	v4 =	vadd.f32 v7, v4;
	v7 =	vld [tilespmem:$0x1FB60];
	_ =	sdelay $0x3  }
0x3ba: {  	v5 =	vld.idx.msk [tilespmem:v5+s18+$0x0], $0xffff;
	_ =	sdelay $0x1  }
0x3bb: {  	v6 =	vld.idx.msk [tilespmem:v6+s18+$0x0], $0xffff;
	_ =	sdelay $0x1  }
0x3bc: {  	v7 =	vld.idx.msk [tilespmem:v7+s18+$0x0], $0xffff  }
0x3bd: {  	v4 =	vadd.f32 v5, v4  }
0x3be: {  	v5 =	vld [tilespmem:s24+$0x104B0]  }
0x3bf: {  	v4 =	vadd.f32 v6, v4  }
0x3c0: {  	v6 =	vld [tilespmem:s24+$0x106B0]  }
0x3c1: {  	v4 =	vadd.f32 v7, v4;
	_ =	sdelay $0x1  }
0x3c2: {  	v4 =	vadd.f32 v5, v4;
	_ =	sdelay $0x1  }
0x3c3: {  	v4 =	vadd.f32 v6, v4;
	_ =	sdelay $0x1  }
0x3c4: {  	v4 =	vadd.f32 v4, v63  }
0x3c5: {  	v5 =	vld [tilespmem:$0x1FB80]  }
0x3c6: {  	[tilespmem:s24+$0x111B0] =	vst v4;
	v4 =	vld [tilespmem:$0x1FB70];
	_ =	sdelay $0x6  }
0x3c7: {  	v5 =	vld.idx.msk [tilespmem:v5+s18+$0x0], $0xffff  }
0x3c8: {  	v4 =	vld.idx.msk [tilespmem:v4+s18+$0x0], $0xffff  }
0x3c9: {  	v6 =	vld [tilespmem:$0x1FB90];
	_ =	sdelay $0x1  }
0x3ca: {  	v7 =	vld [tilespmem:$0x1FBA0];
	_ =	sdelay $0x1  }
0x3cb: {  	v4 =	vadd.f32 v5, v4;
	v5 =	vld [tilespmem:$0x1FBB0];
	_ =	sdelay $0x3  }
0x3cc: {  	v6 =	vld.idx.msk [tilespmem:v6+s18+$0x0], $0xffff;
	_ =	sdelay $0x1  }
0x3cd: {  	v7 =	vld.idx.msk [tilespmem:v7+s18+$0x0], $0xffff;
	_ =	sdelay $0x1  }
0x3ce: {  	v5 =	vld.idx.msk [tilespmem:v5+s18+$0x0], $0xffff  }
0x3cf: {  	v4 =	vadd.f32 v6, v4;
	v6 =	vld [tilespmem:$0x1FBC0];
	_ =	sdelay $0x1  }
0x3d0: {  	v4 =	vadd.f32 v7, v4;
	v7 =	vld [tilespmem:$0x1FBD0];
	_ =	sdelay $0x1  }
0x3d1: {  	v4 =	vadd.f32 v5, v4;
	v5 =	vld [tilespmem:$0x1FBE0];
	_ =	sdelay $0x3  }
0x3d2: {  	v6 =	vld.idx.msk [tilespmem:v6+s18+$0x0], $0xffff;
	_ =	sdelay $0x1  }
0x3d3: {  	v7 =	vld.idx.msk [tilespmem:v7+s18+$0x0], $0xffff;
	_ =	sdelay $0x1  }
0x3d4: {  	v5 =	vld.idx.msk [tilespmem:v5+s18+$0x0], $0xffff  }
0x3d5: {  	v4 =	vadd.f32 v6, v4;
	v6 =	vld [tilespmem:$0x1FBF0];
	_ =	sdelay $0x1  }
0x3d6: {  	v4 =	vadd.f32 v7, v4;
	v7 =	vld [tilespmem:$0x1FC00];
	_ =	sdelay $0x1  }
0x3d7: {  	v4 =	vadd.f32 v5, v4;
	v5 =	vld [tilespmem:$0x1FC10];
	_ =	sdelay $0x3  }
0x3d8: {  	v6 =	vld.idx.msk [tilespmem:v6+s18+$0x0], $0xffff;
	_ =	sdelay $0x1  }
0x3d9: {  	v7 =	vld.idx.msk [tilespmem:v7+s18+$0x0], $0xffff;
	_ =	sdelay $0x1  }
0x3da: {  	v5 =	vld.idx.msk [tilespmem:v5+s18+$0x0], $0xffff  }
0x3db: {  	v4 =	vadd.f32 v6, v4  }
0x3dc: {  	v6 =	vld.idx.msk [tilespmem:v13+s18+$0x0], $0xffff  }
0x3dd: {  	v4 =	vadd.f32 v7, v4  }
0x3de: {  	v7 =	vld.idx.msk [tilespmem:v14+s18+$0x0], $0xffff  }
0x3df: {  	v4 =	vadd.f32 v5, v4  }
0x3e0: {  	v5 =	vld.idx.msk [tilespmem:v15+s18+$0x0], $0xffff  }
0x3e1: {  	v4 =	vadd.f32 v6, v4  }
0x3e2: {  	v6 =	vld.idx.msk [tilespmem:v16+s18+$0x0], $0xffff  }
0x3e3: {  	v4 =	vadd.f32 v7, v4  }
0x3e4: {  	v7 =	vld.idx.msk [tilespmem:v17+s18+$0x0], $0xffff  }
0x3e5: {  	v4 =	vadd.f32 v5, v4  }
0x3e6: {  	v16 =	vld [tilespmem:s24+$0x104C0]  }
0x3e7: {  	v4 =	vadd.f32 v6, v4  }
0x3e8: {  	v17 =	vld [tilespmem:s24+$0x106C0]  }
0x3e9: {  	v4 =	vadd.f32 v7, v4;
	_ =	sdelay $0x1  }
0x3ea: {  	v4 =	vadd.f32 v16, v4;
	_ =	sdelay $0x1  }
0x3eb: {  	v4 =	vadd.f32 v17, v4;
	_ =	sdelay $0x1  }
0x3ec: {  	v4 =	vadd.f32 v4, v63;
	_ =	sdelay $0x1  }
0x3ed: {  	[tilespmem:s24+$0x111C0] =	vst v4  }
0x3ee: {  	v4 =	vld.idx.msk [tilespmem:v18+s18+$0x0], $0xffff  }
0x3ef: {  	v16 =	vld.idx.msk [tilespmem:v19+s18+$0x0], $0xffff;
	_ =	sdelay $0x1  }
0x3f0: {  	v17 =	vld.idx.msk [tilespmem:v20+s18+$0x0], $0xffff;
	_ =	sdelay $0x1  }
0x3f1: {  	v18 =	vld.idx.msk [tilespmem:v21+s18+$0x0], $0xffff  }
0x3f2: {  	v4 =	vadd.f32 v16, v4  }
0x3f3: {  	v19 =	vld.idx.msk [tilespmem:v22+s18+$0x0], $0xffff  }
0x3f4: {  	v4 =	vadd.f32 v17, v4  }
0x3f5: {  	v20 =	vld.idx.msk [tilespmem:v23+s18+$0x0], $0xffff  }
0x3f6: {  	v4 =	vadd.f32 v18, v4  }
0x3f7: {  	v21 =	vld.idx.msk [tilespmem:v24+s18+$0x0], $0xffff  }
0x3f8: {  	v4 =	vadd.f32 v19, v4  }
0x3f9: {  	v22 =	vld.idx.msk [tilespmem:v25+s18+$0x0], $0xffff  }
0x3fa: {  	v4 =	vadd.f32 v20, v4  }
0x3fb: {  	v23 =	vld.idx.msk [tilespmem:v26+s18+$0x0], $0xffff  }
0x3fc: {  	v4 =	vadd.f32 v21, v4  }
0x3fd: {  	v24 =	vld.idx.msk [tilespmem:v27+s18+$0x0], $0xffff  }
0x3fe: {  	v4 =	vadd.f32 v22, v4  }
0x3ff: {  	v25 =	vld.idx.msk [tilespmem:v28+s18+$0x0], $0xffff  }
0x400: {  	v4 =	vadd.f32 v23, v4  }
0x401: {  	v26 =	vld.idx.msk [tilespmem:v29+s18+$0x0], $0xffff  }
0x402: {  	v4 =	vadd.f32 v24, v4  }
0x403: {  	v27 =	vld.idx.msk [tilespmem:v30+s18+$0x0], $0xffff  }
0x404: {  	v4 =	vadd.f32 v25, v4  }
0x405: {  	v28 =	vld.idx.msk [tilespmem:v31+s18+$0x0], $0xffff  }
0x406: {  	v4 =	vadd.f32 v26, v4  }
0x407: {  	v29 =	vld.idx.msk [tilespmem:v32+s18+$0x0], $0xffff  }
0x408: {  	v4 =	vadd.f32 v27, v4  }
0x409: {  	v30 =	vld.idx.msk [tilespmem:v33+s18+$0x0], $0xffff  }
0x40a: {  	v4 =	vadd.f32 v28, v4  }
0x40b: {  	v31 =	vld [tilespmem:s24+$0x104D0]  }
0x40c: {  	v4 =	vadd.f32 v29, v4  }
0x40d: {  	v32 =	vld [tilespmem:s24+$0x106D0]  }
0x40e: {  	v4 =	vadd.f32 v30, v4;
	_ =	sdelay $0x1  }
0x40f: {  	v4 =	vadd.f32 v31, v4;
	_ =	sdelay $0x1  }
0x410: {  	v4 =	vadd.f32 v32, v4;
	_ =	sdelay $0x1  }
0x411: {  	v4 =	vadd.f32 v4, v63;
	_ =	sdelay $0x1  }
0x412: {  	[tilespmem:s24+$0x111D0] =	vst v4  }
0x413: {  	v4 =	vld.idx.msk [tilespmem:v34+s18+$0x0], $0xffff  }
0x414: {  	v33 =	vld.idx.msk [tilespmem:v35+s18+$0x0], $0xffff;
	_ =	sdelay $0x1  }
0x415: {  	v34 =	vld.idx.msk [tilespmem:v36+s18+$0x0], $0xffff;
	_ =	sdelay $0x1  }
0x416: {  	v35 =	vld.idx.msk [tilespmem:v37+s18+$0x0], $0xffff  }
0x417: {  	v4 =	vadd.f32 v33, v4  }
0x418: {  	v36 =	vld.idx.msk [tilespmem:v38+s18+$0x0], $0xffff  }
0x419: {  	v4 =	vadd.f32 v34, v4  }
0x41a: {  	v37 =	vld.idx.msk [tilespmem:v39+s18+$0x0], $0xffff  }
0x41b: {  	v4 =	vadd.f32 v35, v4  }
0x41c: {  	v38 =	vld.idx.msk [tilespmem:v40+s18+$0x0], $0xffff  }
0x41d: {  	v4 =	vadd.f32 v36, v4  }
0x41e: {  	v39 =	vld.idx.msk [tilespmem:v41+s18+$0x0], $0xffff  }
0x41f: {  	v4 =	vadd.f32 v37, v4  }
0x420: {  	v40 =	vld.idx.msk [tilespmem:v42+s18+$0x0], $0xffff  }
0x421: {  	v4 =	vadd.f32 v38, v4  }
0x422: {  	v41 =	vld.idx.msk [tilespmem:v43+s18+$0x0], $0xffff  }
0x423: {  	v4 =	vadd.f32 v39, v4  }
0x424: {  	v42 =	vld.idx.msk [tilespmem:v44+s18+$0x0], $0xffff  }
0x425: {  	v4 =	vadd.f32 v40, v4  }
0x426: {  	v43 =	vld.idx.msk [tilespmem:v45+s18+$0x0], $0xffff  }
0x427: {  	v4 =	vadd.f32 v41, v4  }
0x428: {  	v44 =	vld.idx.msk [tilespmem:v46+s18+$0x0], $0xffff  }
0x429: {  	v4 =	vadd.f32 v42, v4  }
0x42a: {  	v45 =	vld.idx.msk [tilespmem:v47+s18+$0x0], $0xffff  }
0x42b: {  	v4 =	vadd.f32 v43, v4  }
0x42c: {  	v46 =	vld.idx.msk [tilespmem:v48+s18+$0x0], $0xffff  }
0x42d: {  	v4 =	vadd.f32 v44, v4  }
0x42e: {  	v47 =	vld.idx.msk [tilespmem:v49+s18+$0x0], $0xffff  }
0x42f: {  	v4 =	vadd.f32 v45, v4  }
0x430: {  	v48 =	vld [tilespmem:s24+$0x104E0]  }
0x431: {  	v4 =	vadd.f32 v46, v4  }
0x432: {  	v49 =	vld [tilespmem:s24+$0x106E0]  }
0x433: {  	v4 =	vadd.f32 v47, v4;
	_ =	sdelay $0x1  }
0x434: {  	v4 =	vadd.f32 v48, v4;
	_ =	sdelay $0x1  }
0x435: {  	v4 =	vadd.f32 v49, v4;
	_ =	sdelay $0x1  }
0x436: {  	v4 =	vadd.f32 v4, v63;
	_ =	sdelay $0x1  }
0x437: {  	[tilespmem:s24+$0x111E0] =	vst v4  }
0x438: {  	v4 =	vld.idx.msk [tilespmem:v50+s18+$0x0], $0xffff  }
0x439: {  	v50 =	vld.idx.msk [tilespmem:v51+s18+$0x0], $0xffff;
	_ =	sdelay $0x1  }
0x43a: {  	v51 =	vld.idx.msk [tilespmem:v52+s18+$0x0], $0xffff;
	_ =	sdelay $0x1  }
0x43b: {  	v52 =	vld.idx.msk [tilespmem:v53+s18+$0x0], $0xffff  }
0x43c: {  	v4 =	vadd.f32 v50, v4  }
0x43d: {  	v53 =	vld.idx.msk [tilespmem:v54+s18+$0x0], $0xffff  }
0x43e: {  	v4 =	vadd.f32 v51, v4  }
0x43f: {  	v54 =	vld.idx.msk [tilespmem:v55+s18+$0x0], $0xffff  }
0x440: {  	v4 =	vadd.f32 v52, v4  }
0x441: {  	v55 =	vld.idx.msk [tilespmem:v56+s18+$0x0], $0xffff  }
0x442: {  	v4 =	vadd.f32 v53, v4  }
0x443: {  	v56 =	vld.idx.msk [tilespmem:v57+s18+$0x0], $0xffff  }
0x444: {  	v4 =	vadd.f32 v54, v4  }
0x445: {  	v57 =	vld.idx.msk [tilespmem:v58+s18+$0x0], $0xffff  }
0x446: {  	v4 =	vadd.f32 v55, v4  }
0x447: {  	v58 =	vld.idx.msk [tilespmem:v59+s18+$0x0], $0xffff  }
0x448: {  	v4 =	vadd.f32 v56, v4  }
0x449: {  	v59 =	vld.idx.msk [tilespmem:v60+s18+$0x0], $0xffff  }
0x44a: {  	v4 =	vadd.f32 v57, v4  }
0x44b: {  	v60 =	vld.idx.msk [tilespmem:v61+s18+$0x0], $0xffff  }
0x44c: {  	v4 =	vadd.f32 v58, v4  }
0x44d: {  	v61 =	vld.idx.msk [tilespmem:v62+s18+$0x0], $0xffff  }
0x44e: {  	v4 =	vadd.f32 v59, v4  }
0x44f: {  	v1 =	vld.idx.msk [tilespmem:v1+s18+$0x0], $0xffff  }
0x450: {  	v4 =	vadd.f32 v60, v4  }
0x451: {  	v2 =	vld.idx.msk [tilespmem:v2+s18+$0x0], $0xffff  }
0x452: {  	v4 =	vadd.f32 v61, v4  }
0x453: {  	v3 =	vld.idx.msk [tilespmem:v3+s18+$0x0], $0xffff  }
0x454: {  	v1 =	vadd.f32 v1, v4  }
0x455: {  	v62 =	vld [tilespmem:s24+$0x104F0]  }
0x456: {  	v1 =	vadd.f32 v2, v1  }
0x457: {  	v2 =	vld [tilespmem:s24+$0x106F0]  }
0x458: {  	v1 =	vadd.f32 v3, v1;
	_ =	sdelay $0x1  }
0x459: {  	v1 =	vadd.f32 v62, v1;
	_ =	sdelay $0x1  }
.Ltmp4:
0x45a: {  	v1 =	vadd.f32 v2, v1;
	(pc) =	sbr.rel @!p0 .LBB2_8-.Ltmp4, $3  }
0x45b: {  	_ = 	snop  }
0x45c: {  	v1 =	vadd.f32 v1, v63;
	_ =	sdelay $0x1  }
0x45d: {  	[tilespmem:s24+$0x111F0] =	vst v1  }
.Ltmp5:
0x45e: {  	(pc) =	sbr.rel .LBB2_2-.Ltmp5, $4  }
0x45f: {  	_ = 	snop  }
0x460: {  	[tilespmem:s2], [sflag:$0x2] =	stream.indirect.gather [hbm4b:s0+s15], $0x80, s28, s15, $0xb8;
	[tilespmem:$0x11300] =	vst v63  }
0x461: {  	s24 =	simm.s32 $0x100;
	p0 =	por $0x0, $0x0  }
0x462: {  	[tilespmem:s4], [sflag:$0x4] =	stream.indirect.gather [hbm4b:s1+s15], $0x80, s30, s15, $0xb8;
	[tilespmem:$0x11300] =	vst v63  }
.LBB2_9:
0x463: {  	_ =	sfence.sel $0x180000  }
0x464: {  	[bflag:$0x0] =	sbarrier.arrive $0xFFFF  }
0x465: {  	_ =	strace $0x90000047  }
0x466: {  	s0 =	stileid.u32;
	[bflag:$0x2] =	sbarrier.arrive $0xFFFF  }
0x467: {  	p0 =	sne.s32 s0, $0x0;
	s0 =	rddreg [dreg:$0x4]  }
0x468: {  	s0 =	sadd.s32 @!p0 $0x100000, s0  }
0x469: {  	[sflag:s0] =	ssyncadd.tile.s32 @!p0 $0x1;
	_ =	shalt  }
.Lfunc_end2:
_tile_overlayer_lowered:
.L_overlay_start_2:
0x46a: {  	(tag) =	ssettag $0x2  }
0x46b: {  	s0 =	rddreg [dreg:$0x0];
	s2 =	stileid.u32  }
0x46c: {  	s1 =	rddreg [dreg:$0x1];
	p0 =	sne.s32 s2, $0x0  }
0x46d: {  	s3 =	rddreg [dreg:$0x2];
	[bflag:$0x3] =	sbarrier.arrive $0xFFFF;
	s2 =	simm.s32 @!p0 $0x1C06  }
0x46e: {  	[timem:s3], [sflag:s2] =	dma.local @!p0 [hbm:s0], s1  }
0x46f: {  	s0 =	simm.s32 @!p0 $0x6  }
0x470: {  	_ =	swait.ge @!p0 [sflag:s0], s1  }
0x471: {  	s1 =	ssub.s32 @!p0 $0x0, s1;
	[sflag:s0] =	ssyncset.done @!p0 $0x0  }
0x472: {  	[sflag:s0] =	ssyncadd.s32 @!p0 s1  }
0x473: {  	[bflag:$0x3] =	sbarrier.arrive $0xFFFF  }
0x474: {  	_ =	shalt  }

</sc_bundles>
